<compile_context>
chip_gen: v7x
topology: tpu7x:2x2x1
jax: 0.10.2.dev20260603
libtpu: 0.0.44.dev20260713+nightly
codegen_flags: <defaults>
</compile_context>

<pallas_src>
import functools

import jax
import jax.numpy as jnp
from jax import lax
from jax.experimental import pallas as pl
from jax.experimental.pallas import tpu as pltpu
from jax.experimental.pallas import tpu_sc as plsc

GRAPH = 1_000_000
EMB_D = 32
BATCH = 16384

NC = 2
NS = 16
NW = NC * NS

SPAN = 31232
TAIL = GRAPH - (NW - 1) * SPAN
CHUNK = 256



def _widen_body(src_ref, dst_ref):
    x = src_ref[...]
    dst_ref[...] = jnp.pad(x, ((0, 0), (0, 128 - EMB_D)))


_emb_widen = pl.pallas_call(
    _widen_body,
    out_shape=jax.ShapeDtypeStruct((BATCH, 128), jnp.float32),
    grid=(8,),
    in_specs=[pl.BlockSpec((BATCH // 8, EMB_D), lambda i: (i, 0))],
    out_specs=pl.BlockSpec((BATCH // 8, 128), lambda i: (i, 0)),
)

NTAIL = GRAPH % 128


def _tail_body(src_ref, dst_ref):
    xt = src_ref[...].T
    dst_ref[...] = jnp.pad(xt[:NTAIL, :], ((0, 0), (0, 128 - EMB_D)))


_tail_stage = pl.pallas_call(
    _tail_body,
    out_shape=jax.ShapeDtypeStruct((NTAIL, 128), jnp.float32),
    grid=(1,),
    in_specs=[pl.BlockSpec((EMB_D, 128), lambda i: (0, GRAPH // 128))],
    out_specs=pl.BlockSpec((NTAIL, 128), lambda i: (0, 0)),
)



_mesh = plsc.VectorSubcoreMesh(core_axis_name="c", subcore_axis_name="s")


def _iota16():
    return lax.iota(jnp.int32, 16)


@functools.partial(
    pl.kernel,
    out_type=(jax.ShapeDtypeStruct((EMB_D, GRAPH), jnp.float32),
              jax.ShapeDtypeStruct((NTAIL, 128), jnp.float32)),
    mesh=_mesh,
    scratch_types=[
        pltpu.VMEM((BATCH,), jnp.int32),
        pltpu.VMEM((TAIL,), jnp.int32),
        pltpu.VMEM((EMB_D, CHUNK), jnp.float32),
        pltpu.VMEM((NTAIL, 128), jnp.float32),
        pltpu.VMEM((128,), jnp.int32),
        pltpu.VMEM((128,), jnp.int32),
        pltpu.VMEM((CHUNK,), jnp.int32),
        pltpu.VMEM((128, 128), jnp.float32),
        pltpu.VMEM((128, 128), jnp.float32),
        pltpu.SemaphoreType.DMA,
    ],
    compiler_params=pltpu.CompilerParams(needs_layout_passes=False),
)
def _sc_fused(nid_hbm, embw_hbm, tailw_hbm, memt_hbm, outt_hbm, tail_hbm,
              nid_v, claim, cbounce, tbuf, ibufa, ibufb, cbuf,
              rowsa, rowsb, gsem):
    wid = lax.axis_index("s") * NC + lax.axis_index("c")
    col0 = wid * SPAN
    span = jnp.where(wid == NW - 1, TAIL, SPAN)
    iota = _iota16()

    pltpu.sync_copy(nid_hbm, nid_v)

    def clr_body(c, _):
        claim[pl.ds(c * 16, 16)] = jnp.full((16,), -1, jnp.int32)
        return 0

    lax.fori_loop(0, TAIL // 16, clr_body, 0)

    def claim_body(c, _):
        v = nid_v[pl.ds(c * 16, 16)]
        m = (v >= col0) & (v < col0 + span)
        mcnt = jnp.sum(m.astype(jnp.int32))
        ivec = c * 16 + iota
        vl = jnp.where(m, v - col0, 0)

        @pl.when(mcnt == 1)
        def _():
            plsc.store_scatter(claim, [vl], ivec, mask=m)

        @pl.when(mcnt > 1)
        def _():
            for lane in range(16):
                plsc.store_scatter(claim, [vl], ivec,
                                   mask=m & (iota == lane))
        return 0

    lax.fori_loop(0, BATCH // 16, claim_body, 0)

    def make_apply(ccols, row_major):
        two_blocks = ccols > 128

        def apply_chunk(local0, buf):
            def scan_g(g, nd):
                cl = claim[pl.ds(local0 + g * 16, 16)]
                d = cl >= 0
                cs = plsc.cumsum(d.astype(jnp.int32))
                pos = nd + cs - 1
                da = d & (pos < 128)
                plsc.store_scatter(ibufa, [jnp.where(da, pos, 0)], cl,
                                   mask=da)
                if two_blocks:
                    db = d & (pos >= 128)
                    plsc.store_scatter(ibufb, [jnp.where(db, pos - 128, 0)],
                                       cl, mask=db)
                plsc.store_scatter(cbuf, [jnp.where(d, pos, 0)],
                                   g * 16 + iota, mask=d)
                return nd + jnp.sum(d.astype(jnp.int32))

            nd = lax.fori_loop(0, ccols // 16, scan_g, jnp.int32(0))

            @pl.when(nd > 0)
            def _():
                zeros = jnp.zeros((16,), jnp.int32)
                first = plsc.load_gather(ibufa, [zeros])

                def pad_a(g, _):
                    pos = g * 16 + iota
                    plsc.store_scatter(ibufa, [pos], first, mask=pos >= nd)
                    return 0

                lax.fori_loop(nd // 16, 8, pad_a, 0)
                pltpu.async_copy(embw_hbm.at[ibufa], rowsa, gsem).wait()

                if two_blocks:
                    @pl.when(nd > 128)
                    def _():
                        def pad_b(g, _):
                            pos = 128 + g * 16 + iota
                            plsc.store_scatter(ibufb, [pos - 128], first,
                                               mask=pos >= nd)
                            return 0

                        lax.fori_loop((nd - 128) // 16, 8, pad_b, 0)
                        pltpu.async_copy(embw_hbm.at[ibufb], rowsb,
                                         gsem).wait()

                def app_g(g, _):
                    pos = g * 16 + iota
                    lm = pos < nd
                    cloc = cbuf[pl.ds(g * 16, 16)]
                    cloc = jnp.where(lm, cloc, 0)
                    rpos = jnp.where(lm, pos, 0)
                    for f in range(EMB_D):
                        fv = jnp.full((16,), f, jnp.int32)
                        if two_blocks:
                            la = lm & (rpos < 128)
                            lb = lm & (rpos >= 128)
                            va = plsc.load_gather(
                                rowsa, [jnp.where(la, rpos, 0), fv],
                                mask=la)
                            vb = plsc.load_gather(
                                rowsb, [jnp.where(lb, rpos - 128, 0), fv],
                                mask=lb)
                            vals = jnp.where(rpos < 128, va, vb)
                        else:
                            vals = plsc.load_gather(rowsa, [rpos, fv],
                                                    mask=lm)
                        if row_major:
                            plsc.store_scatter(buf, [cloc, fv], vals,
                                               mask=lm)
                        else:
                            plsc.store_scatter(buf, [fv, cloc], vals,
                                               mask=lm)
                    return 0

                lax.fori_loop(0, (nd + 15) // 16, app_g, 0)

        return apply_chunk

    apply_full = make_apply(CHUNK, row_major=False)
    apply_tail = make_apply(NTAIL, row_major=True)

    nfull = span // CHUNK

    def chunk_body(j, _):
        local0 = j * CHUNK
        pltpu.sync_copy(memt_hbm.at[:, pl.ds(col0 + local0, CHUNK)], cbounce)
        apply_full(local0, cbounce)
        pltpu.sync_copy(cbounce, outt_hbm.at[:, pl.ds(col0 + local0, CHUNK)])
        return 0

    lax.fori_loop(0, nfull, chunk_body, 0)

    @pl.when(wid == NW - 1)
    def _():
        pltpu.sync_copy(tailw_hbm, tbuf)
        apply_tail(nfull * CHUNK, tbuf)
        pltpu.sync_copy(tbuf, tail_hbm)


def kernel(mem, node_id, emb):
    embw = _emb_widen(emb)
    tailw = _tail_stage(mem.T)
    outt, tail = _sc_fused(node_id.astype(jnp.int32), embw, tailw, mem.T)
    out = outt.T
    return lax.dynamic_update_slice(out, tail[:, :EMB_D], (GRAPH - NTAIL, 0))

# --- scband reference (transcript-rebuilt; emitter-appended) ---
"""Pipeline reference for scband-history-series-66786741453351 (READ-ONLY COPY).

The authoritative reference and input builder live on the scoring server;
editing this copy changes nothing except your own understanding.
"""

import jax, jax.numpy as jnp
import numpy as np

GRAPH_SIZE = 1000000
EMB_DIM = 32
BATCH = 16384

def setup_inputs(seed: int = 0) -> dict:
    key = jax.random.key(seed)
    k1, k2, k3 = jax.random.split(key, 3)
    mem = jax.random.normal(k1, (GRAPH_SIZE, EMB_DIM), dtype=jnp.float32)
    node_id = jax.random.randint(k2, (BATCH,), 0, GRAPH_SIZE)
    emb = jax.random.normal(k3, (BATCH, EMB_DIM), dtype=jnp.float32)
    return {"mem": mem, "node_id": node_id, "emb": emb}

def reference(mem, node_id, emb):
    # History_Series.push_embeddings: history_series[idx][node_id] = emb
    # i.e. a scatter-overwrite into the stored embedding table.
    out = mem.at[node_id].set(emb)
    return out

if __name__ == "__main__":
    import jax
    _d = setup_inputs()
    print(jax.jit(kernel)(*tuple(_d.values())))

</pallas_src>

<mosaic_0001>
#map = affine_map<(d0, d1) -> (0)>
#map1 = affine_map<(d0, d1) -> (0, 0)>
module attributes {stable_mosaic.version = 14 : i64} {
  func.func @_sc_fused(%arg0: i32, %arg1: i32, %arg2: memref<16384xi32, #tpu.memory_space<hbm>>, %arg3: memref<16384x128xf32, #tpu.memory_space<hbm>>, %arg4: memref<64x128xf32, #tpu.memory_space<hbm>>, %arg5: memref<32x1000000xf32, #tpu.memory_space<hbm>>, %arg6: memref<32x1000000xf32, #tpu.memory_space<hbm>>, %arg7: memref<64x128xf32, #tpu.memory_space<hbm>>, %arg8: memref<16384xi32, #tpu.memory_space<vmem>>, %arg9: memref<31808xi32, #tpu.memory_space<vmem>>, %arg10: memref<32x256xf32, #tpu.memory_space<vmem>>, %arg11: memref<64x128xf32, #tpu.memory_space<vmem>>, %arg12: memref<128xi32, #tpu.memory_space<vmem>>, %arg13: memref<128xi32, #tpu.memory_space<vmem>>, %arg14: memref<256xi32, #tpu.memory_space<vmem>>, %arg15: memref<128x128xf32, #tpu.memory_space<vmem>>, %arg16: memref<128x128xf32, #tpu.memory_space<vmem>>, %arg17: memref<!tpu.dma_semaphore, #tpu.memory_space<semaphore_mem>>) attributes {dimension_semantics = [#tpu.dimension_semantics<core_parallel>, #tpu.dimension_semantics<subcore_parallel>], iteration_bounds = array<i64: 2, 16>, scalar_prefetch = 0 : i64, scratch_operands = 10 : i64, tpu.core_type = #tpu.core_type<sc_vector_subcore>, window_params = [{transform_indices = #map}, {transform_indices = #map1}, {transform_indices = #map1}, {transform_indices = #map1}, {transform_indices = #map1}, {transform_indices = #map1}]} {
    %mul3A = arith.constant 2 : i32
    %mul3A_0 = arith.muli %arg1, %mul3A : i32
    %add3A = arith.addi %mul3A_0, %arg0 : i32
    %mul3A_1 = arith.constant 31232 : i32
    %mul3A_2 = arith.muli %add3A, %mul3A_1 : i32
    %eq3A = arith.constant 31 : i32
    %eq3A_3 = arith.cmpi eq, %add3A, %eq3A : i32
    %jit3A = arith.constant 31808 : i32
    %jit3A_4 = arith.constant 31232 : i32
    %select_n3A = arith.select %eq3A_3, %jit3A, %jit3A_4 : i32
    %iota3A = tpu.iota {dimensions = array<i32: 0>} : vector<16xi32>
    "tpu.region"() ({
      %run_scoped3A = tpu.sem_alloc : memref<!tpu.dma_semaphore, #tpu.memory_space<semaphore_mem>>
      tpu.enqueue_dma source(%arg2 : memref<16384xi32, #tpu.memory_space<hbm>>) target(%arg8 : memref<16384xi32, #tpu.memory_space<vmem>>) target_semaphore(%run_scoped3A : memref<!tpu.dma_semaphore, #tpu.memory_space<semaphore_mem>>)
      tpu.wait_dma2 semaphore(%run_scoped3A : memref<!tpu.dma_semaphore, #tpu.memory_space<semaphore_mem>>) src(%arg2 : memref<16384xi32, #tpu.memory_space<hbm>>) dst(%arg8 : memref<16384xi32, #tpu.memory_space<vmem>>)
      tpu.yield
    }) : () -> ()
    %scan3A = arith.constant 0 : i32
    %scan3A_5 = arith.constant 0 : i32
    %scan3A_6 = arith.constant 1988 : i32
    %scan3A_7 = arith.addi %scan3A_5, %scan3A_6 : i32
    %scan3A_8 = arith.constant 1 : i32
    %scan3A_9 = scf.for %scan3A_50 = %scan3A_5 to %scan3A_7 step %scan3A_8 iter_args(%scan3A_51 = %scan3A) -> (i32)  : i32 {
      %broadcast_in_dim3A = arith.constant -1 : i32
      %broadcast_in_dim3A_52 = vector.broadcast %broadcast_in_dim3A : i32 to vector<16xi32>
      %mul3A_53 = arith.constant 16 : i32
      %mul3A_54 = arith.muli %scan3A_50, %mul3A_53 : i32
      %swap3A = arith.index_cast %mul3A_54 : i32 to index
      %swap3A_55 = tpu.vector_load %arg9[%swap3A] {strides = array<i32>} : memref<31808xi32, #tpu.memory_space<vmem>>, vector<16xi32>,
      tpu.vector_store %arg9[%swap3A], %broadcast_in_dim3A_52 {strides = array<i32>} : memref<31808xi32, #tpu.memory_space<vmem>>, vector<16xi32>,
      %scan3A_56 = arith.constant 0 : i32
      scf.yield %scan3A_56 : i32
    }
    %scan3A_10 = arith.constant 1988 : i32
    %scan3A_11 = arith.constant 0 : i32
    %scan3A_12 = arith.constant 0 : i32
    %scan3A_13 = arith.constant 1024 : i32
    %scan3A_14 = arith.addi %scan3A_12, %scan3A_13 : i32
    %scan3A_15 = arith.constant 1 : i32
    %scan3A_16 = scf.for %scan3A_50 = %scan3A_12 to %scan3A_14 step %scan3A_15 iter_args(%scan3A_51 = %scan3A_11) -> (i32)  : i32 {
      %mul3A_52 = arith.constant 16 : i32
      %mul3A_53 = arith.muli %scan3A_50, %mul3A_52 : i32
      %get3A = arith.index_cast %mul3A_53 : i32 to index
      %get3A_54 = tpu.vector_load %arg8[%get3A] {strides = array<i32>} : memref<16384xi32, #tpu.memory_space<vmem>>, vector<16xi32>,
      %ge3A = vector.broadcast %mul3A_2 : i32 to vector<16xi32>
      %ge3A_55 = arith.cmpi sge, %get3A_54, %ge3A : vector<16xi32>
      %add3A_56 = arith.addi %mul3A_2, %select_n3A : i32
      %lt3A = vector.broadcast %add3A_56 : i32 to vector<16xi32>
      %lt3A_57 = arith.cmpi slt, %get3A_54, %lt3A : vector<16xi32>
      %and3A_58 = arith.andi %ge3A_55, %lt3A_57 : vector<16xi1>
      %convert_element_type3A_59 = arith.extui %and3A_58 : vector<16xi1> to vector<16xi32>
      %reduce_sum3A = arith.constant true
      %reduce_sum3A_60 = vector.broadcast %reduce_sum3A : i1 to vector<16xi1>
      %reduce_sum3A_61 = tpu.scan <sum>, %convert_element_type3A_59 masked %reduce_sum3A_60 : vector<16xi32>, vector<16xi1> -> vector<16xi32>
      %reduce_sum3A_62 = vector.extract %reduce_sum3A_61[15] : i32 from vector<16xi32>
      %mul3A_63 = arith.constant 16 : i32
      %mul3A_64 = arith.muli %scan3A_50, %mul3A_63 : i32
      %add3A_65 = vector.broadcast %mul3A_64 : i32 to vector<16xi32>
      %add3A_66 = arith.addi %add3A_65, %iota3A : vector<16xi32>
      %sub3A_67 = vector.broadcast %mul3A_2 : i32 to vector<16xi32>
      %sub3A_68 = arith.subi %get3A_54, %sub3A_67 : vector<16xi32>
      %jit3A_69 = arith.constant 0 : i32
      %broadcast_in_dim3A = vector.broadcast %jit3A_69 : i32 to vector<16xi32>
      %select_n3A_70 = arith.select %and3A_58, %sub3A_68, %broadcast_in_dim3A : vector<16xi1>, vector<16xi32>
      %eq3A_71 = arith.constant 1 : i32
      %eq3A_72 = arith.cmpi eq, %reduce_sum3A_62, %eq3A_71 : i32
      %convert_element_type3A_73 = arith.extui %eq3A_72 : i1 to i32
      %cond3A_74 = arith.constant 0 : i32
      %cond3A_75 = arith.cmpi ne, %convert_element_type3A_73, %cond3A_74 : i32
      scf.if %cond3A_75 {
        tpu.vector_store_idx %arg9[%select_n3A_70], %add3A_66 masked %and3A_58 : memref<31808xi32, #tpu.memory_space<vmem>>[vector<16xi32>], vector<16xi32>, vector<16xi1>
      } else {
      }
      %gt3A = arith.constant 1 : i32
      %gt3A_76 = arith.cmpi sgt, %reduce_sum3A_62, %gt3A : i32
      %convert_element_type3A_77 = arith.extui %gt3A_76 : i1 to i32
      %cond3A_78 = arith.constant 0 : i32
      %cond3A_79 = arith.cmpi ne, %convert_element_type3A_77, %cond3A_78 : i32
      scf.if %cond3A_79 {
        %eq3A_81 = arith.constant 0 : i32
        %eq3A_82 = vector.broadcast %eq3A_81 : i32 to vector<16xi32>
        %eq3A_83 = arith.cmpi eq, %iota3A, %eq3A_82 : vector<16xi32>
        %and3A_84 = arith.andi %and3A_58, %eq3A_83 : vector<16xi1>
        tpu.vector_store_idx %arg9[%select_n3A_70], %add3A_66 masked %and3A_84 : memref<31808xi32, #tpu.memory_space<vmem>>[vector<16xi32>], vector<16xi32>, vector<16xi1>
        %eq3A_85 = arith.constant 1 : i32
        %eq3A_86 = vector.broadcast %eq3A_85 : i32 to vector<16xi32>
        %eq3A_87 = arith.cmpi eq, %iota3A, %eq3A_86 : vector<16xi32>
        %and3A_88 = arith.andi %and3A_58, %eq3A_87 : vector<16xi1>
        tpu.vector_store_idx %arg9[%select_n3A_70], %add3A_66 masked %and3A_88 : memref<31808xi32, #tpu.memory_space<vmem>>[vector<16xi32>], vector<16xi32>, vector<16xi1>
        %eq3A_89 = arith.constant 2 : i32
        %eq3A_90 = vector.broadcast %eq3A_89 : i32 to vector<16xi32>
        %eq3A_91 = arith.cmpi eq, %iota3A, %eq3A_90 : vector<16xi32>
        %and3A_92 = arith.andi %and3A_58, %eq3A_91 : vector<16xi1>
        tpu.vector_store_idx %arg9[%select_n3A_70], %add3A_66 masked %and3A_92 : memref<31808xi32, #tpu.memory_space<vmem>>[vector<16xi32>], vector<16xi32>, vector<16xi1>
        %eq3A_93 = arith.constant 3 : i32
        %eq3A_94 = vector.broadcast %eq3A_93 : i32 to vector<16xi32>
        %eq3A_95 = arith.cmpi eq, %iota3A, %eq3A_94 : vector<16xi32>
        %and3A_96 = arith.andi %and3A_58, %eq3A_95 : vector<16xi1>
        tpu.vector_store_idx %arg9[%select_n3A_70], %add3A_66 masked %and3A_96 : memref<31808xi32, #tpu.memory_space<vmem>>[vector<16xi32>], vector<16xi32>, vector<16xi1>
        %eq3A_97 = arith.constant 4 : i32
        %eq3A_98 = vector.broadcast %eq3A_97 : i32 to vector<16xi32>
        %eq3A_99 = arith.cmpi eq, %iota3A, %eq3A_98 : vector<16xi32>
        %and3A_100 = arith.andi %and3A_58, %eq3A_99 : vector<16xi1>
        tpu.vector_store_idx %arg9[%select_n3A_70], %add3A_66 masked %and3A_100 : memref<31808xi32, #tpu.memory_space<vmem>>[vector<16xi32>], vector<16xi32>, vector<16xi1>
        %eq3A_101 = arith.constant 5 : i32
        %eq3A_102 = vector.broadcast %eq3A_101 : i32 to vector<16xi32>
        %eq3A_103 = arith.cmpi eq, %iota3A, %eq3A_102 : vector<16xi32>
        %and3A_104 = arith.andi %and3A_58, %eq3A_103 : vector<16xi1>
        tpu.vector_store_idx %arg9[%select_n3A_70], %add3A_66 masked %and3A_104 : memref<31808xi32, #tpu.memory_space<vmem>>[vector<16xi32>], vector<16xi32>, vector<16xi1>
        %eq3A_105 = arith.constant 6 : i32
        %eq3A_106 = vector.broadcast %eq3A_105 : i32 to vector<16xi32>
        %eq3A_107 = arith.cmpi eq, %iota3A, %eq3A_106 : vector<16xi32>
        %and3A_108 = arith.andi %and3A_58, %eq3A_107 : vector<16xi1>
        tpu.vector_store_idx %arg9[%select_n3A_70], %add3A_66 masked %and3A_108 : memref<31808xi32, #tpu.memory_space<vmem>>[vector<16xi32>], vector<16xi32>, vector<16xi1>
        %eq3A_109 = arith.constant 7 : i32
        %eq3A_110 = vector.broadcast %eq3A_109 : i32 to vector<16xi32>
        %eq3A_111 = arith.cmpi eq, %iota3A, %eq3A_110 : vector<16xi32>
        %and3A_112 = arith.andi %and3A_58, %eq3A_111 : vector<16xi1>
        tpu.vector_store_idx %arg9[%select_n3A_70], %add3A_66 masked %and3A_112 : memref<31808xi32, #tpu.memory_space<vmem>>[vector<16xi32>], vector<16xi32>, vector<16xi1>
        %eq3A_113 = arith.constant 8 : i32
        %eq3A_114 = vector.broadcast %eq3A_113 : i32 to vector<16xi32>
        %eq3A_115 = arith.cmpi eq, %iota3A, %eq3A_114 : vector<16xi32>
        %and3A_116 = arith.andi %and3A_58, %eq3A_115 : vector<16xi1>
        tpu.vector_store_idx %arg9[%select_n3A_70], %add3A_66 masked %and3A_116 : memref<31808xi32, #tpu.memory_space<vmem>>[vector<16xi32>], vector<16xi32>, vector<16xi1>
        %eq3A_117 = arith.constant 9 : i32
        %eq3A_118 = vector.broadcast %eq3A_117 : i32 to vector<16xi32>
        %eq3A_119 = arith.cmpi eq, %iota3A, %eq3A_118 : vector<16xi32>
        %and3A_120 = arith.andi %and3A_58, %eq3A_119 : vector<16xi1>
        tpu.vector_store_idx %arg9[%select_n3A_70], %add3A_66 masked %and3A_120 : memref<31808xi32, #tpu.memory_space<vmem>>[vector<16xi32>], vector<16xi32>, vector<16xi1>
        %eq3A_121 = arith.constant 10 : i32
        %eq3A_122 = vector.broadcast %eq3A_121 : i32 to vector<16xi32>
        %eq3A_123 = arith.cmpi eq, %iota3A, %eq3A_122 : vector<16xi32>
        %and3A_124 = arith.andi %and3A_58, %eq3A_123 : vector<16xi1>
        tpu.vector_store_idx %arg9[%select_n3A_70], %add3A_66 masked %and3A_124 : memref<31808xi32, #tpu.memory_space<vmem>>[vector<16xi32>], vector<16xi32>, vector<16xi1>
        %eq3A_125 = arith.constant 11 : i32
        %eq3A_126 = vector.broadcast %eq3A_125 : i32 to vector<16xi32>
        %eq3A_127 = arith.cmpi eq, %iota3A, %eq3A_126 : vector<16xi32>
        %and3A_128 = arith.andi %and3A_58, %eq3A_127 : vector<16xi1>
        tpu.vector_store_idx %arg9[%select_n3A_70], %add3A_66 masked %and3A_128 : memref<31808xi32, #tpu.memory_space<vmem>>[vector<16xi32>], vector<16xi32>, vector<16xi1>
        %eq3A_129 = arith.constant 12 : i32
        %eq3A_130 = vector.broadcast %eq3A_129 : i32 to vector<16xi32>
        %eq3A_131 = arith.cmpi eq, %iota3A, %eq3A_130 : vector<16xi32>
        %and3A_132 = arith.andi %and3A_58, %eq3A_131 : vector<16xi1>
        tpu.vector_store_idx %arg9[%select_n3A_70], %add3A_66 masked %and3A_132 : memref<31808xi32, #tpu.memory_space<vmem>>[vector<16xi32>], vector<16xi32>, vector<16xi1>
        %eq3A_133 = arith.constant 13 : i32
        %eq3A_134 = vector.broadcast %eq3A_133 : i32 to vector<16xi32>
        %eq3A_135 = arith.cmpi eq, %iota3A, %eq3A_134 : vector<16xi32>
        %and3A_136 = arith.andi %and3A_58, %eq3A_135 : vector<16xi1>
        tpu.vector_store_idx %arg9[%select_n3A_70], %add3A_66 masked %and3A_136 : memref<31808xi32, #tpu.memory_space<vmem>>[vector<16xi32>], vector<16xi32>, vector<16xi1>
        %eq3A_137 = arith.constant 14 : i32
        %eq3A_138 = vector.broadcast %eq3A_137 : i32 to vector<16xi32>
        %eq3A_139 = arith.cmpi eq, %iota3A, %eq3A_138 : vector<16xi32>
        %and3A_140 = arith.andi %and3A_58, %eq3A_139 : vector<16xi1>
        tpu.vector_store_idx %arg9[%select_n3A_70], %add3A_66 masked %and3A_140 : memref<31808xi32, #tpu.memory_space<vmem>>[vector<16xi32>], vector<16xi32>, vector<16xi1>
        %eq3A_141 = arith.constant 15 : i32
        %eq3A_142 = vector.broadcast %eq3A_141 : i32 to vector<16xi32>
        %eq3A_143 = arith.cmpi eq, %iota3A, %eq3A_142 : vector<16xi32>
        %and3A_144 = arith.andi %and3A_58, %eq3A_143 : vector<16xi1>
        tpu.vector_store_idx %arg9[%select_n3A_70], %add3A_66 masked %and3A_144 : memref<31808xi32, #tpu.memory_space<vmem>>[vector<16xi32>], vector<16xi32>, vector<16xi1>
      } else {
      }
      %scan3A_80 = arith.constant 0 : i32
      scf.yield %scan3A_80 : i32
    }
    %scan3A_17 = arith.constant 1024 : i32
    %jit3A_18 = arith.constant 256 : i32
    %div3A = arith.divsi %select_n3A, %jit3A_18 : i32
    %sign3A = arith.constant 0 : i32
    %sign3A_19 = arith.cmpi sgt, %select_n3A, %sign3A : i32
    %sign3A_20 = arith.extui %sign3A_19 : i1 to i32
    %sign3A_21 = arith.constant 0 : i32
    %sign3A_22 = arith.cmpi slt, %select_n3A, %sign3A_21 : i32
    %sign3A_23 = arith.extui %sign3A_22 : i1 to i32
    %sign3A_24 = arith.subi %sign3A_20, %sign3A_23 : i32
    %sign3A_25 = arith.constant 0 : i32
    %sign3A_26 = arith.cmpi sgt, %jit3A_18, %sign3A_25 : i32
    %sign3A_27 = arith.extui %sign3A_26 : i1 to i32
    %sign3A_28 = arith.constant 0 : i32
    %sign3A_29 = arith.cmpi slt, %jit3A_18, %sign3A_28 : i32
    %sign3A_30 = arith.extui %sign3A_29 : i1 to i32
    %sign3A_31 = arith.subi %sign3A_27, %sign3A_30 : i32
    %ne3A = arith.cmpi ne, %sign3A_24, %sign3A_31 : i32
    %rem3A = arith.remsi %select_n3A, %jit3A_18 : i32
    %ne3A_32 = arith.constant 0 : i32
    %ne3A_33 = arith.cmpi ne, %rem3A, %ne3A_32 : i32
    %and3A = arith.andi %ne3A, %ne3A_33 : i1
    %sub3A = arith.constant 1 : i32
    %sub3A_34 = arith.subi %div3A, %sub3A : i32
    %select_n3A_35 = arith.select %and3A, %sub3A_34, %div3A : i32
    %while3A = arith.constant 0 : i32
    %while3A_36 = arith.constant 0 : i32
    %while3A_37 = arith.subi %select_n3A_35, %while3A : i32
    %while3A_38 = arith.addi %while3A, %while3A_37 : i32
    %while3A_39 = arith.constant 1 : i32
    %while3A_40 = arith.divsi %while3A_37, %while3A_39 : i32
    %while3A_41 = arith.muli %while3A_40, %while3A_39 : i32
    %while3A_42 = arith.addi %while3A, %while3A_41 : i32
    %while3A_43 = arith.constant 1 : i32
    %while3A_44 = scf.for %while3A_50 = %while3A to %while3A_42 step %while3A_43 iter_args(%while3A_51 = %while3A_36) -> (i32)  : i32 {
      %mul3A_52 = arith.constant 256 : i32
      %mul3A_53 = arith.muli %while3A_50, %mul3A_52 : i32
      %add3A_54 = arith.addi %mul3A_2, %mul3A_53 : i32
      "tpu.region"() ({
        %run_scoped3A = tpu.sem_alloc : memref<!tpu.dma_semaphore, #tpu.memory_space<semaphore_mem>>
        %dma_start3A = arith.constant 0 : i32
        %dma_start3A_68 = tpu.memref_slice %arg5[%dma_start3A, %add3A_54] : memref<32x1000000xf32, #tpu.memory_space<hbm>> -> memref<32x256xf32, #tpu.memory_space<hbm>>
        %dma_start3A_69 = arith.constant 0 : i32
        %dma_start3A_70 = tpu.memref_slice %arg5[%dma_start3A_69, %add3A_54] : memref<32x1000000xf32, #tpu.memory_space<hbm>> -> memref<32x256xf32, #tpu.memory_space<hbm>>
        tpu.enqueue_dma source(%dma_start3A_70 : memref<32x256xf32, #tpu.memory_space<hbm>>) target(%arg10 : memref<32x256xf32, #tpu.memory_space<vmem>>) target_semaphore(%run_scoped3A : memref<!tpu.dma_semaphore, #tpu.memory_space<semaphore_mem>>)
        %dma_wait3A = arith.constant 0 : i32
        %dma_wait3A_71 = tpu.memref_slice %arg5[%dma_wait3A, %add3A_54] : memref<32x1000000xf32, #tpu.memory_space<hbm>> -> memref<32x256xf32, #tpu.memory_space<hbm>>
        %dma_wait3A_72 = arith.constant 0 : i32
        %dma_wait3A_73 = tpu.memref_slice %arg5[%dma_wait3A_72, %add3A_54] : memref<32x1000000xf32, #tpu.memory_space<hbm>> -> memref<32x256xf32, #tpu.memory_space<hbm>>
        tpu.wait_dma2 semaphore(%run_scoped3A : memref<!tpu.dma_semaphore, #tpu.memory_space<semaphore_mem>>) src(%dma_wait3A_73 : memref<32x256xf32, #tpu.memory_space<hbm>>) dst(%arg10 : memref<32x256xf32, #tpu.memory_space<vmem>>)
        tpu.yield
      }) : () -> ()
      %scan3A_55 = arith.constant 0 : i32
      %scan3A_56 = arith.constant 0 : i32
      %scan3A_57 = arith.constant 16 : i32
      %scan3A_58 = arith.addi %scan3A_56, %scan3A_57 : i32
      %scan3A_59 = arith.constant 1 : i32
      %scan3A_60 = scf.for %scan3A_68 = %scan3A_56 to %scan3A_58 step %scan3A_59 iter_args(%scan3A_69 = %scan3A_55) -> (i32)  : i32 {
        %mul3A_70 = arith.constant 16 : i32
        %mul3A_71 = arith.muli %scan3A_68, %mul3A_70 : i32
        %add3A_72 = arith.addi %mul3A_53, %mul3A_71 : i32
        %get3A = arith.index_cast %add3A_72 : i32 to index
        %get3A_73 = tpu.vector_load %arg9[%get3A] {strides = array<i32>} : memref<31808xi32, #tpu.memory_space<vmem>>, vector<16xi32>,
        %ge3A = arith.constant 0 : i32
        %ge3A_74 = vector.broadcast %ge3A : i32 to vector<16xi32>
        %ge3A_75 = arith.cmpi sge, %get3A_73, %ge3A_74 : vector<16xi32>
        %convert_element_type3A_76 = arith.extui %ge3A_75 : vector<16xi1> to vector<16xi32>
        %broadcast_in_dim3A = arith.constant true
        %broadcast_in_dim3A_77 = vector.broadcast %broadcast_in_dim3A : i1 to vector<16xi1>
        %masked_cumsum3A = tpu.scan <sum>, %convert_element_type3A_76 masked %broadcast_in_dim3A_77 : vector<16xi32>, vector<16xi1> -> vector<16xi32>
        %add3A_78 = vector.broadcast %scan3A_69 : i32 to vector<16xi32>
        %add3A_79 = arith.addi %add3A_78, %masked_cumsum3A : vector<16xi32>
        %sub3A_80 = arith.constant 1 : i32
        %sub3A_81 = vector.broadcast %sub3A_80 : i32 to vector<16xi32>
        %sub3A_82 = arith.subi %add3A_79, %sub3A_81 : vector<16xi32>
        %lt3A = arith.constant 128 : i32
        %lt3A_83 = vector.broadcast %lt3A : i32 to vector<16xi32>
        %lt3A_84 = arith.cmpi slt, %sub3A_82, %lt3A_83 : vector<16xi32>
        %and3A_85 = arith.andi %ge3A_75, %lt3A_84 : vector<16xi1>
        %jit3A_86 = arith.constant 0 : i32
        %broadcast_in_dim3A_87 = vector.broadcast %jit3A_86 : i32 to vector<16xi32>
        %select_n3A_88 = arith.select %and3A_85, %sub3A_82, %broadcast_in_dim3A_87 : vector<16xi1>, vector<16xi32>
        tpu.vector_store_idx %arg12[%select_n3A_88], %get3A_73 masked %and3A_85 : memref<128xi32, #tpu.memory_space<vmem>>[vector<16xi32>], vector<16xi32>, vector<16xi1>
        %ge3A_89 = arith.constant 128 : i32
        %ge3A_90 = vector.broadcast %ge3A_89 : i32 to vector<16xi32>
        %ge3A_91 = arith.cmpi sge, %sub3A_82, %ge3A_90 : vector<16xi32>
        %and3A_92 = arith.andi %ge3A_75, %ge3A_91 : vector<16xi1>
        %sub3A_93 = arith.constant 128 : i32
        %sub3A_94 = vector.broadcast %sub3A_93 : i32 to vector<16xi32>
        %sub3A_95 = arith.subi %sub3A_82, %sub3A_94 : vector<16xi32>
        %jit3A_96 = arith.constant 0 : i32
        %broadcast_in_dim3A_97 = vector.broadcast %jit3A_96 : i32 to vector<16xi32>
        %select_n3A_98 = arith.select %and3A_92, %sub3A_95, %broadcast_in_dim3A_97 : vector<16xi1>, vector<16xi32>
        tpu.vector_store_idx %arg13[%select_n3A_98], %get3A_73 masked %and3A_92 : memref<128xi32, #tpu.memory_space<vmem>>[vector<16xi32>], vector<16xi32>, vector<16xi1>
        %jit3A_99 = arith.constant 0 : i32
        %broadcast_in_dim3A_100 = vector.broadcast %jit3A_99 : i32 to vector<16xi32>
        %select_n3A_101 = arith.select %ge3A_75, %sub3A_82, %broadcast_in_dim3A_100 : vector<16xi1>, vector<16xi32>
        %mul3A_102 = arith.constant 16 : i32
        %mul3A_103 = arith.muli %scan3A_68, %mul3A_102 : i32
        %add3A_104 = vector.broadcast %mul3A_103 : i32 to vector<16xi32>
        %add3A_105 = arith.addi %add3A_104, %iota3A : vector<16xi32>
        tpu.vector_store_idx %arg14[%select_n3A_101], %add3A_105 masked %ge3A_75 : memref<256xi32, #tpu.memory_space<vmem>>[vector<16xi32>], vector<16xi32>, vector<16xi1>
        %convert_element_type3A_106 = arith.extui %ge3A_75 : vector<16xi1> to vector<16xi32>
        %reduce_sum3A = arith.constant true
        %reduce_sum3A_107 = vector.broadcast %reduce_sum3A : i1 to vector<16xi1>
        %reduce_sum3A_108 = tpu.scan <sum>, %convert_element_type3A_106 masked %reduce_sum3A_107 : vector<16xi32>, vector<16xi1> -> vector<16xi32>
        %reduce_sum3A_109 = vector.extract %reduce_sum3A_108[15] : i32 from vector<16xi32>
        %add3A_110 = arith.addi %scan3A_69, %reduce_sum3A_109 : i32
        scf.yield %add3A_110 : i32
      }
      %scan3A_61 = arith.constant 16 : i32
      %gt3A = arith.constant 0 : i32
      %gt3A_62 = arith.cmpi sgt, %scan3A_60, %gt3A : i32
      %convert_element_type3A_63 = arith.extui %gt3A_62 : i1 to i32
      %cond3A_64 = arith.constant 0 : i32
      %cond3A_65 = arith.cmpi ne, %convert_element_type3A_63, %cond3A_64 : i32
      scf.if %cond3A_65 {
        %broadcast_in_dim3A = arith.constant 0 : i32
        %broadcast_in_dim3A_68 = vector.broadcast %broadcast_in_dim3A : i32 to vector<16xi32>
        %gather3A = tpu.vector_load_idx %arg12[%broadcast_in_dim3A_68] : memref<128xi32, #tpu.memory_space<vmem>>[vector<16xi32>], vector<16xi32>,
        %jit3A_69 = arith.constant 16 : i32
        %div3A_70 = arith.divsi %scan3A_60, %jit3A_69 : i32
        %sign3A_71 = arith.constant 0 : i32
        %sign3A_72 = arith.cmpi sgt, %scan3A_60, %sign3A_71 : i32
        %sign3A_73 = arith.extui %sign3A_72 : i1 to i32
        %sign3A_74 = arith.constant 0 : i32
        %sign3A_75 = arith.cmpi slt, %scan3A_60, %sign3A_74 : i32
        %sign3A_76 = arith.extui %sign3A_75 : i1 to i32
        %sign3A_77 = arith.subi %sign3A_73, %sign3A_76 : i32
        %sign3A_78 = arith.constant 0 : i32
        %sign3A_79 = arith.cmpi sgt, %jit3A_69, %sign3A_78 : i32
        %sign3A_80 = arith.extui %sign3A_79 : i1 to i32
        %sign3A_81 = arith.constant 0 : i32
        %sign3A_82 = arith.cmpi slt, %jit3A_69, %sign3A_81 : i32
        %sign3A_83 = arith.extui %sign3A_82 : i1 to i32
        %sign3A_84 = arith.subi %sign3A_80, %sign3A_83 : i32
        %ne3A_85 = arith.cmpi ne, %sign3A_77, %sign3A_84 : i32
        %rem3A_86 = arith.remsi %scan3A_60, %jit3A_69 : i32
        %ne3A_87 = arith.constant 0 : i32
        %ne3A_88 = arith.cmpi ne, %rem3A_86, %ne3A_87 : i32
        %and3A_89 = arith.andi %ne3A_85, %ne3A_88 : i1
        %sub3A_90 = arith.constant 1 : i32
        %sub3A_91 = arith.subi %div3A_70, %sub3A_90 : i32
        %select_n3A_92 = arith.select %and3A_89, %sub3A_91, %div3A_70 : i32
        %while3A_93 = arith.constant 8 : i32
        %while3A_94 = arith.constant 0 : i32
        %while3A_95 = arith.subi %while3A_93, %select_n3A_92 : i32
        %while3A_96 = arith.addi %select_n3A_92, %while3A_95 : i32
        %while3A_97 = arith.constant 1 : i32
        %while3A_98 = arith.divsi %while3A_95, %while3A_97 : i32
        %while3A_99 = arith.muli %while3A_98, %while3A_97 : i32
        %while3A_100 = arith.addi %select_n3A_92, %while3A_99 : i32
        %while3A_101 = arith.constant 1 : i32
        %while3A_102 = scf.for %while3A_152 = %select_n3A_92 to %while3A_100 step %while3A_101 iter_args(%while3A_153 = %while3A_94) -> (i32)  : i32 {
          %mul3A_154 = arith.constant 16 : i32
          %mul3A_155 = arith.muli %while3A_152, %mul3A_154 : i32
          %add3A_156 = vector.broadcast %mul3A_155 : i32 to vector<16xi32>
          %add3A_157 = arith.addi %add3A_156, %iota3A : vector<16xi32>
          %ge3A = vector.broadcast %scan3A_60 : i32 to vector<16xi32>
          %ge3A_158 = arith.cmpi sge, %add3A_157, %ge3A : vector<16xi32>
          tpu.vector_store_idx %arg12[%add3A_157], %gather3A masked %ge3A_158 : memref<128xi32, #tpu.memory_space<vmem>>[vector<16xi32>], vector<16xi32>, vector<16xi1>
          %while3A_159 = arith.constant 0 : i32
          scf.yield %while3A_159 : i32
        }
        %while3A_103 = arith.constant 1 : i32
        %while3A_104 = scf.for %while3A_152 = %while3A_100 to %while3A_96 step %while3A_103 iter_args(%while3A_153 = %while3A_102) -> (i32)  : i32 {
          %mul3A_154 = arith.constant 16 : i32
          %mul3A_155 = arith.muli %while3A_152, %mul3A_154 : i32
          %add3A_156 = vector.broadcast %mul3A_155 : i32 to vector<16xi32>
          %add3A_157 = arith.addi %add3A_156, %iota3A : vector<16xi32>
          %ge3A = vector.broadcast %scan3A_60 : i32 to vector<16xi32>
          %ge3A_158 = arith.cmpi sge, %add3A_157, %ge3A : vector<16xi32>
          tpu.vector_store_idx %arg12[%add3A_157], %gather3A masked %ge3A_158 : memref<128xi32, #tpu.memory_space<vmem>>[vector<16xi32>], vector<16xi32>, vector<16xi1>
          %while3A_159 = arith.constant 0 : i32
          scf.yield %while3A_159 : i32
        }
        %dma_start3A = arith.constant 0 : i32
        %dma_start3A_105 = arith.constant 0 : i32
        %dma_start3A_106 = tpu.memref_slice %arg3[%dma_start3A, %dma_start3A_105] : memref<16384x128xf32, #tpu.memory_space<hbm>> -> memref<16384x128xf32, #tpu.memory_space<hbm>>
        tpu.enqueue_indirect_dma source(%dma_start3A_106 : memref<16384x128xf32, #tpu.memory_space<hbm>>) target(%arg15 : memref<128x128xf32, #tpu.memory_space<vmem>>) offsets(%arg12 : memref<128xi32, #tpu.memory_space<vmem>>) semaphore(%arg17 : memref<!tpu.dma_semaphore, #tpu.memory_space<semaphore_mem>>)
        %dma_wait3A = arith.constant 0 : i32
        %dma_wait3A_107 = arith.constant 0 : i32
        %dma_wait3A_108 = tpu.memref_slice %arg3[%dma_wait3A, %dma_wait3A_107] : memref<16384x128xf32, #tpu.memory_space<hbm>> -> memref<16384x128xf32, #tpu.memory_space<hbm>>
        tpu.wait_indirect_dma semaphore(%arg17 : memref<!tpu.dma_semaphore, #tpu.memory_space<semaphore_mem>>) src(%dma_wait3A_108 : memref<16384x128xf32, #tpu.memory_space<hbm>>) dst(%arg15 : memref<128x128xf32, #tpu.memory_space<vmem>>)
        %gt3A_109 = arith.constant 128 : i32
        %gt3A_110 = arith.cmpi sgt, %scan3A_60, %gt3A_109 : i32
        %convert_element_type3A_111 = arith.extui %gt3A_110 : i1 to i32
        %cond3A_112 = arith.constant 0 : i32
        %cond3A_113 = arith.cmpi ne, %convert_element_type3A_111, %cond3A_112 : i32
        scf.if %cond3A_113 {
          %sub3A_152 = arith.constant 128 : i32
          %sub3A_153 = arith.subi %scan3A_60, %sub3A_152 : i32
          %jit3A_154 = arith.constant 16 : i32
          %div3A_155 = arith.divsi %sub3A_153, %jit3A_154 : i32
          %sign3A_156 = arith.constant 0 : i32
          %sign3A_157 = arith.cmpi sgt, %sub3A_153, %sign3A_156 : i32
          %sign3A_158 = arith.extui %sign3A_157 : i1 to i32
          %sign3A_159 = arith.constant 0 : i32
          %sign3A_160 = arith.cmpi slt, %sub3A_153, %sign3A_159 : i32
          %sign3A_161 = arith.extui %sign3A_160 : i1 to i32
          %sign3A_162 = arith.subi %sign3A_158, %sign3A_161 : i32
          %sign3A_163 = arith.constant 0 : i32
          %sign3A_164 = arith.cmpi sgt, %jit3A_154, %sign3A_163 : i32
          %sign3A_165 = arith.extui %sign3A_164 : i1 to i32
          %sign3A_166 = arith.constant 0 : i32
          %sign3A_167 = arith.cmpi slt, %jit3A_154, %sign3A_166 : i32
          %sign3A_168 = arith.extui %sign3A_167 : i1 to i32
          %sign3A_169 = arith.subi %sign3A_165, %sign3A_168 : i32
          %ne3A_170 = arith.cmpi ne, %sign3A_162, %sign3A_169 : i32
          %rem3A_171 = arith.remsi %sub3A_153, %jit3A_154 : i32
          %ne3A_172 = arith.constant 0 : i32
          %ne3A_173 = arith.cmpi ne, %rem3A_171, %ne3A_172 : i32
          %and3A_174 = arith.andi %ne3A_170, %ne3A_173 : i1
          %sub3A_175 = arith.constant 1 : i32
          %sub3A_176 = arith.subi %div3A_155, %sub3A_175 : i32
          %select_n3A_177 = arith.select %and3A_174, %sub3A_176, %div3A_155 : i32
          %while3A_178 = arith.constant 8 : i32
          %while3A_179 = arith.constant 0 : i32
          %while3A_180 = arith.subi %while3A_178, %select_n3A_177 : i32
          %while3A_181 = arith.addi %select_n3A_177, %while3A_180 : i32
          %while3A_182 = arith.constant 1 : i32
          %while3A_183 = arith.divsi %while3A_180, %while3A_182 : i32
          %while3A_184 = arith.muli %while3A_183, %while3A_182 : i32
          %while3A_185 = arith.addi %select_n3A_177, %while3A_184 : i32
          %while3A_186 = arith.constant 1 : i32
          %while3A_187 = scf.for %while3A_196 = %select_n3A_177 to %while3A_185 step %while3A_186 iter_args(%while3A_197 = %while3A_179) -> (i32)  : i32 {
            %mul3A_198 = arith.constant 16 : i32
            %mul3A_199 = arith.muli %while3A_196, %mul3A_198 : i32
            %add3A_200 = arith.constant 128 : i32
            %add3A_201 = arith.addi %add3A_200, %mul3A_199 : i32
            %add3A_202 = vector.broadcast %add3A_201 : i32 to vector<16xi32>
            %add3A_203 = arith.addi %add3A_202, %iota3A : vector<16xi32>
            %sub3A_204 = arith.constant 128 : i32
            %sub3A_205 = vector.broadcast %sub3A_204 : i32 to vector<16xi32>
            %sub3A_206 = arith.subi %add3A_203, %sub3A_205 : vector<16xi32>
            %ge3A = vector.broadcast %scan3A_60 : i32 to vector<16xi32>
            %ge3A_207 = arith.cmpi sge, %add3A_203, %ge3A : vector<16xi32>
            tpu.vector_store_idx %arg13[%sub3A_206], %gather3A masked %ge3A_207 : memref<128xi32, #tpu.memory_space<vmem>>[vector<16xi32>], vector<16xi32>, vector<16xi1>
            %while3A_208 = arith.constant 0 : i32
            scf.yield %while3A_208 : i32
          }
          %while3A_188 = arith.constant 1 : i32
          %while3A_189 = scf.for %while3A_196 = %while3A_185 to %while3A_181 step %while3A_188 iter_args(%while3A_197 = %while3A_187) -> (i32)  : i32 {
            %mul3A_198 = arith.constant 16 : i32
            %mul3A_199 = arith.muli %while3A_196, %mul3A_198 : i32
            %add3A_200 = arith.constant 128 : i32
            %add3A_201 = arith.addi %add3A_200, %mul3A_199 : i32
            %add3A_202 = vector.broadcast %add3A_201 : i32 to vector<16xi32>
            %add3A_203 = arith.addi %add3A_202, %iota3A : vector<16xi32>
            %sub3A_204 = arith.constant 128 : i32
            %sub3A_205 = vector.broadcast %sub3A_204 : i32 to vector<16xi32>
            %sub3A_206 = arith.subi %add3A_203, %sub3A_205 : vector<16xi32>
            %ge3A = vector.broadcast %scan3A_60 : i32 to vector<16xi32>
            %ge3A_207 = arith.cmpi sge, %add3A_203, %ge3A : vector<16xi32>
            tpu.vector_store_idx %arg13[%sub3A_206], %gather3A masked %ge3A_207 : memref<128xi32, #tpu.memory_space<vmem>>[vector<16xi32>], vector<16xi32>, vector<16xi1>
            %while3A_208 = arith.constant 0 : i32
            scf.yield %while3A_208 : i32
          }
          %dma_start3A_190 = arith.constant 0 : i32
          %dma_start3A_191 = arith.constant 0 : i32
          %dma_start3A_192 = tpu.memref_slice %arg3[%dma_start3A_190, %dma_start3A_191] : memref<16384x128xf32, #tpu.memory_space<hbm>> -> memref<16384x128xf32, #tpu.memory_space<hbm>>
          tpu.enqueue_indirect_dma source(%dma_start3A_192 : memref<16384x128xf32, #tpu.memory_space<hbm>>) target(%arg16 : memref<128x128xf32, #tpu.memory_space<vmem>>) offsets(%arg13 : memref<128xi32, #tpu.memory_space<vmem>>) semaphore(%arg17 : memref<!tpu.dma_semaphore, #tpu.memory_space<semaphore_mem>>)
          %dma_wait3A_193 = arith.constant 0 : i32
          %dma_wait3A_194 = arith.constant 0 : i32
          %dma_wait3A_195 = tpu.memref_slice %arg3[%dma_wait3A_193, %dma_wait3A_194] : memref<16384x128xf32, #tpu.memory_space<hbm>> -> memref<16384x128xf32, #tpu.memory_space<hbm>>
          tpu.wait_indirect_dma semaphore(%arg17 : memref<!tpu.dma_semaphore, #tpu.memory_space<semaphore_mem>>) src(%dma_wait3A_195 : memref<16384x128xf32, #tpu.memory_space<hbm>>) dst(%arg16 : memref<128x128xf32, #tpu.memory_space<vmem>>)
        } else {
        }
        %add3A_114 = arith.constant 15 : i32
        %add3A_115 = arith.addi %scan3A_60, %add3A_114 : i32
        %jit3A_116 = arith.constant 16 : i32
        %div3A_117 = arith.divsi %add3A_115, %jit3A_116 : i32
        %sign3A_118 = arith.constant 0 : i32
        %sign3A_119 = arith.cmpi sgt, %add3A_115, %sign3A_118 : i32
        %sign3A_120 = arith.extui %sign3A_119 : i1 to i32
        %sign3A_121 = arith.constant 0 : i32
        %sign3A_122 = arith.cmpi slt, %add3A_115, %sign3A_121 : i32
        %sign3A_123 = arith.extui %sign3A_122 : i1 to i32
        %sign3A_124 = arith.subi %sign3A_120, %sign3A_123 : i32
        %sign3A_125 = arith.constant 0 : i32
        %sign3A_126 = arith.cmpi sgt, %jit3A_116, %sign3A_125 : i32
        %sign3A_127 = arith.extui %sign3A_126 : i1 to i32
        %sign3A_128 = arith.constant 0 : i32
        %sign3A_129 = arith.cmpi slt, %jit3A_116, %sign3A_128 : i32
        %sign3A_130 = arith.extui %sign3A_129 : i1 to i32
        %sign3A_131 = arith.subi %sign3A_127, %sign3A_130 : i32
        %ne3A_132 = arith.cmpi ne, %sign3A_124, %sign3A_131 : i32
        %rem3A_133 = arith.remsi %add3A_115, %jit3A_116 : i32
        %ne3A_134 = arith.constant 0 : i32
        %ne3A_135 = arith.cmpi ne, %rem3A_133, %ne3A_134 : i32
        %and3A_136 = arith.andi %ne3A_132, %ne3A_135 : i1
        %sub3A_137 = arith.constant 1 : i32
        %sub3A_138 = arith.subi %div3A_117, %sub3A_137 : i32
        %select_n3A_139 = arith.select %and3A_136, %sub3A_138, %div3A_117 : i32
        %while3A_140 = arith.constant 0 : i32
        %while3A_141 = arith.constant 0 : i32
        %while3A_142 = arith.subi %select_n3A_139, %while3A_140 : i32
        %while3A_143 = arith.addi %while3A_140, %while3A_142 : i32
        %while3A_144 = arith.constant 1 : i32
        %while3A_145 = arith.divsi %while3A_142, %while3A_144 : i32
        %while3A_146 = arith.muli %while3A_145, %while3A_144 : i32
        %while3A_147 = arith.addi %while3A_140, %while3A_146 : i32
        %while3A_148 = arith.constant 1 : i32
        %while3A_149 = scf.for %while3A_152 = %while3A_140 to %while3A_147 step %while3A_148 iter_args(%while3A_153 = %while3A_141) -> (i32)  : i32 {
          %mul3A_154 = arith.constant 16 : i32
          %mul3A_155 = arith.muli %while3A_152, %mul3A_154 : i32
          %add3A_156 = vector.broadcast %mul3A_155 : i32 to vector<16xi32>
          %add3A_157 = arith.addi %add3A_156, %iota3A : vector<16xi32>
          %lt3A = vector.broadcast %scan3A_60 : i32 to vector<16xi32>
          %lt3A_158 = arith.cmpi slt, %add3A_157, %lt3A : vector<16xi32>
          %mul3A_159 = arith.constant 16 : i32
          %mul3A_160 = arith.muli %while3A_152, %mul3A_159 : i32
          %get3A = arith.index_cast %mul3A_160 : i32 to index
          %get3A_161 = tpu.vector_load %arg14[%get3A] {strides = array<i32>} : memref<256xi32, #tpu.memory_space<vmem>>, vector<16xi32>,
          %jit3A_162 = arith.constant 0 : i32
          %broadcast_in_dim3A_163 = vector.broadcast %jit3A_162 : i32 to vector<16xi32>
          %select_n3A_164 = arith.select %lt3A_158, %get3A_161, %broadcast_in_dim3A_163 : vector<16xi1>, vector<16xi32>
          %jit3A_165 = arith.constant 0 : i32
          %broadcast_in_dim3A_166 = vector.broadcast %jit3A_165 : i32 to vector<16xi32>
          %select_n3A_167 = arith.select %lt3A_158, %add3A_157, %broadcast_in_dim3A_166 : vector<16xi1>, vector<16xi32>
          %broadcast_in_dim3A_168 = arith.constant 0 : i32
          %broadcast_in_dim3A_169 = vector.broadcast %broadcast_in_dim3A_168 : i32 to vector<16xi32>
          %lt3A_170 = arith.constant 128 : i32
          %lt3A_171 = vector.broadcast %lt3A_170 : i32 to vector<16xi32>
          %lt3A_172 = arith.cmpi slt, %select_n3A_167, %lt3A_171 : vector<16xi32>
          %and3A_173 = arith.andi %lt3A_158, %lt3A_172 : vector<16xi1>
          %ge3A = arith.constant 128 : i32
          %ge3A_174 = vector.broadcast %ge3A : i32 to vector<16xi32>
          %ge3A_175 = arith.cmpi sge, %select_n3A_167, %ge3A_174 : vector<16xi32>
          %and3A_176 = arith.andi %lt3A_158, %ge3A_175 : vector<16xi1>
          %jit3A_177 = arith.constant 0 : i32
          %broadcast_in_dim3A_178 = vector.broadcast %jit3A_177 : i32 to vector<16xi32>
          %select_n3A_179 = arith.select %and3A_173, %select_n3A_167, %broadcast_in_dim3A_178 : vector<16xi1>, vector<16xi32>
          %gather3A_180 = tpu.vector_load_idx %arg15[%select_n3A_179, %broadcast_in_dim3A_169] masked %and3A_173 : memref<128x128xf32, #tpu.memory_space<vmem>>[vector<16xi32>, vector<16xi32>], vector<16xf32>, vector<16xi1>
          %sub3A_181 = arith.constant 128 : i32
          %sub3A_182 = vector.broadcast %sub3A_181 : i32 to vector<16xi32>
          %sub3A_183 = arith.subi %select_n3A_167, %sub3A_182 : vector<16xi32>
          %jit3A_184 = arith.constant 0 : i32
          %broadcast_in_dim3A_185 = vector.broadcast %jit3A_184 : i32 to vector<16xi32>
          %select_n3A_186 = arith.select %and3A_176, %sub3A_183, %broadcast_in_dim3A_185 : vector<16xi1>, vector<16xi32>
          %gather3A_187 = tpu.vector_load_idx %arg16[%select_n3A_186, %broadcast_in_dim3A_169] masked %and3A_176 : memref<128x128xf32, #tpu.memory_space<vmem>>[vector<16xi32>, vector<16xi32>], vector<16xf32>, vector<16xi1>
          %lt3A_188 = arith.constant 128 : i32
          %lt3A_189 = vector.broadcast %lt3A_188 : i32 to vector<16xi32>
          %lt3A_190 = arith.cmpi slt, %select_n3A_167, %lt3A_189 : vector<16xi32>
          %select_n3A_191 = arith.select %lt3A_190, %gather3A_180, %gather3A_187 : vector<16xi1>, vector<16xf32>
          tpu.vector_store_idx %arg10[%broadcast_in_dim3A_169, %select_n3A_164], %select_n3A_191 masked %lt3A_158 : memref<32x256xf32, #tpu.memory_space<vmem>>[vector<16xi32>, vector<16xi32>], vector<16xf32>, vector<16xi1>
          %broadcast_in_dim3A_192 = arith.constant 1 : i32
          %broadcast_in_dim3A_193 = vector.broadcast %broadcast_in_dim3A_192 : i32 to vector<16xi32>
          %lt3A_194 = arith.constant 128 : i32
          %lt3A_195 = vector.broadcast %lt3A_194 : i32 to vector<16xi32>
          %lt3A_196 = arith.cmpi slt, %select_n3A_167, %lt3A_195 : vector<16xi32>
          %and3A_197 = arith.andi %lt3A_158, %lt3A_196 : vector<16xi1>
          %ge3A_198 = arith.constant 128 : i32
          %ge3A_199 = vector.broadcast %ge3A_198 : i32 to vector<16xi32>
          %ge3A_200 = arith.cmpi sge, %select_n3A_167, %ge3A_199 : vector<16xi32>
          %and3A_201 = arith.andi %lt3A_158, %ge3A_200 : vector<16xi1>
          %jit3A_202 = arith.constant 0 : i32
          %broadcast_in_dim3A_203 = vector.broadcast %jit3A_202 : i32 to vector<16xi32>
          %select_n3A_204 = arith.select %and3A_197, %select_n3A_167, %broadcast_in_dim3A_203 : vector<16xi1>, vector<16xi32>
          %gather3A_205 = tpu.vector_load_idx %arg15[%select_n3A_204, %broadcast_in_dim3A_193] masked %and3A_197 : memref<128x128xf32, #tpu.memory_space<vmem>>[vector<16xi32>, vector<16xi32>], vector<16xf32>, vector<16xi1>
          %sub3A_206 = arith.constant 128 : i32
          %sub3A_207 = vector.broadcast %sub3A_206 : i32 to vector<16xi32>
          %sub3A_208 = arith.subi %select_n3A_167, %sub3A_207 : vector<16xi32>
          %jit3A_209 = arith.constant 0 : i32
          %broadcast_in_dim3A_210 = vector.broadcast %jit3A_209 : i32 to vector<16xi32>
          %select_n3A_211 = arith.select %and3A_201, %sub3A_208, %broadcast_in_dim3A_210 : vector<16xi1>, vector<16xi32>
          %gather3A_212 = tpu.vector_load_idx %arg16[%select_n3A_211, %broadcast_in_dim3A_193] masked %and3A_201 : memref<128x128xf32, #tpu.memory_space<vmem>>[vector<16xi32>, vector<16xi32>], vector<16xf32>, vector<16xi1>
          %lt3A_213 = arith.constant 128 : i32
          %lt3A_214 = vector.broadcast %lt3A_213 : i32 to vector<16xi32>
          %lt3A_215 = arith.cmpi slt, %select_n3A_167, %lt3A_214 : vector<16xi32>
          %select_n3A_216 = arith.select %lt3A_215, %gather3A_205, %gather3A_212 : vector<16xi1>, vector<16xf32>
          tpu.vector_store_idx %arg10[%broadcast_in_dim3A_193, %select_n3A_164], %select_n3A_216 masked %lt3A_158 : memref<32x256xf32, #tpu.memory_space<vmem>>[vector<16xi32>, vector<16xi32>], vector<16xf32>, vector<16xi1>
          %broadcast_in_dim3A_217 = arith.constant 2 : i32
          %broadcast_in_dim3A_218 = vector.broadcast %broadcast_in_dim3A_217 : i32 to vector<16xi32>
          %lt3A_219 = arith.constant 128 : i32
          %lt3A_220 = vector.broadcast %lt3A_219 : i32 to vector<16xi32>
          %lt3A_221 = arith.cmpi slt, %select_n3A_167, %lt3A_220 : vector<16xi32>
          %and3A_222 = arith.andi %lt3A_158, %lt3A_221 : vector<16xi1>
          %ge3A_223 = arith.constant 128 : i32
          %ge3A_224 = vector.broadcast %ge3A_223 : i32 to vector<16xi32>
          %ge3A_225 = arith.cmpi sge, %select_n3A_167, %ge3A_224 : vector<16xi32>
          %and3A_226 = arith.andi %lt3A_158, %ge3A_225 : vector<16xi1>
          %jit3A_227 = arith.constant 0 : i32
          %broadcast_in_dim3A_228 = vector.broadcast %jit3A_227 : i32 to vector<16xi32>
          %select_n3A_229 = arith.select %and3A_222, %select_n3A_167, %broadcast_in_dim3A_228 : vector<16xi1>, vector<16xi32>
          %gather3A_230 = tpu.vector_load_idx %arg15[%select_n3A_229, %broadcast_in_dim3A_218] masked %and3A_222 : memref<128x128xf32, #tpu.memory_space<vmem>>[vector<16xi32>, vector<16xi32>], vector<16xf32>, vector<16xi1>
          %sub3A_231 = arith.constant 128 : i32
          %sub3A_232 = vector.broadcast %sub3A_231 : i32 to vector<16xi32>
          %sub3A_233 = arith.subi %select_n3A_167, %sub3A_232 : vector<16xi32>
          %jit3A_234 = arith.constant 0 : i32
          %broadcast_in_dim3A_235 = vector.broadcast %jit3A_234 : i32 to vector<16xi32>
          %select_n3A_236 = arith.select %and3A_226, %sub3A_233, %broadcast_in_dim3A_235 : vector<16xi1>, vector<16xi32>
          %gather3A_237 = tpu.vector_load_idx %arg16[%select_n3A_236, %broadcast_in_dim3A_218] masked %and3A_226 : memref<128x128xf32, #tpu.memory_space<vmem>>[vector<16xi32>, vector<16xi32>], vector<16xf32>, vector<16xi1>
          %lt3A_238 = arith.constant 128 : i32
          %lt3A_239 = vector.broadcast %lt3A_238 : i32 to vector<16xi32>
          %lt3A_240 = arith.cmpi slt, %select_n3A_167, %lt3A_239 : vector<16xi32>
          %select_n3A_241 = arith.select %lt3A_240, %gather3A_230, %gather3A_237 : vector<16xi1>, vector<16xf32>
          tpu.vector_store_idx %arg10[%broadcast_in_dim3A_218, %select_n3A_164], %select_n3A_241 masked %lt3A_158 : memref<32x256xf32, #tpu.memory_space<vmem>>[vector<16xi32>, vector<16xi32>], vector<16xf32>, vector<16xi1>
          %broadcast_in_dim3A_242 = arith.constant 3 : i32
          %broadcast_in_dim3A_243 = vector.broadcast %broadcast_in_dim3A_242 : i32 to vector<16xi32>
          %lt3A_244 = arith.constant 128 : i32
          %lt3A_245 = vector.broadcast %lt3A_244 : i32 to vector<16xi32>
          %lt3A_246 = arith.cmpi slt, %select_n3A_167, %lt3A_245 : vector<16xi32>
          %and3A_247 = arith.andi %lt3A_158, %lt3A_246 : vector<16xi1>
          %ge3A_248 = arith.constant 128 : i32
          %ge3A_249 = vector.broadcast %ge3A_248 : i32 to vector<16xi32>
          %ge3A_250 = arith.cmpi sge, %select_n3A_167, %ge3A_249 : vector<16xi32>
          %and3A_251 = arith.andi %lt3A_158, %ge3A_250 : vector<16xi1>
          %jit3A_252 = arith.constant 0 : i32
          %broadcast_in_dim3A_253 = vector.broadcast %jit3A_252 : i32 to vector<16xi32>
          %select_n3A_254 = arith.select %and3A_247, %select_n3A_167, %broadcast_in_dim3A_253 : vector<16xi1>, vector<16xi32>
          %gather3A_255 = tpu.vector_load_idx %arg15[%select_n3A_254, %broadcast_in_dim3A_243] masked %and3A_247 : memref<128x128xf32, #tpu.memory_space<vmem>>[vector<16xi32>, vector<16xi32>], vector<16xf32>, vector<16xi1>
          %sub3A_256 = arith.constant 128 : i32
          %sub3A_257 = vector.broadcast %sub3A_256 : i32 to vector<16xi32>
          %sub3A_258 = arith.subi %select_n3A_167, %sub3A_257 : vector<16xi32>
          %jit3A_259 = arith.constant 0 : i32
          %broadcast_in_dim3A_260 = vector.broadcast %jit3A_259 : i32 to vector<16xi32>
          %select_n3A_261 = arith.select %and3A_251, %sub3A_258, %broadcast_in_dim3A_260 : vector<16xi1>, vector<16xi32>
          %gather3A_262 = tpu.vector_load_idx %arg16[%select_n3A_261, %broadcast_in_dim3A_243] masked %and3A_251 : memref<128x128xf32, #tpu.memory_space<vmem>>[vector<16xi32>, vector<16xi32>], vector<16xf32>, vector<16xi1>
          %lt3A_263 = arith.constant 128 : i32
          %lt3A_264 = vector.broadcast %lt3A_263 : i32 to vector<16xi32>
          %lt3A_265 = arith.cmpi slt, %select_n3A_167, %lt3A_264 : vector<16xi32>
          %select_n3A_266 = arith.select %lt3A_265, %gather3A_255, %gather3A_262 : vector<16xi1>, vector<16xf32>
          tpu.vector_store_idx %arg10[%broadcast_in_dim3A_243, %select_n3A_164], %select_n3A_266 masked %lt3A_158 : memref<32x256xf32, #tpu.memory_space<vmem>>[vector<16xi32>, vector<16xi32>], vector<16xf32>, vector<16xi1>
          %broadcast_in_dim3A_267 = arith.constant 4 : i32
          %broadcast_in_dim3A_268 = vector.broadcast %broadcast_in_dim3A_267 : i32 to vector<16xi32>
          %lt3A_269 = arith.constant 128 : i32
          %lt3A_270 = vector.broadcast %lt3A_269 : i32 to vector<16xi32>
          %lt3A_271 = arith.cmpi slt, %select_n3A_167, %lt3A_270 : vector<16xi32>
          %and3A_272 = arith.andi %lt3A_158, %lt3A_271 : vector<16xi1>
          %ge3A_273 = arith.constant 128 : i32
          %ge3A_274 = vector.broadcast %ge3A_273 : i32 to vector<16xi32>
          %ge3A_275 = arith.cmpi sge, %select_n3A_167, %ge3A_274 : vector<16xi32>
          %and3A_276 = arith.andi %lt3A_158, %ge3A_275 : vector<16xi1>
          %jit3A_277 = arith.constant 0 : i32
          %broadcast_in_dim3A_278 = vector.broadcast %jit3A_277 : i32 to vector<16xi32>
          %select_n3A_279 = arith.select %and3A_272, %select_n3A_167, %broadcast_in_dim3A_278 : vector<16xi1>, vector<16xi32>
          %gather3A_280 = tpu.vector_load_idx %arg15[%select_n3A_279, %broadcast_in_dim3A_268] masked %and3A_272 : memref<128x128xf32, #tpu.memory_space<vmem>>[vector<16xi32>, vector<16xi32>], vector<16xf32>, vector<16xi1>
          %sub3A_281 = arith.constant 128 : i32
          %sub3A_282 = vector.broadcast %sub3A_281 : i32 to vector<16xi32>
          %sub3A_283 = arith.subi %select_n3A_167, %sub3A_282 : vector<16xi32>
          %jit3A_284 = arith.constant 0 : i32
          %broadcast_in_dim3A_285 = vector.broadcast %jit3A_284 : i32 to vector<16xi32>
          %select_n3A_286 = arith.select %and3A_276, %sub3A_283, %broadcast_in_dim3A_285 : vector<16xi1>, vector<16xi32>
          %gather3A_287 = tpu.vector_load_idx %arg16[%select_n3A_286, %broadcast_in_dim3A_268] masked %and3A_276 : memref<128x128xf32, #tpu.memory_space<vmem>>[vector<16xi32>, vector<16xi32>], vector<16xf32>, vector<16xi1>
          %lt3A_288 = arith.constant 128 : i32
          %lt3A_289 = vector.broadcast %lt3A_288 : i32 to vector<16xi32>
          %lt3A_290 = arith.cmpi slt, %select_n3A_167, %lt3A_289 : vector<16xi32>
          %select_n3A_291 = arith.select %lt3A_290, %gather3A_280, %gather3A_287 : vector<16xi1>, vector<16xf32>
          tpu.vector_store_idx %arg10[%broadcast_in_dim3A_268, %select_n3A_164], %select_n3A_291 masked %lt3A_158 : memref<32x256xf32, #tpu.memory_space<vmem>>[vector<16xi32>, vector<16xi32>], vector<16xf32>, vector<16xi1>
          %broadcast_in_dim3A_292 = arith.constant 5 : i32
          %broadcast_in_dim3A_293 = vector.broadcast %broadcast_in_dim3A_292 : i32 to vector<16xi32>
          %lt3A_294 = arith.constant 128 : i32
          %lt3A_295 = vector.broadcast %lt3A_294 : i32 to vector<16xi32>
          %lt3A_296 = arith.cmpi slt, %select_n3A_167, %lt3A_295 : vector<16xi32>
          %and3A_297 = arith.andi %lt3A_158, %lt3A_296 : vector<16xi1>
          %ge3A_298 = arith.constant 128 : i32
          %ge3A_299 = vector.broadcast %ge3A_298 : i32 to vector<16xi32>
          %ge3A_300 = arith.cmpi sge, %select_n3A_167, %ge3A_299 : vector<16xi32>
          %and3A_301 = arith.andi %lt3A_158, %ge3A_300 : vector<16xi1>
          %jit3A_302 = arith.constant 0 : i32
          %broadcast_in_dim3A_303 = vector.broadcast %jit3A_302 : i32 to vector<16xi32>
          %select_n3A_304 = arith.select %and3A_297, %select_n3A_167, %broadcast_in_dim3A_303 : vector<16xi1>, vector<16xi32>
          %gather3A_305 = tpu.vector_load_idx %arg15[%select_n3A_304, %broadcast_in_dim3A_293] masked %and3A_297 : memref<128x128xf32, #tpu.memory_space<vmem>>[vector<16xi32>, vector<16xi32>], vector<16xf32>, vector<16xi1>
          %sub3A_306 = arith.constant 128 : i32
          %sub3A_307 = vector.broadcast %sub3A_306 : i32 to vector<16xi32>
          %sub3A_308 = arith.subi %select_n3A_167, %sub3A_307 : vector<16xi32>
          %jit3A_309 = arith.constant 0 : i32
          %broadcast_in_dim3A_310 = vector.broadcast %jit3A_309 : i32 to vector<16xi32>
          %select_n3A_311 = arith.select %and3A_301, %sub3A_308, %broadcast_in_dim3A_310 : vector<16xi1>, vector<16xi32>
          %gather3A_312 = tpu.vector_load_idx %arg16[%select_n3A_311, %broadcast_in_dim3A_293] masked %and3A_301 : memref<128x128xf32, #tpu.memory_space<vmem>>[vector<16xi32>, vector<16xi32>], vector<16xf32>, vector<16xi1>
          %lt3A_313 = arith.constant 128 : i32
          %lt3A_314 = vector.broadcast %lt3A_313 : i32 to vector<16xi32>
          %lt3A_315 = arith.cmpi slt, %select_n3A_167, %lt3A_314 : vector<16xi32>
          %select_n3A_316 = arith.select %lt3A_315, %gather3A_305, %gather3A_312 : vector<16xi1>, vector<16xf32>
          tpu.vector_store_idx %arg10[%broadcast_in_dim3A_293, %select_n3A_164], %select_n3A_316 masked %lt3A_158 : memref<32x256xf32, #tpu.memory_space<vmem>>[vector<16xi32>, vector<16xi32>], vector<16xf32>, vector<16xi1>
          %broadcast_in_dim3A_317 = arith.constant 6 : i32
          %broadcast_in_dim3A_318 = vector.broadcast %broadcast_in_dim3A_317 : i32 to vector<16xi32>
          %lt3A_319 = arith.constant 128 : i32
          %lt3A_320 = vector.broadcast %lt3A_319 : i32 to vector<16xi32>
          %lt3A_321 = arith.cmpi slt, %select_n3A_167, %lt3A_320 : vector<16xi32>
          %and3A_322 = arith.andi %lt3A_158, %lt3A_321 : vector<16xi1>
          %ge3A_323 = arith.constant 128 : i32
          %ge3A_324 = vector.broadcast %ge3A_323 : i32 to vector<16xi32>
          %ge3A_325 = arith.cmpi sge, %select_n3A_167, %ge3A_324 : vector<16xi32>
          %and3A_326 = arith.andi %lt3A_158, %ge3A_325 : vector<16xi1>
          %jit3A_327 = arith.constant 0 : i32
          %broadcast_in_dim3A_328 = vector.broadcast %jit3A_327 : i32 to vector<16xi32>
          %select_n3A_329 = arith.select %and3A_322, %select_n3A_167, %broadcast_in_dim3A_328 : vector<16xi1>, vector<16xi32>
          %gather3A_330 = tpu.vector_load_idx %arg15[%select_n3A_329, %broadcast_in_dim3A_318] masked %and3A_322 : memref<128x128xf32, #tpu.memory_space<vmem>>[vector<16xi32>, vector<16xi32>], vector<16xf32>, vector<16xi1>
          %sub3A_331 = arith.constant 128 : i32
          %sub3A_332 = vector.broadcast %sub3A_331 : i32 to vector<16xi32>
          %sub3A_333 = arith.subi %select_n3A_167, %sub3A_332 : vector<16xi32>
          %jit3A_334 = arith.constant 0 : i32
          %broadcast_in_dim3A_335 = vector.broadcast %jit3A_334 : i32 to vector<16xi32>
          %select_n3A_336 = arith.select %and3A_326, %sub3A_333, %broadcast_in_dim3A_335 : vector<16xi1>, vector<16xi32>
          %gather3A_337 = tpu.vector_load_idx %arg16[%select_n3A_336, %broadcast_in_dim3A_318] masked %and3A_326 : memref<128x128xf32, #tpu.memory_space<vmem>>[vector<16xi32>, vector<16xi32>], vector<16xf32>, vector<16xi1>
          %lt3A_338 = arith.constant 128 : i32
          %lt3A_339 = vector.broadcast %lt3A_338 : i32 to vector<16xi32>
          %lt3A_340 = arith.cmpi slt, %select_n3A_167, %lt3A_339 : vector<16xi32>
          %select_n3A_341 = arith.select %lt3A_340, %gather3A_330, %gather3A_337 : vector<16xi1>, vector<16xf32>
          tpu.vector_store_idx %arg10[%broadcast_in_dim3A_318, %select_n3A_164], %select_n3A_341 masked %lt3A_158 : memref<32x256xf32, #tpu.memory_space<vmem>>[vector<16xi32>, vector<16xi32>], vector<16xf32>, vector<16xi1>
          %broadcast_in_dim3A_342 = arith.constant 7 : i32
          %broadcast_in_dim3A_343 = vector.broadcast %broadcast_in_dim3A_342 : i32 to vector<16xi32>
          %lt3A_344 = arith.constant 128 : i32
          %lt3A_345 = vector.broadcast %lt3A_344 : i32 to vector<16xi32>
          %lt3A_346 = arith.cmpi slt, %select_n3A_167, %lt3A_345 : vector<16xi32>
          %and3A_347 = arith.andi %lt3A_158, %lt3A_346 : vector<16xi1>
          %ge3A_348 = arith.constant 128 : i32
          %ge3A_349 = vector.broadcast %ge3A_348 : i32 to vector<16xi32>
          %ge3A_350 = arith.cmpi sge, %select_n3A_167, %ge3A_349 : vector<16xi32>
          %and3A_351 = arith.andi %lt3A_158, %ge3A_350 : vector<16xi1>
          %jit3A_352 = arith.constant 0 : i32
          %broadcast_in_dim3A_353 = vector.broadcast %jit3A_352 : i32 to vector<16xi32>
          %select_n3A_354 = arith.select %and3A_347, %select_n3A_167, %broadcast_in_dim3A_353 : vector<16xi1>, vector<16xi32>
          %gather3A_355 = tpu.vector_load_idx %arg15[%select_n3A_354, %broadcast_in_dim3A_343] masked %and3A_347 : memref<128x128xf32, #tpu.memory_space<vmem>>[vector<16xi32>, vector<16xi32>], vector<16xf32>, vector<16xi1>
          %sub3A_356 = arith.constant 128 : i32
          %sub3A_357 = vector.broadcast %sub3A_356 : i32 to vector<16xi32>
          %sub3A_358 = arith.subi %select_n3A_167, %sub3A_357 : vector<16xi32>
          %jit3A_359 = arith.constant 0 : i32
          %broadcast_in_dim3A_360 = vector.broadcast %jit3A_359 : i32 to vector<16xi32>
          %select_n3A_361 = arith.select %and3A_351, %sub3A_358, %broadcast_in_dim3A_360 : vector<16xi1>, vector<16xi32>
          %gather3A_362 = tpu.vector_load_idx %arg16[%select_n3A_361, %broadcast_in_dim3A_343] masked %and3A_351 : memref<128x128xf32, #tpu.memory_space<vmem>>[vector<16xi32>, vector<16xi32>], vector<16xf32>, vector<16xi1>
          %lt3A_363 = arith.constant 128 : i32
          %lt3A_364 = vector.broadcast %lt3A_363 : i32 to vector<16xi32>
          %lt3A_365 = arith.cmpi slt, %select_n3A_167, %lt3A_364 : vector<16xi32>
          %select_n3A_366 = arith.select %lt3A_365, %gather3A_355, %gather3A_362 : vector<16xi1>, vector<16xf32>
          tpu.vector_store_idx %arg10[%broadcast_in_dim3A_343, %select_n3A_164], %select_n3A_366 masked %lt3A_158 : memref<32x256xf32, #tpu.memory_space<vmem>>[vector<16xi32>, vector<16xi32>], vector<16xf32>, vector<16xi1>
          %broadcast_in_dim3A_367 = arith.constant 8 : i32
          %broadcast_in_dim3A_368 = vector.broadcast %broadcast_in_dim3A_367 : i32 to vector<16xi32>
          %lt3A_369 = arith.constant 128 : i32
          %lt3A_370 = vector.broadcast %lt3A_369 : i32 to vector<16xi32>
          %lt3A_371 = arith.cmpi slt, %select_n3A_167, %lt3A_370 : vector<16xi32>
          %and3A_372 = arith.andi %lt3A_158, %lt3A_371 : vector<16xi1>
          %ge3A_373 = arith.constant 128 : i32
          %ge3A_374 = vector.broadcast %ge3A_373 : i32 to vector<16xi32>
          %ge3A_375 = arith.cmpi sge, %select_n3A_167, %ge3A_374 : vector<16xi32>
          %and3A_376 = arith.andi %lt3A_158, %ge3A_375 : vector<16xi1>
          %jit3A_377 = arith.constant 0 : i32
          %broadcast_in_dim3A_378 = vector.broadcast %jit3A_377 : i32 to vector<16xi32>
          %select_n3A_379 = arith.select %and3A_372, %select_n3A_167, %broadcast_in_dim3A_378 : vector<16xi1>, vector<16xi32>
          %gather3A_380 = tpu.vector_load_idx %arg15[%select_n3A_379, %broadcast_in_dim3A_368] masked %and3A_372 : memref<128x128xf32, #tpu.memory_space<vmem>>[vector<16xi32>, vector<16xi32>], vector<16xf32>, vector<16xi1>
          %sub3A_381 = arith.constant 128 : i32
          %sub3A_382 = vector.broadcast %sub3A_381 : i32 to vector<16xi32>
          %sub3A_383 = arith.subi %select_n3A_167, %sub3A_382 : vector<16xi32>
          %jit3A_384 = arith.constant 0 : i32
          %broadcast_in_dim3A_385 = vector.broadcast %jit3A_384 : i32 to vector<16xi32>
          %select_n3A_386 = arith.select %and3A_376, %sub3A_383, %broadcast_in_dim3A_385 : vector<16xi1>, vector<16xi32>
          %gather3A_387 = tpu.vector_load_idx %arg16[%select_n3A_386, %broadcast_in_dim3A_368] masked %and3A_376 : memref<128x128xf32, #tpu.memory_space<vmem>>[vector<16xi32>, vector<16xi32>], vector<16xf32>, vector<16xi1>
          %lt3A_388 = arith.constant 128 : i32
          %lt3A_389 = vector.broadcast %lt3A_388 : i32 to vector<16xi32>
          %lt3A_390 = arith.cmpi slt, %select_n3A_167, %lt3A_389 : vector<16xi32>
          %select_n3A_391 = arith.select %lt3A_390, %gather3A_380, %gather3A_387 : vector<16xi1>, vector<16xf32>
          tpu.vector_store_idx %arg10[%broadcast_in_dim3A_368, %select_n3A_164], %select_n3A_391 masked %lt3A_158 : memref<32x256xf32, #tpu.memory_space<vmem>>[vector<16xi32>, vector<16xi32>], vector<16xf32>, vector<16xi1>
          %broadcast_in_dim3A_392 = arith.constant 9 : i32
          %broadcast_in_dim3A_393 = vector.broadcast %broadcast_in_dim3A_392 : i32 to vector<16xi32>
          %lt3A_394 = arith.constant 128 : i32
          %lt3A_395 = vector.broadcast %lt3A_394 : i32 to vector<16xi32>
          %lt3A_396 = arith.cmpi slt, %select_n3A_167, %lt3A_395 : vector<16xi32>
          %and3A_397 = arith.andi %lt3A_158, %lt3A_396 : vector<16xi1>
          %ge3A_398 = arith.constant 128 : i32
          %ge3A_399 = vector.broadcast %ge3A_398 : i32 to vector<16xi32>
          %ge3A_400 = arith.cmpi sge, %select_n3A_167, %ge3A_399 : vector<16xi32>
          %and3A_401 = arith.andi %lt3A_158, %ge3A_400 : vector<16xi1>
          %jit3A_402 = arith.constant 0 : i32
          %broadcast_in_dim3A_403 = vector.broadcast %jit3A_402 : i32 to vector<16xi32>
          %select_n3A_404 = arith.select %and3A_397, %select_n3A_167, %broadcast_in_dim3A_403 : vector<16xi1>, vector<16xi32>
          %gather3A_405 = tpu.vector_load_idx %arg15[%select_n3A_404, %broadcast_in_dim3A_393] masked %and3A_397 : memref<128x128xf32, #tpu.memory_space<vmem>>[vector<16xi32>, vector<16xi32>], vector<16xf32>, vector<16xi1>
          %sub3A_406 = arith.constant 128 : i32
          %sub3A_407 = vector.broadcast %sub3A_406 : i32 to vector<16xi32>
          %sub3A_408 = arith.subi %select_n3A_167, %sub3A_407 : vector<16xi32>
          %jit3A_409 = arith.constant 0 : i32
          %broadcast_in_dim3A_410 = vector.broadcast %jit3A_409 : i32 to vector<16xi32>
          %select_n3A_411 = arith.select %and3A_401, %sub3A_408, %broadcast_in_dim3A_410 : vector<16xi1>, vector<16xi32>
          %gather3A_412 = tpu.vector_load_idx %arg16[%select_n3A_411, %broadcast_in_dim3A_393] masked %and3A_401 : memref<128x128xf32, #tpu.memory_space<vmem>>[vector<16xi32>, vector<16xi32>], vector<16xf32>, vector<16xi1>
          %lt3A_413 = arith.constant 128 : i32
          %lt3A_414 = vector.broadcast %lt3A_413 : i32 to vector<16xi32>
          %lt3A_415 = arith.cmpi slt, %select_n3A_167, %lt3A_414 : vector<16xi32>
          %select_n3A_416 = arith.select %lt3A_415, %gather3A_405, %gather3A_412 : vector<16xi1>, vector<16xf32>
          tpu.vector_store_idx %arg10[%broadcast_in_dim3A_393, %select_n3A_164], %select_n3A_416 masked %lt3A_158 : memref<32x256xf32, #tpu.memory_space<vmem>>[vector<16xi32>, vector<16xi32>], vector<16xf32>, vector<16xi1>
          %broadcast_in_dim3A_417 = arith.constant 10 : i32
          %broadcast_in_dim3A_418 = vector.broadcast %broadcast_in_dim3A_417 : i32 to vector<16xi32>
          %lt3A_419 = arith.constant 128 : i32
          %lt3A_420 = vector.broadcast %lt3A_419 : i32 to vector<16xi32>
          %lt3A_421 = arith.cmpi slt, %select_n3A_167, %lt3A_420 : vector<16xi32>
          %and3A_422 = arith.andi %lt3A_158, %lt3A_421 : vector<16xi1>
          %ge3A_423 = arith.constant 128 : i32
          %ge3A_424 = vector.broadcast %ge3A_423 : i32 to vector<16xi32>
          %ge3A_425 = arith.cmpi sge, %select_n3A_167, %ge3A_424 : vector<16xi32>
          %and3A_426 = arith.andi %lt3A_158, %ge3A_425 : vector<16xi1>
          %jit3A_427 = arith.constant 0 : i32
          %broadcast_in_dim3A_428 = vector.broadcast %jit3A_427 : i32 to vector<16xi32>
          %select_n3A_429 = arith.select %and3A_422, %select_n3A_167, %broadcast_in_dim3A_428 : vector<16xi1>, vector<16xi32>
          %gather3A_430 = tpu.vector_load_idx %arg15[%select_n3A_429, %broadcast_in_dim3A_418] masked %and3A_422 : memref<128x128xf32, #tpu.memory_space<vmem>>[vector<16xi32>, vector<16xi32>], vector<16xf32>, vector<16xi1>
          %sub3A_431 = arith.constant 128 : i32
          %sub3A_432 = vector.broadcast %sub3A_431 : i32 to vector<16xi32>
          %sub3A_433 = arith.subi %select_n3A_167, %sub3A_432 : vector<16xi32>
          %jit3A_434 = arith.constant 0 : i32
          %broadcast_in_dim3A_435 = vector.broadcast %jit3A_434 : i32 to vector<16xi32>
          %select_n3A_436 = arith.select %and3A_426, %sub3A_433, %broadcast_in_dim3A_435 : vector<16xi1>, vector<16xi32>
          %gather3A_437 = tpu.vector_load_idx %arg16[%select_n3A_436, %broadcast_in_dim3A_418] masked %and3A_426 : memref<128x128xf32, #tpu.memory_space<vmem>>[vector<16xi32>, vector<16xi32>], vector<16xf32>, vector<16xi1>
          %lt3A_438 = arith.constant 128 : i32
          %lt3A_439 = vector.broadcast %lt3A_438 : i32 to vector<16xi32>
          %lt3A_440 = arith.cmpi slt, %select_n3A_167, %lt3A_439 : vector<16xi32>
          %select_n3A_441 = arith.select %lt3A_440, %gather3A_430, %gather3A_437 : vector<16xi1>, vector<16xf32>
          tpu.vector_store_idx %arg10[%broadcast_in_dim3A_418, %select_n3A_164], %select_n3A_441 masked %lt3A_158 : memref<32x256xf32, #tpu.memory_space<vmem>>[vector<16xi32>, vector<16xi32>], vector<16xf32>, vector<16xi1>
          %broadcast_in_dim3A_442 = arith.constant 11 : i32
          %broadcast_in_dim3A_443 = vector.broadcast %broadcast_in_dim3A_442 : i32 to vector<16xi32>
          %lt3A_444 = arith.constant 128 : i32
          %lt3A_445 = vector.broadcast %lt3A_444 : i32 to vector<16xi32>
          %lt3A_446 = arith.cmpi slt, %select_n3A_167, %lt3A_445 : vector<16xi32>
          %and3A_447 = arith.andi %lt3A_158, %lt3A_446 : vector<16xi1>
          %ge3A_448 = arith.constant 128 : i32
          %ge3A_449 = vector.broadcast %ge3A_448 : i32 to vector<16xi32>
          %ge3A_450 = arith.cmpi sge, %select_n3A_167, %ge3A_449 : vector<16xi32>
          %and3A_451 = arith.andi %lt3A_158, %ge3A_450 : vector<16xi1>
          %jit3A_452 = arith.constant 0 : i32
          %broadcast_in_dim3A_453 = vector.broadcast %jit3A_452 : i32 to vector<16xi32>
          %select_n3A_454 = arith.select %and3A_447, %select_n3A_167, %broadcast_in_dim3A_453 : vector<16xi1>, vector<16xi32>
          %gather3A_455 = tpu.vector_load_idx %arg15[%select_n3A_454, %broadcast_in_dim3A_443] masked %and3A_447 : memref<128x128xf32, #tpu.memory_space<vmem>>[vector<16xi32>, vector<16xi32>], vector<16xf32>, vector<16xi1>
          %sub3A_456 = arith.constant 128 : i32
          %sub3A_457 = vector.broadcast %sub3A_456 : i32 to vector<16xi32>
          %sub3A_458 = arith.subi %select_n3A_167, %sub3A_457 : vector<16xi32>
          %jit3A_459 = arith.constant 0 : i32
          %broadcast_in_dim3A_460 = vector.broadcast %jit3A_459 : i32 to vector<16xi32>
          %select_n3A_461 = arith.select %and3A_451, %sub3A_458, %broadcast_in_dim3A_460 : vector<16xi1>, vector<16xi32>
          %gather3A_462 = tpu.vector_load_idx %arg16[%select_n3A_461, %broadcast_in_dim3A_443] masked %and3A_451 : memref<128x128xf32, #tpu.memory_space<vmem>>[vector<16xi32>, vector<16xi32>], vector<16xf32>, vector<16xi1>
          %lt3A_463 = arith.constant 128 : i32
          %lt3A_464 = vector.broadcast %lt3A_463 : i32 to vector<16xi32>
          %lt3A_465 = arith.cmpi slt, %select_n3A_167, %lt3A_464 : vector<16xi32>
          %select_n3A_466 = arith.select %lt3A_465, %gather3A_455, %gather3A_462 : vector<16xi1>, vector<16xf32>
          tpu.vector_store_idx %arg10[%broadcast_in_dim3A_443, %select_n3A_164], %select_n3A_466 masked %lt3A_158 : memref<32x256xf32, #tpu.memory_space<vmem>>[vector<16xi32>, vector<16xi32>], vector<16xf32>, vector<16xi1>
          %broadcast_in_dim3A_467 = arith.constant 12 : i32
          %broadcast_in_dim3A_468 = vector.broadcast %broadcast_in_dim3A_467 : i32 to vector<16xi32>
          %lt3A_469 = arith.constant 128 : i32
          %lt3A_470 = vector.broadcast %lt3A_469 : i32 to vector<16xi32>
          %lt3A_471 = arith.cmpi slt, %select_n3A_167, %lt3A_470 : vector<16xi32>
          %and3A_472 = arith.andi %lt3A_158, %lt3A_471 : vector<16xi1>
          %ge3A_473 = arith.constant 128 : i32
          %ge3A_474 = vector.broadcast %ge3A_473 : i32 to vector<16xi32>
          %ge3A_475 = arith.cmpi sge, %select_n3A_167, %ge3A_474 : vector<16xi32>
          %and3A_476 = arith.andi %lt3A_158, %ge3A_475 : vector<16xi1>
          %jit3A_477 = arith.constant 0 : i32
          %broadcast_in_dim3A_478 = vector.broadcast %jit3A_477 : i32 to vector<16xi32>
          %select_n3A_479 = arith.select %and3A_472, %select_n3A_167, %broadcast_in_dim3A_478 : vector<16xi1>, vector<16xi32>
          %gather3A_480 = tpu.vector_load_idx %arg15[%select_n3A_479, %broadcast_in_dim3A_468] masked %and3A_472 : memref<128x128xf32, #tpu.memory_space<vmem>>[vector<16xi32>, vector<16xi32>], vector<16xf32>, vector<16xi1>
          %sub3A_481 = arith.constant 128 : i32
          %sub3A_482 = vector.broadcast %sub3A_481 : i32 to vector<16xi32>
          %sub3A_483 = arith.subi %select_n3A_167, %sub3A_482 : vector<16xi32>
          %jit3A_484 = arith.constant 0 : i32
          %broadcast_in_dim3A_485 = vector.broadcast %jit3A_484 : i32 to vector<16xi32>
          %select_n3A_486 = arith.select %and3A_476, %sub3A_483, %broadcast_in_dim3A_485 : vector<16xi1>, vector<16xi32>
          %gather3A_487 = tpu.vector_load_idx %arg16[%select_n3A_486, %broadcast_in_dim3A_468] masked %and3A_476 : memref<128x128xf32, #tpu.memory_space<vmem>>[vector<16xi32>, vector<16xi32>], vector<16xf32>, vector<16xi1>
          %lt3A_488 = arith.constant 128 : i32
          %lt3A_489 = vector.broadcast %lt3A_488 : i32 to vector<16xi32>
          %lt3A_490 = arith.cmpi slt, %select_n3A_167, %lt3A_489 : vector<16xi32>
          %select_n3A_491 = arith.select %lt3A_490, %gather3A_480, %gather3A_487 : vector<16xi1>, vector<16xf32>
          tpu.vector_store_idx %arg10[%broadcast_in_dim3A_468, %select_n3A_164], %select_n3A_491 masked %lt3A_158 : memref<32x256xf32, #tpu.memory_space<vmem>>[vector<16xi32>, vector<16xi32>], vector<16xf32>, vector<16xi1>
          %broadcast_in_dim3A_492 = arith.constant 13 : i32
          %broadcast_in_dim3A_493 = vector.broadcast %broadcast_in_dim3A_492 : i32 to vector<16xi32>
          %lt3A_494 = arith.constant 128 : i32
          %lt3A_495 = vector.broadcast %lt3A_494 : i32 to vector<16xi32>
          %lt3A_496 = arith.cmpi slt, %select_n3A_167, %lt3A_495 : vector<16xi32>
          %and3A_497 = arith.andi %lt3A_158, %lt3A_496 : vector<16xi1>
          %ge3A_498 = arith.constant 128 : i32
          %ge3A_499 = vector.broadcast %ge3A_498 : i32 to vector<16xi32>
          %ge3A_500 = arith.cmpi sge, %select_n3A_167, %ge3A_499 : vector<16xi32>
          %and3A_501 = arith.andi %lt3A_158, %ge3A_500 : vector<16xi1>
          %jit3A_502 = arith.constant 0 : i32
          %broadcast_in_dim3A_503 = vector.broadcast %jit3A_502 : i32 to vector<16xi32>
          %select_n3A_504 = arith.select %and3A_497, %select_n3A_167, %broadcast_in_dim3A_503 : vector<16xi1>, vector<16xi32>
          %gather3A_505 = tpu.vector_load_idx %arg15[%select_n3A_504, %broadcast_in_dim3A_493] masked %and3A_497 : memref<128x128xf32, #tpu.memory_space<vmem>>[vector<16xi32>, vector<16xi32>], vector<16xf32>, vector<16xi1>
          %sub3A_506 = arith.constant 128 : i32
          %sub3A_507 = vector.broadcast %sub3A_506 : i32 to vector<16xi32>
          %sub3A_508 = arith.subi %select_n3A_167, %sub3A_507 : vector<16xi32>
          %jit3A_509 = arith.constant 0 : i32
          %broadcast_in_dim3A_510 = vector.broadcast %jit3A_509 : i32 to vector<16xi32>
          %select_n3A_511 = arith.select %and3A_501, %sub3A_508, %broadcast_in_dim3A_510 : vector<16xi1>, vector<16xi32>
          %gather3A_512 = tpu.vector_load_idx %arg16[%select_n3A_511, %broadcast_in_dim3A_493] masked %and3A_501 : memref<128x128xf32, #tpu.memory_space<vmem>>[vector<16xi32>, vector<16xi32>], vector<16xf32>, vector<16xi1>
          %lt3A_513 = arith.constant 128 : i32
          %lt3A_514 = vector.broadcast %lt3A_513 : i32 to vector<16xi32>
          %lt3A_515 = arith.cmpi slt, %select_n3A_167, %lt3A_514 : vector<16xi32>
          %select_n3A_516 = arith.select %lt3A_515, %gather3A_505, %gather3A_512 : vector<16xi1>, vector<16xf32>
          tpu.vector_store_idx %arg10[%broadcast_in_dim3A_493, %select_n3A_164], %select_n3A_516 masked %lt3A_158 : memref<32x256xf32, #tpu.memory_space<vmem>>[vector<16xi32>, vector<16xi32>], vector<16xf32>, vector<16xi1>
          %broadcast_in_dim3A_517 = arith.constant 14 : i32
          %broadcast_in_dim3A_518 = vector.broadcast %broadcast_in_dim3A_517 : i32 to vector<16xi32>
          %lt3A_519 = arith.constant 128 : i32
          %lt3A_520 = vector.broadcast %lt3A_519 : i32 to vector<16xi32>
          %lt3A_521 = arith.cmpi slt, %select_n3A_167, %lt3A_520 : vector<16xi32>
          %and3A_522 = arith.andi %lt3A_158, %lt3A_521 : vector<16xi1>
          %ge3A_523 = arith.constant 128 : i32
          %ge3A_524 = vector.broadcast %ge3A_523 : i32 to vector<16xi32>
          %ge3A_525 = arith.cmpi sge, %select_n3A_167, %ge3A_524 : vector<16xi32>
          %and3A_526 = arith.andi %lt3A_158, %ge3A_525 : vector<16xi1>
          %jit3A_527 = arith.constant 0 : i32
          %broadcast_in_dim3A_528 = vector.broadcast %jit3A_527 : i32 to vector<16xi32>
          %select_n3A_529 = arith.select %and3A_522, %select_n3A_167, %broadcast_in_dim3A_528 : vector<16xi1>, vector<16xi32>
          %gather3A_530 = tpu.vector_load_idx %arg15[%select_n3A_529, %broadcast_in_dim3A_518] masked %and3A_522 : memref<128x128xf32, #tpu.memory_space<vmem>>[vector<16xi32>, vector<16xi32>], vector<16xf32>, vector<16xi1>
          %sub3A_531 = arith.constant 128 : i32
          %sub3A_532 = vector.broadcast %sub3A_531 : i32 to vector<16xi32>
          %sub3A_533 = arith.subi %select_n3A_167, %sub3A_532 : vector<16xi32>
          %jit3A_534 = arith.constant 0 : i32
          %broadcast_in_dim3A_535 = vector.broadcast %jit3A_534 : i32 to vector<16xi32>
          %select_n3A_536 = arith.select %and3A_526, %sub3A_533, %broadcast_in_dim3A_535 : vector<16xi1>, vector<16xi32>
          %gather3A_537 = tpu.vector_load_idx %arg16[%select_n3A_536, %broadcast_in_dim3A_518] masked %and3A_526 : memref<128x128xf32, #tpu.memory_space<vmem>>[vector<16xi32>, vector<16xi32>], vector<16xf32>, vector<16xi1>
          %lt3A_538 = arith.constant 128 : i32
          %lt3A_539 = vector.broadcast %lt3A_538 : i32 to vector<16xi32>
          %lt3A_540 = arith.cmpi slt, %select_n3A_167, %lt3A_539 : vector<16xi32>
          %select_n3A_541 = arith.select %lt3A_540, %gather3A_530, %gather3A_537 : vector<16xi1>, vector<16xf32>
          tpu.vector_store_idx %arg10[%broadcast_in_dim3A_518, %select_n3A_164], %select_n3A_541 masked %lt3A_158 : memref<32x256xf32, #tpu.memory_space<vmem>>[vector<16xi32>, vector<16xi32>], vector<16xf32>, vector<16xi1>
          %broadcast_in_dim3A_542 = arith.constant 15 : i32
          %broadcast_in_dim3A_543 = vector.broadcast %broadcast_in_dim3A_542 : i32 to vector<16xi32>
          %lt3A_544 = arith.constant 128 : i32
          %lt3A_545 = vector.broadcast %lt3A_544 : i32 to vector<16xi32>
          %lt3A_546 = arith.cmpi slt, %select_n3A_167, %lt3A_545 : vector<16xi32>
          %and3A_547 = arith.andi %lt3A_158, %lt3A_546 : vector<16xi1>
          %ge3A_548 = arith.constant 128 : i32
          %ge3A_549 = vector.broadcast %ge3A_548 : i32 to vector<16xi32>
          %ge3A_550 = arith.cmpi sge, %select_n3A_167, %ge3A_549 : vector<16xi32>
          %and3A_551 = arith.andi %lt3A_158, %ge3A_550 : vector<16xi1>
          %jit3A_552 = arith.constant 0 : i32
          %broadcast_in_dim3A_553 = vector.broadcast %jit3A_552 : i32 to vector<16xi32>
          %select_n3A_554 = arith.select %and3A_547, %select_n3A_167, %broadcast_in_dim3A_553 : vector<16xi1>, vector<16xi32>
          %gather3A_555 = tpu.vector_load_idx %arg15[%select_n3A_554, %broadcast_in_dim3A_543] masked %and3A_547 : memref<128x128xf32, #tpu.memory_space<vmem>>[vector<16xi32>, vector<16xi32>], vector<16xf32>, vector<16xi1>
          %sub3A_556 = arith.constant 128 : i32
          %sub3A_557 = vector.broadcast %sub3A_556 : i32 to vector<16xi32>
          %sub3A_558 = arith.subi %select_n3A_167, %sub3A_557 : vector<16xi32>
          %jit3A_559 = arith.constant 0 : i32
          %broadcast_in_dim3A_560 = vector.broadcast %jit3A_559 : i32 to vector<16xi32>
          %select_n3A_561 = arith.select %and3A_551, %sub3A_558, %broadcast_in_dim3A_560 : vector<16xi1>, vector<16xi32>
          %gather3A_562 = tpu.vector_load_idx %arg16[%select_n3A_561, %broadcast_in_dim3A_543] masked %and3A_551 : memref<128x128xf32, #tpu.memory_space<vmem>>[vector<16xi32>, vector<16xi32>], vector<16xf32>, vector<16xi1>
          %lt3A_563 = arith.constant 128 : i32
          %lt3A_564 = vector.broadcast %lt3A_563 : i32 to vector<16xi32>
          %lt3A_565 = arith.cmpi slt, %select_n3A_167, %lt3A_564 : vector<16xi32>
          %select_n3A_566 = arith.select %lt3A_565, %gather3A_555, %gather3A_562 : vector<16xi1>, vector<16xf32>
          tpu.vector_store_idx %arg10[%broadcast_in_dim3A_543, %select_n3A_164], %select_n3A_566 masked %lt3A_158 : memref<32x256xf32, #tpu.memory_space<vmem>>[vector<16xi32>, vector<16xi32>], vector<16xf32>, vector<16xi1>
          %broadcast_in_dim3A_567 = arith.constant 16 : i32
          %broadcast_in_dim3A_568 = vector.broadcast %broadcast_in_dim3A_567 : i32 to vector<16xi32>
          %lt3A_569 = arith.constant 128 : i32
          %lt3A_570 = vector.broadcast %lt3A_569 : i32 to vector<16xi32>
          %lt3A_571 = arith.cmpi slt, %select_n3A_167, %lt3A_570 : vector<16xi32>
          %and3A_572 = arith.andi %lt3A_158, %lt3A_571 : vector<16xi1>
          %ge3A_573 = arith.constant 128 : i32
          %ge3A_574 = vector.broadcast %ge3A_573 : i32 to vector<16xi32>
          %ge3A_575 = arith.cmpi sge, %select_n3A_167, %ge3A_574 : vector<16xi32>
          %and3A_576 = arith.andi %lt3A_158, %ge3A_575 : vector<16xi1>
          %jit3A_577 = arith.constant 0 : i32
          %broadcast_in_dim3A_578 = vector.broadcast %jit3A_577 : i32 to vector<16xi32>
          %select_n3A_579 = arith.select %and3A_572, %select_n3A_167, %broadcast_in_dim3A_578 : vector<16xi1>, vector<16xi32>
          %gather3A_580 = tpu.vector_load_idx %arg15[%select_n3A_579, %broadcast_in_dim3A_568] masked %and3A_572 : memref<128x128xf32, #tpu.memory_space<vmem>>[vector<16xi32>, vector<16xi32>], vector<16xf32>, vector<16xi1>
          %sub3A_581 = arith.constant 128 : i32
          %sub3A_582 = vector.broadcast %sub3A_581 : i32 to vector<16xi32>
          %sub3A_583 = arith.subi %select_n3A_167, %sub3A_582 : vector<16xi32>
          %jit3A_584 = arith.constant 0 : i32
          %broadcast_in_dim3A_585 = vector.broadcast %jit3A_584 : i32 to vector<16xi32>
          %select_n3A_586 = arith.select %and3A_576, %sub3A_583, %broadcast_in_dim3A_585 : vector<16xi1>, vector<16xi32>
          %gather3A_587 = tpu.vector_load_idx %arg16[%select_n3A_586, %broadcast_in_dim3A_568] masked %and3A_576 : memref<128x128xf32, #tpu.memory_space<vmem>>[vector<16xi32>, vector<16xi32>], vector<16xf32>, vector<16xi1>
          %lt3A_588 = arith.constant 128 : i32
          %lt3A_589 = vector.broadcast %lt3A_588 : i32 to vector<16xi32>
          %lt3A_590 = arith.cmpi slt, %select_n3A_167, %lt3A_589 : vector<16xi32>
          %select_n3A_591 = arith.select %lt3A_590, %gather3A_580, %gather3A_587 : vector<16xi1>, vector<16xf32>
          tpu.vector_store_idx %arg10[%broadcast_in_dim3A_568, %select_n3A_164], %select_n3A_591 masked %lt3A_158 : memref<32x256xf32, #tpu.memory_space<vmem>>[vector<16xi32>, vector<16xi32>], vector<16xf32>, vector<16xi1>
          %broadcast_in_dim3A_592 = arith.constant 17 : i32
          %broadcast_in_dim3A_593 = vector.broadcast %broadcast_in_dim3A_592 : i32 to vector<16xi32>
          %lt3A_594 = arith.constant 128 : i32
          %lt3A_595 = vector.broadcast %lt3A_594 : i32 to vector<16xi32>
          %lt3A_596 = arith.cmpi slt, %select_n3A_167, %lt3A_595 : vector<16xi32>
          %and3A_597 = arith.andi %lt3A_158, %lt3A_596 : vector<16xi1>
          %ge3A_598 = arith.constant 128 : i32
          %ge3A_599 = vector.broadcast %ge3A_598 : i32 to vector<16xi32>
          %ge3A_600 = arith.cmpi sge, %select_n3A_167, %ge3A_599 : vector<16xi32>
          %and3A_601 = arith.andi %lt3A_158, %ge3A_600 : vector<16xi1>
          %jit3A_602 = arith.constant 0 : i32
          %broadcast_in_dim3A_603 = vector.broadcast %jit3A_602 : i32 to vector<16xi32>
          %select_n3A_604 = arith.select %and3A_597, %select_n3A_167, %broadcast_in_dim3A_603 : vector<16xi1>, vector<16xi32>
          %gather3A_605 = tpu.vector_load_idx %arg15[%select_n3A_604, %broadcast_in_dim3A_593] masked %and3A_597 : memref<128x128xf32, #tpu.memory_space<vmem>>[vector<16xi32>, vector<16xi32>], vector<16xf32>, vector<16xi1>
          %sub3A_606 = arith.constant 128 : i32
          %sub3A_607 = vector.broadcast %sub3A_606 : i32 to vector<16xi32>
          %sub3A_608 = arith.subi %select_n3A_167, %sub3A_607 : vector<16xi32>
          %jit3A_609 = arith.constant 0 : i32
          %broadcast_in_dim3A_610 = vector.broadcast %jit3A_609 : i32 to vector<16xi32>
          %select_n3A_611 = arith.select %and3A_601, %sub3A_608, %broadcast_in_dim3A_610 : vector<16xi1>, vector<16xi32>
          %gather3A_612 = tpu.vector_load_idx %arg16[%select_n3A_611, %broadcast_in_dim3A_593] masked %and3A_601 : memref<128x128xf32, #tpu.memory_space<vmem>>[vector<16xi32>, vector<16xi32>], vector<16xf32>, vector<16xi1>
          %lt3A_613 = arith.constant 128 : i32
          %lt3A_614 = vector.broadcast %lt3A_613 : i32 to vector<16xi32>
          %lt3A_615 = arith.cmpi slt, %select_n3A_167, %lt3A_614 : vector<16xi32>
          %select_n3A_616 = arith.select %lt3A_615, %gather3A_605, %gather3A_612 : vector<16xi1>, vector<16xf32>
          tpu.vector_store_idx %arg10[%broadcast_in_dim3A_593, %select_n3A_164], %select_n3A_616 masked %lt3A_158 : memref<32x256xf32, #tpu.memory_space<vmem>>[vector<16xi32>, vector<16xi32>], vector<16xf32>, vector<16xi1>
          %broadcast_in_dim3A_617 = arith.constant 18 : i32
          %broadcast_in_dim3A_618 = vector.broadcast %broadcast_in_dim3A_617 : i32 to vector<16xi32>
          %lt3A_619 = arith.constant 128 : i32
          %lt3A_620 = vector.broadcast %lt3A_619 : i32 to vector<16xi32>
          %lt3A_621 = arith.cmpi slt, %select_n3A_167, %lt3A_620 : vector<16xi32>
          %and3A_622 = arith.andi %lt3A_158, %lt3A_621 : vector<16xi1>
          %ge3A_623 = arith.constant 128 : i32
          %ge3A_624 = vector.broadcast %ge3A_623 : i32 to vector<16xi32>
          %ge3A_625 = arith.cmpi sge, %select_n3A_167, %ge3A_624 : vector<16xi32>
          %and3A_626 = arith.andi %lt3A_158, %ge3A_625 : vector<16xi1>
          %jit3A_627 = arith.constant 0 : i32
          %broadcast_in_dim3A_628 = vector.broadcast %jit3A_627 : i32 to vector<16xi32>
          %select_n3A_629 = arith.select %and3A_622, %select_n3A_167, %broadcast_in_dim3A_628 : vector<16xi1>, vector<16xi32>
          %gather3A_630 = tpu.vector_load_idx %arg15[%select_n3A_629, %broadcast_in_dim3A_618] masked %and3A_622 : memref<128x128xf32, #tpu.memory_space<vmem>>[vector<16xi32>, vector<16xi32>], vector<16xf32>, vector<16xi1>
          %sub3A_631 = arith.constant 128 : i32
          %sub3A_632 = vector.broadcast %sub3A_631 : i32 to vector<16xi32>
          %sub3A_633 = arith.subi %select_n3A_167, %sub3A_632 : vector<16xi32>
          %jit3A_634 = arith.constant 0 : i32
          %broadcast_in_dim3A_635 = vector.broadcast %jit3A_634 : i32 to vector<16xi32>
          %select_n3A_636 = arith.select %and3A_626, %sub3A_633, %broadcast_in_dim3A_635 : vector<16xi1>, vector<16xi32>
          %gather3A_637 = tpu.vector_load_idx %arg16[%select_n3A_636, %broadcast_in_dim3A_618] masked %and3A_626 : memref<128x128xf32, #tpu.memory_space<vmem>>[vector<16xi32>, vector<16xi32>], vector<16xf32>, vector<16xi1>
          %lt3A_638 = arith.constant 128 : i32
          %lt3A_639 = vector.broadcast %lt3A_638 : i32 to vector<16xi32>
          %lt3A_640 = arith.cmpi slt, %select_n3A_167, %lt3A_639 : vector<16xi32>
          %select_n3A_641 = arith.select %lt3A_640, %gather3A_630, %gather3A_637 : vector<16xi1>, vector<16xf32>
          tpu.vector_store_idx %arg10[%broadcast_in_dim3A_618, %select_n3A_164], %select_n3A_641 masked %lt3A_158 : memref<32x256xf32, #tpu.memory_space<vmem>>[vector<16xi32>, vector<16xi32>], vector<16xf32>, vector<16xi1>
          %broadcast_in_dim3A_642 = arith.constant 19 : i32
          %broadcast_in_dim3A_643 = vector.broadcast %broadcast_in_dim3A_642 : i32 to vector<16xi32>
          %lt3A_644 = arith.constant 128 : i32
          %lt3A_645 = vector.broadcast %lt3A_644 : i32 to vector<16xi32>
          %lt3A_646 = arith.cmpi slt, %select_n3A_167, %lt3A_645 : vector<16xi32>
          %and3A_647 = arith.andi %lt3A_158, %lt3A_646 : vector<16xi1>
          %ge3A_648 = arith.constant 128 : i32
          %ge3A_649 = vector.broadcast %ge3A_648 : i32 to vector<16xi32>
          %ge3A_650 = arith.cmpi sge, %select_n3A_167, %ge3A_649 : vector<16xi32>
          %and3A_651 = arith.andi %lt3A_158, %ge3A_650 : vector<16xi1>
          %jit3A_652 = arith.constant 0 : i32
          %broadcast_in_dim3A_653 = vector.broadcast %jit3A_652 : i32 to vector<16xi32>
          %select_n3A_654 = arith.select %and3A_647, %select_n3A_167, %broadcast_in_dim3A_653 : vector<16xi1>, vector<16xi32>
          %gather3A_655 = tpu.vector_load_idx %arg15[%select_n3A_654, %broadcast_in_dim3A_643] masked %and3A_647 : memref<128x128xf32, #tpu.memory_space<vmem>>[vector<16xi32>, vector<16xi32>], vector<16xf32>, vector<16xi1>
          %sub3A_656 = arith.constant 128 : i32
          %sub3A_657 = vector.broadcast %sub3A_656 : i32 to vector<16xi32>
          %sub3A_658 = arith.subi %select_n3A_167, %sub3A_657 : vector<16xi32>
          %jit3A_659 = arith.constant 0 : i32
          %broadcast_in_dim3A_660 = vector.broadcast %jit3A_659 : i32 to vector<16xi32>
          %select_n3A_661 = arith.select %and3A_651, %sub3A_658, %broadcast_in_dim3A_660 : vector<16xi1>, vector<16xi32>
          %gather3A_662 = tpu.vector_load_idx %arg16[%select_n3A_661, %broadcast_in_dim3A_643] masked %and3A_651 : memref<128x128xf32, #tpu.memory_space<vmem>>[vector<16xi32>, vector<16xi32>], vector<16xf32>, vector<16xi1>
          %lt3A_663 = arith.constant 128 : i32
          %lt3A_664 = vector.broadcast %lt3A_663 : i32 to vector<16xi32>
          %lt3A_665 = arith.cmpi slt, %select_n3A_167, %lt3A_664 : vector<16xi32>
          %select_n3A_666 = arith.select %lt3A_665, %gather3A_655, %gather3A_662 : vector<16xi1>, vector<16xf32>
          tpu.vector_store_idx %arg10[%broadcast_in_dim3A_643, %select_n3A_164], %select_n3A_666 masked %lt3A_158 : memref<32x256xf32, #tpu.memory_space<vmem>>[vector<16xi32>, vector<16xi32>], vector<16xf32>, vector<16xi1>
          %broadcast_in_dim3A_667 = arith.constant 20 : i32
          %broadcast_in_dim3A_668 = vector.broadcast %broadcast_in_dim3A_667 : i32 to vector<16xi32>
          %lt3A_669 = arith.constant 128 : i32
          %lt3A_670 = vector.broadcast %lt3A_669 : i32 to vector<16xi32>
          %lt3A_671 = arith.cmpi slt, %select_n3A_167, %lt3A_670 : vector<16xi32>
          %and3A_672 = arith.andi %lt3A_158, %lt3A_671 : vector<16xi1>
          %ge3A_673 = arith.constant 128 : i32
          %ge3A_674 = vector.broadcast %ge3A_673 : i32 to vector<16xi32>
          %ge3A_675 = arith.cmpi sge, %select_n3A_167, %ge3A_674 : vector<16xi32>
          %and3A_676 = arith.andi %lt3A_158, %ge3A_675 : vector<16xi1>
          %jit3A_677 = arith.constant 0 : i32
          %broadcast_in_dim3A_678 = vector.broadcast %jit3A_677 : i32 to vector<16xi32>
          %select_n3A_679 = arith.select %and3A_672, %select_n3A_167, %broadcast_in_dim3A_678 : vector<16xi1>, vector<16xi32>
          %gather3A_680 = tpu.vector_load_idx %arg15[%select_n3A_679, %broadcast_in_dim3A_668] masked %and3A_672 : memref<128x128xf32, #tpu.memory_space<vmem>>[vector<16xi32>, vector<16xi32>], vector<16xf32>, vector<16xi1>
          %sub3A_681 = arith.constant 128 : i32
          %sub3A_682 = vector.broadcast %sub3A_681 : i32 to vector<16xi32>
          %sub3A_683 = arith.subi %select_n3A_167, %sub3A_682 : vector<16xi32>
          %jit3A_684 = arith.constant 0 : i32
          %broadcast_in_dim3A_685 = vector.broadcast %jit3A_684 : i32 to vector<16xi32>
          %select_n3A_686 = arith.select %and3A_676, %sub3A_683, %broadcast_in_dim3A_685 : vector<16xi1>, vector<16xi32>
          %gather3A_687 = tpu.vector_load_idx %arg16[%select_n3A_686, %broadcast_in_dim3A_668] masked %and3A_676 : memref<128x128xf32, #tpu.memory_space<vmem>>[vector<16xi32>, vector<16xi32>], vector<16xf32>, vector<16xi1>
          %lt3A_688 = arith.constant 128 : i32
          %lt3A_689 = vector.broadcast %lt3A_688 : i32 to vector<16xi32>
          %lt3A_690 = arith.cmpi slt, %select_n3A_167, %lt3A_689 : vector<16xi32>
          %select_n3A_691 = arith.select %lt3A_690, %gather3A_680, %gather3A_687 : vector<16xi1>, vector<16xf32>
          tpu.vector_store_idx %arg10[%broadcast_in_dim3A_668, %select_n3A_164], %select_n3A_691 masked %lt3A_158 : memref<32x256xf32, #tpu.memory_space<vmem>>[vector<16xi32>, vector<16xi32>], vector<16xf32>, vector<16xi1>
          %broadcast_in_dim3A_692 = arith.constant 21 : i32
          %broadcast_in_dim3A_693 = vector.broadcast %broadcast_in_dim3A_692 : i32 to vector<16xi32>
          %lt3A_694 = arith.constant 128 : i32
          %lt3A_695 = vector.broadcast %lt3A_694 : i32 to vector<16xi32>
          %lt3A_696 = arith.cmpi slt, %select_n3A_167, %lt3A_695 : vector<16xi32>
          %and3A_697 = arith.andi %lt3A_158, %lt3A_696 : vector<16xi1>
          %ge3A_698 = arith.constant 128 : i32
          %ge3A_699 = vector.broadcast %ge3A_698 : i32 to vector<16xi32>
          %ge3A_700 = arith.cmpi sge, %select_n3A_167, %ge3A_699 : vector<16xi32>
          %and3A_701 = arith.andi %lt3A_158, %ge3A_700 : vector<16xi1>
          %jit3A_702 = arith.constant 0 : i32
          %broadcast_in_dim3A_703 = vector.broadcast %jit3A_702 : i32 to vector<16xi32>
          %select_n3A_704 = arith.select %and3A_697, %select_n3A_167, %broadcast_in_dim3A_703 : vector<16xi1>, vector<16xi32>
          %gather3A_705 = tpu.vector_load_idx %arg15[%select_n3A_704, %broadcast_in_dim3A_693] masked %and3A_697 : memref<128x128xf32, #tpu.memory_space<vmem>>[vector<16xi32>, vector<16xi32>], vector<16xf32>, vector<16xi1>
          %sub3A_706 = arith.constant 128 : i32
          %sub3A_707 = vector.broadcast %sub3A_706 : i32 to vector<16xi32>
          %sub3A_708 = arith.subi %select_n3A_167, %sub3A_707 : vector<16xi32>
          %jit3A_709 = arith.constant 0 : i32
          %broadcast_in_dim3A_710 = vector.broadcast %jit3A_709 : i32 to vector<16xi32>
          %select_n3A_711 = arith.select %and3A_701, %sub3A_708, %broadcast_in_dim3A_710 : vector<16xi1>, vector<16xi32>
          %gather3A_712 = tpu.vector_load_idx %arg16[%select_n3A_711, %broadcast_in_dim3A_693] masked %and3A_701 : memref<128x128xf32, #tpu.memory_space<vmem>>[vector<16xi32>, vector<16xi32>], vector<16xf32>, vector<16xi1>
          %lt3A_713 = arith.constant 128 : i32
          %lt3A_714 = vector.broadcast %lt3A_713 : i32 to vector<16xi32>
          %lt3A_715 = arith.cmpi slt, %select_n3A_167, %lt3A_714 : vector<16xi32>
          %select_n3A_716 = arith.select %lt3A_715, %gather3A_705, %gather3A_712 : vector<16xi1>, vector<16xf32>
          tpu.vector_store_idx %arg10[%broadcast_in_dim3A_693, %select_n3A_164], %select_n3A_716 masked %lt3A_158 : memref<32x256xf32, #tpu.memory_space<vmem>>[vector<16xi32>, vector<16xi32>], vector<16xf32>, vector<16xi1>
          %broadcast_in_dim3A_717 = arith.constant 22 : i32
          %broadcast_in_dim3A_718 = vector.broadcast %broadcast_in_dim3A_717 : i32 to vector<16xi32>
          %lt3A_719 = arith.constant 128 : i32
          %lt3A_720 = vector.broadcast %lt3A_719 : i32 to vector<16xi32>
          %lt3A_721 = arith.cmpi slt, %select_n3A_167, %lt3A_720 : vector<16xi32>
          %and3A_722 = arith.andi %lt3A_158, %lt3A_721 : vector<16xi1>
          %ge3A_723 = arith.constant 128 : i32
          %ge3A_724 = vector.broadcast %ge3A_723 : i32 to vector<16xi32>
          %ge3A_725 = arith.cmpi sge, %select_n3A_167, %ge3A_724 : vector<16xi32>
          %and3A_726 = arith.andi %lt3A_158, %ge3A_725 : vector<16xi1>
          %jit3A_727 = arith.constant 0 : i32
          %broadcast_in_dim3A_728 = vector.broadcast %jit3A_727 : i32 to vector<16xi32>
          %select_n3A_729 = arith.select %and3A_722, %select_n3A_167, %broadcast_in_dim3A_728 : vector<16xi1>, vector<16xi32>
          %gather3A_730 = tpu.vector_load_idx %arg15[%select_n3A_729, %broadcast_in_dim3A_718] masked %and3A_722 : memref<128x128xf32, #tpu.memory_space<vmem>>[vector<16xi32>, vector<16xi32>], vector<16xf32>, vector<16xi1>
          %sub3A_731 = arith.constant 128 : i32
          %sub3A_732 = vector.broadcast %sub3A_731 : i32 to vector<16xi32>
          %sub3A_733 = arith.subi %select_n3A_167, %sub3A_732 : vector<16xi32>
          %jit3A_734 = arith.constant 0 : i32
          %broadcast_in_dim3A_735 = vector.broadcast %jit3A_734 : i32 to vector<16xi32>
          %select_n3A_736 = arith.select %and3A_726, %sub3A_733, %broadcast_in_dim3A_735 : vector<16xi1>, vector<16xi32>
          %gather3A_737 = tpu.vector_load_idx %arg16[%select_n3A_736, %broadcast_in_dim3A_718] masked %and3A_726 : memref<128x128xf32, #tpu.memory_space<vmem>>[vector<16xi32>, vector<16xi32>], vector<16xf32>, vector<16xi1>
          %lt3A_738 = arith.constant 128 : i32
          %lt3A_739 = vector.broadcast %lt3A_738 : i32 to vector<16xi32>
          %lt3A_740 = arith.cmpi slt, %select_n3A_167, %lt3A_739 : vector<16xi32>
          %select_n3A_741 = arith.select %lt3A_740, %gather3A_730, %gather3A_737 : vector<16xi1>, vector<16xf32>
          tpu.vector_store_idx %arg10[%broadcast_in_dim3A_718, %select_n3A_164], %select_n3A_741 masked %lt3A_158 : memref<32x256xf32, #tpu.memory_space<vmem>>[vector<16xi32>, vector<16xi32>], vector<16xf32>, vector<16xi1>
          %broadcast_in_dim3A_742 = arith.constant 23 : i32
          %broadcast_in_dim3A_743 = vector.broadcast %broadcast_in_dim3A_742 : i32 to vector<16xi32>
          %lt3A_744 = arith.constant 128 : i32
          %lt3A_745 = vector.broadcast %lt3A_744 : i32 to vector<16xi32>
          %lt3A_746 = arith.cmpi slt, %select_n3A_167, %lt3A_745 : vector<16xi32>
          %and3A_747 = arith.andi %lt3A_158, %lt3A_746 : vector<16xi1>
          %ge3A_748 = arith.constant 128 : i32
          %ge3A_749 = vector.broadcast %ge3A_748 : i32 to vector<16xi32>
          %ge3A_750 = arith.cmpi sge, %select_n3A_167, %ge3A_749 : vector<16xi32>
          %and3A_751 = arith.andi %lt3A_158, %ge3A_750 : vector<16xi1>
          %jit3A_752 = arith.constant 0 : i32
          %broadcast_in_dim3A_753 = vector.broadcast %jit3A_752 : i32 to vector<16xi32>
          %select_n3A_754 = arith.select %and3A_747, %select_n3A_167, %broadcast_in_dim3A_753 : vector<16xi1>, vector<16xi32>
          %gather3A_755 = tpu.vector_load_idx %arg15[%select_n3A_754, %broadcast_in_dim3A_743] masked %and3A_747 : memref<128x128xf32, #tpu.memory_space<vmem>>[vector<16xi32>, vector<16xi32>], vector<16xf32>, vector<16xi1>
          %sub3A_756 = arith.constant 128 : i32
          %sub3A_757 = vector.broadcast %sub3A_756 : i32 to vector<16xi32>
          %sub3A_758 = arith.subi %select_n3A_167, %sub3A_757 : vector<16xi32>
          %jit3A_759 = arith.constant 0 : i32
          %broadcast_in_dim3A_760 = vector.broadcast %jit3A_759 : i32 to vector<16xi32>
          %select_n3A_761 = arith.select %and3A_751, %sub3A_758, %broadcast_in_dim3A_760 : vector<16xi1>, vector<16xi32>
          %gather3A_762 = tpu.vector_load_idx %arg16[%select_n3A_761, %broadcast_in_dim3A_743] masked %and3A_751 : memref<128x128xf32, #tpu.memory_space<vmem>>[vector<16xi32>, vector<16xi32>], vector<16xf32>, vector<16xi1>
          %lt3A_763 = arith.constant 128 : i32
          %lt3A_764 = vector.broadcast %lt3A_763 : i32 to vector<16xi32>
          %lt3A_765 = arith.cmpi slt, %select_n3A_167, %lt3A_764 : vector<16xi32>
          %select_n3A_766 = arith.select %lt3A_765, %gather3A_755, %gather3A_762 : vector<16xi1>, vector<16xf32>
          tpu.vector_store_idx %arg10[%broadcast_in_dim3A_743, %select_n3A_164], %select_n3A_766 masked %lt3A_158 : memref<32x256xf32, #tpu.memory_space<vmem>>[vector<16xi32>, vector<16xi32>], vector<16xf32>, vector<16xi1>
          %broadcast_in_dim3A_767 = arith.constant 24 : i32
          %broadcast_in_dim3A_768 = vector.broadcast %broadcast_in_dim3A_767 : i32 to vector<16xi32>
          %lt3A_769 = arith.constant 128 : i32
          %lt3A_770 = vector.broadcast %lt3A_769 : i32 to vector<16xi32>
          %lt3A_771 = arith.cmpi slt, %select_n3A_167, %lt3A_770 : vector<16xi32>
          %and3A_772 = arith.andi %lt3A_158, %lt3A_771 : vector<16xi1>
          %ge3A_773 = arith.constant 128 : i32
          %ge3A_774 = vector.broadcast %ge3A_773 : i32 to vector<16xi32>
          %ge3A_775 = arith.cmpi sge, %select_n3A_167, %ge3A_774 : vector<16xi32>
          %and3A_776 = arith.andi %lt3A_158, %ge3A_775 : vector<16xi1>
          %jit3A_777 = arith.constant 0 : i32
          %broadcast_in_dim3A_778 = vector.broadcast %jit3A_777 : i32 to vector<16xi32>
          %select_n3A_779 = arith.select %and3A_772, %select_n3A_167, %broadcast_in_dim3A_778 : vector<16xi1>, vector<16xi32>
          %gather3A_780 = tpu.vector_load_idx %arg15[%select_n3A_779, %broadcast_in_dim3A_768] masked %and3A_772 : memref<128x128xf32, #tpu.memory_space<vmem>>[vector<16xi32>, vector<16xi32>], vector<16xf32>, vector<16xi1>
          %sub3A_781 = arith.constant 128 : i32
          %sub3A_782 = vector.broadcast %sub3A_781 : i32 to vector<16xi32>
          %sub3A_783 = arith.subi %select_n3A_167, %sub3A_782 : vector<16xi32>
          %jit3A_784 = arith.constant 0 : i32
          %broadcast_in_dim3A_785 = vector.broadcast %jit3A_784 : i32 to vector<16xi32>
          %select_n3A_786 = arith.select %and3A_776, %sub3A_783, %broadcast_in_dim3A_785 : vector<16xi1>, vector<16xi32>
          %gather3A_787 = tpu.vector_load_idx %arg16[%select_n3A_786, %broadcast_in_dim3A_768] masked %and3A_776 : memref<128x128xf32, #tpu.memory_space<vmem>>[vector<16xi32>, vector<16xi32>], vector<16xf32>, vector<16xi1>
          %lt3A_788 = arith.constant 128 : i32
          %lt3A_789 = vector.broadcast %lt3A_788 : i32 to vector<16xi32>
          %lt3A_790 = arith.cmpi slt, %select_n3A_167, %lt3A_789 : vector<16xi32>
          %select_n3A_791 = arith.select %lt3A_790, %gather3A_780, %gather3A_787 : vector<16xi1>, vector<16xf32>
          tpu.vector_store_idx %arg10[%broadcast_in_dim3A_768, %select_n3A_164], %select_n3A_791 masked %lt3A_158 : memref<32x256xf32, #tpu.memory_space<vmem>>[vector<16xi32>, vector<16xi32>], vector<16xf32>, vector<16xi1>
          %broadcast_in_dim3A_792 = arith.constant 25 : i32
          %broadcast_in_dim3A_793 = vector.broadcast %broadcast_in_dim3A_792 : i32 to vector<16xi32>
          %lt3A_794 = arith.constant 128 : i32
          %lt3A_795 = vector.broadcast %lt3A_794 : i32 to vector<16xi32>
          %lt3A_796 = arith.cmpi slt, %select_n3A_167, %lt3A_795 : vector<16xi32>
          %and3A_797 = arith.andi %lt3A_158, %lt3A_796 : vector<16xi1>
          %ge3A_798 = arith.constant 128 : i32
          %ge3A_799 = vector.broadcast %ge3A_798 : i32 to vector<16xi32>
          %ge3A_800 = arith.cmpi sge, %select_n3A_167, %ge3A_799 : vector<16xi32>
          %and3A_801 = arith.andi %lt3A_158, %ge3A_800 : vector<16xi1>
          %jit3A_802 = arith.constant 0 : i32
          %broadcast_in_dim3A_803 = vector.broadcast %jit3A_802 : i32 to vector<16xi32>
          %select_n3A_804 = arith.select %and3A_797, %select_n3A_167, %broadcast_in_dim3A_803 : vector<16xi1>, vector<16xi32>
          %gather3A_805 = tpu.vector_load_idx %arg15[%select_n3A_804, %broadcast_in_dim3A_793] masked %and3A_797 : memref<128x128xf32, #tpu.memory_space<vmem>>[vector<16xi32>, vector<16xi32>], vector<16xf32>, vector<16xi1>
          %sub3A_806 = arith.constant 128 : i32
          %sub3A_807 = vector.broadcast %sub3A_806 : i32 to vector<16xi32>
          %sub3A_808 = arith.subi %select_n3A_167, %sub3A_807 : vector<16xi32>
          %jit3A_809 = arith.constant 0 : i32
          %broadcast_in_dim3A_810 = vector.broadcast %jit3A_809 : i32 to vector<16xi32>
          %select_n3A_811 = arith.select %and3A_801, %sub3A_808, %broadcast_in_dim3A_810 : vector<16xi1>, vector<16xi32>
          %gather3A_812 = tpu.vector_load_idx %arg16[%select_n3A_811, %broadcast_in_dim3A_793] masked %and3A_801 : memref<128x128xf32, #tpu.memory_space<vmem>>[vector<16xi32>, vector<16xi32>], vector<16xf32>, vector<16xi1>
          %lt3A_813 = arith.constant 128 : i32
          %lt3A_814 = vector.broadcast %lt3A_813 : i32 to vector<16xi32>
          %lt3A_815 = arith.cmpi slt, %select_n3A_167, %lt3A_814 : vector<16xi32>
          %select_n3A_816 = arith.select %lt3A_815, %gather3A_805, %gather3A_812 : vector<16xi1>, vector<16xf32>
          tpu.vector_store_idx %arg10[%broadcast_in_dim3A_793, %select_n3A_164], %select_n3A_816 masked %lt3A_158 : memref<32x256xf32, #tpu.memory_space<vmem>>[vector<16xi32>, vector<16xi32>], vector<16xf32>, vector<16xi1>
          %broadcast_in_dim3A_817 = arith.constant 26 : i32
          %broadcast_in_dim3A_818 = vector.broadcast %broadcast_in_dim3A_817 : i32 to vector<16xi32>
          %lt3A_819 = arith.constant 128 : i32
          %lt3A_820 = vector.broadcast %lt3A_819 : i32 to vector<16xi32>
          %lt3A_821 = arith.cmpi slt, %select_n3A_167, %lt3A_820 : vector<16xi32>
          %and3A_822 = arith.andi %lt3A_158, %lt3A_821 : vector<16xi1>
          %ge3A_823 = arith.constant 128 : i32
          %ge3A_824 = vector.broadcast %ge3A_823 : i32 to vector<16xi32>
          %ge3A_825 = arith.cmpi sge, %select_n3A_167, %ge3A_824 : vector<16xi32>
          %and3A_826 = arith.andi %lt3A_158, %ge3A_825 : vector<16xi1>
          %jit3A_827 = arith.constant 0 : i32
          %broadcast_in_dim3A_828 = vector.broadcast %jit3A_827 : i32 to vector<16xi32>
          %select_n3A_829 = arith.select %and3A_822, %select_n3A_167, %broadcast_in_dim3A_828 : vector<16xi1>, vector<16xi32>
          %gather3A_830 = tpu.vector_load_idx %arg15[%select_n3A_829, %broadcast_in_dim3A_818] masked %and3A_822 : memref<128x128xf32, #tpu.memory_space<vmem>>[vector<16xi32>, vector<16xi32>], vector<16xf32>, vector<16xi1>
          %sub3A_831 = arith.constant 128 : i32
          %sub3A_832 = vector.broadcast %sub3A_831 : i32 to vector<16xi32>
          %sub3A_833 = arith.subi %select_n3A_167, %sub3A_832 : vector<16xi32>
          %jit3A_834 = arith.constant 0 : i32
          %broadcast_in_dim3A_835 = vector.broadcast %jit3A_834 : i32 to vector<16xi32>
          %select_n3A_836 = arith.select %and3A_826, %sub3A_833, %broadcast_in_dim3A_835 : vector<16xi1>, vector<16xi32>
          %gather3A_837 = tpu.vector_load_idx %arg16[%select_n3A_836, %broadcast_in_dim3A_818] masked %and3A_826 : memref<128x128xf32, #tpu.memory_space<vmem>>[vector<16xi32>, vector<16xi32>], vector<16xf32>, vector<16xi1>
          %lt3A_838 = arith.constant 128 : i32
          %lt3A_839 = vector.broadcast %lt3A_838 : i32 to vector<16xi32>
          %lt3A_840 = arith.cmpi slt, %select_n3A_167, %lt3A_839 : vector<16xi32>
          %select_n3A_841 = arith.select %lt3A_840, %gather3A_830, %gather3A_837 : vector<16xi1>, vector<16xf32>
          tpu.vector_store_idx %arg10[%broadcast_in_dim3A_818, %select_n3A_164], %select_n3A_841 masked %lt3A_158 : memref<32x256xf32, #tpu.memory_space<vmem>>[vector<16xi32>, vector<16xi32>], vector<16xf32>, vector<16xi1>
          %broadcast_in_dim3A_842 = arith.constant 27 : i32
          %broadcast_in_dim3A_843 = vector.broadcast %broadcast_in_dim3A_842 : i32 to vector<16xi32>
          %lt3A_844 = arith.constant 128 : i32
          %lt3A_845 = vector.broadcast %lt3A_844 : i32 to vector<16xi32>
          %lt3A_846 = arith.cmpi slt, %select_n3A_167, %lt3A_845 : vector<16xi32>
          %and3A_847 = arith.andi %lt3A_158, %lt3A_846 : vector<16xi1>
          %ge3A_848 = arith.constant 128 : i32
          %ge3A_849 = vector.broadcast %ge3A_848 : i32 to vector<16xi32>
          %ge3A_850 = arith.cmpi sge, %select_n3A_167, %ge3A_849 : vector<16xi32>
          %and3A_851 = arith.andi %lt3A_158, %ge3A_850 : vector<16xi1>
          %jit3A_852 = arith.constant 0 : i32
          %broadcast_in_dim3A_853 = vector.broadcast %jit3A_852 : i32 to vector<16xi32>
          %select_n3A_854 = arith.select %and3A_847, %select_n3A_167, %broadcast_in_dim3A_853 : vector<16xi1>, vector<16xi32>
          %gather3A_855 = tpu.vector_load_idx %arg15[%select_n3A_854, %broadcast_in_dim3A_843] masked %and3A_847 : memref<128x128xf32, #tpu.memory_space<vmem>>[vector<16xi32>, vector<16xi32>], vector<16xf32>, vector<16xi1>
          %sub3A_856 = arith.constant 128 : i32
          %sub3A_857 = vector.broadcast %sub3A_856 : i32 to vector<16xi32>
          %sub3A_858 = arith.subi %select_n3A_167, %sub3A_857 : vector<16xi32>
          %jit3A_859 = arith.constant 0 : i32
          %broadcast_in_dim3A_860 = vector.broadcast %jit3A_859 : i32 to vector<16xi32>
          %select_n3A_861 = arith.select %and3A_851, %sub3A_858, %broadcast_in_dim3A_860 : vector<16xi1>, vector<16xi32>
          %gather3A_862 = tpu.vector_load_idx %arg16[%select_n3A_861, %broadcast_in_dim3A_843] masked %and3A_851 : memref<128x128xf32, #tpu.memory_space<vmem>>[vector<16xi32>, vector<16xi32>], vector<16xf32>, vector<16xi1>
          %lt3A_863 = arith.constant 128 : i32
          %lt3A_864 = vector.broadcast %lt3A_863 : i32 to vector<16xi32>
          %lt3A_865 = arith.cmpi slt, %select_n3A_167, %lt3A_864 : vector<16xi32>
          %select_n3A_866 = arith.select %lt3A_865, %gather3A_855, %gather3A_862 : vector<16xi1>, vector<16xf32>
          tpu.vector_store_idx %arg10[%broadcast_in_dim3A_843, %select_n3A_164], %select_n3A_866 masked %lt3A_158 : memref<32x256xf32, #tpu.memory_space<vmem>>[vector<16xi32>, vector<16xi32>], vector<16xf32>, vector<16xi1>
          %broadcast_in_dim3A_867 = arith.constant 28 : i32
          %broadcast_in_dim3A_868 = vector.broadcast %broadcast_in_dim3A_867 : i32 to vector<16xi32>
          %lt3A_869 = arith.constant 128 : i32
          %lt3A_870 = vector.broadcast %lt3A_869 : i32 to vector<16xi32>
          %lt3A_871 = arith.cmpi slt, %select_n3A_167, %lt3A_870 : vector<16xi32>
          %and3A_872 = arith.andi %lt3A_158, %lt3A_871 : vector<16xi1>
          %ge3A_873 = arith.constant 128 : i32
          %ge3A_874 = vector.broadcast %ge3A_873 : i32 to vector<16xi32>
          %ge3A_875 = arith.cmpi sge, %select_n3A_167, %ge3A_874 : vector<16xi32>
          %and3A_876 = arith.andi %lt3A_158, %ge3A_875 : vector<16xi1>
          %jit3A_877 = arith.constant 0 : i32
          %broadcast_in_dim3A_878 = vector.broadcast %jit3A_877 : i32 to vector<16xi32>
          %select_n3A_879 = arith.select %and3A_872, %select_n3A_167, %broadcast_in_dim3A_878 : vector<16xi1>, vector<16xi32>
          %gather3A_880 = tpu.vector_load_idx %arg15[%select_n3A_879, %broadcast_in_dim3A_868] masked %and3A_872 : memref<128x128xf32, #tpu.memory_space<vmem>>[vector<16xi32>, vector<16xi32>], vector<16xf32>, vector<16xi1>
          %sub3A_881 = arith.constant 128 : i32
          %sub3A_882 = vector.broadcast %sub3A_881 : i32 to vector<16xi32>
          %sub3A_883 = arith.subi %select_n3A_167, %sub3A_882 : vector<16xi32>
          %jit3A_884 = arith.constant 0 : i32
          %broadcast_in_dim3A_885 = vector.broadcast %jit3A_884 : i32 to vector<16xi32>
          %select_n3A_886 = arith.select %and3A_876, %sub3A_883, %broadcast_in_dim3A_885 : vector<16xi1>, vector<16xi32>
          %gather3A_887 = tpu.vector_load_idx %arg16[%select_n3A_886, %broadcast_in_dim3A_868] masked %and3A_876 : memref<128x128xf32, #tpu.memory_space<vmem>>[vector<16xi32>, vector<16xi32>], vector<16xf32>, vector<16xi1>
          %lt3A_888 = arith.constant 128 : i32
          %lt3A_889 = vector.broadcast %lt3A_888 : i32 to vector<16xi32>
          %lt3A_890 = arith.cmpi slt, %select_n3A_167, %lt3A_889 : vector<16xi32>
          %select_n3A_891 = arith.select %lt3A_890, %gather3A_880, %gather3A_887 : vector<16xi1>, vector<16xf32>
          tpu.vector_store_idx %arg10[%broadcast_in_dim3A_868, %select_n3A_164], %select_n3A_891 masked %lt3A_158 : memref<32x256xf32, #tpu.memory_space<vmem>>[vector<16xi32>, vector<16xi32>], vector<16xf32>, vector<16xi1>
          %broadcast_in_dim3A_892 = arith.constant 29 : i32
          %broadcast_in_dim3A_893 = vector.broadcast %broadcast_in_dim3A_892 : i32 to vector<16xi32>
          %lt3A_894 = arith.constant 128 : i32
          %lt3A_895 = vector.broadcast %lt3A_894 : i32 to vector<16xi32>
          %lt3A_896 = arith.cmpi slt, %select_n3A_167, %lt3A_895 : vector<16xi32>
          %and3A_897 = arith.andi %lt3A_158, %lt3A_896 : vector<16xi1>
          %ge3A_898 = arith.constant 128 : i32
          %ge3A_899 = vector.broadcast %ge3A_898 : i32 to vector<16xi32>
          %ge3A_900 = arith.cmpi sge, %select_n3A_167, %ge3A_899 : vector<16xi32>
          %and3A_901 = arith.andi %lt3A_158, %ge3A_900 : vector<16xi1>
          %jit3A_902 = arith.constant 0 : i32
          %broadcast_in_dim3A_903 = vector.broadcast %jit3A_902 : i32 to vector<16xi32>
          %select_n3A_904 = arith.select %and3A_897, %select_n3A_167, %broadcast_in_dim3A_903 : vector<16xi1>, vector<16xi32>
          %gather3A_905 = tpu.vector_load_idx %arg15[%select_n3A_904, %broadcast_in_dim3A_893] masked %and3A_897 : memref<128x128xf32, #tpu.memory_space<vmem>>[vector<16xi32>, vector<16xi32>], vector<16xf32>, vector<16xi1>
          %sub3A_906 = arith.constant 128 : i32
          %sub3A_907 = vector.broadcast %sub3A_906 : i32 to vector<16xi32>
          %sub3A_908 = arith.subi %select_n3A_167, %sub3A_907 : vector<16xi32>
          %jit3A_909 = arith.constant 0 : i32
          %broadcast_in_dim3A_910 = vector.broadcast %jit3A_909 : i32 to vector<16xi32>
          %select_n3A_911 = arith.select %and3A_901, %sub3A_908, %broadcast_in_dim3A_910 : vector<16xi1>, vector<16xi32>
          %gather3A_912 = tpu.vector_load_idx %arg16[%select_n3A_911, %broadcast_in_dim3A_893] masked %and3A_901 : memref<128x128xf32, #tpu.memory_space<vmem>>[vector<16xi32>, vector<16xi32>], vector<16xf32>, vector<16xi1>
          %lt3A_913 = arith.constant 128 : i32
          %lt3A_914 = vector.broadcast %lt3A_913 : i32 to vector<16xi32>
          %lt3A_915 = arith.cmpi slt, %select_n3A_167, %lt3A_914 : vector<16xi32>
          %select_n3A_916 = arith.select %lt3A_915, %gather3A_905, %gather3A_912 : vector<16xi1>, vector<16xf32>
          tpu.vector_store_idx %arg10[%broadcast_in_dim3A_893, %select_n3A_164], %select_n3A_916 masked %lt3A_158 : memref<32x256xf32, #tpu.memory_space<vmem>>[vector<16xi32>, vector<16xi32>], vector<16xf32>, vector<16xi1>
          %broadcast_in_dim3A_917 = arith.constant 30 : i32
          %broadcast_in_dim3A_918 = vector.broadcast %broadcast_in_dim3A_917 : i32 to vector<16xi32>
          %lt3A_919 = arith.constant 128 : i32
          %lt3A_920 = vector.broadcast %lt3A_919 : i32 to vector<16xi32>
          %lt3A_921 = arith.cmpi slt, %select_n3A_167, %lt3A_920 : vector<16xi32>
          %and3A_922 = arith.andi %lt3A_158, %lt3A_921 : vector<16xi1>
          %ge3A_923 = arith.constant 128 : i32
          %ge3A_924 = vector.broadcast %ge3A_923 : i32 to vector<16xi32>
          %ge3A_925 = arith.cmpi sge, %select_n3A_167, %ge3A_924 : vector<16xi32>
          %and3A_926 = arith.andi %lt3A_158, %ge3A_925 : vector<16xi1>
          %jit3A_927 = arith.constant 0 : i32
          %broadcast_in_dim3A_928 = vector.broadcast %jit3A_927 : i32 to vector<16xi32>
          %select_n3A_929 = arith.select %and3A_922, %select_n3A_167, %broadcast_in_dim3A_928 : vector<16xi1>, vector<16xi32>
          %gather3A_930 = tpu.vector_load_idx %arg15[%select_n3A_929, %broadcast_in_dim3A_918] masked %and3A_922 : memref<128x128xf32, #tpu.memory_space<vmem>>[vector<16xi32>, vector<16xi32>], vector<16xf32>, vector<16xi1>
          %sub3A_931 = arith.constant 128 : i32
          %sub3A_932 = vector.broadcast %sub3A_931 : i32 to vector<16xi32>
          %sub3A_933 = arith.subi %select_n3A_167, %sub3A_932 : vector<16xi32>
          %jit3A_934 = arith.constant 0 : i32
          %broadcast_in_dim3A_935 = vector.broadcast %jit3A_934 : i32 to vector<16xi32>
          %select_n3A_936 = arith.select %and3A_926, %sub3A_933, %broadcast_in_dim3A_935 : vector<16xi1>, vector<16xi32>
          %gather3A_937 = tpu.vector_load_idx %arg16[%select_n3A_936, %broadcast_in_dim3A_918] masked %and3A_926 : memref<128x128xf32, #tpu.memory_space<vmem>>[vector<16xi32>, vector<16xi32>], vector<16xf32>, vector<16xi1>
          %lt3A_938 = arith.constant 128 : i32
          %lt3A_939 = vector.broadcast %lt3A_938 : i32 to vector<16xi32>
          %lt3A_940 = arith.cmpi slt, %select_n3A_167, %lt3A_939 : vector<16xi32>
          %select_n3A_941 = arith.select %lt3A_940, %gather3A_930, %gather3A_937 : vector<16xi1>, vector<16xf32>
          tpu.vector_store_idx %arg10[%broadcast_in_dim3A_918, %select_n3A_164], %select_n3A_941 masked %lt3A_158 : memref<32x256xf32, #tpu.memory_space<vmem>>[vector<16xi32>, vector<16xi32>], vector<16xf32>, vector<16xi1>
          %broadcast_in_dim3A_942 = arith.constant 31 : i32
          %broadcast_in_dim3A_943 = vector.broadcast %broadcast_in_dim3A_942 : i32 to vector<16xi32>
          %lt3A_944 = arith.constant 128 : i32
          %lt3A_945 = vector.broadcast %lt3A_944 : i32 to vector<16xi32>
          %lt3A_946 = arith.cmpi slt, %select_n3A_167, %lt3A_945 : vector<16xi32>
          %and3A_947 = arith.andi %lt3A_158, %lt3A_946 : vector<16xi1>
          %ge3A_948 = arith.constant 128 : i32
          %ge3A_949 = vector.broadcast %ge3A_948 : i32 to vector<16xi32>
          %ge3A_950 = arith.cmpi sge, %select_n3A_167, %ge3A_949 : vector<16xi32>
          %and3A_951 = arith.andi %lt3A_158, %ge3A_950 : vector<16xi1>
          %jit3A_952 = arith.constant 0 : i32
          %broadcast_in_dim3A_953 = vector.broadcast %jit3A_952 : i32 to vector<16xi32>
          %select_n3A_954 = arith.select %and3A_947, %select_n3A_167, %broadcast_in_dim3A_953 : vector<16xi1>, vector<16xi32>
          %gather3A_955 = tpu.vector_load_idx %arg15[%select_n3A_954, %broadcast_in_dim3A_943] masked %and3A_947 : memref<128x128xf32, #tpu.memory_space<vmem>>[vector<16xi32>, vector<16xi32>], vector<16xf32>, vector<16xi1>
          %sub3A_956 = arith.constant 128 : i32
          %sub3A_957 = vector.broadcast %sub3A_956 : i32 to vector<16xi32>
          %sub3A_958 = arith.subi %select_n3A_167, %sub3A_957 : vector<16xi32>
          %jit3A_959 = arith.constant 0 : i32
          %broadcast_in_dim3A_960 = vector.broadcast %jit3A_959 : i32 to vector<16xi32>
          %select_n3A_961 = arith.select %and3A_951, %sub3A_958, %broadcast_in_dim3A_960 : vector<16xi1>, vector<16xi32>
          %gather3A_962 = tpu.vector_load_idx %arg16[%select_n3A_961, %broadcast_in_dim3A_943] masked %and3A_951 : memref<128x128xf32, #tpu.memory_space<vmem>>[vector<16xi32>, vector<16xi32>], vector<16xf32>, vector<16xi1>
          %lt3A_963 = arith.constant 128 : i32
          %lt3A_964 = vector.broadcast %lt3A_963 : i32 to vector<16xi32>
          %lt3A_965 = arith.cmpi slt, %select_n3A_167, %lt3A_964 : vector<16xi32>
          %select_n3A_966 = arith.select %lt3A_965, %gather3A_955, %gather3A_962 : vector<16xi1>, vector<16xf32>
          tpu.vector_store_idx %arg10[%broadcast_in_dim3A_943, %select_n3A_164], %select_n3A_966 masked %lt3A_158 : memref<32x256xf32, #tpu.memory_space<vmem>>[vector<16xi32>, vector<16xi32>], vector<16xf32>, vector<16xi1>
          %while3A_967 = arith.constant 0 : i32
          scf.yield %while3A_967 : i32
        }
        %while3A_150 = arith.constant 1 : i32
        %while3A_151 = scf.for %while3A_152 = %while3A_147 to %while3A_143 step %while3A_150 iter_args(%while3A_153 = %while3A_149) -> (i32)  : i32 {
          %mul3A_154 = arith.constant 16 : i32
          %mul3A_155 = arith.muli %while3A_152, %mul3A_154 : i32
          %add3A_156 = vector.broadcast %mul3A_155 : i32 to vector<16xi32>
          %add3A_157 = arith.addi %add3A_156, %iota3A : vector<16xi32>
          %lt3A = vector.broadcast %scan3A_60 : i32 to vector<16xi32>
          %lt3A_158 = arith.cmpi slt, %add3A_157, %lt3A : vector<16xi32>
          %mul3A_159 = arith.constant 16 : i32
          %mul3A_160 = arith.muli %while3A_152, %mul3A_159 : i32
          %get3A = arith.index_cast %mul3A_160 : i32 to index
          %get3A_161 = tpu.vector_load %arg14[%get3A] {strides = array<i32>} : memref<256xi32, #tpu.memory_space<vmem>>, vector<16xi32>,
          %jit3A_162 = arith.constant 0 : i32
          %broadcast_in_dim3A_163 = vector.broadcast %jit3A_162 : i32 to vector<16xi32>
          %select_n3A_164 = arith.select %lt3A_158, %get3A_161, %broadcast_in_dim3A_163 : vector<16xi1>, vector<16xi32>
          %jit3A_165 = arith.constant 0 : i32
          %broadcast_in_dim3A_166 = vector.broadcast %jit3A_165 : i32 to vector<16xi32>
          %select_n3A_167 = arith.select %lt3A_158, %add3A_157, %broadcast_in_dim3A_166 : vector<16xi1>, vector<16xi32>
          %broadcast_in_dim3A_168 = arith.constant 0 : i32
          %broadcast_in_dim3A_169 = vector.broadcast %broadcast_in_dim3A_168 : i32 to vector<16xi32>
          %lt3A_170 = arith.constant 128 : i32
          %lt3A_171 = vector.broadcast %lt3A_170 : i32 to vector<16xi32>
          %lt3A_172 = arith.cmpi slt, %select_n3A_167, %lt3A_171 : vector<16xi32>
          %and3A_173 = arith.andi %lt3A_158, %lt3A_172 : vector<16xi1>
          %ge3A = arith.constant 128 : i32
          %ge3A_174 = vector.broadcast %ge3A : i32 to vector<16xi32>
          %ge3A_175 = arith.cmpi sge, %select_n3A_167, %ge3A_174 : vector<16xi32>
          %and3A_176 = arith.andi %lt3A_158, %ge3A_175 : vector<16xi1>
          %jit3A_177 = arith.constant 0 : i32
          %broadcast_in_dim3A_178 = vector.broadcast %jit3A_177 : i32 to vector<16xi32>
          %select_n3A_179 = arith.select %and3A_173, %select_n3A_167, %broadcast_in_dim3A_178 : vector<16xi1>, vector<16xi32>
          %gather3A_180 = tpu.vector_load_idx %arg15[%select_n3A_179, %broadcast_in_dim3A_169] masked %and3A_173 : memref<128x128xf32, #tpu.memory_space<vmem>>[vector<16xi32>, vector<16xi32>], vector<16xf32>, vector<16xi1>
          %sub3A_181 = arith.constant 128 : i32
          %sub3A_182 = vector.broadcast %sub3A_181 : i32 to vector<16xi32>
          %sub3A_183 = arith.subi %select_n3A_167, %sub3A_182 : vector<16xi32>
          %jit3A_184 = arith.constant 0 : i32
          %broadcast_in_dim3A_185 = vector.broadcast %jit3A_184 : i32 to vector<16xi32>
          %select_n3A_186 = arith.select %and3A_176, %sub3A_183, %broadcast_in_dim3A_185 : vector<16xi1>, vector<16xi32>
          %gather3A_187 = tpu.vector_load_idx %arg16[%select_n3A_186, %broadcast_in_dim3A_169] masked %and3A_176 : memref<128x128xf32, #tpu.memory_space<vmem>>[vector<16xi32>, vector<16xi32>], vector<16xf32>, vector<16xi1>
          %lt3A_188 = arith.constant 128 : i32
          %lt3A_189 = vector.broadcast %lt3A_188 : i32 to vector<16xi32>
          %lt3A_190 = arith.cmpi slt, %select_n3A_167, %lt3A_189 : vector<16xi32>
          %select_n3A_191 = arith.select %lt3A_190, %gather3A_180, %gather3A_187 : vector<16xi1>, vector<16xf32>
          tpu.vector_store_idx %arg10[%broadcast_in_dim3A_169, %select_n3A_164], %select_n3A_191 masked %lt3A_158 : memref<32x256xf32, #tpu.memory_space<vmem>>[vector<16xi32>, vector<16xi32>], vector<16xf32>, vector<16xi1>
          %broadcast_in_dim3A_192 = arith.constant 1 : i32
          %broadcast_in_dim3A_193 = vector.broadcast %broadcast_in_dim3A_192 : i32 to vector<16xi32>
          %lt3A_194 = arith.constant 128 : i32
          %lt3A_195 = vector.broadcast %lt3A_194 : i32 to vector<16xi32>
          %lt3A_196 = arith.cmpi slt, %select_n3A_167, %lt3A_195 : vector<16xi32>
          %and3A_197 = arith.andi %lt3A_158, %lt3A_196 : vector<16xi1>
          %ge3A_198 = arith.constant 128 : i32
          %ge3A_199 = vector.broadcast %ge3A_198 : i32 to vector<16xi32>
          %ge3A_200 = arith.cmpi sge, %select_n3A_167, %ge3A_199 : vector<16xi32>
          %and3A_201 = arith.andi %lt3A_158, %ge3A_200 : vector<16xi1>
          %jit3A_202 = arith.constant 0 : i32
          %broadcast_in_dim3A_203 = vector.broadcast %jit3A_202 : i32 to vector<16xi32>
          %select_n3A_204 = arith.select %and3A_197, %select_n3A_167, %broadcast_in_dim3A_203 : vector<16xi1>, vector<16xi32>
          %gather3A_205 = tpu.vector_load_idx %arg15[%select_n3A_204, %broadcast_in_dim3A_193] masked %and3A_197 : memref<128x128xf32, #tpu.memory_space<vmem>>[vector<16xi32>, vector<16xi32>], vector<16xf32>, vector<16xi1>
          %sub3A_206 = arith.constant 128 : i32
          %sub3A_207 = vector.broadcast %sub3A_206 : i32 to vector<16xi32>
          %sub3A_208 = arith.subi %select_n3A_167, %sub3A_207 : vector<16xi32>
          %jit3A_209 = arith.constant 0 : i32
          %broadcast_in_dim3A_210 = vector.broadcast %jit3A_209 : i32 to vector<16xi32>
          %select_n3A_211 = arith.select %and3A_201, %sub3A_208, %broadcast_in_dim3A_210 : vector<16xi1>, vector<16xi32>
          %gather3A_212 = tpu.vector_load_idx %arg16[%select_n3A_211, %broadcast_in_dim3A_193] masked %and3A_201 : memref<128x128xf32, #tpu.memory_space<vmem>>[vector<16xi32>, vector<16xi32>], vector<16xf32>, vector<16xi1>
          %lt3A_213 = arith.constant 128 : i32
          %lt3A_214 = vector.broadcast %lt3A_213 : i32 to vector<16xi32>
          %lt3A_215 = arith.cmpi slt, %select_n3A_167, %lt3A_214 : vector<16xi32>
          %select_n3A_216 = arith.select %lt3A_215, %gather3A_205, %gather3A_212 : vector<16xi1>, vector<16xf32>
          tpu.vector_store_idx %arg10[%broadcast_in_dim3A_193, %select_n3A_164], %select_n3A_216 masked %lt3A_158 : memref<32x256xf32, #tpu.memory_space<vmem>>[vector<16xi32>, vector<16xi32>], vector<16xf32>, vector<16xi1>
          %broadcast_in_dim3A_217 = arith.constant 2 : i32
          %broadcast_in_dim3A_218 = vector.broadcast %broadcast_in_dim3A_217 : i32 to vector<16xi32>
          %lt3A_219 = arith.constant 128 : i32
          %lt3A_220 = vector.broadcast %lt3A_219 : i32 to vector<16xi32>
          %lt3A_221 = arith.cmpi slt, %select_n3A_167, %lt3A_220 : vector<16xi32>
          %and3A_222 = arith.andi %lt3A_158, %lt3A_221 : vector<16xi1>
          %ge3A_223 = arith.constant 128 : i32
          %ge3A_224 = vector.broadcast %ge3A_223 : i32 to vector<16xi32>
          %ge3A_225 = arith.cmpi sge, %select_n3A_167, %ge3A_224 : vector<16xi32>
          %and3A_226 = arith.andi %lt3A_158, %ge3A_225 : vector<16xi1>
          %jit3A_227 = arith.constant 0 : i32
          %broadcast_in_dim3A_228 = vector.broadcast %jit3A_227 : i32 to vector<16xi32>
          %select_n3A_229 = arith.select %and3A_222, %select_n3A_167, %broadcast_in_dim3A_228 : vector<16xi1>, vector<16xi32>
          %gather3A_230 = tpu.vector_load_idx %arg15[%select_n3A_229, %broadcast_in_dim3A_218] masked %and3A_222 : memref<128x128xf32, #tpu.memory_space<vmem>>[vector<16xi32>, vector<16xi32>], vector<16xf32>, vector<16xi1>
          %sub3A_231 = arith.constant 128 : i32
          %sub3A_232 = vector.broadcast %sub3A_231 : i32 to vector<16xi32>
          %sub3A_233 = arith.subi %select_n3A_167, %sub3A_232 : vector<16xi32>
          %jit3A_234 = arith.constant 0 : i32
          %broadcast_in_dim3A_235 = vector.broadcast %jit3A_234 : i32 to vector<16xi32>
          %select_n3A_236 = arith.select %and3A_226, %sub3A_233, %broadcast_in_dim3A_235 : vector<16xi1>, vector<16xi32>
          %gather3A_237 = tpu.vector_load_idx %arg16[%select_n3A_236, %broadcast_in_dim3A_218] masked %and3A_226 : memref<128x128xf32, #tpu.memory_space<vmem>>[vector<16xi32>, vector<16xi32>], vector<16xf32>, vector<16xi1>
          %lt3A_238 = arith.constant 128 : i32
          %lt3A_239 = vector.broadcast %lt3A_238 : i32 to vector<16xi32>
          %lt3A_240 = arith.cmpi slt, %select_n3A_167, %lt3A_239 : vector<16xi32>
          %select_n3A_241 = arith.select %lt3A_240, %gather3A_230, %gather3A_237 : vector<16xi1>, vector<16xf32>
          tpu.vector_store_idx %arg10[%broadcast_in_dim3A_218, %select_n3A_164], %select_n3A_241 masked %lt3A_158 : memref<32x256xf32, #tpu.memory_space<vmem>>[vector<16xi32>, vector<16xi32>], vector<16xf32>, vector<16xi1>
          %broadcast_in_dim3A_242 = arith.constant 3 : i32
          %broadcast_in_dim3A_243 = vector.broadcast %broadcast_in_dim3A_242 : i32 to vector<16xi32>
          %lt3A_244 = arith.constant 128 : i32
          %lt3A_245 = vector.broadcast %lt3A_244 : i32 to vector<16xi32>
          %lt3A_246 = arith.cmpi slt, %select_n3A_167, %lt3A_245 : vector<16xi32>
          %and3A_247 = arith.andi %lt3A_158, %lt3A_246 : vector<16xi1>
          %ge3A_248 = arith.constant 128 : i32
          %ge3A_249 = vector.broadcast %ge3A_248 : i32 to vector<16xi32>
          %ge3A_250 = arith.cmpi sge, %select_n3A_167, %ge3A_249 : vector<16xi32>
          %and3A_251 = arith.andi %lt3A_158, %ge3A_250 : vector<16xi1>
          %jit3A_252 = arith.constant 0 : i32
          %broadcast_in_dim3A_253 = vector.broadcast %jit3A_252 : i32 to vector<16xi32>
          %select_n3A_254 = arith.select %and3A_247, %select_n3A_167, %broadcast_in_dim3A_253 : vector<16xi1>, vector<16xi32>
          %gather3A_255 = tpu.vector_load_idx %arg15[%select_n3A_254, %broadcast_in_dim3A_243] masked %and3A_247 : memref<128x128xf32, #tpu.memory_space<vmem>>[vector<16xi32>, vector<16xi32>], vector<16xf32>, vector<16xi1>
          %sub3A_256 = arith.constant 128 : i32
          %sub3A_257 = vector.broadcast %sub3A_256 : i32 to vector<16xi32>
          %sub3A_258 = arith.subi %select_n3A_167, %sub3A_257 : vector<16xi32>
          %jit3A_259 = arith.constant 0 : i32
          %broadcast_in_dim3A_260 = vector.broadcast %jit3A_259 : i32 to vector<16xi32>
          %select_n3A_261 = arith.select %and3A_251, %sub3A_258, %broadcast_in_dim3A_260 : vector<16xi1>, vector<16xi32>
          %gather3A_262 = tpu.vector_load_idx %arg16[%select_n3A_261, %broadcast_in_dim3A_243] masked %and3A_251 : memref<128x128xf32, #tpu.memory_space<vmem>>[vector<16xi32>, vector<16xi32>], vector<16xf32>, vector<16xi1>
          %lt3A_263 = arith.constant 128 : i32
          %lt3A_264 = vector.broadcast %lt3A_263 : i32 to vector<16xi32>
          %lt3A_265 = arith.cmpi slt, %select_n3A_167, %lt3A_264 : vector<16xi32>
          %select_n3A_266 = arith.select %lt3A_265, %gather3A_255, %gather3A_262 : vector<16xi1>, vector<16xf32>
          tpu.vector_store_idx %arg10[%broadcast_in_dim3A_243, %select_n3A_164], %select_n3A_266 masked %lt3A_158 : memref<32x256xf32, #tpu.memory_space<vmem>>[vector<16xi32>, vector<16xi32>], vector<16xf32>, vector<16xi1>
          %broadcast_in_dim3A_267 = arith.constant 4 : i32
          %broadcast_in_dim3A_268 = vector.broadcast %broadcast_in_dim3A_267 : i32 to vector<16xi32>
          %lt3A_269 = arith.constant 128 : i32
          %lt3A_270 = vector.broadcast %lt3A_269 : i32 to vector<16xi32>
          %lt3A_271 = arith.cmpi slt, %select_n3A_167, %lt3A_270 : vector<16xi32>
          %and3A_272 = arith.andi %lt3A_158, %lt3A_271 : vector<16xi1>
          %ge3A_273 = arith.constant 128 : i32
          %ge3A_274 = vector.broadcast %ge3A_273 : i32 to vector<16xi32>
          %ge3A_275 = arith.cmpi sge, %select_n3A_167, %ge3A_274 : vector<16xi32>
          %and3A_276 = arith.andi %lt3A_158, %ge3A_275 : vector<16xi1>
          %jit3A_277 = arith.constant 0 : i32
          %broadcast_in_dim3A_278 = vector.broadcast %jit3A_277 : i32 to vector<16xi32>
          %select_n3A_279 = arith.select %and3A_272, %select_n3A_167, %broadcast_in_dim3A_278 : vector<16xi1>, vector<16xi32>
          %gather3A_280 = tpu.vector_load_idx %arg15[%select_n3A_279, %broadcast_in_dim3A_268] masked %and3A_272 : memref<128x128xf32, #tpu.memory_space<vmem>>[vector<16xi32>, vector<16xi32>], vector<16xf32>, vector<16xi1>
          %sub3A_281 = arith.constant 128 : i32
          %sub3A_282 = vector.broadcast %sub3A_281 : i32 to vector<16xi32>
          %sub3A_283 = arith.subi %select_n3A_167, %sub3A_282 : vector<16xi32>
          %jit3A_284 = arith.constant 0 : i32
          %broadcast_in_dim3A_285 = vector.broadcast %jit3A_284 : i32 to vector<16xi32>
          %select_n3A_286 = arith.select %and3A_276, %sub3A_283, %broadcast_in_dim3A_285 : vector<16xi1>, vector<16xi32>
          %gather3A_287 = tpu.vector_load_idx %arg16[%select_n3A_286, %broadcast_in_dim3A_268] masked %and3A_276 : memref<128x128xf32, #tpu.memory_space<vmem>>[vector<16xi32>, vector<16xi32>], vector<16xf32>, vector<16xi1>
          %lt3A_288 = arith.constant 128 : i32
          %lt3A_289 = vector.broadcast %lt3A_288 : i32 to vector<16xi32>
          %lt3A_290 = arith.cmpi slt, %select_n3A_167, %lt3A_289 : vector<16xi32>
          %select_n3A_291 = arith.select %lt3A_290, %gather3A_280, %gather3A_287 : vector<16xi1>, vector<16xf32>
          tpu.vector_store_idx %arg10[%broadcast_in_dim3A_268, %select_n3A_164], %select_n3A_291 masked %lt3A_158 : memref<32x256xf32, #tpu.memory_space<vmem>>[vector<16xi32>, vector<16xi32>], vector<16xf32>, vector<16xi1>
          %broadcast_in_dim3A_292 = arith.constant 5 : i32
          %broadcast_in_dim3A_293 = vector.broadcast %broadcast_in_dim3A_292 : i32 to vector<16xi32>
          %lt3A_294 = arith.constant 128 : i32
          %lt3A_295 = vector.broadcast %lt3A_294 : i32 to vector<16xi32>
          %lt3A_296 = arith.cmpi slt, %select_n3A_167, %lt3A_295 : vector<16xi32>
          %and3A_297 = arith.andi %lt3A_158, %lt3A_296 : vector<16xi1>
          %ge3A_298 = arith.constant 128 : i32
          %ge3A_299 = vector.broadcast %ge3A_298 : i32 to vector<16xi32>
          %ge3A_300 = arith.cmpi sge, %select_n3A_167, %ge3A_299 : vector<16xi32>
          %and3A_301 = arith.andi %lt3A_158, %ge3A_300 : vector<16xi1>
          %jit3A_302 = arith.constant 0 : i32
          %broadcast_in_dim3A_303 = vector.broadcast %jit3A_302 : i32 to vector<16xi32>
          %select_n3A_304 = arith.select %and3A_297, %select_n3A_167, %broadcast_in_dim3A_303 : vector<16xi1>, vector<16xi32>
          %gather3A_305 = tpu.vector_load_idx %arg15[%select_n3A_304, %broadcast_in_dim3A_293] masked %and3A_297 : memref<128x128xf32, #tpu.memory_space<vmem>>[vector<16xi32>, vector<16xi32>], vector<16xf32>, vector<16xi1>
          %sub3A_306 = arith.constant 128 : i32
          %sub3A_307 = vector.broadcast %sub3A_306 : i32 to vector<16xi32>
          %sub3A_308 = arith.subi %select_n3A_167, %sub3A_307 : vector<16xi32>
          %jit3A_309 = arith.constant 0 : i32
          %broadcast_in_dim3A_310 = vector.broadcast %jit3A_309 : i32 to vector<16xi32>
          %select_n3A_311 = arith.select %and3A_301, %sub3A_308, %broadcast_in_dim3A_310 : vector<16xi1>, vector<16xi32>
          %gather3A_312 = tpu.vector_load_idx %arg16[%select_n3A_311, %broadcast_in_dim3A_293] masked %and3A_301 : memref<128x128xf32, #tpu.memory_space<vmem>>[vector<16xi32>, vector<16xi32>], vector<16xf32>, vector<16xi1>
          %lt3A_313 = arith.constant 128 : i32
          %lt3A_314 = vector.broadcast %lt3A_313 : i32 to vector<16xi32>
          %lt3A_315 = arith.cmpi slt, %select_n3A_167, %lt3A_314 : vector<16xi32>
          %select_n3A_316 = arith.select %lt3A_315, %gather3A_305, %gather3A_312 : vector<16xi1>, vector<16xf32>
          tpu.vector_store_idx %arg10[%broadcast_in_dim3A_293, %select_n3A_164], %select_n3A_316 masked %lt3A_158 : memref<32x256xf32, #tpu.memory_space<vmem>>[vector<16xi32>, vector<16xi32>], vector<16xf32>, vector<16xi1>
          %broadcast_in_dim3A_317 = arith.constant 6 : i32
          %broadcast_in_dim3A_318 = vector.broadcast %broadcast_in_dim3A_317 : i32 to vector<16xi32>
          %lt3A_319 = arith.constant 128 : i32
          %lt3A_320 = vector.broadcast %lt3A_319 : i32 to vector<16xi32>
          %lt3A_321 = arith.cmpi slt, %select_n3A_167, %lt3A_320 : vector<16xi32>
          %and3A_322 = arith.andi %lt3A_158, %lt3A_321 : vector<16xi1>
          %ge3A_323 = arith.constant 128 : i32
          %ge3A_324 = vector.broadcast %ge3A_323 : i32 to vector<16xi32>
          %ge3A_325 = arith.cmpi sge, %select_n3A_167, %ge3A_324 : vector<16xi32>
          %and3A_326 = arith.andi %lt3A_158, %ge3A_325 : vector<16xi1>
          %jit3A_327 = arith.constant 0 : i32
          %broadcast_in_dim3A_328 = vector.broadcast %jit3A_327 : i32 to vector<16xi32>
          %select_n3A_329 = arith.select %and3A_322, %select_n3A_167, %broadcast_in_dim3A_328 : vector<16xi1>, vector<16xi32>
          %gather3A_330 = tpu.vector_load_idx %arg15[%select_n3A_329, %broadcast_in_dim3A_318] masked %and3A_322 : memref<128x128xf32, #tpu.memory_space<vmem>>[vector<16xi32>, vector<16xi32>], vector<16xf32>, vector<16xi1>
          %sub3A_331 = arith.constant 128 : i32
          %sub3A_332 = vector.broadcast %sub3A_331 : i32 to vector<16xi32>
          %sub3A_333 = arith.subi %select_n3A_167, %sub3A_332 : vector<16xi32>
          %jit3A_334 = arith.constant 0 : i32
          %broadcast_in_dim3A_335 = vector.broadcast %jit3A_334 : i32 to vector<16xi32>
          %select_n3A_336 = arith.select %and3A_326, %sub3A_333, %broadcast_in_dim3A_335 : vector<16xi1>, vector<16xi32>
          %gather3A_337 = tpu.vector_load_idx %arg16[%select_n3A_336, %broadcast_in_dim3A_318] masked %and3A_326 : memref<128x128xf32, #tpu.memory_space<vmem>>[vector<16xi32>, vector<16xi32>], vector<16xf32>, vector<16xi1>
          %lt3A_338 = arith.constant 128 : i32
          %lt3A_339 = vector.broadcast %lt3A_338 : i32 to vector<16xi32>
          %lt3A_340 = arith.cmpi slt, %select_n3A_167, %lt3A_339 : vector<16xi32>
          %select_n3A_341 = arith.select %lt3A_340, %gather3A_330, %gather3A_337 : vector<16xi1>, vector<16xf32>
          tpu.vector_store_idx %arg10[%broadcast_in_dim3A_318, %select_n3A_164], %select_n3A_341 masked %lt3A_158 : memref<32x256xf32, #tpu.memory_space<vmem>>[vector<16xi32>, vector<16xi32>], vector<16xf32>, vector<16xi1>
          %broadcast_in_dim3A_342 = arith.constant 7 : i32
          %broadcast_in_dim3A_343 = vector.broadcast %broadcast_in_dim3A_342 : i32 to vector<16xi32>
          %lt3A_344 = arith.constant 128 : i32
          %lt3A_345 = vector.broadcast %lt3A_344 : i32 to vector<16xi32>
          %lt3A_346 = arith.cmpi slt, %select_n3A_167, %lt3A_345 : vector<16xi32>
          %and3A_347 = arith.andi %lt3A_158, %lt3A_346 : vector<16xi1>
          %ge3A_348 = arith.constant 128 : i32
          %ge3A_349 = vector.broadcast %ge3A_348 : i32 to vector<16xi32>
          %ge3A_350 = arith.cmpi sge, %select_n3A_167, %ge3A_349 : vector<16xi32>
          %and3A_351 = arith.andi %lt3A_158, %ge3A_350 : vector<16xi1>
          %jit3A_352 = arith.constant 0 : i32
          %broadcast_in_dim3A_353 = vector.broadcast %jit3A_352 : i32 to vector<16xi32>
          %select_n3A_354 = arith.select %and3A_347, %select_n3A_167, %broadcast_in_dim3A_353 : vector<16xi1>, vector<16xi32>
          %gather3A_355 = tpu.vector_load_idx %arg15[%select_n3A_354, %broadcast_in_dim3A_343] masked %and3A_347 : memref<128x128xf32, #tpu.memory_space<vmem>>[vector<16xi32>, vector<16xi32>], vector<16xf32>, vector<16xi1>
          %sub3A_356 = arith.constant 128 : i32
          %sub3A_357 = vector.broadcast %sub3A_356 : i32 to vector<16xi32>
          %sub3A_358 = arith.subi %select_n3A_167, %sub3A_357 : vector<16xi32>
          %jit3A_359 = arith.constant 0 : i32
          %broadcast_in_dim3A_360 = vector.broadcast %jit3A_359 : i32 to vector<16xi32>
          %select_n3A_361 = arith.select %and3A_351, %sub3A_358, %broadcast_in_dim3A_360 : vector<16xi1>, vector<16xi32>
          %gather3A_362 = tpu.vector_load_idx %arg16[%select_n3A_361, %broadcast_in_dim3A_343] masked %and3A_351 : memref<128x128xf32, #tpu.memory_space<vmem>>[vector<16xi32>, vector<16xi32>], vector<16xf32>, vector<16xi1>
          %lt3A_363 = arith.constant 128 : i32
          %lt3A_364 = vector.broadcast %lt3A_363 : i32 to vector<16xi32>
          %lt3A_365 = arith.cmpi slt, %select_n3A_167, %lt3A_364 : vector<16xi32>
          %select_n3A_366 = arith.select %lt3A_365, %gather3A_355, %gather3A_362 : vector<16xi1>, vector<16xf32>
          tpu.vector_store_idx %arg10[%broadcast_in_dim3A_343, %select_n3A_164], %select_n3A_366 masked %lt3A_158 : memref<32x256xf32, #tpu.memory_space<vmem>>[vector<16xi32>, vector<16xi32>], vector<16xf32>, vector<16xi1>
          %broadcast_in_dim3A_367 = arith.constant 8 : i32
          %broadcast_in_dim3A_368 = vector.broadcast %broadcast_in_dim3A_367 : i32 to vector<16xi32>
          %lt3A_369 = arith.constant 128 : i32
          %lt3A_370 = vector.broadcast %lt3A_369 : i32 to vector<16xi32>
          %lt3A_371 = arith.cmpi slt, %select_n3A_167, %lt3A_370 : vector<16xi32>
          %and3A_372 = arith.andi %lt3A_158, %lt3A_371 : vector<16xi1>
          %ge3A_373 = arith.constant 128 : i32
          %ge3A_374 = vector.broadcast %ge3A_373 : i32 to vector<16xi32>
          %ge3A_375 = arith.cmpi sge, %select_n3A_167, %ge3A_374 : vector<16xi32>
          %and3A_376 = arith.andi %lt3A_158, %ge3A_375 : vector<16xi1>
          %jit3A_377 = arith.constant 0 : i32
          %broadcast_in_dim3A_378 = vector.broadcast %jit3A_377 : i32 to vector<16xi32>
          %select_n3A_379 = arith.select %and3A_372, %select_n3A_167, %broadcast_in_dim3A_378 : vector<16xi1>, vector<16xi32>
          %gather3A_380 = tpu.vector_load_idx %arg15[%select_n3A_379, %broadcast_in_dim3A_368] masked %and3A_372 : memref<128x128xf32, #tpu.memory_space<vmem>>[vector<16xi32>, vector<16xi32>], vector<16xf32>, vector<16xi1>
          %sub3A_381 = arith.constant 128 : i32
          %sub3A_382 = vector.broadcast %sub3A_381 : i32 to vector<16xi32>
          %sub3A_383 = arith.subi %select_n3A_167, %sub3A_382 : vector<16xi32>
          %jit3A_384 = arith.constant 0 : i32
          %broadcast_in_dim3A_385 = vector.broadcast %jit3A_384 : i32 to vector<16xi32>
          %select_n3A_386 = arith.select %and3A_376, %sub3A_383, %broadcast_in_dim3A_385 : vector<16xi1>, vector<16xi32>
          %gather3A_387 = tpu.vector_load_idx %arg16[%select_n3A_386, %broadcast_in_dim3A_368] masked %and3A_376 : memref<128x128xf32, #tpu.memory_space<vmem>>[vector<16xi32>, vector<16xi32>], vector<16xf32>, vector<16xi1>
          %lt3A_388 = arith.constant 128 : i32
          %lt3A_389 = vector.broadcast %lt3A_388 : i32 to vector<16xi32>
          %lt3A_390 = arith.cmpi slt, %select_n3A_167, %lt3A_389 : vector<16xi32>
          %select_n3A_391 = arith.select %lt3A_390, %gather3A_380, %gather3A_387 : vector<16xi1>, vector<16xf32>
          tpu.vector_store_idx %arg10[%broadcast_in_dim3A_368, %select_n3A_164], %select_n3A_391 masked %lt3A_158 : memref<32x256xf32, #tpu.memory_space<vmem>>[vector<16xi32>, vector<16xi32>], vector<16xf32>, vector<16xi1>
          %broadcast_in_dim3A_392 = arith.constant 9 : i32
          %broadcast_in_dim3A_393 = vector.broadcast %broadcast_in_dim3A_392 : i32 to vector<16xi32>
          %lt3A_394 = arith.constant 128 : i32
          %lt3A_395 = vector.broadcast %lt3A_394 : i32 to vector<16xi32>
          %lt3A_396 = arith.cmpi slt, %select_n3A_167, %lt3A_395 : vector<16xi32>
          %and3A_397 = arith.andi %lt3A_158, %lt3A_396 : vector<16xi1>
          %ge3A_398 = arith.constant 128 : i32
          %ge3A_399 = vector.broadcast %ge3A_398 : i32 to vector<16xi32>
          %ge3A_400 = arith.cmpi sge, %select_n3A_167, %ge3A_399 : vector<16xi32>
          %and3A_401 = arith.andi %lt3A_158, %ge3A_400 : vector<16xi1>
          %jit3A_402 = arith.constant 0 : i32
          %broadcast_in_dim3A_403 = vector.broadcast %jit3A_402 : i32 to vector<16xi32>
          %select_n3A_404 = arith.select %and3A_397, %select_n3A_167, %broadcast_in_dim3A_403 : vector<16xi1>, vector<16xi32>
          %gather3A_405 = tpu.vector_load_idx %arg15[%select_n3A_404, %broadcast_in_dim3A_393] masked %and3A_397 : memref<128x128xf32, #tpu.memory_space<vmem>>[vector<16xi32>, vector<16xi32>], vector<16xf32>, vector<16xi1>
          %sub3A_406 = arith.constant 128 : i32
          %sub3A_407 = vector.broadcast %sub3A_406 : i32 to vector<16xi32>
          %sub3A_408 = arith.subi %select_n3A_167, %sub3A_407 : vector<16xi32>
          %jit3A_409 = arith.constant 0 : i32
          %broadcast_in_dim3A_410 = vector.broadcast %jit3A_409 : i32 to vector<16xi32>
          %select_n3A_411 = arith.select %and3A_401, %sub3A_408, %broadcast_in_dim3A_410 : vector<16xi1>, vector<16xi32>
          %gather3A_412 = tpu.vector_load_idx %arg16[%select_n3A_411, %broadcast_in_dim3A_393] masked %and3A_401 : memref<128x128xf32, #tpu.memory_space<vmem>>[vector<16xi32>, vector<16xi32>], vector<16xf32>, vector<16xi1>
          %lt3A_413 = arith.constant 128 : i32
          %lt3A_414 = vector.broadcast %lt3A_413 : i32 to vector<16xi32>
          %lt3A_415 = arith.cmpi slt, %select_n3A_167, %lt3A_414 : vector<16xi32>
          %select_n3A_416 = arith.select %lt3A_415, %gather3A_405, %gather3A_412 : vector<16xi1>, vector<16xf32>
          tpu.vector_store_idx %arg10[%broadcast_in_dim3A_393, %select_n3A_164], %select_n3A_416 masked %lt3A_158 : memref<32x256xf32, #tpu.memory_space<vmem>>[vector<16xi32>, vector<16xi32>], vector<16xf32>, vector<16xi1>
          %broadcast_in_dim3A_417 = arith.constant 10 : i32
          %broadcast_in_dim3A_418 = vector.broadcast %broadcast_in_dim3A_417 : i32 to vector<16xi32>
          %lt3A_419 = arith.constant 128 : i32
          %lt3A_420 = vector.broadcast %lt3A_419 : i32 to vector<16xi32>
          %lt3A_421 = arith.cmpi slt, %select_n3A_167, %lt3A_420 : vector<16xi32>
          %and3A_422 = arith.andi %lt3A_158, %lt3A_421 : vector<16xi1>
          %ge3A_423 = arith.constant 128 : i32
          %ge3A_424 = vector.broadcast %ge3A_423 : i32 to vector<16xi32>
          %ge3A_425 = arith.cmpi sge, %select_n3A_167, %ge3A_424 : vector<16xi32>
          %and3A_426 = arith.andi %lt3A_158, %ge3A_425 : vector<16xi1>
          %jit3A_427 = arith.constant 0 : i32
          %broadcast_in_dim3A_428 = vector.broadcast %jit3A_427 : i32 to vector<16xi32>
          %select_n3A_429 = arith.select %and3A_422, %select_n3A_167, %broadcast_in_dim3A_428 : vector<16xi1>, vector<16xi32>
          %gather3A_430 = tpu.vector_load_idx %arg15[%select_n3A_429, %broadcast_in_dim3A_418] masked %and3A_422 : memref<128x128xf32, #tpu.memory_space<vmem>>[vector<16xi32>, vector<16xi32>], vector<16xf32>, vector<16xi1>
          %sub3A_431 = arith.constant 128 : i32
          %sub3A_432 = vector.broadcast %sub3A_431 : i32 to vector<16xi32>
          %sub3A_433 = arith.subi %select_n3A_167, %sub3A_432 : vector<16xi32>
          %jit3A_434 = arith.constant 0 : i32
          %broadcast_in_dim3A_435 = vector.broadcast %jit3A_434 : i32 to vector<16xi32>
          %select_n3A_436 = arith.select %and3A_426, %sub3A_433, %broadcast_in_dim3A_435 : vector<16xi1>, vector<16xi32>
          %gather3A_437 = tpu.vector_load_idx %arg16[%select_n3A_436, %broadcast_in_dim3A_418] masked %and3A_426 : memref<128x128xf32, #tpu.memory_space<vmem>>[vector<16xi32>, vector<16xi32>], vector<16xf32>, vector<16xi1>
          %lt3A_438 = arith.constant 128 : i32
          %lt3A_439 = vector.broadcast %lt3A_438 : i32 to vector<16xi32>
          %lt3A_440 = arith.cmpi slt, %select_n3A_167, %lt3A_439 : vector<16xi32>
          %select_n3A_441 = arith.select %lt3A_440, %gather3A_430, %gather3A_437 : vector<16xi1>, vector<16xf32>
          tpu.vector_store_idx %arg10[%broadcast_in_dim3A_418, %select_n3A_164], %select_n3A_441 masked %lt3A_158 : memref<32x256xf32, #tpu.memory_space<vmem>>[vector<16xi32>, vector<16xi32>], vector<16xf32>, vector<16xi1>
          %broadcast_in_dim3A_442 = arith.constant 11 : i32
          %broadcast_in_dim3A_443 = vector.broadcast %broadcast_in_dim3A_442 : i32 to vector<16xi32>
          %lt3A_444 = arith.constant 128 : i32
          %lt3A_445 = vector.broadcast %lt3A_444 : i32 to vector<16xi32>
          %lt3A_446 = arith.cmpi slt, %select_n3A_167, %lt3A_445 : vector<16xi32>
          %and3A_447 = arith.andi %lt3A_158, %lt3A_446 : vector<16xi1>
          %ge3A_448 = arith.constant 128 : i32
          %ge3A_449 = vector.broadcast %ge3A_448 : i32 to vector<16xi32>
          %ge3A_450 = arith.cmpi sge, %select_n3A_167, %ge3A_449 : vector<16xi32>
          %and3A_451 = arith.andi %lt3A_158, %ge3A_450 : vector<16xi1>
          %jit3A_452 = arith.constant 0 : i32
          %broadcast_in_dim3A_453 = vector.broadcast %jit3A_452 : i32 to vector<16xi32>
          %select_n3A_454 = arith.select %and3A_447, %select_n3A_167, %broadcast_in_dim3A_453 : vector<16xi1>, vector<16xi32>
          %gather3A_455 = tpu.vector_load_idx %arg15[%select_n3A_454, %broadcast_in_dim3A_443] masked %and3A_447 : memref<128x128xf32, #tpu.memory_space<vmem>>[vector<16xi32>, vector<16xi32>], vector<16xf32>, vector<16xi1>
          %sub3A_456 = arith.constant 128 : i32
          %sub3A_457 = vector.broadcast %sub3A_456 : i32 to vector<16xi32>
          %sub3A_458 = arith.subi %select_n3A_167, %sub3A_457 : vector<16xi32>
          %jit3A_459 = arith.constant 0 : i32
          %broadcast_in_dim3A_460 = vector.broadcast %jit3A_459 : i32 to vector<16xi32>
          %select_n3A_461 = arith.select %and3A_451, %sub3A_458, %broadcast_in_dim3A_460 : vector<16xi1>, vector<16xi32>
          %gather3A_462 = tpu.vector_load_idx %arg16[%select_n3A_461, %broadcast_in_dim3A_443] masked %and3A_451 : memref<128x128xf32, #tpu.memory_space<vmem>>[vector<16xi32>, vector<16xi32>], vector<16xf32>, vector<16xi1>
          %lt3A_463 = arith.constant 128 : i32
          %lt3A_464 = vector.broadcast %lt3A_463 : i32 to vector<16xi32>
          %lt3A_465 = arith.cmpi slt, %select_n3A_167, %lt3A_464 : vector<16xi32>
          %select_n3A_466 = arith.select %lt3A_465, %gather3A_455, %gather3A_462 : vector<16xi1>, vector<16xf32>
          tpu.vector_store_idx %arg10[%broadcast_in_dim3A_443, %select_n3A_164], %select_n3A_466 masked %lt3A_158 : memref<32x256xf32, #tpu.memory_space<vmem>>[vector<16xi32>, vector<16xi32>], vector<16xf32>, vector<16xi1>
          %broadcast_in_dim3A_467 = arith.constant 12 : i32
          %broadcast_in_dim3A_468 = vector.broadcast %broadcast_in_dim3A_467 : i32 to vector<16xi32>
          %lt3A_469 = arith.constant 128 : i32
          %lt3A_470 = vector.broadcast %lt3A_469 : i32 to vector<16xi32>
          %lt3A_471 = arith.cmpi slt, %select_n3A_167, %lt3A_470 : vector<16xi32>
          %and3A_472 = arith.andi %lt3A_158, %lt3A_471 : vector<16xi1>
          %ge3A_473 = arith.constant 128 : i32
          %ge3A_474 = vector.broadcast %ge3A_473 : i32 to vector<16xi32>
          %ge3A_475 = arith.cmpi sge, %select_n3A_167, %ge3A_474 : vector<16xi32>
          %and3A_476 = arith.andi %lt3A_158, %ge3A_475 : vector<16xi1>
          %jit3A_477 = arith.constant 0 : i32
          %broadcast_in_dim3A_478 = vector.broadcast %jit3A_477 : i32 to vector<16xi32>
          %select_n3A_479 = arith.select %and3A_472, %select_n3A_167, %broadcast_in_dim3A_478 : vector<16xi1>, vector<16xi32>
          %gather3A_480 = tpu.vector_load_idx %arg15[%select_n3A_479, %broadcast_in_dim3A_468] masked %and3A_472 : memref<128x128xf32, #tpu.memory_space<vmem>>[vector<16xi32>, vector<16xi32>], vector<16xf32>, vector<16xi1>
          %sub3A_481 = arith.constant 128 : i32
          %sub3A_482 = vector.broadcast %sub3A_481 : i32 to vector<16xi32>
          %sub3A_483 = arith.subi %select_n3A_167, %sub3A_482 : vector<16xi32>
          %jit3A_484 = arith.constant 0 : i32
          %broadcast_in_dim3A_485 = vector.broadcast %jit3A_484 : i32 to vector<16xi32>
          %select_n3A_486 = arith.select %and3A_476, %sub3A_483, %broadcast_in_dim3A_485 : vector<16xi1>, vector<16xi32>
          %gather3A_487 = tpu.vector_load_idx %arg16[%select_n3A_486, %broadcast_in_dim3A_468] masked %and3A_476 : memref<128x128xf32, #tpu.memory_space<vmem>>[vector<16xi32>, vector<16xi32>], vector<16xf32>, vector<16xi1>
          %lt3A_488 = arith.constant 128 : i32
          %lt3A_489 = vector.broadcast %lt3A_488 : i32 to vector<16xi32>
          %lt3A_490 = arith.cmpi slt, %select_n3A_167, %lt3A_489 : vector<16xi32>
          %select_n3A_491 = arith.select %lt3A_490, %gather3A_480, %gather3A_487 : vector<16xi1>, vector<16xf32>
          tpu.vector_store_idx %arg10[%broadcast_in_dim3A_468, %select_n3A_164], %select_n3A_491 masked %lt3A_158 : memref<32x256xf32, #tpu.memory_space<vmem>>[vector<16xi32>, vector<16xi32>], vector<16xf32>, vector<16xi1>
          %broadcast_in_dim3A_492 = arith.constant 13 : i32
          %broadcast_in_dim3A_493 = vector.broadcast %broadcast_in_dim3A_492 : i32 to vector<16xi32>
          %lt3A_494 = arith.constant 128 : i32
          %lt3A_495 = vector.broadcast %lt3A_494 : i32 to vector<16xi32>
          %lt3A_496 = arith.cmpi slt, %select_n3A_167, %lt3A_495 : vector<16xi32>
          %and3A_497 = arith.andi %lt3A_158, %lt3A_496 : vector<16xi1>
          %ge3A_498 = arith.constant 128 : i32
          %ge3A_499 = vector.broadcast %ge3A_498 : i32 to vector<16xi32>
          %ge3A_500 = arith.cmpi sge, %select_n3A_167, %ge3A_499 : vector<16xi32>
          %and3A_501 = arith.andi %lt3A_158, %ge3A_500 : vector<16xi1>
          %jit3A_502 = arith.constant 0 : i32
          %broadcast_in_dim3A_503 = vector.broadcast %jit3A_502 : i32 to vector<16xi32>
          %select_n3A_504 = arith.select %and3A_497, %select_n3A_167, %broadcast_in_dim3A_503 : vector<16xi1>, vector<16xi32>
          %gather3A_505 = tpu.vector_load_idx %arg15[%select_n3A_504, %broadcast_in_dim3A_493] masked %and3A_497 : memref<128x128xf32, #tpu.memory_space<vmem>>[vector<16xi32>, vector<16xi32>], vector<16xf32>, vector<16xi1>
          %sub3A_506 = arith.constant 128 : i32
          %sub3A_507 = vector.broadcast %sub3A_506 : i32 to vector<16xi32>
          %sub3A_508 = arith.subi %select_n3A_167, %sub3A_507 : vector<16xi32>
          %jit3A_509 = arith.constant 0 : i32
          %broadcast_in_dim3A_510 = vector.broadcast %jit3A_509 : i32 to vector<16xi32>
          %select_n3A_511 = arith.select %and3A_501, %sub3A_508, %broadcast_in_dim3A_510 : vector<16xi1>, vector<16xi32>
          %gather3A_512 = tpu.vector_load_idx %arg16[%select_n3A_511, %broadcast_in_dim3A_493] masked %and3A_501 : memref<128x128xf32, #tpu.memory_space<vmem>>[vector<16xi32>, vector<16xi32>], vector<16xf32>, vector<16xi1>
          %lt3A_513 = arith.constant 128 : i32
          %lt3A_514 = vector.broadcast %lt3A_513 : i32 to vector<16xi32>
          %lt3A_515 = arith.cmpi slt, %select_n3A_167, %lt3A_514 : vector<16xi32>
          %select_n3A_516 = arith.select %lt3A_515, %gather3A_505, %gather3A_512 : vector<16xi1>, vector<16xf32>
          tpu.vector_store_idx %arg10[%broadcast_in_dim3A_493, %select_n3A_164], %select_n3A_516 masked %lt3A_158 : memref<32x256xf32, #tpu.memory_space<vmem>>[vector<16xi32>, vector<16xi32>], vector<16xf32>, vector<16xi1>
          %broadcast_in_dim3A_517 = arith.constant 14 : i32
          %broadcast_in_dim3A_518 = vector.broadcast %broadcast_in_dim3A_517 : i32 to vector<16xi32>
          %lt3A_519 = arith.constant 128 : i32
          %lt3A_520 = vector.broadcast %lt3A_519 : i32 to vector<16xi32>
          %lt3A_521 = arith.cmpi slt, %select_n3A_167, %lt3A_520 : vector<16xi32>
          %and3A_522 = arith.andi %lt3A_158, %lt3A_521 : vector<16xi1>
          %ge3A_523 = arith.constant 128 : i32
          %ge3A_524 = vector.broadcast %ge3A_523 : i32 to vector<16xi32>
          %ge3A_525 = arith.cmpi sge, %select_n3A_167, %ge3A_524 : vector<16xi32>
          %and3A_526 = arith.andi %lt3A_158, %ge3A_525 : vector<16xi1>
          %jit3A_527 = arith.constant 0 : i32
          %broadcast_in_dim3A_528 = vector.broadcast %jit3A_527 : i32 to vector<16xi32>
          %select_n3A_529 = arith.select %and3A_522, %select_n3A_167, %broadcast_in_dim3A_528 : vector<16xi1>, vector<16xi32>
          %gather3A_530 = tpu.vector_load_idx %arg15[%select_n3A_529, %broadcast_in_dim3A_518] masked %and3A_522 : memref<128x128xf32, #tpu.memory_space<vmem>>[vector<16xi32>, vector<16xi32>], vector<16xf32>, vector<16xi1>
          %sub3A_531 = arith.constant 128 : i32
          %sub3A_532 = vector.broadcast %sub3A_531 : i32 to vector<16xi32>
          %sub3A_533 = arith.subi %select_n3A_167, %sub3A_532 : vector<16xi32>
          %jit3A_534 = arith.constant 0 : i32
          %broadcast_in_dim3A_535 = vector.broadcast %jit3A_534 : i32 to vector<16xi32>
          %select_n3A_536 = arith.select %and3A_526, %sub3A_533, %broadcast_in_dim3A_535 : vector<16xi1>, vector<16xi32>
          %gather3A_537 = tpu.vector_load_idx %arg16[%select_n3A_536, %broadcast_in_dim3A_518] masked %and3A_526 : memref<128x128xf32, #tpu.memory_space<vmem>>[vector<16xi32>, vector<16xi32>], vector<16xf32>, vector<16xi1>
          %lt3A_538 = arith.constant 128 : i32
          %lt3A_539 = vector.broadcast %lt3A_538 : i32 to vector<16xi32>
          %lt3A_540 = arith.cmpi slt, %select_n3A_167, %lt3A_539 : vector<16xi32>
          %select_n3A_541 = arith.select %lt3A_540, %gather3A_530, %gather3A_537 : vector<16xi1>, vector<16xf32>
          tpu.vector_store_idx %arg10[%broadcast_in_dim3A_518, %select_n3A_164], %select_n3A_541 masked %lt3A_158 : memref<32x256xf32, #tpu.memory_space<vmem>>[vector<16xi32>, vector<16xi32>], vector<16xf32>, vector<16xi1>
          %broadcast_in_dim3A_542 = arith.constant 15 : i32
          %broadcast_in_dim3A_543 = vector.broadcast %broadcast_in_dim3A_542 : i32 to vector<16xi32>
          %lt3A_544 = arith.constant 128 : i32
          %lt3A_545 = vector.broadcast %lt3A_544 : i32 to vector<16xi32>
          %lt3A_546 = arith.cmpi slt, %select_n3A_167, %lt3A_545 : vector<16xi32>
          %and3A_547 = arith.andi %lt3A_158, %lt3A_546 : vector<16xi1>
          %ge3A_548 = arith.constant 128 : i32
          %ge3A_549 = vector.broadcast %ge3A_548 : i32 to vector<16xi32>
          %ge3A_550 = arith.cmpi sge, %select_n3A_167, %ge3A_549 : vector<16xi32>
          %and3A_551 = arith.andi %lt3A_158, %ge3A_550 : vector<16xi1>
          %jit3A_552 = arith.constant 0 : i32
          %broadcast_in_dim3A_553 = vector.broadcast %jit3A_552 : i32 to vector<16xi32>
          %select_n3A_554 = arith.select %and3A_547, %select_n3A_167, %broadcast_in_dim3A_553 : vector<16xi1>, vector<16xi32>
          %gather3A_555 = tpu.vector_load_idx %arg15[%select_n3A_554, %broadcast_in_dim3A_543] masked %and3A_547 : memref<128x128xf32, #tpu.memory_space<vmem>>[vector<16xi32>, vector<16xi32>], vector<16xf32>, vector<16xi1>
          %sub3A_556 = arith.constant 128 : i32
          %sub3A_557 = vector.broadcast %sub3A_556 : i32 to vector<16xi32>
          %sub3A_558 = arith.subi %select_n3A_167, %sub3A_557 : vector<16xi32>
          %jit3A_559 = arith.constant 0 : i32
          %broadcast_in_dim3A_560 = vector.broadcast %jit3A_559 : i32 to vector<16xi32>
          %select_n3A_561 = arith.select %and3A_551, %sub3A_558, %broadcast_in_dim3A_560 : vector<16xi1>, vector<16xi32>
          %gather3A_562 = tpu.vector_load_idx %arg16[%select_n3A_561, %broadcast_in_dim3A_543] masked %and3A_551 : memref<128x128xf32, #tpu.memory_space<vmem>>[vector<16xi32>, vector<16xi32>], vector<16xf32>, vector<16xi1>
          %lt3A_563 = arith.constant 128 : i32
          %lt3A_564 = vector.broadcast %lt3A_563 : i32 to vector<16xi32>
          %lt3A_565 = arith.cmpi slt, %select_n3A_167, %lt3A_564 : vector<16xi32>
          %select_n3A_566 = arith.select %lt3A_565, %gather3A_555, %gather3A_562 : vector<16xi1>, vector<16xf32>
          tpu.vector_store_idx %arg10[%broadcast_in_dim3A_543, %select_n3A_164], %select_n3A_566 masked %lt3A_158 : memref<32x256xf32, #tpu.memory_space<vmem>>[vector<16xi32>, vector<16xi32>], vector<16xf32>, vector<16xi1>
          %broadcast_in_dim3A_567 = arith.constant 16 : i32
          %broadcast_in_dim3A_568 = vector.broadcast %broadcast_in_dim3A_567 : i32 to vector<16xi32>
          %lt3A_569 = arith.constant 128 : i32
          %lt3A_570 = vector.broadcast %lt3A_569 : i32 to vector<16xi32>
          %lt3A_571 = arith.cmpi slt, %select_n3A_167, %lt3A_570 : vector<16xi32>
          %and3A_572 = arith.andi %lt3A_158, %lt3A_571 : vector<16xi1>
          %ge3A_573 = arith.constant 128 : i32
          %ge3A_574 = vector.broadcast %ge3A_573 : i32 to vector<16xi32>
          %ge3A_575 = arith.cmpi sge, %select_n3A_167, %ge3A_574 : vector<16xi32>
          %and3A_576 = arith.andi %lt3A_158, %ge3A_575 : vector<16xi1>
          %jit3A_577 = arith.constant 0 : i32
          %broadcast_in_dim3A_578 = vector.broadcast %jit3A_577 : i32 to vector<16xi32>
          %select_n3A_579 = arith.select %and3A_572, %select_n3A_167, %broadcast_in_dim3A_578 : vector<16xi1>, vector<16xi32>
          %gather3A_580 = tpu.vector_load_idx %arg15[%select_n3A_579, %broadcast_in_dim3A_568] masked %and3A_572 : memref<128x128xf32, #tpu.memory_space<vmem>>[vector<16xi32>, vector<16xi32>], vector<16xf32>, vector<16xi1>
          %sub3A_581 = arith.constant 128 : i32
          %sub3A_582 = vector.broadcast %sub3A_581 : i32 to vector<16xi32>
          %sub3A_583 = arith.subi %select_n3A_167, %sub3A_582 : vector<16xi32>
          %jit3A_584 = arith.constant 0 : i32
          %broadcast_in_dim3A_585 = vector.broadcast %jit3A_584 : i32 to vector<16xi32>
          %select_n3A_586 = arith.select %and3A_576, %sub3A_583, %broadcast_in_dim3A_585 : vector<16xi1>, vector<16xi32>
          %gather3A_587 = tpu.vector_load_idx %arg16[%select_n3A_586, %broadcast_in_dim3A_568] masked %and3A_576 : memref<128x128xf32, #tpu.memory_space<vmem>>[vector<16xi32>, vector<16xi32>], vector<16xf32>, vector<16xi1>
          %lt3A_588 = arith.constant 128 : i32
          %lt3A_589 = vector.broadcast %lt3A_588 : i32 to vector<16xi32>
          %lt3A_590 = arith.cmpi slt, %select_n3A_167, %lt3A_589 : vector<16xi32>
          %select_n3A_591 = arith.select %lt3A_590, %gather3A_580, %gather3A_587 : vector<16xi1>, vector<16xf32>
          tpu.vector_store_idx %arg10[%broadcast_in_dim3A_568, %select_n3A_164], %select_n3A_591 masked %lt3A_158 : memref<32x256xf32, #tpu.memory_space<vmem>>[vector<16xi32>, vector<16xi32>], vector<16xf32>, vector<16xi1>
          %broadcast_in_dim3A_592 = arith.constant 17 : i32
          %broadcast_in_dim3A_593 = vector.broadcast %broadcast_in_dim3A_592 : i32 to vector<16xi32>
          %lt3A_594 = arith.constant 128 : i32
          %lt3A_595 = vector.broadcast %lt3A_594 : i32 to vector<16xi32>
          %lt3A_596 = arith.cmpi slt, %select_n3A_167, %lt3A_595 : vector<16xi32>
          %and3A_597 = arith.andi %lt3A_158, %lt3A_596 : vector<16xi1>
          %ge3A_598 = arith.constant 128 : i32
          %ge3A_599 = vector.broadcast %ge3A_598 : i32 to vector<16xi32>
          %ge3A_600 = arith.cmpi sge, %select_n3A_167, %ge3A_599 : vector<16xi32>
          %and3A_601 = arith.andi %lt3A_158, %ge3A_600 : vector<16xi1>
          %jit3A_602 = arith.constant 0 : i32
          %broadcast_in_dim3A_603 = vector.broadcast %jit3A_602 : i32 to vector<16xi32>
          %select_n3A_604 = arith.select %and3A_597, %select_n3A_167, %broadcast_in_dim3A_603 : vector<16xi1>, vector<16xi32>
          %gather3A_605 = tpu.vector_load_idx %arg15[%select_n3A_604, %broadcast_in_dim3A_593] masked %and3A_597 : memref<128x128xf32, #tpu.memory_space<vmem>>[vector<16xi32>, vector<16xi32>], vector<16xf32>, vector<16xi1>
          %sub3A_606 = arith.constant 128 : i32
          %sub3A_607 = vector.broadcast %sub3A_606 : i32 to vector<16xi32>
          %sub3A_608 = arith.subi %select_n3A_167, %sub3A_607 : vector<16xi32>
          %jit3A_609 = arith.constant 0 : i32
          %broadcast_in_dim3A_610 = vector.broadcast %jit3A_609 : i32 to vector<16xi32>
          %select_n3A_611 = arith.select %and3A_601, %sub3A_608, %broadcast_in_dim3A_610 : vector<16xi1>, vector<16xi32>
          %gather3A_612 = tpu.vector_load_idx %arg16[%select_n3A_611, %broadcast_in_dim3A_593] masked %and3A_601 : memref<128x128xf32, #tpu.memory_space<vmem>>[vector<16xi32>, vector<16xi32>], vector<16xf32>, vector<16xi1>
          %lt3A_613 = arith.constant 128 : i32
          %lt3A_614 = vector.broadcast %lt3A_613 : i32 to vector<16xi32>
          %lt3A_615 = arith.cmpi slt, %select_n3A_167, %lt3A_614 : vector<16xi32>
          %select_n3A_616 = arith.select %lt3A_615, %gather3A_605, %gather3A_612 : vector<16xi1>, vector<16xf32>
          tpu.vector_store_idx %arg10[%broadcast_in_dim3A_593, %select_n3A_164], %select_n3A_616 masked %lt3A_158 : memref<32x256xf32, #tpu.memory_space<vmem>>[vector<16xi32>, vector<16xi32>], vector<16xf32>, vector<16xi1>
          %broadcast_in_dim3A_617 = arith.constant 18 : i32
          %broadcast_in_dim3A_618 = vector.broadcast %broadcast_in_dim3A_617 : i32 to vector<16xi32>
          %lt3A_619 = arith.constant 128 : i32
          %lt3A_620 = vector.broadcast %lt3A_619 : i32 to vector<16xi32>
          %lt3A_621 = arith.cmpi slt, %select_n3A_167, %lt3A_620 : vector<16xi32>
          %and3A_622 = arith.andi %lt3A_158, %lt3A_621 : vector<16xi1>
          %ge3A_623 = arith.constant 128 : i32
          %ge3A_624 = vector.broadcast %ge3A_623 : i32 to vector<16xi32>
          %ge3A_625 = arith.cmpi sge, %select_n3A_167, %ge3A_624 : vector<16xi32>
          %and3A_626 = arith.andi %lt3A_158, %ge3A_625 : vector<16xi1>
          %jit3A_627 = arith.constant 0 : i32
          %broadcast_in_dim3A_628 = vector.broadcast %jit3A_627 : i32 to vector<16xi32>
          %select_n3A_629 = arith.select %and3A_622, %select_n3A_167, %broadcast_in_dim3A_628 : vector<16xi1>, vector<16xi32>
          %gather3A_630 = tpu.vector_load_idx %arg15[%select_n3A_629, %broadcast_in_dim3A_618] masked %and3A_622 : memref<128x128xf32, #tpu.memory_space<vmem>>[vector<16xi32>, vector<16xi32>], vector<16xf32>, vector<16xi1>
          %sub3A_631 = arith.constant 128 : i32
          %sub3A_632 = vector.broadcast %sub3A_631 : i32 to vector<16xi32>
          %sub3A_633 = arith.subi %select_n3A_167, %sub3A_632 : vector<16xi32>
          %jit3A_634 = arith.constant 0 : i32
          %broadcast_in_dim3A_635 = vector.broadcast %jit3A_634 : i32 to vector<16xi32>
          %select_n3A_636 = arith.select %and3A_626, %sub3A_633, %broadcast_in_dim3A_635 : vector<16xi1>, vector<16xi32>
          %gather3A_637 = tpu.vector_load_idx %arg16[%select_n3A_636, %broadcast_in_dim3A_618] masked %and3A_626 : memref<128x128xf32, #tpu.memory_space<vmem>>[vector<16xi32>, vector<16xi32>], vector<16xf32>, vector<16xi1>
          %lt3A_638 = arith.constant 128 : i32
          %lt3A_639 = vector.broadcast %lt3A_638 : i32 to vector<16xi32>
          %lt3A_640 = arith.cmpi slt, %select_n3A_167, %lt3A_639 : vector<16xi32>
          %select_n3A_641 = arith.select %lt3A_640, %gather3A_630, %gather3A_637 : vector<16xi1>, vector<16xf32>
          tpu.vector_store_idx %arg10[%broadcast_in_dim3A_618, %select_n3A_164], %select_n3A_641 masked %lt3A_158 : memref<32x256xf32, #tpu.memory_space<vmem>>[vector<16xi32>, vector<16xi32>], vector<16xf32>, vector<16xi1>
          %broadcast_in_dim3A_642 = arith.constant 19 : i32
          %broadcast_in_dim3A_643 = vector.broadcast %broadcast_in_dim3A_642 : i32 to vector<16xi32>
          %lt3A_644 = arith.constant 128 : i32
          %lt3A_645 = vector.broadcast %lt3A_644 : i32 to vector<16xi32>
          %lt3A_646 = arith.cmpi slt, %select_n3A_167, %lt3A_645 : vector<16xi32>
          %and3A_647 = arith.andi %lt3A_158, %lt3A_646 : vector<16xi1>
          %ge3A_648 = arith.constant 128 : i32
          %ge3A_649 = vector.broadcast %ge3A_648 : i32 to vector<16xi32>
          %ge3A_650 = arith.cmpi sge, %select_n3A_167, %ge3A_649 : vector<16xi32>
          %and3A_651 = arith.andi %lt3A_158, %ge3A_650 : vector<16xi1>
          %jit3A_652 = arith.constant 0 : i32
          %broadcast_in_dim3A_653 = vector.broadcast %jit3A_652 : i32 to vector<16xi32>
          %select_n3A_654 = arith.select %and3A_647, %select_n3A_167, %broadcast_in_dim3A_653 : vector<16xi1>, vector<16xi32>
          %gather3A_655 = tpu.vector_load_idx %arg15[%select_n3A_654, %broadcast_in_dim3A_643] masked %and3A_647 : memref<128x128xf32, #tpu.memory_space<vmem>>[vector<16xi32>, vector<16xi32>], vector<16xf32>, vector<16xi1>
          %sub3A_656 = arith.constant 128 : i32
          %sub3A_657 = vector.broadcast %sub3A_656 : i32 to vector<16xi32>
          %sub3A_658 = arith.subi %select_n3A_167, %sub3A_657 : vector<16xi32>
          %jit3A_659 = arith.constant 0 : i32
          %broadcast_in_dim3A_660 = vector.broadcast %jit3A_659 : i32 to vector<16xi32>
          %select_n3A_661 = arith.select %and3A_651, %sub3A_658, %broadcast_in_dim3A_660 : vector<16xi1>, vector<16xi32>
          %gather3A_662 = tpu.vector_load_idx %arg16[%select_n3A_661, %broadcast_in_dim3A_643] masked %and3A_651 : memref<128x128xf32, #tpu.memory_space<vmem>>[vector<16xi32>, vector<16xi32>], vector<16xf32>, vector<16xi1>
          %lt3A_663 = arith.constant 128 : i32
          %lt3A_664 = vector.broadcast %lt3A_663 : i32 to vector<16xi32>
          %lt3A_665 = arith.cmpi slt, %select_n3A_167, %lt3A_664 : vector<16xi32>
          %select_n3A_666 = arith.select %lt3A_665, %gather3A_655, %gather3A_662 : vector<16xi1>, vector<16xf32>
          tpu.vector_store_idx %arg10[%broadcast_in_dim3A_643, %select_n3A_164], %select_n3A_666 masked %lt3A_158 : memref<32x256xf32, #tpu.memory_space<vmem>>[vector<16xi32>, vector<16xi32>], vector<16xf32>, vector<16xi1>
          %broadcast_in_dim3A_667 = arith.constant 20 : i32
          %broadcast_in_dim3A_668 = vector.broadcast %broadcast_in_dim3A_667 : i32 to vector<16xi32>
          %lt3A_669 = arith.constant 128 : i32
          %lt3A_670 = vector.broadcast %lt3A_669 : i32 to vector<16xi32>
          %lt3A_671 = arith.cmpi slt, %select_n3A_167, %lt3A_670 : vector<16xi32>
          %and3A_672 = arith.andi %lt3A_158, %lt3A_671 : vector<16xi1>
          %ge3A_673 = arith.constant 128 : i32
          %ge3A_674 = vector.broadcast %ge3A_673 : i32 to vector<16xi32>
          %ge3A_675 = arith.cmpi sge, %select_n3A_167, %ge3A_674 : vector<16xi32>
          %and3A_676 = arith.andi %lt3A_158, %ge3A_675 : vector<16xi1>
          %jit3A_677 = arith.constant 0 : i32
          %broadcast_in_dim3A_678 = vector.broadcast %jit3A_677 : i32 to vector<16xi32>
          %select_n3A_679 = arith.select %and3A_672, %select_n3A_167, %broadcast_in_dim3A_678 : vector<16xi1>, vector<16xi32>
          %gather3A_680 = tpu.vector_load_idx %arg15[%select_n3A_679, %broadcast_in_dim3A_668] masked %and3A_672 : memref<128x128xf32, #tpu.memory_space<vmem>>[vector<16xi32>, vector<16xi32>], vector<16xf32>, vector<16xi1>
          %sub3A_681 = arith.constant 128 : i32
          %sub3A_682 = vector.broadcast %sub3A_681 : i32 to vector<16xi32>
          %sub3A_683 = arith.subi %select_n3A_167, %sub3A_682 : vector<16xi32>
          %jit3A_684 = arith.constant 0 : i32
          %broadcast_in_dim3A_685 = vector.broadcast %jit3A_684 : i32 to vector<16xi32>
          %select_n3A_686 = arith.select %and3A_676, %sub3A_683, %broadcast_in_dim3A_685 : vector<16xi1>, vector<16xi32>
          %gather3A_687 = tpu.vector_load_idx %arg16[%select_n3A_686, %broadcast_in_dim3A_668] masked %and3A_676 : memref<128x128xf32, #tpu.memory_space<vmem>>[vector<16xi32>, vector<16xi32>], vector<16xf32>, vector<16xi1>
          %lt3A_688 = arith.constant 128 : i32
          %lt3A_689 = vector.broadcast %lt3A_688 : i32 to vector<16xi32>
          %lt3A_690 = arith.cmpi slt, %select_n3A_167, %lt3A_689 : vector<16xi32>
          %select_n3A_691 = arith.select %lt3A_690, %gather3A_680, %gather3A_687 : vector<16xi1>, vector<16xf32>
          tpu.vector_store_idx %arg10[%broadcast_in_dim3A_668, %select_n3A_164], %select_n3A_691 masked %lt3A_158 : memref<32x256xf32, #tpu.memory_space<vmem>>[vector<16xi32>, vector<16xi32>], vector<16xf32>, vector<16xi1>
          %broadcast_in_dim3A_692 = arith.constant 21 : i32
          %broadcast_in_dim3A_693 = vector.broadcast %broadcast_in_dim3A_692 : i32 to vector<16xi32>
          %lt3A_694 = arith.constant 128 : i32
          %lt3A_695 = vector.broadcast %lt3A_694 : i32 to vector<16xi32>
          %lt3A_696 = arith.cmpi slt, %select_n3A_167, %lt3A_695 : vector<16xi32>
          %and3A_697 = arith.andi %lt3A_158, %lt3A_696 : vector<16xi1>
          %ge3A_698 = arith.constant 128 : i32
          %ge3A_699 = vector.broadcast %ge3A_698 : i32 to vector<16xi32>
          %ge3A_700 = arith.cmpi sge, %select_n3A_167, %ge3A_699 : vector<16xi32>
          %and3A_701 = arith.andi %lt3A_158, %ge3A_700 : vector<16xi1>
          %jit3A_702 = arith.constant 0 : i32
          %broadcast_in_dim3A_703 = vector.broadcast %jit3A_702 : i32 to vector<16xi32>
          %select_n3A_704 = arith.select %and3A_697, %select_n3A_167, %broadcast_in_dim3A_703 : vector<16xi1>, vector<16xi32>
          %gather3A_705 = tpu.vector_load_idx %arg15[%select_n3A_704, %broadcast_in_dim3A_693] masked %and3A_697 : memref<128x128xf32, #tpu.memory_space<vmem>>[vector<16xi32>, vector<16xi32>], vector<16xf32>, vector<16xi1>
          %sub3A_706 = arith.constant 128 : i32
          %sub3A_707 = vector.broadcast %sub3A_706 : i32 to vector<16xi32>
          %sub3A_708 = arith.subi %select_n3A_167, %sub3A_707 : vector<16xi32>
          %jit3A_709 = arith.constant 0 : i32
          %broadcast_in_dim3A_710 = vector.broadcast %jit3A_709 : i32 to vector<16xi32>
          %select_n3A_711 = arith.select %and3A_701, %sub3A_708, %broadcast_in_dim3A_710 : vector<16xi1>, vector<16xi32>
          %gather3A_712 = tpu.vector_load_idx %arg16[%select_n3A_711, %broadcast_in_dim3A_693] masked %and3A_701 : memref<128x128xf32, #tpu.memory_space<vmem>>[vector<16xi32>, vector<16xi32>], vector<16xf32>, vector<16xi1>
          %lt3A_713 = arith.constant 128 : i32
          %lt3A_714 = vector.broadcast %lt3A_713 : i32 to vector<16xi32>
          %lt3A_715 = arith.cmpi slt, %select_n3A_167, %lt3A_714 : vector<16xi32>
          %select_n3A_716 = arith.select %lt3A_715, %gather3A_705, %gather3A_712 : vector<16xi1>, vector<16xf32>
          tpu.vector_store_idx %arg10[%broadcast_in_dim3A_693, %select_n3A_164], %select_n3A_716 masked %lt3A_158 : memref<32x256xf32, #tpu.memory_space<vmem>>[vector<16xi32>, vector<16xi32>], vector<16xf32>, vector<16xi1>
          %broadcast_in_dim3A_717 = arith.constant 22 : i32
          %broadcast_in_dim3A_718 = vector.broadcast %broadcast_in_dim3A_717 : i32 to vector<16xi32>
          %lt3A_719 = arith.constant 128 : i32
          %lt3A_720 = vector.broadcast %lt3A_719 : i32 to vector<16xi32>
          %lt3A_721 = arith.cmpi slt, %select_n3A_167, %lt3A_720 : vector<16xi32>
          %and3A_722 = arith.andi %lt3A_158, %lt3A_721 : vector<16xi1>
          %ge3A_723 = arith.constant 128 : i32
          %ge3A_724 = vector.broadcast %ge3A_723 : i32 to vector<16xi32>
          %ge3A_725 = arith.cmpi sge, %select_n3A_167, %ge3A_724 : vector<16xi32>
          %and3A_726 = arith.andi %lt3A_158, %ge3A_725 : vector<16xi1>
          %jit3A_727 = arith.constant 0 : i32
          %broadcast_in_dim3A_728 = vector.broadcast %jit3A_727 : i32 to vector<16xi32>
          %select_n3A_729 = arith.select %and3A_722, %select_n3A_167, %broadcast_in_dim3A_728 : vector<16xi1>, vector<16xi32>
          %gather3A_730 = tpu.vector_load_idx %arg15[%select_n3A_729, %broadcast_in_dim3A_718] masked %and3A_722 : memref<128x128xf32, #tpu.memory_space<vmem>>[vector<16xi32>, vector<16xi32>], vector<16xf32>, vector<16xi1>
          %sub3A_731 = arith.constant 128 : i32
          %sub3A_732 = vector.broadcast %sub3A_731 : i32 to vector<16xi32>
          %sub3A_733 = arith.subi %select_n3A_167, %sub3A_732 : vector<16xi32>
          %jit3A_734 = arith.constant 0 : i32
          %broadcast_in_dim3A_735 = vector.broadcast %jit3A_734 : i32 to vector<16xi32>
          %select_n3A_736 = arith.select %and3A_726, %sub3A_733, %broadcast_in_dim3A_735 : vector<16xi1>, vector<16xi32>
          %gather3A_737 = tpu.vector_load_idx %arg16[%select_n3A_736, %broadcast_in_dim3A_718] masked %and3A_726 : memref<128x128xf32, #tpu.memory_space<vmem>>[vector<16xi32>, vector<16xi32>], vector<16xf32>, vector<16xi1>
          %lt3A_738 = arith.constant 128 : i32
          %lt3A_739 = vector.broadcast %lt3A_738 : i32 to vector<16xi32>
          %lt3A_740 = arith.cmpi slt, %select_n3A_167, %lt3A_739 : vector<16xi32>
          %select_n3A_741 = arith.select %lt3A_740, %gather3A_730, %gather3A_737 : vector<16xi1>, vector<16xf32>
          tpu.vector_store_idx %arg10[%broadcast_in_dim3A_718, %select_n3A_164], %select_n3A_741 masked %lt3A_158 : memref<32x256xf32, #tpu.memory_space<vmem>>[vector<16xi32>, vector<16xi32>], vector<16xf32>, vector<16xi1>
          %broadcast_in_dim3A_742 = arith.constant 23 : i32
          %broadcast_in_dim3A_743 = vector.broadcast %broadcast_in_dim3A_742 : i32 to vector<16xi32>
          %lt3A_744 = arith.constant 128 : i32
          %lt3A_745 = vector.broadcast %lt3A_744 : i32 to vector<16xi32>
          %lt3A_746 = arith.cmpi slt, %select_n3A_167, %lt3A_745 : vector<16xi32>
          %and3A_747 = arith.andi %lt3A_158, %lt3A_746 : vector<16xi1>
          %ge3A_748 = arith.constant 128 : i32
          %ge3A_749 = vector.broadcast %ge3A_748 : i32 to vector<16xi32>
          %ge3A_750 = arith.cmpi sge, %select_n3A_167, %ge3A_749 : vector<16xi32>
          %and3A_751 = arith.andi %lt3A_158, %ge3A_750 : vector<16xi1>
          %jit3A_752 = arith.constant 0 : i32
          %broadcast_in_dim3A_753 = vector.broadcast %jit3A_752 : i32 to vector<16xi32>
          %select_n3A_754 = arith.select %and3A_747, %select_n3A_167, %broadcast_in_dim3A_753 : vector<16xi1>, vector<16xi32>
          %gather3A_755 = tpu.vector_load_idx %arg15[%select_n3A_754, %broadcast_in_dim3A_743] masked %and3A_747 : memref<128x128xf32, #tpu.memory_space<vmem>>[vector<16xi32>, vector<16xi32>], vector<16xf32>, vector<16xi1>
          %sub3A_756 = arith.constant 128 : i32
          %sub3A_757 = vector.broadcast %sub3A_756 : i32 to vector<16xi32>
          %sub3A_758 = arith.subi %select_n3A_167, %sub3A_757 : vector<16xi32>
          %jit3A_759 = arith.constant 0 : i32
          %broadcast_in_dim3A_760 = vector.broadcast %jit3A_759 : i32 to vector<16xi32>
          %select_n3A_761 = arith.select %and3A_751, %sub3A_758, %broadcast_in_dim3A_760 : vector<16xi1>, vector<16xi32>
          %gather3A_762 = tpu.vector_load_idx %arg16[%select_n3A_761, %broadcast_in_dim3A_743] masked %and3A_751 : memref<128x128xf32, #tpu.memory_space<vmem>>[vector<16xi32>, vector<16xi32>], vector<16xf32>, vector<16xi1>
          %lt3A_763 = arith.constant 128 : i32
          %lt3A_764 = vector.broadcast %lt3A_763 : i32 to vector<16xi32>
          %lt3A_765 = arith.cmpi slt, %select_n3A_167, %lt3A_764 : vector<16xi32>
          %select_n3A_766 = arith.select %lt3A_765, %gather3A_755, %gather3A_762 : vector<16xi1>, vector<16xf32>
          tpu.vector_store_idx %arg10[%broadcast_in_dim3A_743, %select_n3A_164], %select_n3A_766 masked %lt3A_158 : memref<32x256xf32, #tpu.memory_space<vmem>>[vector<16xi32>, vector<16xi32>], vector<16xf32>, vector<16xi1>
          %broadcast_in_dim3A_767 = arith.constant 24 : i32
          %broadcast_in_dim3A_768 = vector.broadcast %broadcast_in_dim3A_767 : i32 to vector<16xi32>
          %lt3A_769 = arith.constant 128 : i32
          %lt3A_770 = vector.broadcast %lt3A_769 : i32 to vector<16xi32>
          %lt3A_771 = arith.cmpi slt, %select_n3A_167, %lt3A_770 : vector<16xi32>
          %and3A_772 = arith.andi %lt3A_158, %lt3A_771 : vector<16xi1>
          %ge3A_773 = arith.constant 128 : i32
          %ge3A_774 = vector.broadcast %ge3A_773 : i32 to vector<16xi32>
          %ge3A_775 = arith.cmpi sge, %select_n3A_167, %ge3A_774 : vector<16xi32>
          %and3A_776 = arith.andi %lt3A_158, %ge3A_775 : vector<16xi1>
          %jit3A_777 = arith.constant 0 : i32
          %broadcast_in_dim3A_778 = vector.broadcast %jit3A_777 : i32 to vector<16xi32>
          %select_n3A_779 = arith.select %and3A_772, %select_n3A_167, %broadcast_in_dim3A_778 : vector<16xi1>, vector<16xi32>
          %gather3A_780 = tpu.vector_load_idx %arg15[%select_n3A_779, %broadcast_in_dim3A_768] masked %and3A_772 : memref<128x128xf32, #tpu.memory_space<vmem>>[vector<16xi32>, vector<16xi32>], vector<16xf32>, vector<16xi1>
          %sub3A_781 = arith.constant 128 : i32
          %sub3A_782 = vector.broadcast %sub3A_781 : i32 to vector<16xi32>
          %sub3A_783 = arith.subi %select_n3A_167, %sub3A_782 : vector<16xi32>
          %jit3A_784 = arith.constant 0 : i32
          %broadcast_in_dim3A_785 = vector.broadcast %jit3A_784 : i32 to vector<16xi32>
          %select_n3A_786 = arith.select %and3A_776, %sub3A_783, %broadcast_in_dim3A_785 : vector<16xi1>, vector<16xi32>
          %gather3A_787 = tpu.vector_load_idx %arg16[%select_n3A_786, %broadcast_in_dim3A_768] masked %and3A_776 : memref<128x128xf32, #tpu.memory_space<vmem>>[vector<16xi32>, vector<16xi32>], vector<16xf32>, vector<16xi1>
          %lt3A_788 = arith.constant 128 : i32
          %lt3A_789 = vector.broadcast %lt3A_788 : i32 to vector<16xi32>
          %lt3A_790 = arith.cmpi slt, %select_n3A_167, %lt3A_789 : vector<16xi32>
          %select_n3A_791 = arith.select %lt3A_790, %gather3A_780, %gather3A_787 : vector<16xi1>, vector<16xf32>
          tpu.vector_store_idx %arg10[%broadcast_in_dim3A_768, %select_n3A_164], %select_n3A_791 masked %lt3A_158 : memref<32x256xf32, #tpu.memory_space<vmem>>[vector<16xi32>, vector<16xi32>], vector<16xf32>, vector<16xi1>
          %broadcast_in_dim3A_792 = arith.constant 25 : i32
          %broadcast_in_dim3A_793 = vector.broadcast %broadcast_in_dim3A_792 : i32 to vector<16xi32>
          %lt3A_794 = arith.constant 128 : i32
          %lt3A_795 = vector.broadcast %lt3A_794 : i32 to vector<16xi32>
          %lt3A_796 = arith.cmpi slt, %select_n3A_167, %lt3A_795 : vector<16xi32>
          %and3A_797 = arith.andi %lt3A_158, %lt3A_796 : vector<16xi1>
          %ge3A_798 = arith.constant 128 : i32
          %ge3A_799 = vector.broadcast %ge3A_798 : i32 to vector<16xi32>
          %ge3A_800 = arith.cmpi sge, %select_n3A_167, %ge3A_799 : vector<16xi32>
          %and3A_801 = arith.andi %lt3A_158, %ge3A_800 : vector<16xi1>
          %jit3A_802 = arith.constant 0 : i32
          %broadcast_in_dim3A_803 = vector.broadcast %jit3A_802 : i32 to vector<16xi32>
          %select_n3A_804 = arith.select %and3A_797, %select_n3A_167, %broadcast_in_dim3A_803 : vector<16xi1>, vector<16xi32>
          %gather3A_805 = tpu.vector_load_idx %arg15[%select_n3A_804, %broadcast_in_dim3A_793] masked %and3A_797 : memref<128x128xf32, #tpu.memory_space<vmem>>[vector<16xi32>, vector<16xi32>], vector<16xf32>, vector<16xi1>
          %sub3A_806 = arith.constant 128 : i32
          %sub3A_807 = vector.broadcast %sub3A_806 : i32 to vector<16xi32>
          %sub3A_808 = arith.subi %select_n3A_167, %sub3A_807 : vector<16xi32>
          %jit3A_809 = arith.constant 0 : i32
          %broadcast_in_dim3A_810 = vector.broadcast %jit3A_809 : i32 to vector<16xi32>
          %select_n3A_811 = arith.select %and3A_801, %sub3A_808, %broadcast_in_dim3A_810 : vector<16xi1>, vector<16xi32>
          %gather3A_812 = tpu.vector_load_idx %arg16[%select_n3A_811, %broadcast_in_dim3A_793] masked %and3A_801 : memref<128x128xf32, #tpu.memory_space<vmem>>[vector<16xi32>, vector<16xi32>], vector<16xf32>, vector<16xi1>
          %lt3A_813 = arith.constant 128 : i32
          %lt3A_814 = vector.broadcast %lt3A_813 : i32 to vector<16xi32>
          %lt3A_815 = arith.cmpi slt, %select_n3A_167, %lt3A_814 : vector<16xi32>
          %select_n3A_816 = arith.select %lt3A_815, %gather3A_805, %gather3A_812 : vector<16xi1>, vector<16xf32>
          tpu.vector_store_idx %arg10[%broadcast_in_dim3A_793, %select_n3A_164], %select_n3A_816 masked %lt3A_158 : memref<32x256xf32, #tpu.memory_space<vmem>>[vector<16xi32>, vector<16xi32>], vector<16xf32>, vector<16xi1>
          %broadcast_in_dim3A_817 = arith.constant 26 : i32
          %broadcast_in_dim3A_818 = vector.broadcast %broadcast_in_dim3A_817 : i32 to vector<16xi32>
          %lt3A_819 = arith.constant 128 : i32
          %lt3A_820 = vector.broadcast %lt3A_819 : i32 to vector<16xi32>
          %lt3A_821 = arith.cmpi slt, %select_n3A_167, %lt3A_820 : vector<16xi32>
          %and3A_822 = arith.andi %lt3A_158, %lt3A_821 : vector<16xi1>
          %ge3A_823 = arith.constant 128 : i32
          %ge3A_824 = vector.broadcast %ge3A_823 : i32 to vector<16xi32>
          %ge3A_825 = arith.cmpi sge, %select_n3A_167, %ge3A_824 : vector<16xi32>
          %and3A_826 = arith.andi %lt3A_158, %ge3A_825 : vector<16xi1>
          %jit3A_827 = arith.constant 0 : i32
          %broadcast_in_dim3A_828 = vector.broadcast %jit3A_827 : i32 to vector<16xi32>
          %select_n3A_829 = arith.select %and3A_822, %select_n3A_167, %broadcast_in_dim3A_828 : vector<16xi1>, vector<16xi32>
          %gather3A_830 = tpu.vector_load_idx %arg15[%select_n3A_829, %broadcast_in_dim3A_818] masked %and3A_822 : memref<128x128xf32, #tpu.memory_space<vmem>>[vector<16xi32>, vector<16xi32>], vector<16xf32>, vector<16xi1>
          %sub3A_831 = arith.constant 128 : i32
          %sub3A_832 = vector.broadcast %sub3A_831 : i32 to vector<16xi32>
          %sub3A_833 = arith.subi %select_n3A_167, %sub3A_832 : vector<16xi32>
          %jit3A_834 = arith.constant 0 : i32
          %broadcast_in_dim3A_835 = vector.broadcast %jit3A_834 : i32 to vector<16xi32>
          %select_n3A_836 = arith.select %and3A_826, %sub3A_833, %broadcast_in_dim3A_835 : vector<16xi1>, vector<16xi32>
          %gather3A_837 = tpu.vector_load_idx %arg16[%select_n3A_836, %broadcast_in_dim3A_818] masked %and3A_826 : memref<128x128xf32, #tpu.memory_space<vmem>>[vector<16xi32>, vector<16xi32>], vector<16xf32>, vector<16xi1>
          %lt3A_838 = arith.constant 128 : i32
          %lt3A_839 = vector.broadcast %lt3A_838 : i32 to vector<16xi32>
          %lt3A_840 = arith.cmpi slt, %select_n3A_167, %lt3A_839 : vector<16xi32>
          %select_n3A_841 = arith.select %lt3A_840, %gather3A_830, %gather3A_837 : vector<16xi1>, vector<16xf32>
          tpu.vector_store_idx %arg10[%broadcast_in_dim3A_818, %select_n3A_164], %select_n3A_841 masked %lt3A_158 : memref<32x256xf32, #tpu.memory_space<vmem>>[vector<16xi32>, vector<16xi32>], vector<16xf32>, vector<16xi1>
          %broadcast_in_dim3A_842 = arith.constant 27 : i32
          %broadcast_in_dim3A_843 = vector.broadcast %broadcast_in_dim3A_842 : i32 to vector<16xi32>
          %lt3A_844 = arith.constant 128 : i32
          %lt3A_845 = vector.broadcast %lt3A_844 : i32 to vector<16xi32>
          %lt3A_846 = arith.cmpi slt, %select_n3A_167, %lt3A_845 : vector<16xi32>
          %and3A_847 = arith.andi %lt3A_158, %lt3A_846 : vector<16xi1>
          %ge3A_848 = arith.constant 128 : i32
          %ge3A_849 = vector.broadcast %ge3A_848 : i32 to vector<16xi32>
          %ge3A_850 = arith.cmpi sge, %select_n3A_167, %ge3A_849 : vector<16xi32>
          %and3A_851 = arith.andi %lt3A_158, %ge3A_850 : vector<16xi1>
          %jit3A_852 = arith.constant 0 : i32
          %broadcast_in_dim3A_853 = vector.broadcast %jit3A_852 : i32 to vector<16xi32>
          %select_n3A_854 = arith.select %and3A_847, %select_n3A_167, %broadcast_in_dim3A_853 : vector<16xi1>, vector<16xi32>
          %gather3A_855 = tpu.vector_load_idx %arg15[%select_n3A_854, %broadcast_in_dim3A_843] masked %and3A_847 : memref<128x128xf32, #tpu.memory_space<vmem>>[vector<16xi32>, vector<16xi32>], vector<16xf32>, vector<16xi1>
          %sub3A_856 = arith.constant 128 : i32
          %sub3A_857 = vector.broadcast %sub3A_856 : i32 to vector<16xi32>
          %sub3A_858 = arith.subi %select_n3A_167, %sub3A_857 : vector<16xi32>
          %jit3A_859 = arith.constant 0 : i32
          %broadcast_in_dim3A_860 = vector.broadcast %jit3A_859 : i32 to vector<16xi32>
          %select_n3A_861 = arith.select %and3A_851, %sub3A_858, %broadcast_in_dim3A_860 : vector<16xi1>, vector<16xi32>
          %gather3A_862 = tpu.vector_load_idx %arg16[%select_n3A_861, %broadcast_in_dim3A_843] masked %and3A_851 : memref<128x128xf32, #tpu.memory_space<vmem>>[vector<16xi32>, vector<16xi32>], vector<16xf32>, vector<16xi1>
          %lt3A_863 = arith.constant 128 : i32
          %lt3A_864 = vector.broadcast %lt3A_863 : i32 to vector<16xi32>
          %lt3A_865 = arith.cmpi slt, %select_n3A_167, %lt3A_864 : vector<16xi32>
          %select_n3A_866 = arith.select %lt3A_865, %gather3A_855, %gather3A_862 : vector<16xi1>, vector<16xf32>
          tpu.vector_store_idx %arg10[%broadcast_in_dim3A_843, %select_n3A_164], %select_n3A_866 masked %lt3A_158 : memref<32x256xf32, #tpu.memory_space<vmem>>[vector<16xi32>, vector<16xi32>], vector<16xf32>, vector<16xi1>
          %broadcast_in_dim3A_867 = arith.constant 28 : i32
          %broadcast_in_dim3A_868 = vector.broadcast %broadcast_in_dim3A_867 : i32 to vector<16xi32>
          %lt3A_869 = arith.constant 128 : i32
          %lt3A_870 = vector.broadcast %lt3A_869 : i32 to vector<16xi32>
          %lt3A_871 = arith.cmpi slt, %select_n3A_167, %lt3A_870 : vector<16xi32>
          %and3A_872 = arith.andi %lt3A_158, %lt3A_871 : vector<16xi1>
          %ge3A_873 = arith.constant 128 : i32
          %ge3A_874 = vector.broadcast %ge3A_873 : i32 to vector<16xi32>
          %ge3A_875 = arith.cmpi sge, %select_n3A_167, %ge3A_874 : vector<16xi32>
          %and3A_876 = arith.andi %lt3A_158, %ge3A_875 : vector<16xi1>
          %jit3A_877 = arith.constant 0 : i32
          %broadcast_in_dim3A_878 = vector.broadcast %jit3A_877 : i32 to vector<16xi32>
          %select_n3A_879 = arith.select %and3A_872, %select_n3A_167, %broadcast_in_dim3A_878 : vector<16xi1>, vector<16xi32>
          %gather3A_880 = tpu.vector_load_idx %arg15[%select_n3A_879, %broadcast_in_dim3A_868] masked %and3A_872 : memref<128x128xf32, #tpu.memory_space<vmem>>[vector<16xi32>, vector<16xi32>], vector<16xf32>, vector<16xi1>
          %sub3A_881 = arith.constant 128 : i32
          %sub3A_882 = vector.broadcast %sub3A_881 : i32 to vector<16xi32>
          %sub3A_883 = arith.subi %select_n3A_167, %sub3A_882 : vector<16xi32>
          %jit3A_884 = arith.constant 0 : i32
          %broadcast_in_dim3A_885 = vector.broadcast %jit3A_884 : i32 to vector<16xi32>
          %select_n3A_886 = arith.select %and3A_876, %sub3A_883, %broadcast_in_dim3A_885 : vector<16xi1>, vector<16xi32>
          %gather3A_887 = tpu.vector_load_idx %arg16[%select_n3A_886, %broadcast_in_dim3A_868] masked %and3A_876 : memref<128x128xf32, #tpu.memory_space<vmem>>[vector<16xi32>, vector<16xi32>], vector<16xf32>, vector<16xi1>
          %lt3A_888 = arith.constant 128 : i32
          %lt3A_889 = vector.broadcast %lt3A_888 : i32 to vector<16xi32>
          %lt3A_890 = arith.cmpi slt, %select_n3A_167, %lt3A_889 : vector<16xi32>
          %select_n3A_891 = arith.select %lt3A_890, %gather3A_880, %gather3A_887 : vector<16xi1>, vector<16xf32>
          tpu.vector_store_idx %arg10[%broadcast_in_dim3A_868, %select_n3A_164], %select_n3A_891 masked %lt3A_158 : memref<32x256xf32, #tpu.memory_space<vmem>>[vector<16xi32>, vector<16xi32>], vector<16xf32>, vector<16xi1>
          %broadcast_in_dim3A_892 = arith.constant 29 : i32
          %broadcast_in_dim3A_893 = vector.broadcast %broadcast_in_dim3A_892 : i32 to vector<16xi32>
          %lt3A_894 = arith.constant 128 : i32
          %lt3A_895 = vector.broadcast %lt3A_894 : i32 to vector<16xi32>
          %lt3A_896 = arith.cmpi slt, %select_n3A_167, %lt3A_895 : vector<16xi32>
          %and3A_897 = arith.andi %lt3A_158, %lt3A_896 : vector<16xi1>
          %ge3A_898 = arith.constant 128 : i32
          %ge3A_899 = vector.broadcast %ge3A_898 : i32 to vector<16xi32>
          %ge3A_900 = arith.cmpi sge, %select_n3A_167, %ge3A_899 : vector<16xi32>
          %and3A_901 = arith.andi %lt3A_158, %ge3A_900 : vector<16xi1>
          %jit3A_902 = arith.constant 0 : i32
          %broadcast_in_dim3A_903 = vector.broadcast %jit3A_902 : i32 to vector<16xi32>
          %select_n3A_904 = arith.select %and3A_897, %select_n3A_167, %broadcast_in_dim3A_903 : vector<16xi1>, vector<16xi32>
          %gather3A_905 = tpu.vector_load_idx %arg15[%select_n3A_904, %broadcast_in_dim3A_893] masked %and3A_897 : memref<128x128xf32, #tpu.memory_space<vmem>>[vector<16xi32>, vector<16xi32>], vector<16xf32>, vector<16xi1>
          %sub3A_906 = arith.constant 128 : i32
          %sub3A_907 = vector.broadcast %sub3A_906 : i32 to vector<16xi32>
          %sub3A_908 = arith.subi %select_n3A_167, %sub3A_907 : vector<16xi32>
          %jit3A_909 = arith.constant 0 : i32
          %broadcast_in_dim3A_910 = vector.broadcast %jit3A_909 : i32 to vector<16xi32>
          %select_n3A_911 = arith.select %and3A_901, %sub3A_908, %broadcast_in_dim3A_910 : vector<16xi1>, vector<16xi32>
          %gather3A_912 = tpu.vector_load_idx %arg16[%select_n3A_911, %broadcast_in_dim3A_893] masked %and3A_901 : memref<128x128xf32, #tpu.memory_space<vmem>>[vector<16xi32>, vector<16xi32>], vector<16xf32>, vector<16xi1>
          %lt3A_913 = arith.constant 128 : i32
          %lt3A_914 = vector.broadcast %lt3A_913 : i32 to vector<16xi32>
          %lt3A_915 = arith.cmpi slt, %select_n3A_167, %lt3A_914 : vector<16xi32>
          %select_n3A_916 = arith.select %lt3A_915, %gather3A_905, %gather3A_912 : vector<16xi1>, vector<16xf32>
          tpu.vector_store_idx %arg10[%broadcast_in_dim3A_893, %select_n3A_164], %select_n3A_916 masked %lt3A_158 : memref<32x256xf32, #tpu.memory_space<vmem>>[vector<16xi32>, vector<16xi32>], vector<16xf32>, vector<16xi1>
          %broadcast_in_dim3A_917 = arith.constant 30 : i32
          %broadcast_in_dim3A_918 = vector.broadcast %broadcast_in_dim3A_917 : i32 to vector<16xi32>
          %lt3A_919 = arith.constant 128 : i32
          %lt3A_920 = vector.broadcast %lt3A_919 : i32 to vector<16xi32>
          %lt3A_921 = arith.cmpi slt, %select_n3A_167, %lt3A_920 : vector<16xi32>
          %and3A_922 = arith.andi %lt3A_158, %lt3A_921 : vector<16xi1>
          %ge3A_923 = arith.constant 128 : i32
          %ge3A_924 = vector.broadcast %ge3A_923 : i32 to vector<16xi32>
          %ge3A_925 = arith.cmpi sge, %select_n3A_167, %ge3A_924 : vector<16xi32>
          %and3A_926 = arith.andi %lt3A_158, %ge3A_925 : vector<16xi1>
          %jit3A_927 = arith.constant 0 : i32
          %broadcast_in_dim3A_928 = vector.broadcast %jit3A_927 : i32 to vector<16xi32>
          %select_n3A_929 = arith.select %and3A_922, %select_n3A_167, %broadcast_in_dim3A_928 : vector<16xi1>, vector<16xi32>
          %gather3A_930 = tpu.vector_load_idx %arg15[%select_n3A_929, %broadcast_in_dim3A_918] masked %and3A_922 : memref<128x128xf32, #tpu.memory_space<vmem>>[vector<16xi32>, vector<16xi32>], vector<16xf32>, vector<16xi1>
          %sub3A_931 = arith.constant 128 : i32
          %sub3A_932 = vector.broadcast %sub3A_931 : i32 to vector<16xi32>
          %sub3A_933 = arith.subi %select_n3A_167, %sub3A_932 : vector<16xi32>
          %jit3A_934 = arith.constant 0 : i32
          %broadcast_in_dim3A_935 = vector.broadcast %jit3A_934 : i32 to vector<16xi32>
          %select_n3A_936 = arith.select %and3A_926, %sub3A_933, %broadcast_in_dim3A_935 : vector<16xi1>, vector<16xi32>
          %gather3A_937 = tpu.vector_load_idx %arg16[%select_n3A_936, %broadcast_in_dim3A_918] masked %and3A_926 : memref<128x128xf32, #tpu.memory_space<vmem>>[vector<16xi32>, vector<16xi32>], vector<16xf32>, vector<16xi1>
          %lt3A_938 = arith.constant 128 : i32
          %lt3A_939 = vector.broadcast %lt3A_938 : i32 to vector<16xi32>
          %lt3A_940 = arith.cmpi slt, %select_n3A_167, %lt3A_939 : vector<16xi32>
          %select_n3A_941 = arith.select %lt3A_940, %gather3A_930, %gather3A_937 : vector<16xi1>, vector<16xf32>
          tpu.vector_store_idx %arg10[%broadcast_in_dim3A_918, %select_n3A_164], %select_n3A_941 masked %lt3A_158 : memref<32x256xf32, #tpu.memory_space<vmem>>[vector<16xi32>, vector<16xi32>], vector<16xf32>, vector<16xi1>
          %broadcast_in_dim3A_942 = arith.constant 31 : i32
          %broadcast_in_dim3A_943 = vector.broadcast %broadcast_in_dim3A_942 : i32 to vector<16xi32>
          %lt3A_944 = arith.constant 128 : i32
          %lt3A_945 = vector.broadcast %lt3A_944 : i32 to vector<16xi32>
          %lt3A_946 = arith.cmpi slt, %select_n3A_167, %lt3A_945 : vector<16xi32>
          %and3A_947 = arith.andi %lt3A_158, %lt3A_946 : vector<16xi1>
          %ge3A_948 = arith.constant 128 : i32
          %ge3A_949 = vector.broadcast %ge3A_948 : i32 to vector<16xi32>
          %ge3A_950 = arith.cmpi sge, %select_n3A_167, %ge3A_949 : vector<16xi32>
          %and3A_951 = arith.andi %lt3A_158, %ge3A_950 : vector<16xi1>
          %jit3A_952 = arith.constant 0 : i32
          %broadcast_in_dim3A_953 = vector.broadcast %jit3A_952 : i32 to vector<16xi32>
          %select_n3A_954 = arith.select %and3A_947, %select_n3A_167, %broadcast_in_dim3A_953 : vector<16xi1>, vector<16xi32>
          %gather3A_955 = tpu.vector_load_idx %arg15[%select_n3A_954, %broadcast_in_dim3A_943] masked %and3A_947 : memref<128x128xf32, #tpu.memory_space<vmem>>[vector<16xi32>, vector<16xi32>], vector<16xf32>, vector<16xi1>
          %sub3A_956 = arith.constant 128 : i32
          %sub3A_957 = vector.broadcast %sub3A_956 : i32 to vector<16xi32>
          %sub3A_958 = arith.subi %select_n3A_167, %sub3A_957 : vector<16xi32>
          %jit3A_959 = arith.constant 0 : i32
          %broadcast_in_dim3A_960 = vector.broadcast %jit3A_959 : i32 to vector<16xi32>
          %select_n3A_961 = arith.select %and3A_951, %sub3A_958, %broadcast_in_dim3A_960 : vector<16xi1>, vector<16xi32>
          %gather3A_962 = tpu.vector_load_idx %arg16[%select_n3A_961, %broadcast_in_dim3A_943] masked %and3A_951 : memref<128x128xf32, #tpu.memory_space<vmem>>[vector<16xi32>, vector<16xi32>], vector<16xf32>, vector<16xi1>
          %lt3A_963 = arith.constant 128 : i32
          %lt3A_964 = vector.broadcast %lt3A_963 : i32 to vector<16xi32>
          %lt3A_965 = arith.cmpi slt, %select_n3A_167, %lt3A_964 : vector<16xi32>
          %select_n3A_966 = arith.select %lt3A_965, %gather3A_955, %gather3A_962 : vector<16xi1>, vector<16xf32>
          tpu.vector_store_idx %arg10[%broadcast_in_dim3A_943, %select_n3A_164], %select_n3A_966 masked %lt3A_158 : memref<32x256xf32, #tpu.memory_space<vmem>>[vector<16xi32>, vector<16xi32>], vector<16xf32>, vector<16xi1>
          %while3A_967 = arith.constant 0 : i32
          scf.yield %while3A_967 : i32
        }
      } else {
      }
      %add3A_66 = arith.addi %mul3A_2, %mul3A_53 : i32
      "tpu.region"() ({
        %run_scoped3A = tpu.sem_alloc : memref<!tpu.dma_semaphore, #tpu.memory_space<semaphore_mem>>
        %dma_start3A = arith.constant 0 : i32
        %dma_start3A_68 = tpu.memref_slice %arg6[%dma_start3A, %add3A_66] : memref<32x1000000xf32, #tpu.memory_space<hbm>> -> memref<32x256xf32, #tpu.memory_space<hbm>>
        %dma_start3A_69 = arith.constant 0 : i32
        %dma_start3A_70 = tpu.memref_slice %arg6[%dma_start3A_69, %add3A_66] : memref<32x1000000xf32, #tpu.memory_space<hbm>> -> memref<32x256xf32, #tpu.memory_space<hbm>>
        tpu.enqueue_dma source(%arg10 : memref<32x256xf32, #tpu.memory_space<vmem>>) target(%dma_start3A_70 : memref<32x256xf32, #tpu.memory_space<hbm>>) target_semaphore(%run_scoped3A : memref<!tpu.dma_semaphore, #tpu.memory_space<semaphore_mem>>)
        %dma_wait3A = arith.constant 0 : i32
        %dma_wait3A_71 = tpu.memref_slice %arg6[%dma_wait3A, %add3A_66] : memref<32x1000000xf32, #tpu.memory_space<hbm>> -> memref<32x256xf32, #tpu.memory_space<hbm>>
        %dma_wait3A_72 = arith.constant 0 : i32
        %dma_wait3A_73 = tpu.memref_slice %arg6[%dma_wait3A_72, %add3A_66] : memref<32x1000000xf32, #tpu.memory_space<hbm>> -> memref<32x256xf32, #tpu.memory_space<hbm>>
        tpu.wait_dma2 semaphore(%run_scoped3A : memref<!tpu.dma_semaphore, #tpu.memory_space<semaphore_mem>>) src(%arg10 : memref<32x256xf32, #tpu.memory_space<vmem>>) dst(%dma_wait3A_73 : memref<32x256xf32, #tpu.memory_space<hbm>>)
        tpu.yield
      }) : () -> ()
      %while3A_67 = arith.constant 0 : i32
      scf.yield %while3A_67 : i32
    }
    %while3A_45 = arith.constant 1 : i32
    %while3A_46 = scf.for %while3A_50 = %while3A_42 to %while3A_38 step %while3A_45 iter_args(%while3A_51 = %while3A_44) -> (i32)  : i32 {
      %mul3A_52 = arith.constant 256 : i32
      %mul3A_53 = arith.muli %while3A_50, %mul3A_52 : i32
      %add3A_54 = arith.addi %mul3A_2, %mul3A_53 : i32
      "tpu.region"() ({
        %run_scoped3A = tpu.sem_alloc : memref<!tpu.dma_semaphore, #tpu.memory_space<semaphore_mem>>
        %dma_start3A = arith.constant 0 : i32
        %dma_start3A_68 = tpu.memref_slice %arg5[%dma_start3A, %add3A_54] : memref<32x1000000xf32, #tpu.memory_space<hbm>> -> memref<32x256xf32, #tpu.memory_space<hbm>>
        %dma_start3A_69 = arith.constant 0 : i32
        %dma_start3A_70 = tpu.memref_slice %arg5[%dma_start3A_69, %add3A_54] : memref<32x1000000xf32, #tpu.memory_space<hbm>> -> memref<32x256xf32, #tpu.memory_space<hbm>>
        tpu.enqueue_dma source(%dma_start3A_70 : memref<32x256xf32, #tpu.memory_space<hbm>>) target(%arg10 : memref<32x256xf32, #tpu.memory_space<vmem>>) target_semaphore(%run_scoped3A : memref<!tpu.dma_semaphore, #tpu.memory_space<semaphore_mem>>)
        %dma_wait3A = arith.constant 0 : i32
        %dma_wait3A_71 = tpu.memref_slice %arg5[%dma_wait3A, %add3A_54] : memref<32x1000000xf32, #tpu.memory_space<hbm>> -> memref<32x256xf32, #tpu.memory_space<hbm>>
        %dma_wait3A_72 = arith.constant 0 : i32
        %dma_wait3A_73 = tpu.memref_slice %arg5[%dma_wait3A_72, %add3A_54] : memref<32x1000000xf32, #tpu.memory_space<hbm>> -> memref<32x256xf32, #tpu.memory_space<hbm>>
        tpu.wait_dma2 semaphore(%run_scoped3A : memref<!tpu.dma_semaphore, #tpu.memory_space<semaphore_mem>>) src(%dma_wait3A_73 : memref<32x256xf32, #tpu.memory_space<hbm>>) dst(%arg10 : memref<32x256xf32, #tpu.memory_space<vmem>>)
        tpu.yield
      }) : () -> ()
      %scan3A_55 = arith.constant 0 : i32
      %scan3A_56 = arith.constant 0 : i32
      %scan3A_57 = arith.constant 16 : i32
      %scan3A_58 = arith.addi %scan3A_56, %scan3A_57 : i32
      %scan3A_59 = arith.constant 1 : i32
      %scan3A_60 = scf.for %scan3A_68 = %scan3A_56 to %scan3A_58 step %scan3A_59 iter_args(%scan3A_69 = %scan3A_55) -> (i32)  : i32 {
        %mul3A_70 = arith.constant 16 : i32
        %mul3A_71 = arith.muli %scan3A_68, %mul3A_70 : i32
        %add3A_72 = arith.addi %mul3A_53, %mul3A_71 : i32
        %get3A = arith.index_cast %add3A_72 : i32 to index
        %get3A_73 = tpu.vector_load %arg9[%get3A] {strides = array<i32>} : memref<31808xi32, #tpu.memory_space<vmem>>, vector<16xi32>,
        %ge3A = arith.constant 0 : i32
        %ge3A_74 = vector.broadcast %ge3A : i32 to vector<16xi32>
        %ge3A_75 = arith.cmpi sge, %get3A_73, %ge3A_74 : vector<16xi32>
        %convert_element_type3A_76 = arith.extui %ge3A_75 : vector<16xi1> to vector<16xi32>
        %broadcast_in_dim3A = arith.constant true
        %broadcast_in_dim3A_77 = vector.broadcast %broadcast_in_dim3A : i1 to vector<16xi1>
        %masked_cumsum3A = tpu.scan <sum>, %convert_element_type3A_76 masked %broadcast_in_dim3A_77 : vector<16xi32>, vector<16xi1> -> vector<16xi32>
        %add3A_78 = vector.broadcast %scan3A_69 : i32 to vector<16xi32>
        %add3A_79 = arith.addi %add3A_78, %masked_cumsum3A : vector<16xi32>
        %sub3A_80 = arith.constant 1 : i32
        %sub3A_81 = vector.broadcast %sub3A_80 : i32 to vector<16xi32>
        %sub3A_82 = arith.subi %add3A_79, %sub3A_81 : vector<16xi32>
        %lt3A = arith.constant 128 : i32
        %lt3A_83 = vector.broadcast %lt3A : i32 to vector<16xi32>
        %lt3A_84 = arith.cmpi slt, %sub3A_82, %lt3A_83 : vector<16xi32>
        %and3A_85 = arith.andi %ge3A_75, %lt3A_84 : vector<16xi1>
        %jit3A_86 = arith.constant 0 : i32
        %broadcast_in_dim3A_87 = vector.broadcast %jit3A_86 : i32 to vector<16xi32>
        %select_n3A_88 = arith.select %and3A_85, %sub3A_82, %broadcast_in_dim3A_87 : vector<16xi1>, vector<16xi32>
        tpu.vector_store_idx %arg12[%select_n3A_88], %get3A_73 masked %and3A_85 : memref<128xi32, #tpu.memory_space<vmem>>[vector<16xi32>], vector<16xi32>, vector<16xi1>
        %ge3A_89 = arith.constant 128 : i32
        %ge3A_90 = vector.broadcast %ge3A_89 : i32 to vector<16xi32>
        %ge3A_91 = arith.cmpi sge, %sub3A_82, %ge3A_90 : vector<16xi32>
        %and3A_92 = arith.andi %ge3A_75, %ge3A_91 : vector<16xi1>
        %sub3A_93 = arith.constant 128 : i32
        %sub3A_94 = vector.broadcast %sub3A_93 : i32 to vector<16xi32>
        %sub3A_95 = arith.subi %sub3A_82, %sub3A_94 : vector<16xi32>
        %jit3A_96 = arith.constant 0 : i32
        %broadcast_in_dim3A_97 = vector.broadcast %jit3A_96 : i32 to vector<16xi32>
        %select_n3A_98 = arith.select %and3A_92, %sub3A_95, %broadcast_in_dim3A_97 : vector<16xi1>, vector<16xi32>
        tpu.vector_store_idx %arg13[%select_n3A_98], %get3A_73 masked %and3A_92 : memref<128xi32, #tpu.memory_space<vmem>>[vector<16xi32>], vector<16xi32>, vector<16xi1>
        %jit3A_99 = arith.constant 0 : i32
        %broadcast_in_dim3A_100 = vector.broadcast %jit3A_99 : i32 to vector<16xi32>
        %select_n3A_101 = arith.select %ge3A_75, %sub3A_82, %broadcast_in_dim3A_100 : vector<16xi1>, vector<16xi32>
        %mul3A_102 = arith.constant 16 : i32
        %mul3A_103 = arith.muli %scan3A_68, %mul3A_102 : i32
        %add3A_104 = vector.broadcast %mul3A_103 : i32 to vector<16xi32>
        %add3A_105 = arith.addi %add3A_104, %iota3A : vector<16xi32>
        tpu.vector_store_idx %arg14[%select_n3A_101], %add3A_105 masked %ge3A_75 : memref<256xi32, #tpu.memory_space<vmem>>[vector<16xi32>], vector<16xi32>, vector<16xi1>
        %convert_element_type3A_106 = arith.extui %ge3A_75 : vector<16xi1> to vector<16xi32>
        %reduce_sum3A = arith.constant true
        %reduce_sum3A_107 = vector.broadcast %reduce_sum3A : i1 to vector<16xi1>
        %reduce_sum3A_108 = tpu.scan <sum>, %convert_element_type3A_106 masked %reduce_sum3A_107 : vector<16xi32>, vector<16xi1> -> vector<16xi32>
        %reduce_sum3A_109 = vector.extract %reduce_sum3A_108[15] : i32 from vector<16xi32>
        %add3A_110 = arith.addi %scan3A_69, %reduce_sum3A_109 : i32
        scf.yield %add3A_110 : i32
      }
      %scan3A_61 = arith.constant 16 : i32
      %gt3A = arith.constant 0 : i32
      %gt3A_62 = arith.cmpi sgt, %scan3A_60, %gt3A : i32
      %convert_element_type3A_63 = arith.extui %gt3A_62 : i1 to i32
      %cond3A_64 = arith.constant 0 : i32
      %cond3A_65 = arith.cmpi ne, %convert_element_type3A_63, %cond3A_64 : i32
      scf.if %cond3A_65 {
        %broadcast_in_dim3A = arith.constant 0 : i32
        %broadcast_in_dim3A_68 = vector.broadcast %broadcast_in_dim3A : i32 to vector<16xi32>
        %gather3A = tpu.vector_load_idx %arg12[%broadcast_in_dim3A_68] : memref<128xi32, #tpu.memory_space<vmem>>[vector<16xi32>], vector<16xi32>,
        %jit3A_69 = arith.constant 16 : i32
        %div3A_70 = arith.divsi %scan3A_60, %jit3A_69 : i32
        %sign3A_71 = arith.constant 0 : i32
        %sign3A_72 = arith.cmpi sgt, %scan3A_60, %sign3A_71 : i32
        %sign3A_73 = arith.extui %sign3A_72 : i1 to i32
        %sign3A_74 = arith.constant 0 : i32
        %sign3A_75 = arith.cmpi slt, %scan3A_60, %sign3A_74 : i32
        %sign3A_76 = arith.extui %sign3A_75 : i1 to i32
        %sign3A_77 = arith.subi %sign3A_73, %sign3A_76 : i32
        %sign3A_78 = arith.constant 0 : i32
        %sign3A_79 = arith.cmpi sgt, %jit3A_69, %sign3A_78 : i32
        %sign3A_80 = arith.extui %sign3A_79 : i1 to i32
        %sign3A_81 = arith.constant 0 : i32
        %sign3A_82 = arith.cmpi slt, %jit3A_69, %sign3A_81 : i32
        %sign3A_83 = arith.extui %sign3A_82 : i1 to i32
        %sign3A_84 = arith.subi %sign3A_80, %sign3A_83 : i32
        %ne3A_85 = arith.cmpi ne, %sign3A_77, %sign3A_84 : i32
        %rem3A_86 = arith.remsi %scan3A_60, %jit3A_69 : i32
        %ne3A_87 = arith.constant 0 : i32
        %ne3A_88 = arith.cmpi ne, %rem3A_86, %ne3A_87 : i32
        %and3A_89 = arith.andi %ne3A_85, %ne3A_88 : i1
        %sub3A_90 = arith.constant 1 : i32
        %sub3A_91 = arith.subi %div3A_70, %sub3A_90 : i32
        %select_n3A_92 = arith.select %and3A_89, %sub3A_91, %div3A_70 : i32
        %while3A_93 = arith.constant 8 : i32
        %while3A_94 = arith.constant 0 : i32
        %while3A_95 = arith.subi %while3A_93, %select_n3A_92 : i32
        %while3A_96 = arith.addi %select_n3A_92, %while3A_95 : i32
        %while3A_97 = arith.constant 1 : i32
        %while3A_98 = arith.divsi %while3A_95, %while3A_97 : i32
        %while3A_99 = arith.muli %while3A_98, %while3A_97 : i32
        %while3A_100 = arith.addi %select_n3A_92, %while3A_99 : i32
        %while3A_101 = arith.constant 1 : i32
        %while3A_102 = scf.for %while3A_152 = %select_n3A_92 to %while3A_100 step %while3A_101 iter_args(%while3A_153 = %while3A_94) -> (i32)  : i32 {
          %mul3A_154 = arith.constant 16 : i32
          %mul3A_155 = arith.muli %while3A_152, %mul3A_154 : i32
          %add3A_156 = vector.broadcast %mul3A_155 : i32 to vector<16xi32>
          %add3A_157 = arith.addi %add3A_156, %iota3A : vector<16xi32>
          %ge3A = vector.broadcast %scan3A_60 : i32 to vector<16xi32>
          %ge3A_158 = arith.cmpi sge, %add3A_157, %ge3A : vector<16xi32>
          tpu.vector_store_idx %arg12[%add3A_157], %gather3A masked %ge3A_158 : memref<128xi32, #tpu.memory_space<vmem>>[vector<16xi32>], vector<16xi32>, vector<16xi1>
          %while3A_159 = arith.constant 0 : i32
          scf.yield %while3A_159 : i32
        }
        %while3A_103 = arith.constant 1 : i32
        %while3A_104 = scf.for %while3A_152 = %while3A_100 to %while3A_96 step %while3A_103 iter_args(%while3A_153 = %while3A_102) -> (i32)  : i32 {
          %mul3A_154 = arith.constant 16 : i32
          %mul3A_155 = arith.muli %while3A_152, %mul3A_154 : i32
          %add3A_156 = vector.broadcast %mul3A_155 : i32 to vector<16xi32>
          %add3A_157 = arith.addi %add3A_156, %iota3A : vector<16xi32>
          %ge3A = vector.broadcast %scan3A_60 : i32 to vector<16xi32>
          %ge3A_158 = arith.cmpi sge, %add3A_157, %ge3A : vector<16xi32>
          tpu.vector_store_idx %arg12[%add3A_157], %gather3A masked %ge3A_158 : memref<128xi32, #tpu.memory_space<vmem>>[vector<16xi32>], vector<16xi32>, vector<16xi1>
          %while3A_159 = arith.constant 0 : i32
          scf.yield %while3A_159 : i32
        }
        %dma_start3A = arith.constant 0 : i32
        %dma_start3A_105 = arith.constant 0 : i32
        %dma_start3A_106 = tpu.memref_slice %arg3[%dma_start3A, %dma_start3A_105] : memref<16384x128xf32, #tpu.memory_space<hbm>> -> memref<16384x128xf32, #tpu.memory_space<hbm>>
        tpu.enqueue_indirect_dma source(%dma_start3A_106 : memref<16384x128xf32, #tpu.memory_space<hbm>>) target(%arg15 : memref<128x128xf32, #tpu.memory_space<vmem>>) offsets(%arg12 : memref<128xi32, #tpu.memory_space<vmem>>) semaphore(%arg17 : memref<!tpu.dma_semaphore, #tpu.memory_space<semaphore_mem>>)
        %dma_wait3A = arith.constant 0 : i32
        %dma_wait3A_107 = arith.constant 0 : i32
        %dma_wait3A_108 = tpu.memref_slice %arg3[%dma_wait3A, %dma_wait3A_107] : memref<16384x128xf32, #tpu.memory_space<hbm>> -> memref<16384x128xf32, #tpu.memory_space<hbm>>
        tpu.wait_indirect_dma semaphore(%arg17 : memref<!tpu.dma_semaphore, #tpu.memory_space<semaphore_mem>>) src(%dma_wait3A_108 : memref<16384x128xf32, #tpu.memory_space<hbm>>) dst(%arg15 : memref<128x128xf32, #tpu.memory_space<vmem>>)
        %gt3A_109 = arith.constant 128 : i32
        %gt3A_110 = arith.cmpi sgt, %scan3A_60, %gt3A_109 : i32
        %convert_element_type3A_111 = arith.extui %gt3A_110 : i1 to i32
        %cond3A_112 = arith.constant 0 : i32
        %cond3A_113 = arith.cmpi ne, %convert_element_type3A_111, %cond3A_112 : i32
        scf.if %cond3A_113 {
          %sub3A_152 = arith.constant 128 : i32
          %sub3A_153 = arith.subi %scan3A_60, %sub3A_152 : i32
          %jit3A_154 = arith.constant 16 : i32
          %div3A_155 = arith.divsi %sub3A_153, %jit3A_154 : i32
          %sign3A_156 = arith.constant 0 : i32
          %sign3A_157 = arith.cmpi sgt, %sub3A_153, %sign3A_156 : i32
          %sign3A_158 = arith.extui %sign3A_157 : i1 to i32
          %sign3A_159 = arith.constant 0 : i32
          %sign3A_160 = arith.cmpi slt, %sub3A_153, %sign3A_159 : i32
          %sign3A_161 = arith.extui %sign3A_160 : i1 to i32
          %sign3A_162 = arith.subi %sign3A_158, %sign3A_161 : i32
          %sign3A_163 = arith.constant 0 : i32
          %sign3A_164 = arith.cmpi sgt, %jit3A_154, %sign3A_163 : i32
          %sign3A_165 = arith.extui %sign3A_164 : i1 to i32
          %sign3A_166 = arith.constant 0 : i32
          %sign3A_167 = arith.cmpi slt, %jit3A_154, %sign3A_166 : i32
          %sign3A_168 = arith.extui %sign3A_167 : i1 to i32
          %sign3A_169 = arith.subi %sign3A_165, %sign3A_168 : i32
          %ne3A_170 = arith.cmpi ne, %sign3A_162, %sign3A_169 : i32
          %rem3A_171 = arith.remsi %sub3A_153, %jit3A_154 : i32
          %ne3A_172 = arith.constant 0 : i32
          %ne3A_173 = arith.cmpi ne, %rem3A_171, %ne3A_172 : i32
          %and3A_174 = arith.andi %ne3A_170, %ne3A_173 : i1
          %sub3A_175 = arith.constant 1 : i32
          %sub3A_176 = arith.subi %div3A_155, %sub3A_175 : i32
          %select_n3A_177 = arith.select %and3A_174, %sub3A_176, %div3A_155 : i32
          %while3A_178 = arith.constant 8 : i32
          %while3A_179 = arith.constant 0 : i32
          %while3A_180 = arith.subi %while3A_178, %select_n3A_177 : i32
          %while3A_181 = arith.addi %select_n3A_177, %while3A_180 : i32
          %while3A_182 = arith.constant 1 : i32
          %while3A_183 = arith.divsi %while3A_180, %while3A_182 : i32
          %while3A_184 = arith.muli %while3A_183, %while3A_182 : i32
          %while3A_185 = arith.addi %select_n3A_177, %while3A_184 : i32
          %while3A_186 = arith.constant 1 : i32
          %while3A_187 = scf.for %while3A_196 = %select_n3A_177 to %while3A_185 step %while3A_186 iter_args(%while3A_197 = %while3A_179) -> (i32)  : i32 {
            %mul3A_198 = arith.constant 16 : i32
            %mul3A_199 = arith.muli %while3A_196, %mul3A_198 : i32
            %add3A_200 = arith.constant 128 : i32
            %add3A_201 = arith.addi %add3A_200, %mul3A_199 : i32
            %add3A_202 = vector.broadcast %add3A_201 : i32 to vector<16xi32>
            %add3A_203 = arith.addi %add3A_202, %iota3A : vector<16xi32>
            %sub3A_204 = arith.constant 128 : i32
            %sub3A_205 = vector.broadcast %sub3A_204 : i32 to vector<16xi32>
            %sub3A_206 = arith.subi %add3A_203, %sub3A_205 : vector<16xi32>
            %ge3A = vector.broadcast %scan3A_60 : i32 to vector<16xi32>
            %ge3A_207 = arith.cmpi sge, %add3A_203, %ge3A : vector<16xi32>
            tpu.vector_store_idx %arg13[%sub3A_206], %gather3A masked %ge3A_207 : memref<128xi32, #tpu.memory_space<vmem>>[vector<16xi32>], vector<16xi32>, vector<16xi1>
            %while3A_208 = arith.constant 0 : i32
            scf.yield %while3A_208 : i32
          }
          %while3A_188 = arith.constant 1 : i32
          %while3A_189 = scf.for %while3A_196 = %while3A_185 to %while3A_181 step %while3A_188 iter_args(%while3A_197 = %while3A_187) -> (i32)  : i32 {
            %mul3A_198 = arith.constant 16 : i32
            %mul3A_199 = arith.muli %while3A_196, %mul3A_198 : i32
            %add3A_200 = arith.constant 128 : i32
            %add3A_201 = arith.addi %add3A_200, %mul3A_199 : i32
            %add3A_202 = vector.broadcast %add3A_201 : i32 to vector<16xi32>
            %add3A_203 = arith.addi %add3A_202, %iota3A : vector<16xi32>
            %sub3A_204 = arith.constant 128 : i32
            %sub3A_205 = vector.broadcast %sub3A_204 : i32 to vector<16xi32>
            %sub3A_206 = arith.subi %add3A_203, %sub3A_205 : vector<16xi32>
            %ge3A = vector.broadcast %scan3A_60 : i32 to vector<16xi32>
            %ge3A_207 = arith.cmpi sge, %add3A_203, %ge3A : vector<16xi32>
            tpu.vector_store_idx %arg13[%sub3A_206], %gather3A masked %ge3A_207 : memref<128xi32, #tpu.memory_space<vmem>>[vector<16xi32>], vector<16xi32>, vector<16xi1>
            %while3A_208 = arith.constant 0 : i32
            scf.yield %while3A_208 : i32
          }
          %dma_start3A_190 = arith.constant 0 : i32
          %dma_start3A_191 = arith.constant 0 : i32
          %dma_start3A_192 = tpu.memref_slice %arg3[%dma_start3A_190, %dma_start3A_191] : memref<16384x128xf32, #tpu.memory_space<hbm>> -> memref<16384x128xf32, #tpu.memory_space<hbm>>
          tpu.enqueue_indirect_dma source(%dma_start3A_192 : memref<16384x128xf32, #tpu.memory_space<hbm>>) target(%arg16 : memref<128x128xf32, #tpu.memory_space<vmem>>) offsets(%arg13 : memref<128xi32, #tpu.memory_space<vmem>>) semaphore(%arg17 : memref<!tpu.dma_semaphore, #tpu.memory_space<semaphore_mem>>)
          %dma_wait3A_193 = arith.constant 0 : i32
          %dma_wait3A_194 = arith.constant 0 : i32
          %dma_wait3A_195 = tpu.memref_slice %arg3[%dma_wait3A_193, %dma_wait3A_194] : memref<16384x128xf32, #tpu.memory_space<hbm>> -> memref<16384x128xf32, #tpu.memory_space<hbm>>
          tpu.wait_indirect_dma semaphore(%arg17 : memref<!tpu.dma_semaphore, #tpu.memory_space<semaphore_mem>>) src(%dma_wait3A_195 : memref<16384x128xf32, #tpu.memory_space<hbm>>) dst(%arg16 : memref<128x128xf32, #tpu.memory_space<vmem>>)
        } else {
        }
        %add3A_114 = arith.constant 15 : i32
        %add3A_115 = arith.addi %scan3A_60, %add3A_114 : i32
        %jit3A_116 = arith.constant 16 : i32
        %div3A_117 = arith.divsi %add3A_115, %jit3A_116 : i32
        %sign3A_118 = arith.constant 0 : i32
        %sign3A_119 = arith.cmpi sgt, %add3A_115, %sign3A_118 : i32
        %sign3A_120 = arith.extui %sign3A_119 : i1 to i32
        %sign3A_121 = arith.constant 0 : i32
        %sign3A_122 = arith.cmpi slt, %add3A_115, %sign3A_121 : i32
        %sign3A_123 = arith.extui %sign3A_122 : i1 to i32
        %sign3A_124 = arith.subi %sign3A_120, %sign3A_123 : i32
        %sign3A_125 = arith.constant 0 : i32
        %sign3A_126 = arith.cmpi sgt, %jit3A_116, %sign3A_125 : i32
        %sign3A_127 = arith.extui %sign3A_126 : i1 to i32
        %sign3A_128 = arith.constant 0 : i32
        %sign3A_129 = arith.cmpi slt, %jit3A_116, %sign3A_128 : i32
        %sign3A_130 = arith.extui %sign3A_129 : i1 to i32
        %sign3A_131 = arith.subi %sign3A_127, %sign3A_130 : i32
        %ne3A_132 = arith.cmpi ne, %sign3A_124, %sign3A_131 : i32
        %rem3A_133 = arith.remsi %add3A_115, %jit3A_116 : i32
        %ne3A_134 = arith.constant 0 : i32
        %ne3A_135 = arith.cmpi ne, %rem3A_133, %ne3A_134 : i32
        %and3A_136 = arith.andi %ne3A_132, %ne3A_135 : i1
        %sub3A_137 = arith.constant 1 : i32
        %sub3A_138 = arith.subi %div3A_117, %sub3A_137 : i32
        %select_n3A_139 = arith.select %and3A_136, %sub3A_138, %div3A_117 : i32
        %while3A_140 = arith.constant 0 : i32
        %while3A_141 = arith.constant 0 : i32
        %while3A_142 = arith.subi %select_n3A_139, %while3A_140 : i32
        %while3A_143 = arith.addi %while3A_140, %while3A_142 : i32
        %while3A_144 = arith.constant 1 : i32
        %while3A_145 = arith.divsi %while3A_142, %while3A_144 : i32
        %while3A_146 = arith.muli %while3A_145, %while3A_144 : i32
        %while3A_147 = arith.addi %while3A_140, %while3A_146 : i32
        %while3A_148 = arith.constant 1 : i32
        %while3A_149 = scf.for %while3A_152 = %while3A_140 to %while3A_147 step %while3A_148 iter_args(%while3A_153 = %while3A_141) -> (i32)  : i32 {
          %mul3A_154 = arith.constant 16 : i32
          %mul3A_155 = arith.muli %while3A_152, %mul3A_154 : i32
          %add3A_156 = vector.broadcast %mul3A_155 : i32 to vector<16xi32>
          %add3A_157 = arith.addi %add3A_156, %iota3A : vector<16xi32>
          %lt3A = vector.broadcast %scan3A_60 : i32 to vector<16xi32>
          %lt3A_158 = arith.cmpi slt, %add3A_157, %lt3A : vector<16xi32>
          %mul3A_159 = arith.constant 16 : i32
          %mul3A_160 = arith.muli %while3A_152, %mul3A_159 : i32
          %get3A = arith.index_cast %mul3A_160 : i32 to index
          %get3A_161 = tpu.vector_load %arg14[%get3A] {strides = array<i32>} : memref<256xi32, #tpu.memory_space<vmem>>, vector<16xi32>,
          %jit3A_162 = arith.constant 0 : i32
          %broadcast_in_dim3A_163 = vector.broadcast %jit3A_162 : i32 to vector<16xi32>
          %select_n3A_164 = arith.select %lt3A_158, %get3A_161, %broadcast_in_dim3A_163 : vector<16xi1>, vector<16xi32>
          %jit3A_165 = arith.constant 0 : i32
          %broadcast_in_dim3A_166 = vector.broadcast %jit3A_165 : i32 to vector<16xi32>
          %select_n3A_167 = arith.select %lt3A_158, %add3A_157, %broadcast_in_dim3A_166 : vector<16xi1>, vector<16xi32>
          %broadcast_in_dim3A_168 = arith.constant 0 : i32
          %broadcast_in_dim3A_169 = vector.broadcast %broadcast_in_dim3A_168 : i32 to vector<16xi32>
          %lt3A_170 = arith.constant 128 : i32
          %lt3A_171 = vector.broadcast %lt3A_170 : i32 to vector<16xi32>
          %lt3A_172 = arith.cmpi slt, %select_n3A_167, %lt3A_171 : vector<16xi32>
          %and3A_173 = arith.andi %lt3A_158, %lt3A_172 : vector<16xi1>
          %ge3A = arith.constant 128 : i32
          %ge3A_174 = vector.broadcast %ge3A : i32 to vector<16xi32>
          %ge3A_175 = arith.cmpi sge, %select_n3A_167, %ge3A_174 : vector<16xi32>
          %and3A_176 = arith.andi %lt3A_158, %ge3A_175 : vector<16xi1>
          %jit3A_177 = arith.constant 0 : i32
          %broadcast_in_dim3A_178 = vector.broadcast %jit3A_177 : i32 to vector<16xi32>
          %select_n3A_179 = arith.select %and3A_173, %select_n3A_167, %broadcast_in_dim3A_178 : vector<16xi1>, vector<16xi32>
          %gather3A_180 = tpu.vector_load_idx %arg15[%select_n3A_179, %broadcast_in_dim3A_169] masked %and3A_173 : memref<128x128xf32, #tpu.memory_space<vmem>>[vector<16xi32>, vector<16xi32>], vector<16xf32>, vector<16xi1>
          %sub3A_181 = arith.constant 128 : i32
          %sub3A_182 = vector.broadcast %sub3A_181 : i32 to vector<16xi32>
          %sub3A_183 = arith.subi %select_n3A_167, %sub3A_182 : vector<16xi32>
          %jit3A_184 = arith.constant 0 : i32
          %broadcast_in_dim3A_185 = vector.broadcast %jit3A_184 : i32 to vector<16xi32>
          %select_n3A_186 = arith.select %and3A_176, %sub3A_183, %broadcast_in_dim3A_185 : vector<16xi1>, vector<16xi32>
          %gather3A_187 = tpu.vector_load_idx %arg16[%select_n3A_186, %broadcast_in_dim3A_169] masked %and3A_176 : memref<128x128xf32, #tpu.memory_space<vmem>>[vector<16xi32>, vector<16xi32>], vector<16xf32>, vector<16xi1>
          %lt3A_188 = arith.constant 128 : i32
          %lt3A_189 = vector.broadcast %lt3A_188 : i32 to vector<16xi32>
          %lt3A_190 = arith.cmpi slt, %select_n3A_167, %lt3A_189 : vector<16xi32>
          %select_n3A_191 = arith.select %lt3A_190, %gather3A_180, %gather3A_187 : vector<16xi1>, vector<16xf32>
          tpu.vector_store_idx %arg10[%broadcast_in_dim3A_169, %select_n3A_164], %select_n3A_191 masked %lt3A_158 : memref<32x256xf32, #tpu.memory_space<vmem>>[vector<16xi32>, vector<16xi32>], vector<16xf32>, vector<16xi1>
          %broadcast_in_dim3A_192 = arith.constant 1 : i32
          %broadcast_in_dim3A_193 = vector.broadcast %broadcast_in_dim3A_192 : i32 to vector<16xi32>
          %lt3A_194 = arith.constant 128 : i32
          %lt3A_195 = vector.broadcast %lt3A_194 : i32 to vector<16xi32>
          %lt3A_196 = arith.cmpi slt, %select_n3A_167, %lt3A_195 : vector<16xi32>
          %and3A_197 = arith.andi %lt3A_158, %lt3A_196 : vector<16xi1>
          %ge3A_198 = arith.constant 128 : i32
          %ge3A_199 = vector.broadcast %ge3A_198 : i32 to vector<16xi32>
          %ge3A_200 = arith.cmpi sge, %select_n3A_167, %ge3A_199 : vector<16xi32>
          %and3A_201 = arith.andi %lt3A_158, %ge3A_200 : vector<16xi1>
          %jit3A_202 = arith.constant 0 : i32
          %broadcast_in_dim3A_203 = vector.broadcast %jit3A_202 : i32 to vector<16xi32>
          %select_n3A_204 = arith.select %and3A_197, %select_n3A_167, %broadcast_in_dim3A_203 : vector<16xi1>, vector<16xi32>
          %gather3A_205 = tpu.vector_load_idx %arg15[%select_n3A_204, %broadcast_in_dim3A_193] masked %and3A_197 : memref<128x128xf32, #tpu.memory_space<vmem>>[vector<16xi32>, vector<16xi32>], vector<16xf32>, vector<16xi1>
          %sub3A_206 = arith.constant 128 : i32
          %sub3A_207 = vector.broadcast %sub3A_206 : i32 to vector<16xi32>
          %sub3A_208 = arith.subi %select_n3A_167, %sub3A_207 : vector<16xi32>
          %jit3A_209 = arith.constant 0 : i32
          %broadcast_in_dim3A_210 = vector.broadcast %jit3A_209 : i32 to vector<16xi32>
          %select_n3A_211 = arith.select %and3A_201, %sub3A_208, %broadcast_in_dim3A_210 : vector<16xi1>, vector<16xi32>
          %gather3A_212 = tpu.vector_load_idx %arg16[%select_n3A_211, %broadcast_in_dim3A_193] masked %and3A_201 : memref<128x128xf32, #tpu.memory_space<vmem>>[vector<16xi32>, vector<16xi32>], vector<16xf32>, vector<16xi1>
          %lt3A_213 = arith.constant 128 : i32
          %lt3A_214 = vector.broadcast %lt3A_213 : i32 to vector<16xi32>
          %lt3A_215 = arith.cmpi slt, %select_n3A_167, %lt3A_214 : vector<16xi32>
          %select_n3A_216 = arith.select %lt3A_215, %gather3A_205, %gather3A_212 : vector<16xi1>, vector<16xf32>
          tpu.vector_store_idx %arg10[%broadcast_in_dim3A_193, %select_n3A_164], %select_n3A_216 masked %lt3A_158 : memref<32x256xf32, #tpu.memory_space<vmem>>[vector<16xi32>, vector<16xi32>], vector<16xf32>, vector<16xi1>
          %broadcast_in_dim3A_217 = arith.constant 2 : i32
          %broadcast_in_dim3A_218 = vector.broadcast %broadcast_in_dim3A_217 : i32 to vector<16xi32>
          %lt3A_219 = arith.constant 128 : i32
          %lt3A_220 = vector.broadcast %lt3A_219 : i32 to vector<16xi32>
          %lt3A_221 = arith.cmpi slt, %select_n3A_167, %lt3A_220 : vector<16xi32>
          %and3A_222 = arith.andi %lt3A_158, %lt3A_221 : vector<16xi1>
          %ge3A_223 = arith.constant 128 : i32
          %ge3A_224 = vector.broadcast %ge3A_223 : i32 to vector<16xi32>
          %ge3A_225 = arith.cmpi sge, %select_n3A_167, %ge3A_224 : vector<16xi32>
          %and3A_226 = arith.andi %lt3A_158, %ge3A_225 : vector<16xi1>
          %jit3A_227 = arith.constant 0 : i32
          %broadcast_in_dim3A_228 = vector.broadcast %jit3A_227 : i32 to vector<16xi32>
          %select_n3A_229 = arith.select %and3A_222, %select_n3A_167, %broadcast_in_dim3A_228 : vector<16xi1>, vector<16xi32>
          %gather3A_230 = tpu.vector_load_idx %arg15[%select_n3A_229, %broadcast_in_dim3A_218] masked %and3A_222 : memref<128x128xf32, #tpu.memory_space<vmem>>[vector<16xi32>, vector<16xi32>], vector<16xf32>, vector<16xi1>
          %sub3A_231 = arith.constant 128 : i32
          %sub3A_232 = vector.broadcast %sub3A_231 : i32 to vector<16xi32>
          %sub3A_233 = arith.subi %select_n3A_167, %sub3A_232 : vector<16xi32>
          %jit3A_234 = arith.constant 0 : i32
          %broadcast_in_dim3A_235 = vector.broadcast %jit3A_234 : i32 to vector<16xi32>
          %select_n3A_236 = arith.select %and3A_226, %sub3A_233, %broadcast_in_dim3A_235 : vector<16xi1>, vector<16xi32>
          %gather3A_237 = tpu.vector_load_idx %arg16[%select_n3A_236, %broadcast_in_dim3A_218] masked %and3A_226 : memref<128x128xf32, #tpu.memory_space<vmem>>[vector<16xi32>, vector<16xi32>], vector<16xf32>, vector<16xi1>
          %lt3A_238 = arith.constant 128 : i32
          %lt3A_239 = vector.broadcast %lt3A_238 : i32 to vector<16xi32>
          %lt3A_240 = arith.cmpi slt, %select_n3A_167, %lt3A_239 : vector<16xi32>
          %select_n3A_241 = arith.select %lt3A_240, %gather3A_230, %gather3A_237 : vector<16xi1>, vector<16xf32>
          tpu.vector_store_idx %arg10[%broadcast_in_dim3A_218, %select_n3A_164], %select_n3A_241 masked %lt3A_158 : memref<32x256xf32, #tpu.memory_space<vmem>>[vector<16xi32>, vector<16xi32>], vector<16xf32>, vector<16xi1>
          %broadcast_in_dim3A_242 = arith.constant 3 : i32
          %broadcast_in_dim3A_243 = vector.broadcast %broadcast_in_dim3A_242 : i32 to vector<16xi32>
          %lt3A_244 = arith.constant 128 : i32
          %lt3A_245 = vector.broadcast %lt3A_244 : i32 to vector<16xi32>
          %lt3A_246 = arith.cmpi slt, %select_n3A_167, %lt3A_245 : vector<16xi32>
          %and3A_247 = arith.andi %lt3A_158, %lt3A_246 : vector<16xi1>
          %ge3A_248 = arith.constant 128 : i32
          %ge3A_249 = vector.broadcast %ge3A_248 : i32 to vector<16xi32>
          %ge3A_250 = arith.cmpi sge, %select_n3A_167, %ge3A_249 : vector<16xi32>
          %and3A_251 = arith.andi %lt3A_158, %ge3A_250 : vector<16xi1>
          %jit3A_252 = arith.constant 0 : i32
          %broadcast_in_dim3A_253 = vector.broadcast %jit3A_252 : i32 to vector<16xi32>
          %select_n3A_254 = arith.select %and3A_247, %select_n3A_167, %broadcast_in_dim3A_253 : vector<16xi1>, vector<16xi32>
          %gather3A_255 = tpu.vector_load_idx %arg15[%select_n3A_254, %broadcast_in_dim3A_243] masked %and3A_247 : memref<128x128xf32, #tpu.memory_space<vmem>>[vector<16xi32>, vector<16xi32>], vector<16xf32>, vector<16xi1>
          %sub3A_256 = arith.constant 128 : i32
          %sub3A_257 = vector.broadcast %sub3A_256 : i32 to vector<16xi32>
          %sub3A_258 = arith.subi %select_n3A_167, %sub3A_257 : vector<16xi32>
          %jit3A_259 = arith.constant 0 : i32
          %broadcast_in_dim3A_260 = vector.broadcast %jit3A_259 : i32 to vector<16xi32>
          %select_n3A_261 = arith.select %and3A_251, %sub3A_258, %broadcast_in_dim3A_260 : vector<16xi1>, vector<16xi32>
          %gather3A_262 = tpu.vector_load_idx %arg16[%select_n3A_261, %broadcast_in_dim3A_243] masked %and3A_251 : memref<128x128xf32, #tpu.memory_space<vmem>>[vector<16xi32>, vector<16xi32>], vector<16xf32>, vector<16xi1>
          %lt3A_263 = arith.constant 128 : i32
          %lt3A_264 = vector.broadcast %lt3A_263 : i32 to vector<16xi32>
          %lt3A_265 = arith.cmpi slt, %select_n3A_167, %lt3A_264 : vector<16xi32>
          %select_n3A_266 = arith.select %lt3A_265, %gather3A_255, %gather3A_262 : vector<16xi1>, vector<16xf32>
          tpu.vector_store_idx %arg10[%broadcast_in_dim3A_243, %select_n3A_164], %select_n3A_266 masked %lt3A_158 : memref<32x256xf32, #tpu.memory_space<vmem>>[vector<16xi32>, vector<16xi32>], vector<16xf32>, vector<16xi1>
          %broadcast_in_dim3A_267 = arith.constant 4 : i32
          %broadcast_in_dim3A_268 = vector.broadcast %broadcast_in_dim3A_267 : i32 to vector<16xi32>
          %lt3A_269 = arith.constant 128 : i32
          %lt3A_270 = vector.broadcast %lt3A_269 : i32 to vector<16xi32>
          %lt3A_271 = arith.cmpi slt, %select_n3A_167, %lt3A_270 : vector<16xi32>
          %and3A_272 = arith.andi %lt3A_158, %lt3A_271 : vector<16xi1>
          %ge3A_273 = arith.constant 128 : i32
          %ge3A_274 = vector.broadcast %ge3A_273 : i32 to vector<16xi32>
          %ge3A_275 = arith.cmpi sge, %select_n3A_167, %ge3A_274 : vector<16xi32>
          %and3A_276 = arith.andi %lt3A_158, %ge3A_275 : vector<16xi1>
          %jit3A_277 = arith.constant 0 : i32
          %broadcast_in_dim3A_278 = vector.broadcast %jit3A_277 : i32 to vector<16xi32>
          %select_n3A_279 = arith.select %and3A_272, %select_n3A_167, %broadcast_in_dim3A_278 : vector<16xi1>, vector<16xi32>
          %gather3A_280 = tpu.vector_load_idx %arg15[%select_n3A_279, %broadcast_in_dim3A_268] masked %and3A_272 : memref<128x128xf32, #tpu.memory_space<vmem>>[vector<16xi32>, vector<16xi32>], vector<16xf32>, vector<16xi1>
          %sub3A_281 = arith.constant 128 : i32
          %sub3A_282 = vector.broadcast %sub3A_281 : i32 to vector<16xi32>
          %sub3A_283 = arith.subi %select_n3A_167, %sub3A_282 : vector<16xi32>
          %jit3A_284 = arith.constant 0 : i32
          %broadcast_in_dim3A_285 = vector.broadcast %jit3A_284 : i32 to vector<16xi32>
          %select_n3A_286 = arith.select %and3A_276, %sub3A_283, %broadcast_in_dim3A_285 : vector<16xi1>, vector<16xi32>
          %gather3A_287 = tpu.vector_load_idx %arg16[%select_n3A_286, %broadcast_in_dim3A_268] masked %and3A_276 : memref<128x128xf32, #tpu.memory_space<vmem>>[vector<16xi32>, vector<16xi32>], vector<16xf32>, vector<16xi1>
          %lt3A_288 = arith.constant 128 : i32
          %lt3A_289 = vector.broadcast %lt3A_288 : i32 to vector<16xi32>
          %lt3A_290 = arith.cmpi slt, %select_n3A_167, %lt3A_289 : vector<16xi32>
          %select_n3A_291 = arith.select %lt3A_290, %gather3A_280, %gather3A_287 : vector<16xi1>, vector<16xf32>
          tpu.vector_store_idx %arg10[%broadcast_in_dim3A_268, %select_n3A_164], %select_n3A_291 masked %lt3A_158 : memref<32x256xf32, #tpu.memory_space<vmem>>[vector<16xi32>, vector<16xi32>], vector<16xf32>, vector<16xi1>
          %broadcast_in_dim3A_292 = arith.constant 5 : i32
          %broadcast_in_dim3A_293 = vector.broadcast %broadcast_in_dim3A_292 : i32 to vector<16xi32>
          %lt3A_294 = arith.constant 128 : i32
          %lt3A_295 = vector.broadcast %lt3A_294 : i32 to vector<16xi32>
          %lt3A_296 = arith.cmpi slt, %select_n3A_167, %lt3A_295 : vector<16xi32>
          %and3A_297 = arith.andi %lt3A_158, %lt3A_296 : vector<16xi1>
          %ge3A_298 = arith.constant 128 : i32
          %ge3A_299 = vector.broadcast %ge3A_298 : i32 to vector<16xi32>
          %ge3A_300 = arith.cmpi sge, %select_n3A_167, %ge3A_299 : vector<16xi32>
          %and3A_301 = arith.andi %lt3A_158, %ge3A_300 : vector<16xi1>
          %jit3A_302 = arith.constant 0 : i32
          %broadcast_in_dim3A_303 = vector.broadcast %jit3A_302 : i32 to vector<16xi32>
          %select_n3A_304 = arith.select %and3A_297, %select_n3A_167, %broadcast_in_dim3A_303 : vector<16xi1>, vector<16xi32>
          %gather3A_305 = tpu.vector_load_idx %arg15[%select_n3A_304, %broadcast_in_dim3A_293] masked %and3A_297 : memref<128x128xf32, #tpu.memory_space<vmem>>[vector<16xi32>, vector<16xi32>], vector<16xf32>, vector<16xi1>
          %sub3A_306 = arith.constant 128 : i32
          %sub3A_307 = vector.broadcast %sub3A_306 : i32 to vector<16xi32>
          %sub3A_308 = arith.subi %select_n3A_167, %sub3A_307 : vector<16xi32>
          %jit3A_309 = arith.constant 0 : i32
          %broadcast_in_dim3A_310 = vector.broadcast %jit3A_309 : i32 to vector<16xi32>
          %select_n3A_311 = arith.select %and3A_301, %sub3A_308, %broadcast_in_dim3A_310 : vector<16xi1>, vector<16xi32>
          %gather3A_312 = tpu.vector_load_idx %arg16[%select_n3A_311, %broadcast_in_dim3A_293] masked %and3A_301 : memref<128x128xf32, #tpu.memory_space<vmem>>[vector<16xi32>, vector<16xi32>], vector<16xf32>, vector<16xi1>
          %lt3A_313 = arith.constant 128 : i32
          %lt3A_314 = vector.broadcast %lt3A_313 : i32 to vector<16xi32>
          %lt3A_315 = arith.cmpi slt, %select_n3A_167, %lt3A_314 : vector<16xi32>
          %select_n3A_316 = arith.select %lt3A_315, %gather3A_305, %gather3A_312 : vector<16xi1>, vector<16xf32>
          tpu.vector_store_idx %arg10[%broadcast_in_dim3A_293, %select_n3A_164], %select_n3A_316 masked %lt3A_158 : memref<32x256xf32, #tpu.memory_space<vmem>>[vector<16xi32>, vector<16xi32>], vector<16xf32>, vector<16xi1>
          %broadcast_in_dim3A_317 = arith.constant 6 : i32
          %broadcast_in_dim3A_318 = vector.broadcast %broadcast_in_dim3A_317 : i32 to vector<16xi32>
          %lt3A_319 = arith.constant 128 : i32
          %lt3A_320 = vector.broadcast %lt3A_319 : i32 to vector<16xi32>
          %lt3A_321 = arith.cmpi slt, %select_n3A_167, %lt3A_320 : vector<16xi32>
          %and3A_322 = arith.andi %lt3A_158, %lt3A_321 : vector<16xi1>
          %ge3A_323 = arith.constant 128 : i32
          %ge3A_324 = vector.broadcast %ge3A_323 : i32 to vector<16xi32>
          %ge3A_325 = arith.cmpi sge, %select_n3A_167, %ge3A_324 : vector<16xi32>
          %and3A_326 = arith.andi %lt3A_158, %ge3A_325 : vector<16xi1>
          %jit3A_327 = arith.constant 0 : i32
          %broadcast_in_dim3A_328 = vector.broadcast %jit3A_327 : i32 to vector<16xi32>
          %select_n3A_329 = arith.select %and3A_322, %select_n3A_167, %broadcast_in_dim3A_328 : vector<16xi1>, vector<16xi32>
          %gather3A_330 = tpu.vector_load_idx %arg15[%select_n3A_329, %broadcast_in_dim3A_318] masked %and3A_322 : memref<128x128xf32, #tpu.memory_space<vmem>>[vector<16xi32>, vector<16xi32>], vector<16xf32>, vector<16xi1>
          %sub3A_331 = arith.constant 128 : i32
          %sub3A_332 = vector.broadcast %sub3A_331 : i32 to vector<16xi32>
          %sub3A_333 = arith.subi %select_n3A_167, %sub3A_332 : vector<16xi32>
          %jit3A_334 = arith.constant 0 : i32
          %broadcast_in_dim3A_335 = vector.broadcast %jit3A_334 : i32 to vector<16xi32>
          %select_n3A_336 = arith.select %and3A_326, %sub3A_333, %broadcast_in_dim3A_335 : vector<16xi1>, vector<16xi32>
          %gather3A_337 = tpu.vector_load_idx %arg16[%select_n3A_336, %broadcast_in_dim3A_318] masked %and3A_326 : memref<128x128xf32, #tpu.memory_space<vmem>>[vector<16xi32>, vector<16xi32>], vector<16xf32>, vector<16xi1>
          %lt3A_338 = arith.constant 128 : i32
          %lt3A_339 = vector.broadcast %lt3A_338 : i32 to vector<16xi32>
          %lt3A_340 = arith.cmpi slt, %select_n3A_167, %lt3A_339 : vector<16xi32>
          %select_n3A_341 = arith.select %lt3A_340, %gather3A_330, %gather3A_337 : vector<16xi1>, vector<16xf32>
          tpu.vector_store_idx %arg10[%broadcast_in_dim3A_318, %select_n3A_164], %select_n3A_341 masked %lt3A_158 : memref<32x256xf32, #tpu.memory_space<vmem>>[vector<16xi32>, vector<16xi32>], vector<16xf32>, vector<16xi1>
          %broadcast_in_dim3A_342 = arith.constant 7 : i32
          %broadcast_in_dim3A_343 = vector.broadcast %broadcast_in_dim3A_342 : i32 to vector<16xi32>
          %lt3A_344 = arith.constant 128 : i32
          %lt3A_345 = vector.broadcast %lt3A_344 : i32 to vector<16xi32>
          %lt3A_346 = arith.cmpi slt, %select_n3A_167, %lt3A_345 : vector<16xi32>
          %and3A_347 = arith.andi %lt3A_158, %lt3A_346 : vector<16xi1>
          %ge3A_348 = arith.constant 128 : i32
          %ge3A_349 = vector.broadcast %ge3A_348 : i32 to vector<16xi32>
          %ge3A_350 = arith.cmpi sge, %select_n3A_167, %ge3A_349 : vector<16xi32>
          %and3A_351 = arith.andi %lt3A_158, %ge3A_350 : vector<16xi1>
          %jit3A_352 = arith.constant 0 : i32
          %broadcast_in_dim3A_353 = vector.broadcast %jit3A_352 : i32 to vector<16xi32>
          %select_n3A_354 = arith.select %and3A_347, %select_n3A_167, %broadcast_in_dim3A_353 : vector<16xi1>, vector<16xi32>
          %gather3A_355 = tpu.vector_load_idx %arg15[%select_n3A_354, %broadcast_in_dim3A_343] masked %and3A_347 : memref<128x128xf32, #tpu.memory_space<vmem>>[vector<16xi32>, vector<16xi32>], vector<16xf32>, vector<16xi1>
          %sub3A_356 = arith.constant 128 : i32
          %sub3A_357 = vector.broadcast %sub3A_356 : i32 to vector<16xi32>
          %sub3A_358 = arith.subi %select_n3A_167, %sub3A_357 : vector<16xi32>
          %jit3A_359 = arith.constant 0 : i32
          %broadcast_in_dim3A_360 = vector.broadcast %jit3A_359 : i32 to vector<16xi32>
          %select_n3A_361 = arith.select %and3A_351, %sub3A_358, %broadcast_in_dim3A_360 : vector<16xi1>, vector<16xi32>
          %gather3A_362 = tpu.vector_load_idx %arg16[%select_n3A_361, %broadcast_in_dim3A_343] masked %and3A_351 : memref<128x128xf32, #tpu.memory_space<vmem>>[vector<16xi32>, vector<16xi32>], vector<16xf32>, vector<16xi1>
          %lt3A_363 = arith.constant 128 : i32
          %lt3A_364 = vector.broadcast %lt3A_363 : i32 to vector<16xi32>
          %lt3A_365 = arith.cmpi slt, %select_n3A_167, %lt3A_364 : vector<16xi32>
          %select_n3A_366 = arith.select %lt3A_365, %gather3A_355, %gather3A_362 : vector<16xi1>, vector<16xf32>
          tpu.vector_store_idx %arg10[%broadcast_in_dim3A_343, %select_n3A_164], %select_n3A_366 masked %lt3A_158 : memref<32x256xf32, #tpu.memory_space<vmem>>[vector<16xi32>, vector<16xi32>], vector<16xf32>, vector<16xi1>
          %broadcast_in_dim3A_367 = arith.constant 8 : i32
          %broadcast_in_dim3A_368 = vector.broadcast %broadcast_in_dim3A_367 : i32 to vector<16xi32>
          %lt3A_369 = arith.constant 128 : i32
          %lt3A_370 = vector.broadcast %lt3A_369 : i32 to vector<16xi32>
          %lt3A_371 = arith.cmpi slt, %select_n3A_167, %lt3A_370 : vector<16xi32>
          %and3A_372 = arith.andi %lt3A_158, %lt3A_371 : vector<16xi1>
          %ge3A_373 = arith.constant 128 : i32
          %ge3A_374 = vector.broadcast %ge3A_373 : i32 to vector<16xi32>
          %ge3A_375 = arith.cmpi sge, %select_n3A_167, %ge3A_374 : vector<16xi32>
          %and3A_376 = arith.andi %lt3A_158, %ge3A_375 : vector<16xi1>
          %jit3A_377 = arith.constant 0 : i32
          %broadcast_in_dim3A_378 = vector.broadcast %jit3A_377 : i32 to vector<16xi32>
          %select_n3A_379 = arith.select %and3A_372, %select_n3A_167, %broadcast_in_dim3A_378 : vector<16xi1>, vector<16xi32>
          %gather3A_380 = tpu.vector_load_idx %arg15[%select_n3A_379, %broadcast_in_dim3A_368] masked %and3A_372 : memref<128x128xf32, #tpu.memory_space<vmem>>[vector<16xi32>, vector<16xi32>], vector<16xf32>, vector<16xi1>
          %sub3A_381 = arith.constant 128 : i32
          %sub3A_382 = vector.broadcast %sub3A_381 : i32 to vector<16xi32>
          %sub3A_383 = arith.subi %select_n3A_167, %sub3A_382 : vector<16xi32>
          %jit3A_384 = arith.constant 0 : i32
          %broadcast_in_dim3A_385 = vector.broadcast %jit3A_384 : i32 to vector<16xi32>
          %select_n3A_386 = arith.select %and3A_376, %sub3A_383, %broadcast_in_dim3A_385 : vector<16xi1>, vector<16xi32>
          %gather3A_387 = tpu.vector_load_idx %arg16[%select_n3A_386, %broadcast_in_dim3A_368] masked %and3A_376 : memref<128x128xf32, #tpu.memory_space<vmem>>[vector<16xi32>, vector<16xi32>], vector<16xf32>, vector<16xi1>
          %lt3A_388 = arith.constant 128 : i32
          %lt3A_389 = vector.broadcast %lt3A_388 : i32 to vector<16xi32>
          %lt3A_390 = arith.cmpi slt, %select_n3A_167, %lt3A_389 : vector<16xi32>
          %select_n3A_391 = arith.select %lt3A_390, %gather3A_380, %gather3A_387 : vector<16xi1>, vector<16xf32>
          tpu.vector_store_idx %arg10[%broadcast_in_dim3A_368, %select_n3A_164], %select_n3A_391 masked %lt3A_158 : memref<32x256xf32, #tpu.memory_space<vmem>>[vector<16xi32>, vector<16xi32>], vector<16xf32>, vector<16xi1>
          %broadcast_in_dim3A_392 = arith.constant 9 : i32
          %broadcast_in_dim3A_393 = vector.broadcast %broadcast_in_dim3A_392 : i32 to vector<16xi32>
          %lt3A_394 = arith.constant 128 : i32
          %lt3A_395 = vector.broadcast %lt3A_394 : i32 to vector<16xi32>
          %lt3A_396 = arith.cmpi slt, %select_n3A_167, %lt3A_395 : vector<16xi32>
          %and3A_397 = arith.andi %lt3A_158, %lt3A_396 : vector<16xi1>
          %ge3A_398 = arith.constant 128 : i32
          %ge3A_399 = vector.broadcast %ge3A_398 : i32 to vector<16xi32>
          %ge3A_400 = arith.cmpi sge, %select_n3A_167, %ge3A_399 : vector<16xi32>
          %and3A_401 = arith.andi %lt3A_158, %ge3A_400 : vector<16xi1>
          %jit3A_402 = arith.constant 0 : i32
          %broadcast_in_dim3A_403 = vector.broadcast %jit3A_402 : i32 to vector<16xi32>
          %select_n3A_404 = arith.select %and3A_397, %select_n3A_167, %broadcast_in_dim3A_403 : vector<16xi1>, vector<16xi32>
          %gather3A_405 = tpu.vector_load_idx %arg15[%select_n3A_404, %broadcast_in_dim3A_393] masked %and3A_397 : memref<128x128xf32, #tpu.memory_space<vmem>>[vector<16xi32>, vector<16xi32>], vector<16xf32>, vector<16xi1>
          %sub3A_406 = arith.constant 128 : i32
          %sub3A_407 = vector.broadcast %sub3A_406 : i32 to vector<16xi32>
          %sub3A_408 = arith.subi %select_n3A_167, %sub3A_407 : vector<16xi32>
          %jit3A_409 = arith.constant 0 : i32
          %broadcast_in_dim3A_410 = vector.broadcast %jit3A_409 : i32 to vector<16xi32>
          %select_n3A_411 = arith.select %and3A_401, %sub3A_408, %broadcast_in_dim3A_410 : vector<16xi1>, vector<16xi32>
          %gather3A_412 = tpu.vector_load_idx %arg16[%select_n3A_411, %broadcast_in_dim3A_393] masked %and3A_401 : memref<128x128xf32, #tpu.memory_space<vmem>>[vector<16xi32>, vector<16xi32>], vector<16xf32>, vector<16xi1>
          %lt3A_413 = arith.constant 128 : i32
          %lt3A_414 = vector.broadcast %lt3A_413 : i32 to vector<16xi32>
          %lt3A_415 = arith.cmpi slt, %select_n3A_167, %lt3A_414 : vector<16xi32>
          %select_n3A_416 = arith.select %lt3A_415, %gather3A_405, %gather3A_412 : vector<16xi1>, vector<16xf32>
          tpu.vector_store_idx %arg10[%broadcast_in_dim3A_393, %select_n3A_164], %select_n3A_416 masked %lt3A_158 : memref<32x256xf32, #tpu.memory_space<vmem>>[vector<16xi32>, vector<16xi32>], vector<16xf32>, vector<16xi1>
          %broadcast_in_dim3A_417 = arith.constant 10 : i32
          %broadcast_in_dim3A_418 = vector.broadcast %broadcast_in_dim3A_417 : i32 to vector<16xi32>
          %lt3A_419 = arith.constant 128 : i32
          %lt3A_420 = vector.broadcast %lt3A_419 : i32 to vector<16xi32>
          %lt3A_421 = arith.cmpi slt, %select_n3A_167, %lt3A_420 : vector<16xi32>
          %and3A_422 = arith.andi %lt3A_158, %lt3A_421 : vector<16xi1>
          %ge3A_423 = arith.constant 128 : i32
          %ge3A_424 = vector.broadcast %ge3A_423 : i32 to vector<16xi32>
          %ge3A_425 = arith.cmpi sge, %select_n3A_167, %ge3A_424 : vector<16xi32>
          %and3A_426 = arith.andi %lt3A_158, %ge3A_425 : vector<16xi1>
          %jit3A_427 = arith.constant 0 : i32
          %broadcast_in_dim3A_428 = vector.broadcast %jit3A_427 : i32 to vector<16xi32>
          %select_n3A_429 = arith.select %and3A_422, %select_n3A_167, %broadcast_in_dim3A_428 : vector<16xi1>, vector<16xi32>
          %gather3A_430 = tpu.vector_load_idx %arg15[%select_n3A_429, %broadcast_in_dim3A_418] masked %and3A_422 : memref<128x128xf32, #tpu.memory_space<vmem>>[vector<16xi32>, vector<16xi32>], vector<16xf32>, vector<16xi1>
          %sub3A_431 = arith.constant 128 : i32
          %sub3A_432 = vector.broadcast %sub3A_431 : i32 to vector<16xi32>
          %sub3A_433 = arith.subi %select_n3A_167, %sub3A_432 : vector<16xi32>
          %jit3A_434 = arith.constant 0 : i32
          %broadcast_in_dim3A_435 = vector.broadcast %jit3A_434 : i32 to vector<16xi32>
          %select_n3A_436 = arith.select %and3A_426, %sub3A_433, %broadcast_in_dim3A_435 : vector<16xi1>, vector<16xi32>
          %gather3A_437 = tpu.vector_load_idx %arg16[%select_n3A_436, %broadcast_in_dim3A_418] masked %and3A_426 : memref<128x128xf32, #tpu.memory_space<vmem>>[vector<16xi32>, vector<16xi32>], vector<16xf32>, vector<16xi1>
          %lt3A_438 = arith.constant 128 : i32
          %lt3A_439 = vector.broadcast %lt3A_438 : i32 to vector<16xi32>
          %lt3A_440 = arith.cmpi slt, %select_n3A_167, %lt3A_439 : vector<16xi32>
          %select_n3A_441 = arith.select %lt3A_440, %gather3A_430, %gather3A_437 : vector<16xi1>, vector<16xf32>
          tpu.vector_store_idx %arg10[%broadcast_in_dim3A_418, %select_n3A_164], %select_n3A_441 masked %lt3A_158 : memref<32x256xf32, #tpu.memory_space<vmem>>[vector<16xi32>, vector<16xi32>], vector<16xf32>, vector<16xi1>
          %broadcast_in_dim3A_442 = arith.constant 11 : i32
          %broadcast_in_dim3A_443 = vector.broadcast %broadcast_in_dim3A_442 : i32 to vector<16xi32>
          %lt3A_444 = arith.constant 128 : i32
          %lt3A_445 = vector.broadcast %lt3A_444 : i32 to vector<16xi32>
          %lt3A_446 = arith.cmpi slt, %select_n3A_167, %lt3A_445 : vector<16xi32>
          %and3A_447 = arith.andi %lt3A_158, %lt3A_446 : vector<16xi1>
          %ge3A_448 = arith.constant 128 : i32
          %ge3A_449 = vector.broadcast %ge3A_448 : i32 to vector<16xi32>
          %ge3A_450 = arith.cmpi sge, %select_n3A_167, %ge3A_449 : vector<16xi32>
          %and3A_451 = arith.andi %lt3A_158, %ge3A_450 : vector<16xi1>
          %jit3A_452 = arith.constant 0 : i32
          %broadcast_in_dim3A_453 = vector.broadcast %jit3A_452 : i32 to vector<16xi32>
          %select_n3A_454 = arith.select %and3A_447, %select_n3A_167, %broadcast_in_dim3A_453 : vector<16xi1>, vector<16xi32>
          %gather3A_455 = tpu.vector_load_idx %arg15[%select_n3A_454, %broadcast_in_dim3A_443] masked %and3A_447 : memref<128x128xf32, #tpu.memory_space<vmem>>[vector<16xi32>, vector<16xi32>], vector<16xf32>, vector<16xi1>
          %sub3A_456 = arith.constant 128 : i32
          %sub3A_457 = vector.broadcast %sub3A_456 : i32 to vector<16xi32>
          %sub3A_458 = arith.subi %select_n3A_167, %sub3A_457 : vector<16xi32>
          %jit3A_459 = arith.constant 0 : i32
          %broadcast_in_dim3A_460 = vector.broadcast %jit3A_459 : i32 to vector<16xi32>
          %select_n3A_461 = arith.select %and3A_451, %sub3A_458, %broadcast_in_dim3A_460 : vector<16xi1>, vector<16xi32>
          %gather3A_462 = tpu.vector_load_idx %arg16[%select_n3A_461, %broadcast_in_dim3A_443] masked %and3A_451 : memref<128x128xf32, #tpu.memory_space<vmem>>[vector<16xi32>, vector<16xi32>], vector<16xf32>, vector<16xi1>
          %lt3A_463 = arith.constant 128 : i32
          %lt3A_464 = vector.broadcast %lt3A_463 : i32 to vector<16xi32>
          %lt3A_465 = arith.cmpi slt, %select_n3A_167, %lt3A_464 : vector<16xi32>
          %select_n3A_466 = arith.select %lt3A_465, %gather3A_455, %gather3A_462 : vector<16xi1>, vector<16xf32>
          tpu.vector_store_idx %arg10[%broadcast_in_dim3A_443, %select_n3A_164], %select_n3A_466 masked %lt3A_158 : memref<32x256xf32, #tpu.memory_space<vmem>>[vector<16xi32>, vector<16xi32>], vector<16xf32>, vector<16xi1>
          %broadcast_in_dim3A_467 = arith.constant 12 : i32
          %broadcast_in_dim3A_468 = vector.broadcast %broadcast_in_dim3A_467 : i32 to vector<16xi32>
          %lt3A_469 = arith.constant 128 : i32
          %lt3A_470 = vector.broadcast %lt3A_469 : i32 to vector<16xi32>
          %lt3A_471 = arith.cmpi slt, %select_n3A_167, %lt3A_470 : vector<16xi32>
          %and3A_472 = arith.andi %lt3A_158, %lt3A_471 : vector<16xi1>
          %ge3A_473 = arith.constant 128 : i32
          %ge3A_474 = vector.broadcast %ge3A_473 : i32 to vector<16xi32>
          %ge3A_475 = arith.cmpi sge, %select_n3A_167, %ge3A_474 : vector<16xi32>
          %and3A_476 = arith.andi %lt3A_158, %ge3A_475 : vector<16xi1>
          %jit3A_477 = arith.constant 0 : i32
          %broadcast_in_dim3A_478 = vector.broadcast %jit3A_477 : i32 to vector<16xi32>
          %select_n3A_479 = arith.select %and3A_472, %select_n3A_167, %broadcast_in_dim3A_478 : vector<16xi1>, vector<16xi32>
          %gather3A_480 = tpu.vector_load_idx %arg15[%select_n3A_479, %broadcast_in_dim3A_468] masked %and3A_472 : memref<128x128xf32, #tpu.memory_space<vmem>>[vector<16xi32>, vector<16xi32>], vector<16xf32>, vector<16xi1>
          %sub3A_481 = arith.constant 128 : i32
          %sub3A_482 = vector.broadcast %sub3A_481 : i32 to vector<16xi32>
          %sub3A_483 = arith.subi %select_n3A_167, %sub3A_482 : vector<16xi32>
          %jit3A_484 = arith.constant 0 : i32
          %broadcast_in_dim3A_485 = vector.broadcast %jit3A_484 : i32 to vector<16xi32>
          %select_n3A_486 = arith.select %and3A_476, %sub3A_483, %broadcast_in_dim3A_485 : vector<16xi1>, vector<16xi32>
          %gather3A_487 = tpu.vector_load_idx %arg16[%select_n3A_486, %broadcast_in_dim3A_468] masked %and3A_476 : memref<128x128xf32, #tpu.memory_space<vmem>>[vector<16xi32>, vector<16xi32>], vector<16xf32>, vector<16xi1>
          %lt3A_488 = arith.constant 128 : i32
          %lt3A_489 = vector.broadcast %lt3A_488 : i32 to vector<16xi32>
          %lt3A_490 = arith.cmpi slt, %select_n3A_167, %lt3A_489 : vector<16xi32>
          %select_n3A_491 = arith.select %lt3A_490, %gather3A_480, %gather3A_487 : vector<16xi1>, vector<16xf32>
          tpu.vector_store_idx %arg10[%broadcast_in_dim3A_468, %select_n3A_164], %select_n3A_491 masked %lt3A_158 : memref<32x256xf32, #tpu.memory_space<vmem>>[vector<16xi32>, vector<16xi32>], vector<16xf32>, vector<16xi1>
          %broadcast_in_dim3A_492 = arith.constant 13 : i32
          %broadcast_in_dim3A_493 = vector.broadcast %broadcast_in_dim3A_492 : i32 to vector<16xi32>
          %lt3A_494 = arith.constant 128 : i32
          %lt3A_495 = vector.broadcast %lt3A_494 : i32 to vector<16xi32>
          %lt3A_496 = arith.cmpi slt, %select_n3A_167, %lt3A_495 : vector<16xi32>
          %and3A_497 = arith.andi %lt3A_158, %lt3A_496 : vector<16xi1>
          %ge3A_498 = arith.constant 128 : i32
          %ge3A_499 = vector.broadcast %ge3A_498 : i32 to vector<16xi32>
          %ge3A_500 = arith.cmpi sge, %select_n3A_167, %ge3A_499 : vector<16xi32>
          %and3A_501 = arith.andi %lt3A_158, %ge3A_500 : vector<16xi1>
          %jit3A_502 = arith.constant 0 : i32
          %broadcast_in_dim3A_503 = vector.broadcast %jit3A_502 : i32 to vector<16xi32>
          %select_n3A_504 = arith.select %and3A_497, %select_n3A_167, %broadcast_in_dim3A_503 : vector<16xi1>, vector<16xi32>
          %gather3A_505 = tpu.vector_load_idx %arg15[%select_n3A_504, %broadcast_in_dim3A_493] masked %and3A_497 : memref<128x128xf32, #tpu.memory_space<vmem>>[vector<16xi32>, vector<16xi32>], vector<16xf32>, vector<16xi1>
          %sub3A_506 = arith.constant 128 : i32
          %sub3A_507 = vector.broadcast %sub3A_506 : i32 to vector<16xi32>
          %sub3A_508 = arith.subi %select_n3A_167, %sub3A_507 : vector<16xi32>
          %jit3A_509 = arith.constant 0 : i32
          %broadcast_in_dim3A_510 = vector.broadcast %jit3A_509 : i32 to vector<16xi32>
          %select_n3A_511 = arith.select %and3A_501, %sub3A_508, %broadcast_in_dim3A_510 : vector<16xi1>, vector<16xi32>
          %gather3A_512 = tpu.vector_load_idx %arg16[%select_n3A_511, %broadcast_in_dim3A_493] masked %and3A_501 : memref<128x128xf32, #tpu.memory_space<vmem>>[vector<16xi32>, vector<16xi32>], vector<16xf32>, vector<16xi1>
          %lt3A_513 = arith.constant 128 : i32
          %lt3A_514 = vector.broadcast %lt3A_513 : i32 to vector<16xi32>
          %lt3A_515 = arith.cmpi slt, %select_n3A_167, %lt3A_514 : vector<16xi32>
          %select_n3A_516 = arith.select %lt3A_515, %gather3A_505, %gather3A_512 : vector<16xi1>, vector<16xf32>
          tpu.vector_store_idx %arg10[%broadcast_in_dim3A_493, %select_n3A_164], %select_n3A_516 masked %lt3A_158 : memref<32x256xf32, #tpu.memory_space<vmem>>[vector<16xi32>, vector<16xi32>], vector<16xf32>, vector<16xi1>
          %broadcast_in_dim3A_517 = arith.constant 14 : i32
          %broadcast_in_dim3A_518 = vector.broadcast %broadcast_in_dim3A_517 : i32 to vector<16xi32>
          %lt3A_519 = arith.constant 128 : i32
          %lt3A_520 = vector.broadcast %lt3A_519 : i32 to vector<16xi32>
          %lt3A_521 = arith.cmpi slt, %select_n3A_167, %lt3A_520 : vector<16xi32>
          %and3A_522 = arith.andi %lt3A_158, %lt3A_521 : vector<16xi1>
          %ge3A_523 = arith.constant 128 : i32
          %ge3A_524 = vector.broadcast %ge3A_523 : i32 to vector<16xi32>
          %ge3A_525 = arith.cmpi sge, %select_n3A_167, %ge3A_524 : vector<16xi32>
          %and3A_526 = arith.andi %lt3A_158, %ge3A_525 : vector<16xi1>
          %jit3A_527 = arith.constant 0 : i32
          %broadcast_in_dim3A_528 = vector.broadcast %jit3A_527 : i32 to vector<16xi32>
          %select_n3A_529 = arith.select %and3A_522, %select_n3A_167, %broadcast_in_dim3A_528 : vector<16xi1>, vector<16xi32>
          %gather3A_530 = tpu.vector_load_idx %arg15[%select_n3A_529, %broadcast_in_dim3A_518] masked %and3A_522 : memref<128x128xf32, #tpu.memory_space<vmem>>[vector<16xi32>, vector<16xi32>], vector<16xf32>, vector<16xi1>
          %sub3A_531 = arith.constant 128 : i32
          %sub3A_532 = vector.broadcast %sub3A_531 : i32 to vector<16xi32>
          %sub3A_533 = arith.subi %select_n3A_167, %sub3A_532 : vector<16xi32>
          %jit3A_534 = arith.constant 0 : i32
          %broadcast_in_dim3A_535 = vector.broadcast %jit3A_534 : i32 to vector<16xi32>
          %select_n3A_536 = arith.select %and3A_526, %sub3A_533, %broadcast_in_dim3A_535 : vector<16xi1>, vector<16xi32>
          %gather3A_537 = tpu.vector_load_idx %arg16[%select_n3A_536, %broadcast_in_dim3A_518] masked %and3A_526 : memref<128x128xf32, #tpu.memory_space<vmem>>[vector<16xi32>, vector<16xi32>], vector<16xf32>, vector<16xi1>
          %lt3A_538 = arith.constant 128 : i32
          %lt3A_539 = vector.broadcast %lt3A_538 : i32 to vector<16xi32>
          %lt3A_540 = arith.cmpi slt, %select_n3A_167, %lt3A_539 : vector<16xi32>
          %select_n3A_541 = arith.select %lt3A_540, %gather3A_530, %gather3A_537 : vector<16xi1>, vector<16xf32>
          tpu.vector_store_idx %arg10[%broadcast_in_dim3A_518, %select_n3A_164], %select_n3A_541 masked %lt3A_158 : memref<32x256xf32, #tpu.memory_space<vmem>>[vector<16xi32>, vector<16xi32>], vector<16xf32>, vector<16xi1>
          %broadcast_in_dim3A_542 = arith.constant 15 : i32
          %broadcast_in_dim3A_543 = vector.broadcast %broadcast_in_dim3A_542 : i32 to vector<16xi32>
          %lt3A_544 = arith.constant 128 : i32
          %lt3A_545 = vector.broadcast %lt3A_544 : i32 to vector<16xi32>
          %lt3A_546 = arith.cmpi slt, %select_n3A_167, %lt3A_545 : vector<16xi32>
          %and3A_547 = arith.andi %lt3A_158, %lt3A_546 : vector<16xi1>
          %ge3A_548 = arith.constant 128 : i32
          %ge3A_549 = vector.broadcast %ge3A_548 : i32 to vector<16xi32>
          %ge3A_550 = arith.cmpi sge, %select_n3A_167, %ge3A_549 : vector<16xi32>
          %and3A_551 = arith.andi %lt3A_158, %ge3A_550 : vector<16xi1>
          %jit3A_552 = arith.constant 0 : i32
          %broadcast_in_dim3A_553 = vector.broadcast %jit3A_552 : i32 to vector<16xi32>
          %select_n3A_554 = arith.select %and3A_547, %select_n3A_167, %broadcast_in_dim3A_553 : vector<16xi1>, vector<16xi32>
          %gather3A_555 = tpu.vector_load_idx %arg15[%select_n3A_554, %broadcast_in_dim3A_543] masked %and3A_547 : memref<128x128xf32, #tpu.memory_space<vmem>>[vector<16xi32>, vector<16xi32>], vector<16xf32>, vector<16xi1>
          %sub3A_556 = arith.constant 128 : i32
          %sub3A_557 = vector.broadcast %sub3A_556 : i32 to vector<16xi32>
          %sub3A_558 = arith.subi %select_n3A_167, %sub3A_557 : vector<16xi32>
          %jit3A_559 = arith.constant 0 : i32
          %broadcast_in_dim3A_560 = vector.broadcast %jit3A_559 : i32 to vector<16xi32>
          %select_n3A_561 = arith.select %and3A_551, %sub3A_558, %broadcast_in_dim3A_560 : vector<16xi1>, vector<16xi32>
          %gather3A_562 = tpu.vector_load_idx %arg16[%select_n3A_561, %broadcast_in_dim3A_543] masked %and3A_551 : memref<128x128xf32, #tpu.memory_space<vmem>>[vector<16xi32>, vector<16xi32>], vector<16xf32>, vector<16xi1>
          %lt3A_563 = arith.constant 128 : i32
          %lt3A_564 = vector.broadcast %lt3A_563 : i32 to vector<16xi32>
          %lt3A_565 = arith.cmpi slt, %select_n3A_167, %lt3A_564 : vector<16xi32>
          %select_n3A_566 = arith.select %lt3A_565, %gather3A_555, %gather3A_562 : vector<16xi1>, vector<16xf32>
          tpu.vector_store_idx %arg10[%broadcast_in_dim3A_543, %select_n3A_164], %select_n3A_566 masked %lt3A_158 : memref<32x256xf32, #tpu.memory_space<vmem>>[vector<16xi32>, vector<16xi32>], vector<16xf32>, vector<16xi1>
          %broadcast_in_dim3A_567 = arith.constant 16 : i32
          %broadcast_in_dim3A_568 = vector.broadcast %broadcast_in_dim3A_567 : i32 to vector<16xi32>
          %lt3A_569 = arith.constant 128 : i32
          %lt3A_570 = vector.broadcast %lt3A_569 : i32 to vector<16xi32>
          %lt3A_571 = arith.cmpi slt, %select_n3A_167, %lt3A_570 : vector<16xi32>
          %and3A_572 = arith.andi %lt3A_158, %lt3A_571 : vector<16xi1>
          %ge3A_573 = arith.constant 128 : i32
          %ge3A_574 = vector.broadcast %ge3A_573 : i32 to vector<16xi32>
          %ge3A_575 = arith.cmpi sge, %select_n3A_167, %ge3A_574 : vector<16xi32>
          %and3A_576 = arith.andi %lt3A_158, %ge3A_575 : vector<16xi1>
          %jit3A_577 = arith.constant 0 : i32
          %broadcast_in_dim3A_578 = vector.broadcast %jit3A_577 : i32 to vector<16xi32>
          %select_n3A_579 = arith.select %and3A_572, %select_n3A_167, %broadcast_in_dim3A_578 : vector<16xi1>, vector<16xi32>
          %gather3A_580 = tpu.vector_load_idx %arg15[%select_n3A_579, %broadcast_in_dim3A_568] masked %and3A_572 : memref<128x128xf32, #tpu.memory_space<vmem>>[vector<16xi32>, vector<16xi32>], vector<16xf32>, vector<16xi1>
          %sub3A_581 = arith.constant 128 : i32
          %sub3A_582 = vector.broadcast %sub3A_581 : i32 to vector<16xi32>
          %sub3A_583 = arith.subi %select_n3A_167, %sub3A_582 : vector<16xi32>
          %jit3A_584 = arith.constant 0 : i32
          %broadcast_in_dim3A_585 = vector.broadcast %jit3A_584 : i32 to vector<16xi32>
          %select_n3A_586 = arith.select %and3A_576, %sub3A_583, %broadcast_in_dim3A_585 : vector<16xi1>, vector<16xi32>
          %gather3A_587 = tpu.vector_load_idx %arg16[%select_n3A_586, %broadcast_in_dim3A_568] masked %and3A_576 : memref<128x128xf32, #tpu.memory_space<vmem>>[vector<16xi32>, vector<16xi32>], vector<16xf32>, vector<16xi1>
          %lt3A_588 = arith.constant 128 : i32
          %lt3A_589 = vector.broadcast %lt3A_588 : i32 to vector<16xi32>
          %lt3A_590 = arith.cmpi slt, %select_n3A_167, %lt3A_589 : vector<16xi32>
          %select_n3A_591 = arith.select %lt3A_590, %gather3A_580, %gather3A_587 : vector<16xi1>, vector<16xf32>
          tpu.vector_store_idx %arg10[%broadcast_in_dim3A_568, %select_n3A_164], %select_n3A_591 masked %lt3A_158 : memref<32x256xf32, #tpu.memory_space<vmem>>[vector<16xi32>, vector<16xi32>], vector<16xf32>, vector<16xi1>
          %broadcast_in_dim3A_592 = arith.constant 17 : i32
          %broadcast_in_dim3A_593 = vector.broadcast %broadcast_in_dim3A_592 : i32 to vector<16xi32>
          %lt3A_594 = arith.constant 128 : i32
          %lt3A_595 = vector.broadcast %lt3A_594 : i32 to vector<16xi32>
          %lt3A_596 = arith.cmpi slt, %select_n3A_167, %lt3A_595 : vector<16xi32>
          %and3A_597 = arith.andi %lt3A_158, %lt3A_596 : vector<16xi1>
          %ge3A_598 = arith.constant 128 : i32
          %ge3A_599 = vector.broadcast %ge3A_598 : i32 to vector<16xi32>
          %ge3A_600 = arith.cmpi sge, %select_n3A_167, %ge3A_599 : vector<16xi32>
          %and3A_601 = arith.andi %lt3A_158, %ge3A_600 : vector<16xi1>
          %jit3A_602 = arith.constant 0 : i32
          %broadcast_in_dim3A_603 = vector.broadcast %jit3A_602 : i32 to vector<16xi32>
          %select_n3A_604 = arith.select %and3A_597, %select_n3A_167, %broadcast_in_dim3A_603 : vector<16xi1>, vector<16xi32>
          %gather3A_605 = tpu.vector_load_idx %arg15[%select_n3A_604, %broadcast_in_dim3A_593] masked %and3A_597 : memref<128x128xf32, #tpu.memory_space<vmem>>[vector<16xi32>, vector<16xi32>], vector<16xf32>, vector<16xi1>
          %sub3A_606 = arith.constant 128 : i32
          %sub3A_607 = vector.broadcast %sub3A_606 : i32 to vector<16xi32>
          %sub3A_608 = arith.subi %select_n3A_167, %sub3A_607 : vector<16xi32>
          %jit3A_609 = arith.constant 0 : i32
          %broadcast_in_dim3A_610 = vector.broadcast %jit3A_609 : i32 to vector<16xi32>
          %select_n3A_611 = arith.select %and3A_601, %sub3A_608, %broadcast_in_dim3A_610 : vector<16xi1>, vector<16xi32>
          %gather3A_612 = tpu.vector_load_idx %arg16[%select_n3A_611, %broadcast_in_dim3A_593] masked %and3A_601 : memref<128x128xf32, #tpu.memory_space<vmem>>[vector<16xi32>, vector<16xi32>], vector<16xf32>, vector<16xi1>
          %lt3A_613 = arith.constant 128 : i32
          %lt3A_614 = vector.broadcast %lt3A_613 : i32 to vector<16xi32>
          %lt3A_615 = arith.cmpi slt, %select_n3A_167, %lt3A_614 : vector<16xi32>
          %select_n3A_616 = arith.select %lt3A_615, %gather3A_605, %gather3A_612 : vector<16xi1>, vector<16xf32>
          tpu.vector_store_idx %arg10[%broadcast_in_dim3A_593, %select_n3A_164], %select_n3A_616 masked %lt3A_158 : memref<32x256xf32, #tpu.memory_space<vmem>>[vector<16xi32>, vector<16xi32>], vector<16xf32>, vector<16xi1>
          %broadcast_in_dim3A_617 = arith.constant 18 : i32
          %broadcast_in_dim3A_618 = vector.broadcast %broadcast_in_dim3A_617 : i32 to vector<16xi32>
          %lt3A_619 = arith.constant 128 : i32
          %lt3A_620 = vector.broadcast %lt3A_619 : i32 to vector<16xi32>
          %lt3A_621 = arith.cmpi slt, %select_n3A_167, %lt3A_620 : vector<16xi32>
          %and3A_622 = arith.andi %lt3A_158, %lt3A_621 : vector<16xi1>
          %ge3A_623 = arith.constant 128 : i32
          %ge3A_624 = vector.broadcast %ge3A_623 : i32 to vector<16xi32>
          %ge3A_625 = arith.cmpi sge, %select_n3A_167, %ge3A_624 : vector<16xi32>
          %and3A_626 = arith.andi %lt3A_158, %ge3A_625 : vector<16xi1>
          %jit3A_627 = arith.constant 0 : i32
          %broadcast_in_dim3A_628 = vector.broadcast %jit3A_627 : i32 to vector<16xi32>
          %select_n3A_629 = arith.select %and3A_622, %select_n3A_167, %broadcast_in_dim3A_628 : vector<16xi1>, vector<16xi32>
          %gather3A_630 = tpu.vector_load_idx %arg15[%select_n3A_629, %broadcast_in_dim3A_618] masked %and3A_622 : memref<128x128xf32, #tpu.memory_space<vmem>>[vector<16xi32>, vector<16xi32>], vector<16xf32>, vector<16xi1>
          %sub3A_631 = arith.constant 128 : i32
          %sub3A_632 = vector.broadcast %sub3A_631 : i32 to vector<16xi32>
          %sub3A_633 = arith.subi %select_n3A_167, %sub3A_632 : vector<16xi32>
          %jit3A_634 = arith.constant 0 : i32
          %broadcast_in_dim3A_635 = vector.broadcast %jit3A_634 : i32 to vector<16xi32>
          %select_n3A_636 = arith.select %and3A_626, %sub3A_633, %broadcast_in_dim3A_635 : vector<16xi1>, vector<16xi32>
          %gather3A_637 = tpu.vector_load_idx %arg16[%select_n3A_636, %broadcast_in_dim3A_618] masked %and3A_626 : memref<128x128xf32, #tpu.memory_space<vmem>>[vector<16xi32>, vector<16xi32>], vector<16xf32>, vector<16xi1>
          %lt3A_638 = arith.constant 128 : i32
          %lt3A_639 = vector.broadcast %lt3A_638 : i32 to vector<16xi32>
          %lt3A_640 = arith.cmpi slt, %select_n3A_167, %lt3A_639 : vector<16xi32>
          %select_n3A_641 = arith.select %lt3A_640, %gather3A_630, %gather3A_637 : vector<16xi1>, vector<16xf32>
          tpu.vector_store_idx %arg10[%broadcast_in_dim3A_618, %select_n3A_164], %select_n3A_641 masked %lt3A_158 : memref<32x256xf32, #tpu.memory_space<vmem>>[vector<16xi32>, vector<16xi32>], vector<16xf32>, vector<16xi1>
          %broadcast_in_dim3A_642 = arith.constant 19 : i32
          %broadcast_in_dim3A_643 = vector.broadcast %broadcast_in_dim3A_642 : i32 to vector<16xi32>
          %lt3A_644 = arith.constant 128 : i32
          %lt3A_645 = vector.broadcast %lt3A_644 : i32 to vector<16xi32>
          %lt3A_646 = arith.cmpi slt, %select_n3A_167, %lt3A_645 : vector<16xi32>
          %and3A_647 = arith.andi %lt3A_158, %lt3A_646 : vector<16xi1>
          %ge3A_648 = arith.constant 128 : i32
          %ge3A_649 = vector.broadcast %ge3A_648 : i32 to vector<16xi32>
          %ge3A_650 = arith.cmpi sge, %select_n3A_167, %ge3A_649 : vector<16xi32>
          %and3A_651 = arith.andi %lt3A_158, %ge3A_650 : vector<16xi1>
          %jit3A_652 = arith.constant 0 : i32
          %broadcast_in_dim3A_653 = vector.broadcast %jit3A_652 : i32 to vector<16xi32>
          %select_n3A_654 = arith.select %and3A_647, %select_n3A_167, %broadcast_in_dim3A_653 : vector<16xi1>, vector<16xi32>
          %gather3A_655 = tpu.vector_load_idx %arg15[%select_n3A_654, %broadcast_in_dim3A_643] masked %and3A_647 : memref<128x128xf32, #tpu.memory_space<vmem>>[vector<16xi32>, vector<16xi32>], vector<16xf32>, vector<16xi1>
          %sub3A_656 = arith.constant 128 : i32
          %sub3A_657 = vector.broadcast %sub3A_656 : i32 to vector<16xi32>
          %sub3A_658 = arith.subi %select_n3A_167, %sub3A_657 : vector<16xi32>
          %jit3A_659 = arith.constant 0 : i32
          %broadcast_in_dim3A_660 = vector.broadcast %jit3A_659 : i32 to vector<16xi32>
          %select_n3A_661 = arith.select %and3A_651, %sub3A_658, %broadcast_in_dim3A_660 : vector<16xi1>, vector<16xi32>
          %gather3A_662 = tpu.vector_load_idx %arg16[%select_n3A_661, %broadcast_in_dim3A_643] masked %and3A_651 : memref<128x128xf32, #tpu.memory_space<vmem>>[vector<16xi32>, vector<16xi32>], vector<16xf32>, vector<16xi1>
          %lt3A_663 = arith.constant 128 : i32
          %lt3A_664 = vector.broadcast %lt3A_663 : i32 to vector<16xi32>
          %lt3A_665 = arith.cmpi slt, %select_n3A_167, %lt3A_664 : vector<16xi32>
          %select_n3A_666 = arith.select %lt3A_665, %gather3A_655, %gather3A_662 : vector<16xi1>, vector<16xf32>
          tpu.vector_store_idx %arg10[%broadcast_in_dim3A_643, %select_n3A_164], %select_n3A_666 masked %lt3A_158 : memref<32x256xf32, #tpu.memory_space<vmem>>[vector<16xi32>, vector<16xi32>], vector<16xf32>, vector<16xi1>
          %broadcast_in_dim3A_667 = arith.constant 20 : i32
          %broadcast_in_dim3A_668 = vector.broadcast %broadcast_in_dim3A_667 : i32 to vector<16xi32>
          %lt3A_669 = arith.constant 128 : i32
          %lt3A_670 = vector.broadcast %lt3A_669 : i32 to vector<16xi32>
          %lt3A_671 = arith.cmpi slt, %select_n3A_167, %lt3A_670 : vector<16xi32>
          %and3A_672 = arith.andi %lt3A_158, %lt3A_671 : vector<16xi1>
          %ge3A_673 = arith.constant 128 : i32
          %ge3A_674 = vector.broadcast %ge3A_673 : i32 to vector<16xi32>
          %ge3A_675 = arith.cmpi sge, %select_n3A_167, %ge3A_674 : vector<16xi32>
          %and3A_676 = arith.andi %lt3A_158, %ge3A_675 : vector<16xi1>
          %jit3A_677 = arith.constant 0 : i32
          %broadcast_in_dim3A_678 = vector.broadcast %jit3A_677 : i32 to vector<16xi32>
          %select_n3A_679 = arith.select %and3A_672, %select_n3A_167, %broadcast_in_dim3A_678 : vector<16xi1>, vector<16xi32>
          %gather3A_680 = tpu.vector_load_idx %arg15[%select_n3A_679, %broadcast_in_dim3A_668] masked %and3A_672 : memref<128x128xf32, #tpu.memory_space<vmem>>[vector<16xi32>, vector<16xi32>], vector<16xf32>, vector<16xi1>
          %sub3A_681 = arith.constant 128 : i32
          %sub3A_682 = vector.broadcast %sub3A_681 : i32 to vector<16xi32>
          %sub3A_683 = arith.subi %select_n3A_167, %sub3A_682 : vector<16xi32>
          %jit3A_684 = arith.constant 0 : i32
          %broadcast_in_dim3A_685 = vector.broadcast %jit3A_684 : i32 to vector<16xi32>
          %select_n3A_686 = arith.select %and3A_676, %sub3A_683, %broadcast_in_dim3A_685 : vector<16xi1>, vector<16xi32>
          %gather3A_687 = tpu.vector_load_idx %arg16[%select_n3A_686, %broadcast_in_dim3A_668] masked %and3A_676 : memref<128x128xf32, #tpu.memory_space<vmem>>[vector<16xi32>, vector<16xi32>], vector<16xf32>, vector<16xi1>
          %lt3A_688 = arith.constant 128 : i32
          %lt3A_689 = vector.broadcast %lt3A_688 : i32 to vector<16xi32>
          %lt3A_690 = arith.cmpi slt, %select_n3A_167, %lt3A_689 : vector<16xi32>
          %select_n3A_691 = arith.select %lt3A_690, %gather3A_680, %gather3A_687 : vector<16xi1>, vector<16xf32>
          tpu.vector_store_idx %arg10[%broadcast_in_dim3A_668, %select_n3A_164], %select_n3A_691 masked %lt3A_158 : memref<32x256xf32, #tpu.memory_space<vmem>>[vector<16xi32>, vector<16xi32>], vector<16xf32>, vector<16xi1>
          %broadcast_in_dim3A_692 = arith.constant 21 : i32
          %broadcast_in_dim3A_693 = vector.broadcast %broadcast_in_dim3A_692 : i32 to vector<16xi32>
          %lt3A_694 = arith.constant 128 : i32
          %lt3A_695 = vector.broadcast %lt3A_694 : i32 to vector<16xi32>
          %lt3A_696 = arith.cmpi slt, %select_n3A_167, %lt3A_695 : vector<16xi32>
          %and3A_697 = arith.andi %lt3A_158, %lt3A_696 : vector<16xi1>
          %ge3A_698 = arith.constant 128 : i32
          %ge3A_699 = vector.broadcast %ge3A_698 : i32 to vector<16xi32>
          %ge3A_700 = arith.cmpi sge, %select_n3A_167, %ge3A_699 : vector<16xi32>
          %and3A_701 = arith.andi %lt3A_158, %ge3A_700 : vector<16xi1>
          %jit3A_702 = arith.constant 0 : i32
          %broadcast_in_dim3A_703 = vector.broadcast %jit3A_702 : i32 to vector<16xi32>
          %select_n3A_704 = arith.select %and3A_697, %select_n3A_167, %broadcast_in_dim3A_703 : vector<16xi1>, vector<16xi32>
          %gather3A_705 = tpu.vector_load_idx %arg15[%select_n3A_704, %broadcast_in_dim3A_693] masked %and3A_697 : memref<128x128xf32, #tpu.memory_space<vmem>>[vector<16xi32>, vector<16xi32>], vector<16xf32>, vector<16xi1>
          %sub3A_706 = arith.constant 128 : i32
          %sub3A_707 = vector.broadcast %sub3A_706 : i32 to vector<16xi32>
          %sub3A_708 = arith.subi %select_n3A_167, %sub3A_707 : vector<16xi32>
          %jit3A_709 = arith.constant 0 : i32
          %broadcast_in_dim3A_710 = vector.broadcast %jit3A_709 : i32 to vector<16xi32>
          %select_n3A_711 = arith.select %and3A_701, %sub3A_708, %broadcast_in_dim3A_710 : vector<16xi1>, vector<16xi32>
          %gather3A_712 = tpu.vector_load_idx %arg16[%select_n3A_711, %broadcast_in_dim3A_693] masked %and3A_701 : memref<128x128xf32, #tpu.memory_space<vmem>>[vector<16xi32>, vector<16xi32>], vector<16xf32>, vector<16xi1>
          %lt3A_713 = arith.constant 128 : i32
          %lt3A_714 = vector.broadcast %lt3A_713 : i32 to vector<16xi32>
          %lt3A_715 = arith.cmpi slt, %select_n3A_167, %lt3A_714 : vector<16xi32>
          %select_n3A_716 = arith.select %lt3A_715, %gather3A_705, %gather3A_712 : vector<16xi1>, vector<16xf32>
          tpu.vector_store_idx %arg10[%broadcast_in_dim3A_693, %select_n3A_164], %select_n3A_716 masked %lt3A_158 : memref<32x256xf32, #tpu.memory_space<vmem>>[vector<16xi32>, vector<16xi32>], vector<16xf32>, vector<16xi1>
          %broadcast_in_dim3A_717 = arith.constant 22 : i32
          %broadcast_in_dim3A_718 = vector.broadcast %broadcast_in_dim3A_717 : i32 to vector<16xi32>
          %lt3A_719 = arith.constant 128 : i32
          %lt3A_720 = vector.broadcast %lt3A_719 : i32 to vector<16xi32>
          %lt3A_721 = arith.cmpi slt, %select_n3A_167, %lt3A_720 : vector<16xi32>
          %and3A_722 = arith.andi %lt3A_158, %lt3A_721 : vector<16xi1>
          %ge3A_723 = arith.constant 128 : i32
          %ge3A_724 = vector.broadcast %ge3A_723 : i32 to vector<16xi32>
          %ge3A_725 = arith.cmpi sge, %select_n3A_167, %ge3A_724 : vector<16xi32>
          %and3A_726 = arith.andi %lt3A_158, %ge3A_725 : vector<16xi1>
          %jit3A_727 = arith.constant 0 : i32
          %broadcast_in_dim3A_728 = vector.broadcast %jit3A_727 : i32 to vector<16xi32>
          %select_n3A_729 = arith.select %and3A_722, %select_n3A_167, %broadcast_in_dim3A_728 : vector<16xi1>, vector<16xi32>
          %gather3A_730 = tpu.vector_load_idx %arg15[%select_n3A_729, %broadcast_in_dim3A_718] masked %and3A_722 : memref<128x128xf32, #tpu.memory_space<vmem>>[vector<16xi32>, vector<16xi32>], vector<16xf32>, vector<16xi1>
          %sub3A_731 = arith.constant 128 : i32
          %sub3A_732 = vector.broadcast %sub3A_731 : i32 to vector<16xi32>
          %sub3A_733 = arith.subi %select_n3A_167, %sub3A_732 : vector<16xi32>
          %jit3A_734 = arith.constant 0 : i32
          %broadcast_in_dim3A_735 = vector.broadcast %jit3A_734 : i32 to vector<16xi32>
          %select_n3A_736 = arith.select %and3A_726, %sub3A_733, %broadcast_in_dim3A_735 : vector<16xi1>, vector<16xi32>
          %gather3A_737 = tpu.vector_load_idx %arg16[%select_n3A_736, %broadcast_in_dim3A_718] masked %and3A_726 : memref<128x128xf32, #tpu.memory_space<vmem>>[vector<16xi32>, vector<16xi32>], vector<16xf32>, vector<16xi1>
          %lt3A_738 = arith.constant 128 : i32
          %lt3A_739 = vector.broadcast %lt3A_738 : i32 to vector<16xi32>
          %lt3A_740 = arith.cmpi slt, %select_n3A_167, %lt3A_739 : vector<16xi32>
          %select_n3A_741 = arith.select %lt3A_740, %gather3A_730, %gather3A_737 : vector<16xi1>, vector<16xf32>
          tpu.vector_store_idx %arg10[%broadcast_in_dim3A_718, %select_n3A_164], %select_n3A_741 masked %lt3A_158 : memref<32x256xf32, #tpu.memory_space<vmem>>[vector<16xi32>, vector<16xi32>], vector<16xf32>, vector<16xi1>
          %broadcast_in_dim3A_742 = arith.constant 23 : i32
          %broadcast_in_dim3A_743 = vector.broadcast %broadcast_in_dim3A_742 : i32 to vector<16xi32>
          %lt3A_744 = arith.constant 128 : i32
          %lt3A_745 = vector.broadcast %lt3A_744 : i32 to vector<16xi32>
          %lt3A_746 = arith.cmpi slt, %select_n3A_167, %lt3A_745 : vector<16xi32>
          %and3A_747 = arith.andi %lt3A_158, %lt3A_746 : vector<16xi1>
          %ge3A_748 = arith.constant 128 : i32
          %ge3A_749 = vector.broadcast %ge3A_748 : i32 to vector<16xi32>
          %ge3A_750 = arith.cmpi sge, %select_n3A_167, %ge3A_749 : vector<16xi32>
          %and3A_751 = arith.andi %lt3A_158, %ge3A_750 : vector<16xi1>
          %jit3A_752 = arith.constant 0 : i32
          %broadcast_in_dim3A_753 = vector.broadcast %jit3A_752 : i32 to vector<16xi32>
          %select_n3A_754 = arith.select %and3A_747, %select_n3A_167, %broadcast_in_dim3A_753 : vector<16xi1>, vector<16xi32>
          %gather3A_755 = tpu.vector_load_idx %arg15[%select_n3A_754, %broadcast_in_dim3A_743] masked %and3A_747 : memref<128x128xf32, #tpu.memory_space<vmem>>[vector<16xi32>, vector<16xi32>], vector<16xf32>, vector<16xi1>
          %sub3A_756 = arith.constant 128 : i32
          %sub3A_757 = vector.broadcast %sub3A_756 : i32 to vector<16xi32>
          %sub3A_758 = arith.subi %select_n3A_167, %sub3A_757 : vector<16xi32>
          %jit3A_759 = arith.constant 0 : i32
          %broadcast_in_dim3A_760 = vector.broadcast %jit3A_759 : i32 to vector<16xi32>
          %select_n3A_761 = arith.select %and3A_751, %sub3A_758, %broadcast_in_dim3A_760 : vector<16xi1>, vector<16xi32>
          %gather3A_762 = tpu.vector_load_idx %arg16[%select_n3A_761, %broadcast_in_dim3A_743] masked %and3A_751 : memref<128x128xf32, #tpu.memory_space<vmem>>[vector<16xi32>, vector<16xi32>], vector<16xf32>, vector<16xi1>
          %lt3A_763 = arith.constant 128 : i32
          %lt3A_764 = vector.broadcast %lt3A_763 : i32 to vector<16xi32>
          %lt3A_765 = arith.cmpi slt, %select_n3A_167, %lt3A_764 : vector<16xi32>
          %select_n3A_766 = arith.select %lt3A_765, %gather3A_755, %gather3A_762 : vector<16xi1>, vector<16xf32>
          tpu.vector_store_idx %arg10[%broadcast_in_dim3A_743, %select_n3A_164], %select_n3A_766 masked %lt3A_158 : memref<32x256xf32, #tpu.memory_space<vmem>>[vector<16xi32>, vector<16xi32>], vector<16xf32>, vector<16xi1>
          %broadcast_in_dim3A_767 = arith.constant 24 : i32
          %broadcast_in_dim3A_768 = vector.broadcast %broadcast_in_dim3A_767 : i32 to vector<16xi32>
          %lt3A_769 = arith.constant 128 : i32
          %lt3A_770 = vector.broadcast %lt3A_769 : i32 to vector<16xi32>
          %lt3A_771 = arith.cmpi slt, %select_n3A_167, %lt3A_770 : vector<16xi32>
          %and3A_772 = arith.andi %lt3A_158, %lt3A_771 : vector<16xi1>
          %ge3A_773 = arith.constant 128 : i32
          %ge3A_774 = vector.broadcast %ge3A_773 : i32 to vector<16xi32>
          %ge3A_775 = arith.cmpi sge, %select_n3A_167, %ge3A_774 : vector<16xi32>
          %and3A_776 = arith.andi %lt3A_158, %ge3A_775 : vector<16xi1>
          %jit3A_777 = arith.constant 0 : i32
          %broadcast_in_dim3A_778 = vector.broadcast %jit3A_777 : i32 to vector<16xi32>
          %select_n3A_779 = arith.select %and3A_772, %select_n3A_167, %broadcast_in_dim3A_778 : vector<16xi1>, vector<16xi32>
          %gather3A_780 = tpu.vector_load_idx %arg15[%select_n3A_779, %broadcast_in_dim3A_768] masked %and3A_772 : memref<128x128xf32, #tpu.memory_space<vmem>>[vector<16xi32>, vector<16xi32>], vector<16xf32>, vector<16xi1>
          %sub3A_781 = arith.constant 128 : i32
          %sub3A_782 = vector.broadcast %sub3A_781 : i32 to vector<16xi32>
          %sub3A_783 = arith.subi %select_n3A_167, %sub3A_782 : vector<16xi32>
          %jit3A_784 = arith.constant 0 : i32
          %broadcast_in_dim3A_785 = vector.broadcast %jit3A_784 : i32 to vector<16xi32>
          %select_n3A_786 = arith.select %and3A_776, %sub3A_783, %broadcast_in_dim3A_785 : vector<16xi1>, vector<16xi32>
          %gather3A_787 = tpu.vector_load_idx %arg16[%select_n3A_786, %broadcast_in_dim3A_768] masked %and3A_776 : memref<128x128xf32, #tpu.memory_space<vmem>>[vector<16xi32>, vector<16xi32>], vector<16xf32>, vector<16xi1>
          %lt3A_788 = arith.constant 128 : i32
          %lt3A_789 = vector.broadcast %lt3A_788 : i32 to vector<16xi32>
          %lt3A_790 = arith.cmpi slt, %select_n3A_167, %lt3A_789 : vector<16xi32>
          %select_n3A_791 = arith.select %lt3A_790, %gather3A_780, %gather3A_787 : vector<16xi1>, vector<16xf32>
          tpu.vector_store_idx %arg10[%broadcast_in_dim3A_768, %select_n3A_164], %select_n3A_791 masked %lt3A_158 : memref<32x256xf32, #tpu.memory_space<vmem>>[vector<16xi32>, vector<16xi32>], vector<16xf32>, vector<16xi1>
          %broadcast_in_dim3A_792 = arith.constant 25 : i32
          %broadcast_in_dim3A_793 = vector.broadcast %broadcast_in_dim3A_792 : i32 to vector<16xi32>
          %lt3A_794 = arith.constant 128 : i32
          %lt3A_795 = vector.broadcast %lt3A_794 : i32 to vector<16xi32>
          %lt3A_796 = arith.cmpi slt, %select_n3A_167, %lt3A_795 : vector<16xi32>
          %and3A_797 = arith.andi %lt3A_158, %lt3A_796 : vector<16xi1>
          %ge3A_798 = arith.constant 128 : i32
          %ge3A_799 = vector.broadcast %ge3A_798 : i32 to vector<16xi32>
          %ge3A_800 = arith.cmpi sge, %select_n3A_167, %ge3A_799 : vector<16xi32>
          %and3A_801 = arith.andi %lt3A_158, %ge3A_800 : vector<16xi1>
          %jit3A_802 = arith.constant 0 : i32
          %broadcast_in_dim3A_803 = vector.broadcast %jit3A_802 : i32 to vector<16xi32>
          %select_n3A_804 = arith.select %and3A_797, %select_n3A_167, %broadcast_in_dim3A_803 : vector<16xi1>, vector<16xi32>
          %gather3A_805 = tpu.vector_load_idx %arg15[%select_n3A_804, %broadcast_in_dim3A_793] masked %and3A_797 : memref<128x128xf32, #tpu.memory_space<vmem>>[vector<16xi32>, vector<16xi32>], vector<16xf32>, vector<16xi1>
          %sub3A_806 = arith.constant 128 : i32
          %sub3A_807 = vector.broadcast %sub3A_806 : i32 to vector<16xi32>
          %sub3A_808 = arith.subi %select_n3A_167, %sub3A_807 : vector<16xi32>
          %jit3A_809 = arith.constant 0 : i32
          %broadcast_in_dim3A_810 = vector.broadcast %jit3A_809 : i32 to vector<16xi32>
          %select_n3A_811 = arith.select %and3A_801, %sub3A_808, %broadcast_in_dim3A_810 : vector<16xi1>, vector<16xi32>
          %gather3A_812 = tpu.vector_load_idx %arg16[%select_n3A_811, %broadcast_in_dim3A_793] masked %and3A_801 : memref<128x128xf32, #tpu.memory_space<vmem>>[vector<16xi32>, vector<16xi32>], vector<16xf32>, vector<16xi1>
          %lt3A_813 = arith.constant 128 : i32
          %lt3A_814 = vector.broadcast %lt3A_813 : i32 to vector<16xi32>
          %lt3A_815 = arith.cmpi slt, %select_n3A_167, %lt3A_814 : vector<16xi32>
          %select_n3A_816 = arith.select %lt3A_815, %gather3A_805, %gather3A_812 : vector<16xi1>, vector<16xf32>
          tpu.vector_store_idx %arg10[%broadcast_in_dim3A_793, %select_n3A_164], %select_n3A_816 masked %lt3A_158 : memref<32x256xf32, #tpu.memory_space<vmem>>[vector<16xi32>, vector<16xi32>], vector<16xf32>, vector<16xi1>
          %broadcast_in_dim3A_817 = arith.constant 26 : i32
          %broadcast_in_dim3A_818 = vector.broadcast %broadcast_in_dim3A_817 : i32 to vector<16xi32>
          %lt3A_819 = arith.constant 128 : i32
          %lt3A_820 = vector.broadcast %lt3A_819 : i32 to vector<16xi32>
          %lt3A_821 = arith.cmpi slt, %select_n3A_167, %lt3A_820 : vector<16xi32>
          %and3A_822 = arith.andi %lt3A_158, %lt3A_821 : vector<16xi1>
          %ge3A_823 = arith.constant 128 : i32
          %ge3A_824 = vector.broadcast %ge3A_823 : i32 to vector<16xi32>
          %ge3A_825 = arith.cmpi sge, %select_n3A_167, %ge3A_824 : vector<16xi32>
          %and3A_826 = arith.andi %lt3A_158, %ge3A_825 : vector<16xi1>
          %jit3A_827 = arith.constant 0 : i32
          %broadcast_in_dim3A_828 = vector.broadcast %jit3A_827 : i32 to vector<16xi32>
          %select_n3A_829 = arith.select %and3A_822, %select_n3A_167, %broadcast_in_dim3A_828 : vector<16xi1>, vector<16xi32>
          %gather3A_830 = tpu.vector_load_idx %arg15[%select_n3A_829, %broadcast_in_dim3A_818] masked %and3A_822 : memref<128x128xf32, #tpu.memory_space<vmem>>[vector<16xi32>, vector<16xi32>], vector<16xf32>, vector<16xi1>
          %sub3A_831 = arith.constant 128 : i32
          %sub3A_832 = vector.broadcast %sub3A_831 : i32 to vector<16xi32>
          %sub3A_833 = arith.subi %select_n3A_167, %sub3A_832 : vector<16xi32>
          %jit3A_834 = arith.constant 0 : i32
          %broadcast_in_dim3A_835 = vector.broadcast %jit3A_834 : i32 to vector<16xi32>
          %select_n3A_836 = arith.select %and3A_826, %sub3A_833, %broadcast_in_dim3A_835 : vector<16xi1>, vector<16xi32>
          %gather3A_837 = tpu.vector_load_idx %arg16[%select_n3A_836, %broadcast_in_dim3A_818] masked %and3A_826 : memref<128x128xf32, #tpu.memory_space<vmem>>[vector<16xi32>, vector<16xi32>], vector<16xf32>, vector<16xi1>
          %lt3A_838 = arith.constant 128 : i32
          %lt3A_839 = vector.broadcast %lt3A_838 : i32 to vector<16xi32>
          %lt3A_840 = arith.cmpi slt, %select_n3A_167, %lt3A_839 : vector<16xi32>
          %select_n3A_841 = arith.select %lt3A_840, %gather3A_830, %gather3A_837 : vector<16xi1>, vector<16xf32>
          tpu.vector_store_idx %arg10[%broadcast_in_dim3A_818, %select_n3A_164], %select_n3A_841 masked %lt3A_158 : memref<32x256xf32, #tpu.memory_space<vmem>>[vector<16xi32>, vector<16xi32>], vector<16xf32>, vector<16xi1>
          %broadcast_in_dim3A_842 = arith.constant 27 : i32
          %broadcast_in_dim3A_843 = vector.broadcast %broadcast_in_dim3A_842 : i32 to vector<16xi32>
          %lt3A_844 = arith.constant 128 : i32
          %lt3A_845 = vector.broadcast %lt3A_844 : i32 to vector<16xi32>
          %lt3A_846 = arith.cmpi slt, %select_n3A_167, %lt3A_845 : vector<16xi32>
          %and3A_847 = arith.andi %lt3A_158, %lt3A_846 : vector<16xi1>
          %ge3A_848 = arith.constant 128 : i32
          %ge3A_849 = vector.broadcast %ge3A_848 : i32 to vector<16xi32>
          %ge3A_850 = arith.cmpi sge, %select_n3A_167, %ge3A_849 : vector<16xi32>
          %and3A_851 = arith.andi %lt3A_158, %ge3A_850 : vector<16xi1>
          %jit3A_852 = arith.constant 0 : i32
          %broadcast_in_dim3A_853 = vector.broadcast %jit3A_852 : i32 to vector<16xi32>
          %select_n3A_854 = arith.select %and3A_847, %select_n3A_167, %broadcast_in_dim3A_853 : vector<16xi1>, vector<16xi32>
          %gather3A_855 = tpu.vector_load_idx %arg15[%select_n3A_854, %broadcast_in_dim3A_843] masked %and3A_847 : memref<128x128xf32, #tpu.memory_space<vmem>>[vector<16xi32>, vector<16xi32>], vector<16xf32>, vector<16xi1>
          %sub3A_856 = arith.constant 128 : i32
          %sub3A_857 = vector.broadcast %sub3A_856 : i32 to vector<16xi32>
          %sub3A_858 = arith.subi %select_n3A_167, %sub3A_857 : vector<16xi32>
          %jit3A_859 = arith.constant 0 : i32
          %broadcast_in_dim3A_860 = vector.broadcast %jit3A_859 : i32 to vector<16xi32>
          %select_n3A_861 = arith.select %and3A_851, %sub3A_858, %broadcast_in_dim3A_860 : vector<16xi1>, vector<16xi32>
          %gather3A_862 = tpu.vector_load_idx %arg16[%select_n3A_861, %broadcast_in_dim3A_843] masked %and3A_851 : memref<128x128xf32, #tpu.memory_space<vmem>>[vector<16xi32>, vector<16xi32>], vector<16xf32>, vector<16xi1>
          %lt3A_863 = arith.constant 128 : i32
          %lt3A_864 = vector.broadcast %lt3A_863 : i32 to vector<16xi32>
          %lt3A_865 = arith.cmpi slt, %select_n3A_167, %lt3A_864 : vector<16xi32>
          %select_n3A_866 = arith.select %lt3A_865, %gather3A_855, %gather3A_862 : vector<16xi1>, vector<16xf32>
          tpu.vector_store_idx %arg10[%broadcast_in_dim3A_843, %select_n3A_164], %select_n3A_866 masked %lt3A_158 : memref<32x256xf32, #tpu.memory_space<vmem>>[vector<16xi32>, vector<16xi32>], vector<16xf32>, vector<16xi1>
          %broadcast_in_dim3A_867 = arith.constant 28 : i32
          %broadcast_in_dim3A_868 = vector.broadcast %broadcast_in_dim3A_867 : i32 to vector<16xi32>
          %lt3A_869 = arith.constant 128 : i32
          %lt3A_870 = vector.broadcast %lt3A_869 : i32 to vector<16xi32>
          %lt3A_871 = arith.cmpi slt, %select_n3A_167, %lt3A_870 : vector<16xi32>
          %and3A_872 = arith.andi %lt3A_158, %lt3A_871 : vector<16xi1>
          %ge3A_873 = arith.constant 128 : i32
          %ge3A_874 = vector.broadcast %ge3A_873 : i32 to vector<16xi32>
          %ge3A_875 = arith.cmpi sge, %select_n3A_167, %ge3A_874 : vector<16xi32>
          %and3A_876 = arith.andi %lt3A_158, %ge3A_875 : vector<16xi1>
          %jit3A_877 = arith.constant 0 : i32
          %broadcast_in_dim3A_878 = vector.broadcast %jit3A_877 : i32 to vector<16xi32>
          %select_n3A_879 = arith.select %and3A_872, %select_n3A_167, %broadcast_in_dim3A_878 : vector<16xi1>, vector<16xi32>
          %gather3A_880 = tpu.vector_load_idx %arg15[%select_n3A_879, %broadcast_in_dim3A_868] masked %and3A_872 : memref<128x128xf32, #tpu.memory_space<vmem>>[vector<16xi32>, vector<16xi32>], vector<16xf32>, vector<16xi1>
          %sub3A_881 = arith.constant 128 : i32
          %sub3A_882 = vector.broadcast %sub3A_881 : i32 to vector<16xi32>
          %sub3A_883 = arith.subi %select_n3A_167, %sub3A_882 : vector<16xi32>
          %jit3A_884 = arith.constant 0 : i32
          %broadcast_in_dim3A_885 = vector.broadcast %jit3A_884 : i32 to vector<16xi32>
          %select_n3A_886 = arith.select %and3A_876, %sub3A_883, %broadcast_in_dim3A_885 : vector<16xi1>, vector<16xi32>
          %gather3A_887 = tpu.vector_load_idx %arg16[%select_n3A_886, %broadcast_in_dim3A_868] masked %and3A_876 : memref<128x128xf32, #tpu.memory_space<vmem>>[vector<16xi32>, vector<16xi32>], vector<16xf32>, vector<16xi1>
          %lt3A_888 = arith.constant 128 : i32
          %lt3A_889 = vector.broadcast %lt3A_888 : i32 to vector<16xi32>
          %lt3A_890 = arith.cmpi slt, %select_n3A_167, %lt3A_889 : vector<16xi32>
          %select_n3A_891 = arith.select %lt3A_890, %gather3A_880, %gather3A_887 : vector<16xi1>, vector<16xf32>
          tpu.vector_store_idx %arg10[%broadcast_in_dim3A_868, %select_n3A_164], %select_n3A_891 masked %lt3A_158 : memref<32x256xf32, #tpu.memory_space<vmem>>[vector<16xi32>, vector<16xi32>], vector<16xf32>, vector<16xi1>
          %broadcast_in_dim3A_892 = arith.constant 29 : i32
          %broadcast_in_dim3A_893 = vector.broadcast %broadcast_in_dim3A_892 : i32 to vector<16xi32>
          %lt3A_894 = arith.constant 128 : i32
          %lt3A_895 = vector.broadcast %lt3A_894 : i32 to vector<16xi32>
          %lt3A_896 = arith.cmpi slt, %select_n3A_167, %lt3A_895 : vector<16xi32>
          %and3A_897 = arith.andi %lt3A_158, %lt3A_896 : vector<16xi1>
          %ge3A_898 = arith.constant 128 : i32
          %ge3A_899 = vector.broadcast %ge3A_898 : i32 to vector<16xi32>
          %ge3A_900 = arith.cmpi sge, %select_n3A_167, %ge3A_899 : vector<16xi32>
          %and3A_901 = arith.andi %lt3A_158, %ge3A_900 : vector<16xi1>
          %jit3A_902 = arith.constant 0 : i32
          %broadcast_in_dim3A_903 = vector.broadcast %jit3A_902 : i32 to vector<16xi32>
          %select_n3A_904 = arith.select %and3A_897, %select_n3A_167, %broadcast_in_dim3A_903 : vector<16xi1>, vector<16xi32>
          %gather3A_905 = tpu.vector_load_idx %arg15[%select_n3A_904, %broadcast_in_dim3A_893] masked %and3A_897 : memref<128x128xf32, #tpu.memory_space<vmem>>[vector<16xi32>, vector<16xi32>], vector<16xf32>, vector<16xi1>
          %sub3A_906 = arith.constant 128 : i32
          %sub3A_907 = vector.broadcast %sub3A_906 : i32 to vector<16xi32>
          %sub3A_908 = arith.subi %select_n3A_167, %sub3A_907 : vector<16xi32>
          %jit3A_909 = arith.constant 0 : i32
          %broadcast_in_dim3A_910 = vector.broadcast %jit3A_909 : i32 to vector<16xi32>
          %select_n3A_911 = arith.select %and3A_901, %sub3A_908, %broadcast_in_dim3A_910 : vector<16xi1>, vector<16xi32>
          %gather3A_912 = tpu.vector_load_idx %arg16[%select_n3A_911, %broadcast_in_dim3A_893] masked %and3A_901 : memref<128x128xf32, #tpu.memory_space<vmem>>[vector<16xi32>, vector<16xi32>], vector<16xf32>, vector<16xi1>
          %lt3A_913 = arith.constant 128 : i32
          %lt3A_914 = vector.broadcast %lt3A_913 : i32 to vector<16xi32>
          %lt3A_915 = arith.cmpi slt, %select_n3A_167, %lt3A_914 : vector<16xi32>
          %select_n3A_916 = arith.select %lt3A_915, %gather3A_905, %gather3A_912 : vector<16xi1>, vector<16xf32>
          tpu.vector_store_idx %arg10[%broadcast_in_dim3A_893, %select_n3A_164], %select_n3A_916 masked %lt3A_158 : memref<32x256xf32, #tpu.memory_space<vmem>>[vector<16xi32>, vector<16xi32>], vector<16xf32>, vector<16xi1>
          %broadcast_in_dim3A_917 = arith.constant 30 : i32
          %broadcast_in_dim3A_918 = vector.broadcast %broadcast_in_dim3A_917 : i32 to vector<16xi32>
          %lt3A_919 = arith.constant 128 : i32
          %lt3A_920 = vector.broadcast %lt3A_919 : i32 to vector<16xi32>
          %lt3A_921 = arith.cmpi slt, %select_n3A_167, %lt3A_920 : vector<16xi32>
          %and3A_922 = arith.andi %lt3A_158, %lt3A_921 : vector<16xi1>
          %ge3A_923 = arith.constant 128 : i32
          %ge3A_924 = vector.broadcast %ge3A_923 : i32 to vector<16xi32>
          %ge3A_925 = arith.cmpi sge, %select_n3A_167, %ge3A_924 : vector<16xi32>
          %and3A_926 = arith.andi %lt3A_158, %ge3A_925 : vector<16xi1>
          %jit3A_927 = arith.constant 0 : i32
          %broadcast_in_dim3A_928 = vector.broadcast %jit3A_927 : i32 to vector<16xi32>
          %select_n3A_929 = arith.select %and3A_922, %select_n3A_167, %broadcast_in_dim3A_928 : vector<16xi1>, vector<16xi32>
          %gather3A_930 = tpu.vector_load_idx %arg15[%select_n3A_929, %broadcast_in_dim3A_918] masked %and3A_922 : memref<128x128xf32, #tpu.memory_space<vmem>>[vector<16xi32>, vector<16xi32>], vector<16xf32>, vector<16xi1>
          %sub3A_931 = arith.constant 128 : i32
          %sub3A_932 = vector.broadcast %sub3A_931 : i32 to vector<16xi32>
          %sub3A_933 = arith.subi %select_n3A_167, %sub3A_932 : vector<16xi32>
          %jit3A_934 = arith.constant 0 : i32
          %broadcast_in_dim3A_935 = vector.broadcast %jit3A_934 : i32 to vector<16xi32>
          %select_n3A_936 = arith.select %and3A_926, %sub3A_933, %broadcast_in_dim3A_935 : vector<16xi1>, vector<16xi32>
          %gather3A_937 = tpu.vector_load_idx %arg16[%select_n3A_936, %broadcast_in_dim3A_918] masked %and3A_926 : memref<128x128xf32, #tpu.memory_space<vmem>>[vector<16xi32>, vector<16xi32>], vector<16xf32>, vector<16xi1>
          %lt3A_938 = arith.constant 128 : i32
          %lt3A_939 = vector.broadcast %lt3A_938 : i32 to vector<16xi32>
          %lt3A_940 = arith.cmpi slt, %select_n3A_167, %lt3A_939 : vector<16xi32>
          %select_n3A_941 = arith.select %lt3A_940, %gather3A_930, %gather3A_937 : vector<16xi1>, vector<16xf32>
          tpu.vector_store_idx %arg10[%broadcast_in_dim3A_918, %select_n3A_164], %select_n3A_941 masked %lt3A_158 : memref<32x256xf32, #tpu.memory_space<vmem>>[vector<16xi32>, vector<16xi32>], vector<16xf32>, vector<16xi1>
          %broadcast_in_dim3A_942 = arith.constant 31 : i32
          %broadcast_in_dim3A_943 = vector.broadcast %broadcast_in_dim3A_942 : i32 to vector<16xi32>
          %lt3A_944 = arith.constant 128 : i32
          %lt3A_945 = vector.broadcast %lt3A_944 : i32 to vector<16xi32>
          %lt3A_946 = arith.cmpi slt, %select_n3A_167, %lt3A_945 : vector<16xi32>
          %and3A_947 = arith.andi %lt3A_158, %lt3A_946 : vector<16xi1>
          %ge3A_948 = arith.constant 128 : i32
          %ge3A_949 = vector.broadcast %ge3A_948 : i32 to vector<16xi32>
          %ge3A_950 = arith.cmpi sge, %select_n3A_167, %ge3A_949 : vector<16xi32>
          %and3A_951 = arith.andi %lt3A_158, %ge3A_950 : vector<16xi1>
          %jit3A_952 = arith.constant 0 : i32
          %broadcast_in_dim3A_953 = vector.broadcast %jit3A_952 : i32 to vector<16xi32>
          %select_n3A_954 = arith.select %and3A_947, %select_n3A_167, %broadcast_in_dim3A_953 : vector<16xi1>, vector<16xi32>
          %gather3A_955 = tpu.vector_load_idx %arg15[%select_n3A_954, %broadcast_in_dim3A_943] masked %and3A_947 : memref<128x128xf32, #tpu.memory_space<vmem>>[vector<16xi32>, vector<16xi32>], vector<16xf32>, vector<16xi1>
          %sub3A_956 = arith.constant 128 : i32
          %sub3A_957 = vector.broadcast %sub3A_956 : i32 to vector<16xi32>
          %sub3A_958 = arith.subi %select_n3A_167, %sub3A_957 : vector<16xi32>
          %jit3A_959 = arith.constant 0 : i32
          %broadcast_in_dim3A_960 = vector.broadcast %jit3A_959 : i32 to vector<16xi32>
          %select_n3A_961 = arith.select %and3A_951, %sub3A_958, %broadcast_in_dim3A_960 : vector<16xi1>, vector<16xi32>
          %gather3A_962 = tpu.vector_load_idx %arg16[%select_n3A_961, %broadcast_in_dim3A_943] masked %and3A_951 : memref<128x128xf32, #tpu.memory_space<vmem>>[vector<16xi32>, vector<16xi32>], vector<16xf32>, vector<16xi1>
          %lt3A_963 = arith.constant 128 : i32
          %lt3A_964 = vector.broadcast %lt3A_963 : i32 to vector<16xi32>
          %lt3A_965 = arith.cmpi slt, %select_n3A_167, %lt3A_964 : vector<16xi32>
          %select_n3A_966 = arith.select %lt3A_965, %gather3A_955, %gather3A_962 : vector<16xi1>, vector<16xf32>
          tpu.vector_store_idx %arg10[%broadcast_in_dim3A_943, %select_n3A_164], %select_n3A_966 masked %lt3A_158 : memref<32x256xf32, #tpu.memory_space<vmem>>[vector<16xi32>, vector<16xi32>], vector<16xf32>, vector<16xi1>
          %while3A_967 = arith.constant 0 : i32
          scf.yield %while3A_967 : i32
        }
        %while3A_150 = arith.constant 1 : i32
        %while3A_151 = scf.for %while3A_152 = %while3A_147 to %while3A_143 step %while3A_150 iter_args(%while3A_153 = %while3A_149) -> (i32)  : i32 {
          %mul3A_154 = arith.constant 16 : i32
          %mul3A_155 = arith.muli %while3A_152, %mul3A_154 : i32
          %add3A_156 = vector.broadcast %mul3A_155 : i32 to vector<16xi32>
          %add3A_157 = arith.addi %add3A_156, %iota3A : vector<16xi32>
          %lt3A = vector.broadcast %scan3A_60 : i32 to vector<16xi32>
          %lt3A_158 = arith.cmpi slt, %add3A_157, %lt3A : vector<16xi32>
          %mul3A_159 = arith.constant 16 : i32
          %mul3A_160 = arith.muli %while3A_152, %mul3A_159 : i32
          %get3A = arith.index_cast %mul3A_160 : i32 to index
          %get3A_161 = tpu.vector_load %arg14[%get3A] {strides = array<i32>} : memref<256xi32, #tpu.memory_space<vmem>>, vector<16xi32>,
          %jit3A_162 = arith.constant 0 : i32
          %broadcast_in_dim3A_163 = vector.broadcast %jit3A_162 : i32 to vector<16xi32>
          %select_n3A_164 = arith.select %lt3A_158, %get3A_161, %broadcast_in_dim3A_163 : vector<16xi1>, vector<16xi32>
          %jit3A_165 = arith.constant 0 : i32
          %broadcast_in_dim3A_166 = vector.broadcast %jit3A_165 : i32 to vector<16xi32>
          %select_n3A_167 = arith.select %lt3A_158, %add3A_157, %broadcast_in_dim3A_166 : vector<16xi1>, vector<16xi32>
          %broadcast_in_dim3A_168 = arith.constant 0 : i32
          %broadcast_in_dim3A_169 = vector.broadcast %broadcast_in_dim3A_168 : i32 to vector<16xi32>
          %lt3A_170 = arith.constant 128 : i32
          %lt3A_171 = vector.broadcast %lt3A_170 : i32 to vector<16xi32>
          %lt3A_172 = arith.cmpi slt, %select_n3A_167, %lt3A_171 : vector<16xi32>
          %and3A_173 = arith.andi %lt3A_158, %lt3A_172 : vector<16xi1>
          %ge3A = arith.constant 128 : i32
          %ge3A_174 = vector.broadcast %ge3A : i32 to vector<16xi32>
          %ge3A_175 = arith.cmpi sge, %select_n3A_167, %ge3A_174 : vector<16xi32>
          %and3A_176 = arith.andi %lt3A_158, %ge3A_175 : vector<16xi1>
          %jit3A_177 = arith.constant 0 : i32
          %broadcast_in_dim3A_178 = vector.broadcast %jit3A_177 : i32 to vector<16xi32>
          %select_n3A_179 = arith.select %and3A_173, %select_n3A_167, %broadcast_in_dim3A_178 : vector<16xi1>, vector<16xi32>
          %gather3A_180 = tpu.vector_load_idx %arg15[%select_n3A_179, %broadcast_in_dim3A_169] masked %and3A_173 : memref<128x128xf32, #tpu.memory_space<vmem>>[vector<16xi32>, vector<16xi32>], vector<16xf32>, vector<16xi1>
          %sub3A_181 = arith.constant 128 : i32
          %sub3A_182 = vector.broadcast %sub3A_181 : i32 to vector<16xi32>
          %sub3A_183 = arith.subi %select_n3A_167, %sub3A_182 : vector<16xi32>
          %jit3A_184 = arith.constant 0 : i32
          %broadcast_in_dim3A_185 = vector.broadcast %jit3A_184 : i32 to vector<16xi32>
          %select_n3A_186 = arith.select %and3A_176, %sub3A_183, %broadcast_in_dim3A_185 : vector<16xi1>, vector<16xi32>
          %gather3A_187 = tpu.vector_load_idx %arg16[%select_n3A_186, %broadcast_in_dim3A_169] masked %and3A_176 : memref<128x128xf32, #tpu.memory_space<vmem>>[vector<16xi32>, vector<16xi32>], vector<16xf32>, vector<16xi1>
          %lt3A_188 = arith.constant 128 : i32
          %lt3A_189 = vector.broadcast %lt3A_188 : i32 to vector<16xi32>
          %lt3A_190 = arith.cmpi slt, %select_n3A_167, %lt3A_189 : vector<16xi32>
          %select_n3A_191 = arith.select %lt3A_190, %gather3A_180, %gather3A_187 : vector<16xi1>, vector<16xf32>
          tpu.vector_store_idx %arg10[%broadcast_in_dim3A_169, %select_n3A_164], %select_n3A_191 masked %lt3A_158 : memref<32x256xf32, #tpu.memory_space<vmem>>[vector<16xi32>, vector<16xi32>], vector<16xf32>, vector<16xi1>
          %broadcast_in_dim3A_192 = arith.constant 1 : i32
          %broadcast_in_dim3A_193 = vector.broadcast %broadcast_in_dim3A_192 : i32 to vector<16xi32>
          %lt3A_194 = arith.constant 128 : i32
          %lt3A_195 = vector.broadcast %lt3A_194 : i32 to vector<16xi32>
          %lt3A_196 = arith.cmpi slt, %select_n3A_167, %lt3A_195 : vector<16xi32>
          %and3A_197 = arith.andi %lt3A_158, %lt3A_196 : vector<16xi1>
          %ge3A_198 = arith.constant 128 : i32
          %ge3A_199 = vector.broadcast %ge3A_198 : i32 to vector<16xi32>
          %ge3A_200 = arith.cmpi sge, %select_n3A_167, %ge3A_199 : vector<16xi32>
          %and3A_201 = arith.andi %lt3A_158, %ge3A_200 : vector<16xi1>
          %jit3A_202 = arith.constant 0 : i32
          %broadcast_in_dim3A_203 = vector.broadcast %jit3A_202 : i32 to vector<16xi32>
          %select_n3A_204 = arith.select %and3A_197, %select_n3A_167, %broadcast_in_dim3A_203 : vector<16xi1>, vector<16xi32>
          %gather3A_205 = tpu.vector_load_idx %arg15[%select_n3A_204, %broadcast_in_dim3A_193] masked %and3A_197 : memref<128x128xf32, #tpu.memory_space<vmem>>[vector<16xi32>, vector<16xi32>], vector<16xf32>, vector<16xi1>
          %sub3A_206 = arith.constant 128 : i32
          %sub3A_207 = vector.broadcast %sub3A_206 : i32 to vector<16xi32>
          %sub3A_208 = arith.subi %select_n3A_167, %sub3A_207 : vector<16xi32>
          %jit3A_209 = arith.constant 0 : i32
          %broadcast_in_dim3A_210 = vector.broadcast %jit3A_209 : i32 to vector<16xi32>
          %select_n3A_211 = arith.select %and3A_201, %sub3A_208, %broadcast_in_dim3A_210 : vector<16xi1>, vector<16xi32>
          %gather3A_212 = tpu.vector_load_idx %arg16[%select_n3A_211, %broadcast_in_dim3A_193] masked %and3A_201 : memref<128x128xf32, #tpu.memory_space<vmem>>[vector<16xi32>, vector<16xi32>], vector<16xf32>, vector<16xi1>
          %lt3A_213 = arith.constant 128 : i32
          %lt3A_214 = vector.broadcast %lt3A_213 : i32 to vector<16xi32>
          %lt3A_215 = arith.cmpi slt, %select_n3A_167, %lt3A_214 : vector<16xi32>
          %select_n3A_216 = arith.select %lt3A_215, %gather3A_205, %gather3A_212 : vector<16xi1>, vector<16xf32>
          tpu.vector_store_idx %arg10[%broadcast_in_dim3A_193, %select_n3A_164], %select_n3A_216 masked %lt3A_158 : memref<32x256xf32, #tpu.memory_space<vmem>>[vector<16xi32>, vector<16xi32>], vector<16xf32>, vector<16xi1>
          %broadcast_in_dim3A_217 = arith.constant 2 : i32
          %broadcast_in_dim3A_218 = vector.broadcast %broadcast_in_dim3A_217 : i32 to vector<16xi32>
          %lt3A_219 = arith.constant 128 : i32
          %lt3A_220 = vector.broadcast %lt3A_219 : i32 to vector<16xi32>
          %lt3A_221 = arith.cmpi slt, %select_n3A_167, %lt3A_220 : vector<16xi32>
          %and3A_222 = arith.andi %lt3A_158, %lt3A_221 : vector<16xi1>
          %ge3A_223 = arith.constant 128 : i32
          %ge3A_224 = vector.broadcast %ge3A_223 : i32 to vector<16xi32>
          %ge3A_225 = arith.cmpi sge, %select_n3A_167, %ge3A_224 : vector<16xi32>
          %and3A_226 = arith.andi %lt3A_158, %ge3A_225 : vector<16xi1>
          %jit3A_227 = arith.constant 0 : i32
          %broadcast_in_dim3A_228 = vector.broadcast %jit3A_227 : i32 to vector<16xi32>
          %select_n3A_229 = arith.select %and3A_222, %select_n3A_167, %broadcast_in_dim3A_228 : vector<16xi1>, vector<16xi32>
          %gather3A_230 = tpu.vector_load_idx %arg15[%select_n3A_229, %broadcast_in_dim3A_218] masked %and3A_222 : memref<128x128xf32, #tpu.memory_space<vmem>>[vector<16xi32>, vector<16xi32>], vector<16xf32>, vector<16xi1>
          %sub3A_231 = arith.constant 128 : i32
          %sub3A_232 = vector.broadcast %sub3A_231 : i32 to vector<16xi32>
          %sub3A_233 = arith.subi %select_n3A_167, %sub3A_232 : vector<16xi32>
          %jit3A_234 = arith.constant 0 : i32
          %broadcast_in_dim3A_235 = vector.broadcast %jit3A_234 : i32 to vector<16xi32>
          %select_n3A_236 = arith.select %and3A_226, %sub3A_233, %broadcast_in_dim3A_235 : vector<16xi1>, vector<16xi32>
          %gather3A_237 = tpu.vector_load_idx %arg16[%select_n3A_236, %broadcast_in_dim3A_218] masked %and3A_226 : memref<128x128xf32, #tpu.memory_space<vmem>>[vector<16xi32>, vector<16xi32>], vector<16xf32>, vector<16xi1>
          %lt3A_238 = arith.constant 128 : i32
          %lt3A_239 = vector.broadcast %lt3A_238 : i32 to vector<16xi32>
          %lt3A_240 = arith.cmpi slt, %select_n3A_167, %lt3A_239 : vector<16xi32>
          %select_n3A_241 = arith.select %lt3A_240, %gather3A_230, %gather3A_237 : vector<16xi1>, vector<16xf32>
          tpu.vector_store_idx %arg10[%broadcast_in_dim3A_218, %select_n3A_164], %select_n3A_241 masked %lt3A_158 : memref<32x256xf32, #tpu.memory_space<vmem>>[vector<16xi32>, vector<16xi32>], vector<16xf32>, vector<16xi1>
          %broadcast_in_dim3A_242 = arith.constant 3 : i32
          %broadcast_in_dim3A_243 = vector.broadcast %broadcast_in_dim3A_242 : i32 to vector<16xi32>
          %lt3A_244 = arith.constant 128 : i32
          %lt3A_245 = vector.broadcast %lt3A_244 : i32 to vector<16xi32>
          %lt3A_246 = arith.cmpi slt, %select_n3A_167, %lt3A_245 : vector<16xi32>
          %and3A_247 = arith.andi %lt3A_158, %lt3A_246 : vector<16xi1>
          %ge3A_248 = arith.constant 128 : i32
          %ge3A_249 = vector.broadcast %ge3A_248 : i32 to vector<16xi32>
          %ge3A_250 = arith.cmpi sge, %select_n3A_167, %ge3A_249 : vector<16xi32>
          %and3A_251 = arith.andi %lt3A_158, %ge3A_250 : vector<16xi1>
          %jit3A_252 = arith.constant 0 : i32
          %broadcast_in_dim3A_253 = vector.broadcast %jit3A_252 : i32 to vector<16xi32>
          %select_n3A_254 = arith.select %and3A_247, %select_n3A_167, %broadcast_in_dim3A_253 : vector<16xi1>, vector<16xi32>
          %gather3A_255 = tpu.vector_load_idx %arg15[%select_n3A_254, %broadcast_in_dim3A_243] masked %and3A_247 : memref<128x128xf32, #tpu.memory_space<vmem>>[vector<16xi32>, vector<16xi32>], vector<16xf32>, vector<16xi1>
          %sub3A_256 = arith.constant 128 : i32
          %sub3A_257 = vector.broadcast %sub3A_256 : i32 to vector<16xi32>
          %sub3A_258 = arith.subi %select_n3A_167, %sub3A_257 : vector<16xi32>
          %jit3A_259 = arith.constant 0 : i32
          %broadcast_in_dim3A_260 = vector.broadcast %jit3A_259 : i32 to vector<16xi32>
          %select_n3A_261 = arith.select %and3A_251, %sub3A_258, %broadcast_in_dim3A_260 : vector<16xi1>, vector<16xi32>
          %gather3A_262 = tpu.vector_load_idx %arg16[%select_n3A_261, %broadcast_in_dim3A_243] masked %and3A_251 : memref<128x128xf32, #tpu.memory_space<vmem>>[vector<16xi32>, vector<16xi32>], vector<16xf32>, vector<16xi1>
          %lt3A_263 = arith.constant 128 : i32
          %lt3A_264 = vector.broadcast %lt3A_263 : i32 to vector<16xi32>
          %lt3A_265 = arith.cmpi slt, %select_n3A_167, %lt3A_264 : vector<16xi32>
          %select_n3A_266 = arith.select %lt3A_265, %gather3A_255, %gather3A_262 : vector<16xi1>, vector<16xf32>
          tpu.vector_store_idx %arg10[%broadcast_in_dim3A_243, %select_n3A_164], %select_n3A_266 masked %lt3A_158 : memref<32x256xf32, #tpu.memory_space<vmem>>[vector<16xi32>, vector<16xi32>], vector<16xf32>, vector<16xi1>
          %broadcast_in_dim3A_267 = arith.constant 4 : i32
          %broadcast_in_dim3A_268 = vector.broadcast %broadcast_in_dim3A_267 : i32 to vector<16xi32>
          %lt3A_269 = arith.constant 128 : i32
          %lt3A_270 = vector.broadcast %lt3A_269 : i32 to vector<16xi32>
          %lt3A_271 = arith.cmpi slt, %select_n3A_167, %lt3A_270 : vector<16xi32>
          %and3A_272 = arith.andi %lt3A_158, %lt3A_271 : vector<16xi1>
          %ge3A_273 = arith.constant 128 : i32
          %ge3A_274 = vector.broadcast %ge3A_273 : i32 to vector<16xi32>
          %ge3A_275 = arith.cmpi sge, %select_n3A_167, %ge3A_274 : vector<16xi32>
          %and3A_276 = arith.andi %lt3A_158, %ge3A_275 : vector<16xi1>
          %jit3A_277 = arith.constant 0 : i32
          %broadcast_in_dim3A_278 = vector.broadcast %jit3A_277 : i32 to vector<16xi32>
          %select_n3A_279 = arith.select %and3A_272, %select_n3A_167, %broadcast_in_dim3A_278 : vector<16xi1>, vector<16xi32>
          %gather3A_280 = tpu.vector_load_idx %arg15[%select_n3A_279, %broadcast_in_dim3A_268] masked %and3A_272 : memref<128x128xf32, #tpu.memory_space<vmem>>[vector<16xi32>, vector<16xi32>], vector<16xf32>, vector<16xi1>
          %sub3A_281 = arith.constant 128 : i32
          %sub3A_282 = vector.broadcast %sub3A_281 : i32 to vector<16xi32>
          %sub3A_283 = arith.subi %select_n3A_167, %sub3A_282 : vector<16xi32>
          %jit3A_284 = arith.constant 0 : i32
          %broadcast_in_dim3A_285 = vector.broadcast %jit3A_284 : i32 to vector<16xi32>
          %select_n3A_286 = arith.select %and3A_276, %sub3A_283, %broadcast_in_dim3A_285 : vector<16xi1>, vector<16xi32>
          %gather3A_287 = tpu.vector_load_idx %arg16[%select_n3A_286, %broadcast_in_dim3A_268] masked %and3A_276 : memref<128x128xf32, #tpu.memory_space<vmem>>[vector<16xi32>, vector<16xi32>], vector<16xf32>, vector<16xi1>
          %lt3A_288 = arith.constant 128 : i32
          %lt3A_289 = vector.broadcast %lt3A_288 : i32 to vector<16xi32>
          %lt3A_290 = arith.cmpi slt, %select_n3A_167, %lt3A_289 : vector<16xi32>
          %select_n3A_291 = arith.select %lt3A_290, %gather3A_280, %gather3A_287 : vector<16xi1>, vector<16xf32>
          tpu.vector_store_idx %arg10[%broadcast_in_dim3A_268, %select_n3A_164], %select_n3A_291 masked %lt3A_158 : memref<32x256xf32, #tpu.memory_space<vmem>>[vector<16xi32>, vector<16xi32>], vector<16xf32>, vector<16xi1>
          %broadcast_in_dim3A_292 = arith.constant 5 : i32
          %broadcast_in_dim3A_293 = vector.broadcast %broadcast_in_dim3A_292 : i32 to vector<16xi32>
          %lt3A_294 = arith.constant 128 : i32
          %lt3A_295 = vector.broadcast %lt3A_294 : i32 to vector<16xi32>
          %lt3A_296 = arith.cmpi slt, %select_n3A_167, %lt3A_295 : vector<16xi32>
          %and3A_297 = arith.andi %lt3A_158, %lt3A_296 : vector<16xi1>
          %ge3A_298 = arith.constant 128 : i32
          %ge3A_299 = vector.broadcast %ge3A_298 : i32 to vector<16xi32>
          %ge3A_300 = arith.cmpi sge, %select_n3A_167, %ge3A_299 : vector<16xi32>
          %and3A_301 = arith.andi %lt3A_158, %ge3A_300 : vector<16xi1>
          %jit3A_302 = arith.constant 0 : i32
          %broadcast_in_dim3A_303 = vector.broadcast %jit3A_302 : i32 to vector<16xi32>
          %select_n3A_304 = arith.select %and3A_297, %select_n3A_167, %broadcast_in_dim3A_303 : vector<16xi1>, vector<16xi32>
          %gather3A_305 = tpu.vector_load_idx %arg15[%select_n3A_304, %broadcast_in_dim3A_293] masked %and3A_297 : memref<128x128xf32, #tpu.memory_space<vmem>>[vector<16xi32>, vector<16xi32>], vector<16xf32>, vector<16xi1>
          %sub3A_306 = arith.constant 128 : i32
          %sub3A_307 = vector.broadcast %sub3A_306 : i32 to vector<16xi32>
          %sub3A_308 = arith.subi %select_n3A_167, %sub3A_307 : vector<16xi32>
          %jit3A_309 = arith.constant 0 : i32
          %broadcast_in_dim3A_310 = vector.broadcast %jit3A_309 : i32 to vector<16xi32>
          %select_n3A_311 = arith.select %and3A_301, %sub3A_308, %broadcast_in_dim3A_310 : vector<16xi1>, vector<16xi32>
          %gather3A_312 = tpu.vector_load_idx %arg16[%select_n3A_311, %broadcast_in_dim3A_293] masked %and3A_301 : memref<128x128xf32, #tpu.memory_space<vmem>>[vector<16xi32>, vector<16xi32>], vector<16xf32>, vector<16xi1>
          %lt3A_313 = arith.constant 128 : i32
          %lt3A_314 = vector.broadcast %lt3A_313 : i32 to vector<16xi32>
          %lt3A_315 = arith.cmpi slt, %select_n3A_167, %lt3A_314 : vector<16xi32>
          %select_n3A_316 = arith.select %lt3A_315, %gather3A_305, %gather3A_312 : vector<16xi1>, vector<16xf32>
          tpu.vector_store_idx %arg10[%broadcast_in_dim3A_293, %select_n3A_164], %select_n3A_316 masked %lt3A_158 : memref<32x256xf32, #tpu.memory_space<vmem>>[vector<16xi32>, vector<16xi32>], vector<16xf32>, vector<16xi1>
          %broadcast_in_dim3A_317 = arith.constant 6 : i32
          %broadcast_in_dim3A_318 = vector.broadcast %broadcast_in_dim3A_317 : i32 to vector<16xi32>
          %lt3A_319 = arith.constant 128 : i32
          %lt3A_320 = vector.broadcast %lt3A_319 : i32 to vector<16xi32>
          %lt3A_321 = arith.cmpi slt, %select_n3A_167, %lt3A_320 : vector<16xi32>
          %and3A_322 = arith.andi %lt3A_158, %lt3A_321 : vector<16xi1>
          %ge3A_323 = arith.constant 128 : i32
          %ge3A_324 = vector.broadcast %ge3A_323 : i32 to vector<16xi32>
          %ge3A_325 = arith.cmpi sge, %select_n3A_167, %ge3A_324 : vector<16xi32>
          %and3A_326 = arith.andi %lt3A_158, %ge3A_325 : vector<16xi1>
          %jit3A_327 = arith.constant 0 : i32
          %broadcast_in_dim3A_328 = vector.broadcast %jit3A_327 : i32 to vector<16xi32>
          %select_n3A_329 = arith.select %and3A_322, %select_n3A_167, %broadcast_in_dim3A_328 : vector<16xi1>, vector<16xi32>
          %gather3A_330 = tpu.vector_load_idx %arg15[%select_n3A_329, %broadcast_in_dim3A_318] masked %and3A_322 : memref<128x128xf32, #tpu.memory_space<vmem>>[vector<16xi32>, vector<16xi32>], vector<16xf32>, vector<16xi1>
          %sub3A_331 = arith.constant 128 : i32
          %sub3A_332 = vector.broadcast %sub3A_331 : i32 to vector<16xi32>
          %sub3A_333 = arith.subi %select_n3A_167, %sub3A_332 : vector<16xi32>
          %jit3A_334 = arith.constant 0 : i32
          %broadcast_in_dim3A_335 = vector.broadcast %jit3A_334 : i32 to vector<16xi32>
          %select_n3A_336 = arith.select %and3A_326, %sub3A_333, %broadcast_in_dim3A_335 : vector<16xi1>, vector<16xi32>
          %gather3A_337 = tpu.vector_load_idx %arg16[%select_n3A_336, %broadcast_in_dim3A_318] masked %and3A_326 : memref<128x128xf32, #tpu.memory_space<vmem>>[vector<16xi32>, vector<16xi32>], vector<16xf32>, vector<16xi1>
          %lt3A_338 = arith.constant 128 : i32
          %lt3A_339 = vector.broadcast %lt3A_338 : i32 to vector<16xi32>
          %lt3A_340 = arith.cmpi slt, %select_n3A_167, %lt3A_339 : vector<16xi32>
          %select_n3A_341 = arith.select %lt3A_340, %gather3A_330, %gather3A_337 : vector<16xi1>, vector<16xf32>
          tpu.vector_store_idx %arg10[%broadcast_in_dim3A_318, %select_n3A_164], %select_n3A_341 masked %lt3A_158 : memref<32x256xf32, #tpu.memory_space<vmem>>[vector<16xi32>, vector<16xi32>], vector<16xf32>, vector<16xi1>
          %broadcast_in_dim3A_342 = arith.constant 7 : i32
          %broadcast_in_dim3A_343 = vector.broadcast %broadcast_in_dim3A_342 : i32 to vector<16xi32>
          %lt3A_344 = arith.constant 128 : i32
          %lt3A_345 = vector.broadcast %lt3A_344 : i32 to vector<16xi32>
          %lt3A_346 = arith.cmpi slt, %select_n3A_167, %lt3A_345 : vector<16xi32>
          %and3A_347 = arith.andi %lt3A_158, %lt3A_346 : vector<16xi1>
          %ge3A_348 = arith.constant 128 : i32
          %ge3A_349 = vector.broadcast %ge3A_348 : i32 to vector<16xi32>
          %ge3A_350 = arith.cmpi sge, %select_n3A_167, %ge3A_349 : vector<16xi32>
          %and3A_351 = arith.andi %lt3A_158, %ge3A_350 : vector<16xi1>
          %jit3A_352 = arith.constant 0 : i32
          %broadcast_in_dim3A_353 = vector.broadcast %jit3A_352 : i32 to vector<16xi32>
          %select_n3A_354 = arith.select %and3A_347, %select_n3A_167, %broadcast_in_dim3A_353 : vector<16xi1>, vector<16xi32>
          %gather3A_355 = tpu.vector_load_idx %arg15[%select_n3A_354, %broadcast_in_dim3A_343] masked %and3A_347 : memref<128x128xf32, #tpu.memory_space<vmem>>[vector<16xi32>, vector<16xi32>], vector<16xf32>, vector<16xi1>
          %sub3A_356 = arith.constant 128 : i32
          %sub3A_357 = vector.broadcast %sub3A_356 : i32 to vector<16xi32>
          %sub3A_358 = arith.subi %select_n3A_167, %sub3A_357 : vector<16xi32>
          %jit3A_359 = arith.constant 0 : i32
          %broadcast_in_dim3A_360 = vector.broadcast %jit3A_359 : i32 to vector<16xi32>
          %select_n3A_361 = arith.select %and3A_351, %sub3A_358, %broadcast_in_dim3A_360 : vector<16xi1>, vector<16xi32>
          %gather3A_362 = tpu.vector_load_idx %arg16[%select_n3A_361, %broadcast_in_dim3A_343] masked %and3A_351 : memref<128x128xf32, #tpu.memory_space<vmem>>[vector<16xi32>, vector<16xi32>], vector<16xf32>, vector<16xi1>
          %lt3A_363 = arith.constant 128 : i32
          %lt3A_364 = vector.broadcast %lt3A_363 : i32 to vector<16xi32>
          %lt3A_365 = arith.cmpi slt, %select_n3A_167, %lt3A_364 : vector<16xi32>
          %select_n3A_366 = arith.select %lt3A_365, %gather3A_355, %gather3A_362 : vector<16xi1>, vector<16xf32>
          tpu.vector_store_idx %arg10[%broadcast_in_dim3A_343, %select_n3A_164], %select_n3A_366 masked %lt3A_158 : memref<32x256xf32, #tpu.memory_space<vmem>>[vector<16xi32>, vector<16xi32>], vector<16xf32>, vector<16xi1>
          %broadcast_in_dim3A_367 = arith.constant 8 : i32
          %broadcast_in_dim3A_368 = vector.broadcast %broadcast_in_dim3A_367 : i32 to vector<16xi32>
          %lt3A_369 = arith.constant 128 : i32
          %lt3A_370 = vector.broadcast %lt3A_369 : i32 to vector<16xi32>
          %lt3A_371 = arith.cmpi slt, %select_n3A_167, %lt3A_370 : vector<16xi32>
          %and3A_372 = arith.andi %lt3A_158, %lt3A_371 : vector<16xi1>
          %ge3A_373 = arith.constant 128 : i32
          %ge3A_374 = vector.broadcast %ge3A_373 : i32 to vector<16xi32>
          %ge3A_375 = arith.cmpi sge, %select_n3A_167, %ge3A_374 : vector<16xi32>
          %and3A_376 = arith.andi %lt3A_158, %ge3A_375 : vector<16xi1>
          %jit3A_377 = arith.constant 0 : i32
          %broadcast_in_dim3A_378 = vector.broadcast %jit3A_377 : i32 to vector<16xi32>
          %select_n3A_379 = arith.select %and3A_372, %select_n3A_167, %broadcast_in_dim3A_378 : vector<16xi1>, vector<16xi32>
          %gather3A_380 = tpu.vector_load_idx %arg15[%select_n3A_379, %broadcast_in_dim3A_368] masked %and3A_372 : memref<128x128xf32, #tpu.memory_space<vmem>>[vector<16xi32>, vector<16xi32>], vector<16xf32>, vector<16xi1>
          %sub3A_381 = arith.constant 128 : i32
          %sub3A_382 = vector.broadcast %sub3A_381 : i32 to vector<16xi32>
          %sub3A_383 = arith.subi %select_n3A_167, %sub3A_382 : vector<16xi32>
          %jit3A_384 = arith.constant 0 : i32
          %broadcast_in_dim3A_385 = vector.broadcast %jit3A_384 : i32 to vector<16xi32>
          %select_n3A_386 = arith.select %and3A_376, %sub3A_383, %broadcast_in_dim3A_385 : vector<16xi1>, vector<16xi32>
          %gather3A_387 = tpu.vector_load_idx %arg16[%select_n3A_386, %broadcast_in_dim3A_368] masked %and3A_376 : memref<128x128xf32, #tpu.memory_space<vmem>>[vector<16xi32>, vector<16xi32>], vector<16xf32>, vector<16xi1>
          %lt3A_388 = arith.constant 128 : i32
          %lt3A_389 = vector.broadcast %lt3A_388 : i32 to vector<16xi32>
          %lt3A_390 = arith.cmpi slt, %select_n3A_167, %lt3A_389 : vector<16xi32>
          %select_n3A_391 = arith.select %lt3A_390, %gather3A_380, %gather3A_387 : vector<16xi1>, vector<16xf32>
          tpu.vector_store_idx %arg10[%broadcast_in_dim3A_368, %select_n3A_164], %select_n3A_391 masked %lt3A_158 : memref<32x256xf32, #tpu.memory_space<vmem>>[vector<16xi32>, vector<16xi32>], vector<16xf32>, vector<16xi1>
          %broadcast_in_dim3A_392 = arith.constant 9 : i32
          %broadcast_in_dim3A_393 = vector.broadcast %broadcast_in_dim3A_392 : i32 to vector<16xi32>
          %lt3A_394 = arith.constant 128 : i32
          %lt3A_395 = vector.broadcast %lt3A_394 : i32 to vector<16xi32>
          %lt3A_396 = arith.cmpi slt, %select_n3A_167, %lt3A_395 : vector<16xi32>
          %and3A_397 = arith.andi %lt3A_158, %lt3A_396 : vector<16xi1>
          %ge3A_398 = arith.constant 128 : i32
          %ge3A_399 = vector.broadcast %ge3A_398 : i32 to vector<16xi32>
          %ge3A_400 = arith.cmpi sge, %select_n3A_167, %ge3A_399 : vector<16xi32>
          %and3A_401 = arith.andi %lt3A_158, %ge3A_400 : vector<16xi1>
          %jit3A_402 = arith.constant 0 : i32
          %broadcast_in_dim3A_403 = vector.broadcast %jit3A_402 : i32 to vector<16xi32>
          %select_n3A_404 = arith.select %and3A_397, %select_n3A_167, %broadcast_in_dim3A_403 : vector<16xi1>, vector<16xi32>
          %gather3A_405 = tpu.vector_load_idx %arg15[%select_n3A_404, %broadcast_in_dim3A_393] masked %and3A_397 : memref<128x128xf32, #tpu.memory_space<vmem>>[vector<16xi32>, vector<16xi32>], vector<16xf32>, vector<16xi1>
          %sub3A_406 = arith.constant 128 : i32
          %sub3A_407 = vector.broadcast %sub3A_406 : i32 to vector<16xi32>
          %sub3A_408 = arith.subi %select_n3A_167, %sub3A_407 : vector<16xi32>
          %jit3A_409 = arith.constant 0 : i32
          %broadcast_in_dim3A_410 = vector.broadcast %jit3A_409 : i32 to vector<16xi32>
          %select_n3A_411 = arith.select %and3A_401, %sub3A_408, %broadcast_in_dim3A_410 : vector<16xi1>, vector<16xi32>
          %gather3A_412 = tpu.vector_load_idx %arg16[%select_n3A_411, %broadcast_in_dim3A_393] masked %and3A_401 : memref<128x128xf32, #tpu.memory_space<vmem>>[vector<16xi32>, vector<16xi32>], vector<16xf32>, vector<16xi1>
          %lt3A_413 = arith.constant 128 : i32
          %lt3A_414 = vector.broadcast %lt3A_413 : i32 to vector<16xi32>
          %lt3A_415 = arith.cmpi slt, %select_n3A_167, %lt3A_414 : vector<16xi32>
          %select_n3A_416 = arith.select %lt3A_415, %gather3A_405, %gather3A_412 : vector<16xi1>, vector<16xf32>
          tpu.vector_store_idx %arg10[%broadcast_in_dim3A_393, %select_n3A_164], %select_n3A_416 masked %lt3A_158 : memref<32x256xf32, #tpu.memory_space<vmem>>[vector<16xi32>, vector<16xi32>], vector<16xf32>, vector<16xi1>
          %broadcast_in_dim3A_417 = arith.constant 10 : i32
          %broadcast_in_dim3A_418 = vector.broadcast %broadcast_in_dim3A_417 : i32 to vector<16xi32>
          %lt3A_419 = arith.constant 128 : i32
          %lt3A_420 = vector.broadcast %lt3A_419 : i32 to vector<16xi32>
          %lt3A_421 = arith.cmpi slt, %select_n3A_167, %lt3A_420 : vector<16xi32>
          %and3A_422 = arith.andi %lt3A_158, %lt3A_421 : vector<16xi1>
          %ge3A_423 = arith.constant 128 : i32
          %ge3A_424 = vector.broadcast %ge3A_423 : i32 to vector<16xi32>
          %ge3A_425 = arith.cmpi sge, %select_n3A_167, %ge3A_424 : vector<16xi32>
          %and3A_426 = arith.andi %lt3A_158, %ge3A_425 : vector<16xi1>
          %jit3A_427 = arith.constant 0 : i32
          %broadcast_in_dim3A_428 = vector.broadcast %jit3A_427 : i32 to vector<16xi32>
          %select_n3A_429 = arith.select %and3A_422, %select_n3A_167, %broadcast_in_dim3A_428 : vector<16xi1>, vector<16xi32>
          %gather3A_430 = tpu.vector_load_idx %arg15[%select_n3A_429, %broadcast_in_dim3A_418] masked %and3A_422 : memref<128x128xf32, #tpu.memory_space<vmem>>[vector<16xi32>, vector<16xi32>], vector<16xf32>, vector<16xi1>
          %sub3A_431 = arith.constant 128 : i32
          %sub3A_432 = vector.broadcast %sub3A_431 : i32 to vector<16xi32>
          %sub3A_433 = arith.subi %select_n3A_167, %sub3A_432 : vector<16xi32>
          %jit3A_434 = arith.constant 0 : i32
          %broadcast_in_dim3A_435 = vector.broadcast %jit3A_434 : i32 to vector<16xi32>
          %select_n3A_436 = arith.select %and3A_426, %sub3A_433, %broadcast_in_dim3A_435 : vector<16xi1>, vector<16xi32>
          %gather3A_437 = tpu.vector_load_idx %arg16[%select_n3A_436, %broadcast_in_dim3A_418] masked %and3A_426 : memref<128x128xf32, #tpu.memory_space<vmem>>[vector<16xi32>, vector<16xi32>], vector<16xf32>, vector<16xi1>
          %lt3A_438 = arith.constant 128 : i32
          %lt3A_439 = vector.broadcast %lt3A_438 : i32 to vector<16xi32>
          %lt3A_440 = arith.cmpi slt, %select_n3A_167, %lt3A_439 : vector<16xi32>
          %select_n3A_441 = arith.select %lt3A_440, %gather3A_430, %gather3A_437 : vector<16xi1>, vector<16xf32>
          tpu.vector_store_idx %arg10[%broadcast_in_dim3A_418, %select_n3A_164], %select_n3A_441 masked %lt3A_158 : memref<32x256xf32, #tpu.memory_space<vmem>>[vector<16xi32>, vector<16xi32>], vector<16xf32>, vector<16xi1>
          %broadcast_in_dim3A_442 = arith.constant 11 : i32
          %broadcast_in_dim3A_443 = vector.broadcast %broadcast_in_dim3A_442 : i32 to vector<16xi32>
          %lt3A_444 = arith.constant 128 : i32
          %lt3A_445 = vector.broadcast %lt3A_444 : i32 to vector<16xi32>
          %lt3A_446 = arith.cmpi slt, %select_n3A_167, %lt3A_445 : vector<16xi32>
          %and3A_447 = arith.andi %lt3A_158, %lt3A_446 : vector<16xi1>
          %ge3A_448 = arith.constant 128 : i32
          %ge3A_449 = vector.broadcast %ge3A_448 : i32 to vector<16xi32>
          %ge3A_450 = arith.cmpi sge, %select_n3A_167, %ge3A_449 : vector<16xi32>
          %and3A_451 = arith.andi %lt3A_158, %ge3A_450 : vector<16xi1>
          %jit3A_452 = arith.constant 0 : i32
          %broadcast_in_dim3A_453 = vector.broadcast %jit3A_452 : i32 to vector<16xi32>
          %select_n3A_454 = arith.select %and3A_447, %select_n3A_167, %broadcast_in_dim3A_453 : vector<16xi1>, vector<16xi32>
          %gather3A_455 = tpu.vector_load_idx %arg15[%select_n3A_454, %broadcast_in_dim3A_443] masked %and3A_447 : memref<128x128xf32, #tpu.memory_space<vmem>>[vector<16xi32>, vector<16xi32>], vector<16xf32>, vector<16xi1>
          %sub3A_456 = arith.constant 128 : i32
          %sub3A_457 = vector.broadcast %sub3A_456 : i32 to vector<16xi32>
          %sub3A_458 = arith.subi %select_n3A_167, %sub3A_457 : vector<16xi32>
          %jit3A_459 = arith.constant 0 : i32
          %broadcast_in_dim3A_460 = vector.broadcast %jit3A_459 : i32 to vector<16xi32>
          %select_n3A_461 = arith.select %and3A_451, %sub3A_458, %broadcast_in_dim3A_460 : vector<16xi1>, vector<16xi32>
          %gather3A_462 = tpu.vector_load_idx %arg16[%select_n3A_461, %broadcast_in_dim3A_443] masked %and3A_451 : memref<128x128xf32, #tpu.memory_space<vmem>>[vector<16xi32>, vector<16xi32>], vector<16xf32>, vector<16xi1>
          %lt3A_463 = arith.constant 128 : i32
          %lt3A_464 = vector.broadcast %lt3A_463 : i32 to vector<16xi32>
          %lt3A_465 = arith.cmpi slt, %select_n3A_167, %lt3A_464 : vector<16xi32>
          %select_n3A_466 = arith.select %lt3A_465, %gather3A_455, %gather3A_462 : vector<16xi1>, vector<16xf32>
          tpu.vector_store_idx %arg10[%broadcast_in_dim3A_443, %select_n3A_164], %select_n3A_466 masked %lt3A_158 : memref<32x256xf32, #tpu.memory_space<vmem>>[vector<16xi32>, vector<16xi32>], vector<16xf32>, vector<16xi1>
          %broadcast_in_dim3A_467 = arith.constant 12 : i32
          %broadcast_in_dim3A_468 = vector.broadcast %broadcast_in_dim3A_467 : i32 to vector<16xi32>
          %lt3A_469 = arith.constant 128 : i32
          %lt3A_470 = vector.broadcast %lt3A_469 : i32 to vector<16xi32>
          %lt3A_471 = arith.cmpi slt, %select_n3A_167, %lt3A_470 : vector<16xi32>
          %and3A_472 = arith.andi %lt3A_158, %lt3A_471 : vector<16xi1>
          %ge3A_473 = arith.constant 128 : i32
          %ge3A_474 = vector.broadcast %ge3A_473 : i32 to vector<16xi32>
          %ge3A_475 = arith.cmpi sge, %select_n3A_167, %ge3A_474 : vector<16xi32>
          %and3A_476 = arith.andi %lt3A_158, %ge3A_475 : vector<16xi1>
          %jit3A_477 = arith.constant 0 : i32
          %broadcast_in_dim3A_478 = vector.broadcast %jit3A_477 : i32 to vector<16xi32>
          %select_n3A_479 = arith.select %and3A_472, %select_n3A_167, %broadcast_in_dim3A_478 : vector<16xi1>, vector<16xi32>
          %gather3A_480 = tpu.vector_load_idx %arg15[%select_n3A_479, %broadcast_in_dim3A_468] masked %and3A_472 : memref<128x128xf32, #tpu.memory_space<vmem>>[vector<16xi32>, vector<16xi32>], vector<16xf32>, vector<16xi1>
          %sub3A_481 = arith.constant 128 : i32
          %sub3A_482 = vector.broadcast %sub3A_481 : i32 to vector<16xi32>
          %sub3A_483 = arith.subi %select_n3A_167, %sub3A_482 : vector<16xi32>
          %jit3A_484 = arith.constant 0 : i32
          %broadcast_in_dim3A_485 = vector.broadcast %jit3A_484 : i32 to vector<16xi32>
          %select_n3A_486 = arith.select %and3A_476, %sub3A_483, %broadcast_in_dim3A_485 : vector<16xi1>, vector<16xi32>
          %gather3A_487 = tpu.vector_load_idx %arg16[%select_n3A_486, %broadcast_in_dim3A_468] masked %and3A_476 : memref<128x128xf32, #tpu.memory_space<vmem>>[vector<16xi32>, vector<16xi32>], vector<16xf32>, vector<16xi1>
          %lt3A_488 = arith.constant 128 : i32
          %lt3A_489 = vector.broadcast %lt3A_488 : i32 to vector<16xi32>
          %lt3A_490 = arith.cmpi slt, %select_n3A_167, %lt3A_489 : vector<16xi32>
          %select_n3A_491 = arith.select %lt3A_490, %gather3A_480, %gather3A_487 : vector<16xi1>, vector<16xf32>
          tpu.vector_store_idx %arg10[%broadcast_in_dim3A_468, %select_n3A_164], %select_n3A_491 masked %lt3A_158 : memref<32x256xf32, #tpu.memory_space<vmem>>[vector<16xi32>, vector<16xi32>], vector<16xf32>, vector<16xi1>
          %broadcast_in_dim3A_492 = arith.constant 13 : i32
          %broadcast_in_dim3A_493 = vector.broadcast %broadcast_in_dim3A_492 : i32 to vector<16xi32>
          %lt3A_494 = arith.constant 128 : i32
          %lt3A_495 = vector.broadcast %lt3A_494 : i32 to vector<16xi32>
          %lt3A_496 = arith.cmpi slt, %select_n3A_167, %lt3A_495 : vector<16xi32>
          %and3A_497 = arith.andi %lt3A_158, %lt3A_496 : vector<16xi1>
          %ge3A_498 = arith.constant 128 : i32
          %ge3A_499 = vector.broadcast %ge3A_498 : i32 to vector<16xi32>
          %ge3A_500 = arith.cmpi sge, %select_n3A_167, %ge3A_499 : vector<16xi32>
          %and3A_501 = arith.andi %lt3A_158, %ge3A_500 : vector<16xi1>
          %jit3A_502 = arith.constant 0 : i32
          %broadcast_in_dim3A_503 = vector.broadcast %jit3A_502 : i32 to vector<16xi32>
          %select_n3A_504 = arith.select %and3A_497, %select_n3A_167, %broadcast_in_dim3A_503 : vector<16xi1>, vector<16xi32>
          %gather3A_505 = tpu.vector_load_idx %arg15[%select_n3A_504, %broadcast_in_dim3A_493] masked %and3A_497 : memref<128x128xf32, #tpu.memory_space<vmem>>[vector<16xi32>, vector<16xi32>], vector<16xf32>, vector<16xi1>
          %sub3A_506 = arith.constant 128 : i32
          %sub3A_507 = vector.broadcast %sub3A_506 : i32 to vector<16xi32>
          %sub3A_508 = arith.subi %select_n3A_167, %sub3A_507 : vector<16xi32>
          %jit3A_509 = arith.constant 0 : i32
          %broadcast_in_dim3A_510 = vector.broadcast %jit3A_509 : i32 to vector<16xi32>
          %select_n3A_511 = arith.select %and3A_501, %sub3A_508, %broadcast_in_dim3A_510 : vector<16xi1>, vector<16xi32>
          %gather3A_512 = tpu.vector_load_idx %arg16[%select_n3A_511, %broadcast_in_dim3A_493] masked %and3A_501 : memref<128x128xf32, #tpu.memory_space<vmem>>[vector<16xi32>, vector<16xi32>], vector<16xf32>, vector<16xi1>
          %lt3A_513 = arith.constant 128 : i32
          %lt3A_514 = vector.broadcast %lt3A_513 : i32 to vector<16xi32>
          %lt3A_515 = arith.cmpi slt, %select_n3A_167, %lt3A_514 : vector<16xi32>
          %select_n3A_516 = arith.select %lt3A_515, %gather3A_505, %gather3A_512 : vector<16xi1>, vector<16xf32>
          tpu.vector_store_idx %arg10[%broadcast_in_dim3A_493, %select_n3A_164], %select_n3A_516 masked %lt3A_158 : memref<32x256xf32, #tpu.memory_space<vmem>>[vector<16xi32>, vector<16xi32>], vector<16xf32>, vector<16xi1>
          %broadcast_in_dim3A_517 = arith.constant 14 : i32
          %broadcast_in_dim3A_518 = vector.broadcast %broadcast_in_dim3A_517 : i32 to vector<16xi32>
          %lt3A_519 = arith.constant 128 : i32
          %lt3A_520 = vector.broadcast %lt3A_519 : i32 to vector<16xi32>
          %lt3A_521 = arith.cmpi slt, %select_n3A_167, %lt3A_520 : vector<16xi32>
          %and3A_522 = arith.andi %lt3A_158, %lt3A_521 : vector<16xi1>
          %ge3A_523 = arith.constant 128 : i32
          %ge3A_524 = vector.broadcast %ge3A_523 : i32 to vector<16xi32>
          %ge3A_525 = arith.cmpi sge, %select_n3A_167, %ge3A_524 : vector<16xi32>
          %and3A_526 = arith.andi %lt3A_158, %ge3A_525 : vector<16xi1>
          %jit3A_527 = arith.constant 0 : i32
          %broadcast_in_dim3A_528 = vector.broadcast %jit3A_527 : i32 to vector<16xi32>
          %select_n3A_529 = arith.select %and3A_522, %select_n3A_167, %broadcast_in_dim3A_528 : vector<16xi1>, vector<16xi32>
          %gather3A_530 = tpu.vector_load_idx %arg15[%select_n3A_529, %broadcast_in_dim3A_518] masked %and3A_522 : memref<128x128xf32, #tpu.memory_space<vmem>>[vector<16xi32>, vector<16xi32>], vector<16xf32>, vector<16xi1>
          %sub3A_531 = arith.constant 128 : i32
          %sub3A_532 = vector.broadcast %sub3A_531 : i32 to vector<16xi32>
          %sub3A_533 = arith.subi %select_n3A_167, %sub3A_532 : vector<16xi32>
          %jit3A_534 = arith.constant 0 : i32
          %broadcast_in_dim3A_535 = vector.broadcast %jit3A_534 : i32 to vector<16xi32>
          %select_n3A_536 = arith.select %and3A_526, %sub3A_533, %broadcast_in_dim3A_535 : vector<16xi1>, vector<16xi32>
          %gather3A_537 = tpu.vector_load_idx %arg16[%select_n3A_536, %broadcast_in_dim3A_518] masked %and3A_526 : memref<128x128xf32, #tpu.memory_space<vmem>>[vector<16xi32>, vector<16xi32>], vector<16xf32>, vector<16xi1>
          %lt3A_538 = arith.constant 128 : i32
          %lt3A_539 = vector.broadcast %lt3A_538 : i32 to vector<16xi32>
          %lt3A_540 = arith.cmpi slt, %select_n3A_167, %lt3A_539 : vector<16xi32>
          %select_n3A_541 = arith.select %lt3A_540, %gather3A_530, %gather3A_537 : vector<16xi1>, vector<16xf32>
          tpu.vector_store_idx %arg10[%broadcast_in_dim3A_518, %select_n3A_164], %select_n3A_541 masked %lt3A_158 : memref<32x256xf32, #tpu.memory_space<vmem>>[vector<16xi32>, vector<16xi32>], vector<16xf32>, vector<16xi1>
          %broadcast_in_dim3A_542 = arith.constant 15 : i32
          %broadcast_in_dim3A_543 = vector.broadcast %broadcast_in_dim3A_542 : i32 to vector<16xi32>
          %lt3A_544 = arith.constant 128 : i32
          %lt3A_545 = vector.broadcast %lt3A_544 : i32 to vector<16xi32>
          %lt3A_546 = arith.cmpi slt, %select_n3A_167, %lt3A_545 : vector<16xi32>
          %and3A_547 = arith.andi %lt3A_158, %lt3A_546 : vector<16xi1>
          %ge3A_548 = arith.constant 128 : i32
          %ge3A_549 = vector.broadcast %ge3A_548 : i32 to vector<16xi32>
          %ge3A_550 = arith.cmpi sge, %select_n3A_167, %ge3A_549 : vector<16xi32>
          %and3A_551 = arith.andi %lt3A_158, %ge3A_550 : vector<16xi1>
          %jit3A_552 = arith.constant 0 : i32
          %broadcast_in_dim3A_553 = vector.broadcast %jit3A_552 : i32 to vector<16xi32>
          %select_n3A_554 = arith.select %and3A_547, %select_n3A_167, %broadcast_in_dim3A_553 : vector<16xi1>, vector<16xi32>
          %gather3A_555 = tpu.vector_load_idx %arg15[%select_n3A_554, %broadcast_in_dim3A_543] masked %and3A_547 : memref<128x128xf32, #tpu.memory_space<vmem>>[vector<16xi32>, vector<16xi32>], vector<16xf32>, vector<16xi1>
          %sub3A_556 = arith.constant 128 : i32
          %sub3A_557 = vector.broadcast %sub3A_556 : i32 to vector<16xi32>
          %sub3A_558 = arith.subi %select_n3A_167, %sub3A_557 : vector<16xi32>
          %jit3A_559 = arith.constant 0 : i32
          %broadcast_in_dim3A_560 = vector.broadcast %jit3A_559 : i32 to vector<16xi32>
          %select_n3A_561 = arith.select %and3A_551, %sub3A_558, %broadcast_in_dim3A_560 : vector<16xi1>, vector<16xi32>
          %gather3A_562 = tpu.vector_load_idx %arg16[%select_n3A_561, %broadcast_in_dim3A_543] masked %and3A_551 : memref<128x128xf32, #tpu.memory_space<vmem>>[vector<16xi32>, vector<16xi32>], vector<16xf32>, vector<16xi1>
          %lt3A_563 = arith.constant 128 : i32
          %lt3A_564 = vector.broadcast %lt3A_563 : i32 to vector<16xi32>
          %lt3A_565 = arith.cmpi slt, %select_n3A_167, %lt3A_564 : vector<16xi32>
          %select_n3A_566 = arith.select %lt3A_565, %gather3A_555, %gather3A_562 : vector<16xi1>, vector<16xf32>
          tpu.vector_store_idx %arg10[%broadcast_in_dim3A_543, %select_n3A_164], %select_n3A_566 masked %lt3A_158 : memref<32x256xf32, #tpu.memory_space<vmem>>[vector<16xi32>, vector<16xi32>], vector<16xf32>, vector<16xi1>
          %broadcast_in_dim3A_567 = arith.constant 16 : i32
          %broadcast_in_dim3A_568 = vector.broadcast %broadcast_in_dim3A_567 : i32 to vector<16xi32>
          %lt3A_569 = arith.constant 128 : i32
          %lt3A_570 = vector.broadcast %lt3A_569 : i32 to vector<16xi32>
          %lt3A_571 = arith.cmpi slt, %select_n3A_167, %lt3A_570 : vector<16xi32>
          %and3A_572 = arith.andi %lt3A_158, %lt3A_571 : vector<16xi1>
          %ge3A_573 = arith.constant 128 : i32
          %ge3A_574 = vector.broadcast %ge3A_573 : i32 to vector<16xi32>
          %ge3A_575 = arith.cmpi sge, %select_n3A_167, %ge3A_574 : vector<16xi32>
          %and3A_576 = arith.andi %lt3A_158, %ge3A_575 : vector<16xi1>
          %jit3A_577 = arith.constant 0 : i32
          %broadcast_in_dim3A_578 = vector.broadcast %jit3A_577 : i32 to vector<16xi32>
          %select_n3A_579 = arith.select %and3A_572, %select_n3A_167, %broadcast_in_dim3A_578 : vector<16xi1>, vector<16xi32>
          %gather3A_580 = tpu.vector_load_idx %arg15[%select_n3A_579, %broadcast_in_dim3A_568] masked %and3A_572 : memref<128x128xf32, #tpu.memory_space<vmem>>[vector<16xi32>, vector<16xi32>], vector<16xf32>, vector<16xi1>
          %sub3A_581 = arith.constant 128 : i32
          %sub3A_582 = vector.broadcast %sub3A_581 : i32 to vector<16xi32>
          %sub3A_583 = arith.subi %select_n3A_167, %sub3A_582 : vector<16xi32>
          %jit3A_584 = arith.constant 0 : i32
          %broadcast_in_dim3A_585 = vector.broadcast %jit3A_584 : i32 to vector<16xi32>
          %select_n3A_586 = arith.select %and3A_576, %sub3A_583, %broadcast_in_dim3A_585 : vector<16xi1>, vector<16xi32>
          %gather3A_587 = tpu.vector_load_idx %arg16[%select_n3A_586, %broadcast_in_dim3A_568] masked %and3A_576 : memref<128x128xf32, #tpu.memory_space<vmem>>[vector<16xi32>, vector<16xi32>], vector<16xf32>, vector<16xi1>
          %lt3A_588 = arith.constant 128 : i32
          %lt3A_589 = vector.broadcast %lt3A_588 : i32 to vector<16xi32>
          %lt3A_590 = arith.cmpi slt, %select_n3A_167, %lt3A_589 : vector<16xi32>
          %select_n3A_591 = arith.select %lt3A_590, %gather3A_580, %gather3A_587 : vector<16xi1>, vector<16xf32>
          tpu.vector_store_idx %arg10[%broadcast_in_dim3A_568, %select_n3A_164], %select_n3A_591 masked %lt3A_158 : memref<32x256xf32, #tpu.memory_space<vmem>>[vector<16xi32>, vector<16xi32>], vector<16xf32>, vector<16xi1>
          %broadcast_in_dim3A_592 = arith.constant 17 : i32
          %broadcast_in_dim3A_593 = vector.broadcast %broadcast_in_dim3A_592 : i32 to vector<16xi32>
          %lt3A_594 = arith.constant 128 : i32
          %lt3A_595 = vector.broadcast %lt3A_594 : i32 to vector<16xi32>
          %lt3A_596 = arith.cmpi slt, %select_n3A_167, %lt3A_595 : vector<16xi32>
          %and3A_597 = arith.andi %lt3A_158, %lt3A_596 : vector<16xi1>
          %ge3A_598 = arith.constant 128 : i32
          %ge3A_599 = vector.broadcast %ge3A_598 : i32 to vector<16xi32>
          %ge3A_600 = arith.cmpi sge, %select_n3A_167, %ge3A_599 : vector<16xi32>
          %and3A_601 = arith.andi %lt3A_158, %ge3A_600 : vector<16xi1>
          %jit3A_602 = arith.constant 0 : i32
          %broadcast_in_dim3A_603 = vector.broadcast %jit3A_602 : i32 to vector<16xi32>
          %select_n3A_604 = arith.select %and3A_597, %select_n3A_167, %broadcast_in_dim3A_603 : vector<16xi1>, vector<16xi32>
          %gather3A_605 = tpu.vector_load_idx %arg15[%select_n3A_604, %broadcast_in_dim3A_593] masked %and3A_597 : memref<128x128xf32, #tpu.memory_space<vmem>>[vector<16xi32>, vector<16xi32>], vector<16xf32>, vector<16xi1>
          %sub3A_606 = arith.constant 128 : i32
          %sub3A_607 = vector.broadcast %sub3A_606 : i32 to vector<16xi32>
          %sub3A_608 = arith.subi %select_n3A_167, %sub3A_607 : vector<16xi32>
          %jit3A_609 = arith.constant 0 : i32
          %broadcast_in_dim3A_610 = vector.broadcast %jit3A_609 : i32 to vector<16xi32>
          %select_n3A_611 = arith.select %and3A_601, %sub3A_608, %broadcast_in_dim3A_610 : vector<16xi1>, vector<16xi32>
          %gather3A_612 = tpu.vector_load_idx %arg16[%select_n3A_611, %broadcast_in_dim3A_593] masked %and3A_601 : memref<128x128xf32, #tpu.memory_space<vmem>>[vector<16xi32>, vector<16xi32>], vector<16xf32>, vector<16xi1>
          %lt3A_613 = arith.constant 128 : i32
          %lt3A_614 = vector.broadcast %lt3A_613 : i32 to vector<16xi32>
          %lt3A_615 = arith.cmpi slt, %select_n3A_167, %lt3A_614 : vector<16xi32>
          %select_n3A_616 = arith.select %lt3A_615, %gather3A_605, %gather3A_612 : vector<16xi1>, vector<16xf32>
          tpu.vector_store_idx %arg10[%broadcast_in_dim3A_593, %select_n3A_164], %select_n3A_616 masked %lt3A_158 : memref<32x256xf32, #tpu.memory_space<vmem>>[vector<16xi32>, vector<16xi32>], vector<16xf32>, vector<16xi1>
          %broadcast_in_dim3A_617 = arith.constant 18 : i32
          %broadcast_in_dim3A_618 = vector.broadcast %broadcast_in_dim3A_617 : i32 to vector<16xi32>
          %lt3A_619 = arith.constant 128 : i32
          %lt3A_620 = vector.broadcast %lt3A_619 : i32 to vector<16xi32>
          %lt3A_621 = arith.cmpi slt, %select_n3A_167, %lt3A_620 : vector<16xi32>
          %and3A_622 = arith.andi %lt3A_158, %lt3A_621 : vector<16xi1>
          %ge3A_623 = arith.constant 128 : i32
          %ge3A_624 = vector.broadcast %ge3A_623 : i32 to vector<16xi32>
          %ge3A_625 = arith.cmpi sge, %select_n3A_167, %ge3A_624 : vector<16xi32>
          %and3A_626 = arith.andi %lt3A_158, %ge3A_625 : vector<16xi1>
          %jit3A_627 = arith.constant 0 : i32
          %broadcast_in_dim3A_628 = vector.broadcast %jit3A_627 : i32 to vector<16xi32>
          %select_n3A_629 = arith.select %and3A_622, %select_n3A_167, %broadcast_in_dim3A_628 : vector<16xi1>, vector<16xi32>
          %gather3A_630 = tpu.vector_load_idx %arg15[%select_n3A_629, %broadcast_in_dim3A_618] masked %and3A_622 : memref<128x128xf32, #tpu.memory_space<vmem>>[vector<16xi32>, vector<16xi32>], vector<16xf32>, vector<16xi1>
          %sub3A_631 = arith.constant 128 : i32
          %sub3A_632 = vector.broadcast %sub3A_631 : i32 to vector<16xi32>
          %sub3A_633 = arith.subi %select_n3A_167, %sub3A_632 : vector<16xi32>
          %jit3A_634 = arith.constant 0 : i32
          %broadcast_in_dim3A_635 = vector.broadcast %jit3A_634 : i32 to vector<16xi32>
          %select_n3A_636 = arith.select %and3A_626, %sub3A_633, %broadcast_in_dim3A_635 : vector<16xi1>, vector<16xi32>
          %gather3A_637 = tpu.vector_load_idx %arg16[%select_n3A_636, %broadcast_in_dim3A_618] masked %and3A_626 : memref<128x128xf32, #tpu.memory_space<vmem>>[vector<16xi32>, vector<16xi32>], vector<16xf32>, vector<16xi1>
          %lt3A_638 = arith.constant 128 : i32
          %lt3A_639 = vector.broadcast %lt3A_638 : i32 to vector<16xi32>
          %lt3A_640 = arith.cmpi slt, %select_n3A_167, %lt3A_639 : vector<16xi32>
          %select_n3A_641 = arith.select %lt3A_640, %gather3A_630, %gather3A_637 : vector<16xi1>, vector<16xf32>
          tpu.vector_store_idx %arg10[%broadcast_in_dim3A_618, %select_n3A_164], %select_n3A_641 masked %lt3A_158 : memref<32x256xf32, #tpu.memory_space<vmem>>[vector<16xi32>, vector<16xi32>], vector<16xf32>, vector<16xi1>
          %broadcast_in_dim3A_642 = arith.constant 19 : i32
          %broadcast_in_dim3A_643 = vector.broadcast %broadcast_in_dim3A_642 : i32 to vector<16xi32>
          %lt3A_644 = arith.constant 128 : i32
          %lt3A_645 = vector.broadcast %lt3A_644 : i32 to vector<16xi32>
          %lt3A_646 = arith.cmpi slt, %select_n3A_167, %lt3A_645 : vector<16xi32>
          %and3A_647 = arith.andi %lt3A_158, %lt3A_646 : vector<16xi1>
          %ge3A_648 = arith.constant 128 : i32
          %ge3A_649 = vector.broadcast %ge3A_648 : i32 to vector<16xi32>
          %ge3A_650 = arith.cmpi sge, %select_n3A_167, %ge3A_649 : vector<16xi32>
          %and3A_651 = arith.andi %lt3A_158, %ge3A_650 : vector<16xi1>
          %jit3A_652 = arith.constant 0 : i32
          %broadcast_in_dim3A_653 = vector.broadcast %jit3A_652 : i32 to vector<16xi32>
          %select_n3A_654 = arith.select %and3A_647, %select_n3A_167, %broadcast_in_dim3A_653 : vector<16xi1>, vector<16xi32>
          %gather3A_655 = tpu.vector_load_idx %arg15[%select_n3A_654, %broadcast_in_dim3A_643] masked %and3A_647 : memref<128x128xf32, #tpu.memory_space<vmem>>[vector<16xi32>, vector<16xi32>], vector<16xf32>, vector<16xi1>
          %sub3A_656 = arith.constant 128 : i32
          %sub3A_657 = vector.broadcast %sub3A_656 : i32 to vector<16xi32>
          %sub3A_658 = arith.subi %select_n3A_167, %sub3A_657 : vector<16xi32>
          %jit3A_659 = arith.constant 0 : i32
          %broadcast_in_dim3A_660 = vector.broadcast %jit3A_659 : i32 to vector<16xi32>
          %select_n3A_661 = arith.select %and3A_651, %sub3A_658, %broadcast_in_dim3A_660 : vector<16xi1>, vector<16xi32>
          %gather3A_662 = tpu.vector_load_idx %arg16[%select_n3A_661, %broadcast_in_dim3A_643] masked %and3A_651 : memref<128x128xf32, #tpu.memory_space<vmem>>[vector<16xi32>, vector<16xi32>], vector<16xf32>, vector<16xi1>
          %lt3A_663 = arith.constant 128 : i32
          %lt3A_664 = vector.broadcast %lt3A_663 : i32 to vector<16xi32>
          %lt3A_665 = arith.cmpi slt, %select_n3A_167, %lt3A_664 : vector<16xi32>
          %select_n3A_666 = arith.select %lt3A_665, %gather3A_655, %gather3A_662 : vector<16xi1>, vector<16xf32>
          tpu.vector_store_idx %arg10[%broadcast_in_dim3A_643, %select_n3A_164], %select_n3A_666 masked %lt3A_158 : memref<32x256xf32, #tpu.memory_space<vmem>>[vector<16xi32>, vector<16xi32>], vector<16xf32>, vector<16xi1>
          %broadcast_in_dim3A_667 = arith.constant 20 : i32
          %broadcast_in_dim3A_668 = vector.broadcast %broadcast_in_dim3A_667 : i32 to vector<16xi32>
          %lt3A_669 = arith.constant 128 : i32
          %lt3A_670 = vector.broadcast %lt3A_669 : i32 to vector<16xi32>
          %lt3A_671 = arith.cmpi slt, %select_n3A_167, %lt3A_670 : vector<16xi32>
          %and3A_672 = arith.andi %lt3A_158, %lt3A_671 : vector<16xi1>
          %ge3A_673 = arith.constant 128 : i32
          %ge3A_674 = vector.broadcast %ge3A_673 : i32 to vector<16xi32>
          %ge3A_675 = arith.cmpi sge, %select_n3A_167, %ge3A_674 : vector<16xi32>
          %and3A_676 = arith.andi %lt3A_158, %ge3A_675 : vector<16xi1>
          %jit3A_677 = arith.constant 0 : i32
          %broadcast_in_dim3A_678 = vector.broadcast %jit3A_677 : i32 to vector<16xi32>
          %select_n3A_679 = arith.select %and3A_672, %select_n3A_167, %broadcast_in_dim3A_678 : vector<16xi1>, vector<16xi32>
          %gather3A_680 = tpu.vector_load_idx %arg15[%select_n3A_679, %broadcast_in_dim3A_668] masked %and3A_672 : memref<128x128xf32, #tpu.memory_space<vmem>>[vector<16xi32>, vector<16xi32>], vector<16xf32>, vector<16xi1>
          %sub3A_681 = arith.constant 128 : i32
          %sub3A_682 = vector.broadcast %sub3A_681 : i32 to vector<16xi32>
          %sub3A_683 = arith.subi %select_n3A_167, %sub3A_682 : vector<16xi32>
          %jit3A_684 = arith.constant 0 : i32
          %broadcast_in_dim3A_685 = vector.broadcast %jit3A_684 : i32 to vector<16xi32>
          %select_n3A_686 = arith.select %and3A_676, %sub3A_683, %broadcast_in_dim3A_685 : vector<16xi1>, vector<16xi32>
          %gather3A_687 = tpu.vector_load_idx %arg16[%select_n3A_686, %broadcast_in_dim3A_668] masked %and3A_676 : memref<128x128xf32, #tpu.memory_space<vmem>>[vector<16xi32>, vector<16xi32>], vector<16xf32>, vector<16xi1>
          %lt3A_688 = arith.constant 128 : i32
          %lt3A_689 = vector.broadcast %lt3A_688 : i32 to vector<16xi32>
          %lt3A_690 = arith.cmpi slt, %select_n3A_167, %lt3A_689 : vector<16xi32>
          %select_n3A_691 = arith.select %lt3A_690, %gather3A_680, %gather3A_687 : vector<16xi1>, vector<16xf32>
          tpu.vector_store_idx %arg10[%broadcast_in_dim3A_668, %select_n3A_164], %select_n3A_691 masked %lt3A_158 : memref<32x256xf32, #tpu.memory_space<vmem>>[vector<16xi32>, vector<16xi32>], vector<16xf32>, vector<16xi1>
          %broadcast_in_dim3A_692 = arith.constant 21 : i32
          %broadcast_in_dim3A_693 = vector.broadcast %broadcast_in_dim3A_692 : i32 to vector<16xi32>
          %lt3A_694 = arith.constant 128 : i32
          %lt3A_695 = vector.broadcast %lt3A_694 : i32 to vector<16xi32>
          %lt3A_696 = arith.cmpi slt, %select_n3A_167, %lt3A_695 : vector<16xi32>
          %and3A_697 = arith.andi %lt3A_158, %lt3A_696 : vector<16xi1>
          %ge3A_698 = arith.constant 128 : i32
          %ge3A_699 = vector.broadcast %ge3A_698 : i32 to vector<16xi32>
          %ge3A_700 = arith.cmpi sge, %select_n3A_167, %ge3A_699 : vector<16xi32>
          %and3A_701 = arith.andi %lt3A_158, %ge3A_700 : vector<16xi1>
          %jit3A_702 = arith.constant 0 : i32
          %broadcast_in_dim3A_703 = vector.broadcast %jit3A_702 : i32 to vector<16xi32>
          %select_n3A_704 = arith.select %and3A_697, %select_n3A_167, %broadcast_in_dim3A_703 : vector<16xi1>, vector<16xi32>
          %gather3A_705 = tpu.vector_load_idx %arg15[%select_n3A_704, %broadcast_in_dim3A_693] masked %and3A_697 : memref<128x128xf32, #tpu.memory_space<vmem>>[vector<16xi32>, vector<16xi32>], vector<16xf32>, vector<16xi1>
          %sub3A_706 = arith.constant 128 : i32
          %sub3A_707 = vector.broadcast %sub3A_706 : i32 to vector<16xi32>
          %sub3A_708 = arith.subi %select_n3A_167, %sub3A_707 : vector<16xi32>
          %jit3A_709 = arith.constant 0 : i32
          %broadcast_in_dim3A_710 = vector.broadcast %jit3A_709 : i32 to vector<16xi32>
          %select_n3A_711 = arith.select %and3A_701, %sub3A_708, %broadcast_in_dim3A_710 : vector<16xi1>, vector<16xi32>
          %gather3A_712 = tpu.vector_load_idx %arg16[%select_n3A_711, %broadcast_in_dim3A_693] masked %and3A_701 : memref<128x128xf32, #tpu.memory_space<vmem>>[vector<16xi32>, vector<16xi32>], vector<16xf32>, vector<16xi1>
          %lt3A_713 = arith.constant 128 : i32
          %lt3A_714 = vector.broadcast %lt3A_713 : i32 to vector<16xi32>
          %lt3A_715 = arith.cmpi slt, %select_n3A_167, %lt3A_714 : vector<16xi32>
          %select_n3A_716 = arith.select %lt3A_715, %gather3A_705, %gather3A_712 : vector<16xi1>, vector<16xf32>
          tpu.vector_store_idx %arg10[%broadcast_in_dim3A_693, %select_n3A_164], %select_n3A_716 masked %lt3A_158 : memref<32x256xf32, #tpu.memory_space<vmem>>[vector<16xi32>, vector<16xi32>], vector<16xf32>, vector<16xi1>
          %broadcast_in_dim3A_717 = arith.constant 22 : i32
          %broadcast_in_dim3A_718 = vector.broadcast %broadcast_in_dim3A_717 : i32 to vector<16xi32>
          %lt3A_719 = arith.constant 128 : i32
          %lt3A_720 = vector.broadcast %lt3A_719 : i32 to vector<16xi32>
          %lt3A_721 = arith.cmpi slt, %select_n3A_167, %lt3A_720 : vector<16xi32>
          %and3A_722 = arith.andi %lt3A_158, %lt3A_721 : vector<16xi1>
          %ge3A_723 = arith.constant 128 : i32
          %ge3A_724 = vector.broadcast %ge3A_723 : i32 to vector<16xi32>
          %ge3A_725 = arith.cmpi sge, %select_n3A_167, %ge3A_724 : vector<16xi32>
          %and3A_726 = arith.andi %lt3A_158, %ge3A_725 : vector<16xi1>
          %jit3A_727 = arith.constant 0 : i32
          %broadcast_in_dim3A_728 = vector.broadcast %jit3A_727 : i32 to vector<16xi32>
          %select_n3A_729 = arith.select %and3A_722, %select_n3A_167, %broadcast_in_dim3A_728 : vector<16xi1>, vector<16xi32>
          %gather3A_730 = tpu.vector_load_idx %arg15[%select_n3A_729, %broadcast_in_dim3A_718] masked %and3A_722 : memref<128x128xf32, #tpu.memory_space<vmem>>[vector<16xi32>, vector<16xi32>], vector<16xf32>, vector<16xi1>
          %sub3A_731 = arith.constant 128 : i32
          %sub3A_732 = vector.broadcast %sub3A_731 : i32 to vector<16xi32>
          %sub3A_733 = arith.subi %select_n3A_167, %sub3A_732 : vector<16xi32>
          %jit3A_734 = arith.constant 0 : i32
          %broadcast_in_dim3A_735 = vector.broadcast %jit3A_734 : i32 to vector<16xi32>
          %select_n3A_736 = arith.select %and3A_726, %sub3A_733, %broadcast_in_dim3A_735 : vector<16xi1>, vector<16xi32>
          %gather3A_737 = tpu.vector_load_idx %arg16[%select_n3A_736, %broadcast_in_dim3A_718] masked %and3A_726 : memref<128x128xf32, #tpu.memory_space<vmem>>[vector<16xi32>, vector<16xi32>], vector<16xf32>, vector<16xi1>
          %lt3A_738 = arith.constant 128 : i32
          %lt3A_739 = vector.broadcast %lt3A_738 : i32 to vector<16xi32>
          %lt3A_740 = arith.cmpi slt, %select_n3A_167, %lt3A_739 : vector<16xi32>
          %select_n3A_741 = arith.select %lt3A_740, %gather3A_730, %gather3A_737 : vector<16xi1>, vector<16xf32>
          tpu.vector_store_idx %arg10[%broadcast_in_dim3A_718, %select_n3A_164], %select_n3A_741 masked %lt3A_158 : memref<32x256xf32, #tpu.memory_space<vmem>>[vector<16xi32>, vector<16xi32>], vector<16xf32>, vector<16xi1>
          %broadcast_in_dim3A_742 = arith.constant 23 : i32
          %broadcast_in_dim3A_743 = vector.broadcast %broadcast_in_dim3A_742 : i32 to vector<16xi32>
          %lt3A_744 = arith.constant 128 : i32
          %lt3A_745 = vector.broadcast %lt3A_744 : i32 to vector<16xi32>
          %lt3A_746 = arith.cmpi slt, %select_n3A_167, %lt3A_745 : vector<16xi32>
          %and3A_747 = arith.andi %lt3A_158, %lt3A_746 : vector<16xi1>
          %ge3A_748 = arith.constant 128 : i32
          %ge3A_749 = vector.broadcast %ge3A_748 : i32 to vector<16xi32>
          %ge3A_750 = arith.cmpi sge, %select_n3A_167, %ge3A_749 : vector<16xi32>
          %and3A_751 = arith.andi %lt3A_158, %ge3A_750 : vector<16xi1>
          %jit3A_752 = arith.constant 0 : i32
          %broadcast_in_dim3A_753 = vector.broadcast %jit3A_752 : i32 to vector<16xi32>
          %select_n3A_754 = arith.select %and3A_747, %select_n3A_167, %broadcast_in_dim3A_753 : vector<16xi1>, vector<16xi32>
          %gather3A_755 = tpu.vector_load_idx %arg15[%select_n3A_754, %broadcast_in_dim3A_743] masked %and3A_747 : memref<128x128xf32, #tpu.memory_space<vmem>>[vector<16xi32>, vector<16xi32>], vector<16xf32>, vector<16xi1>
          %sub3A_756 = arith.constant 128 : i32
          %sub3A_757 = vector.broadcast %sub3A_756 : i32 to vector<16xi32>
          %sub3A_758 = arith.subi %select_n3A_167, %sub3A_757 : vector<16xi32>
          %jit3A_759 = arith.constant 0 : i32
          %broadcast_in_dim3A_760 = vector.broadcast %jit3A_759 : i32 to vector<16xi32>
          %select_n3A_761 = arith.select %and3A_751, %sub3A_758, %broadcast_in_dim3A_760 : vector<16xi1>, vector<16xi32>
          %gather3A_762 = tpu.vector_load_idx %arg16[%select_n3A_761, %broadcast_in_dim3A_743] masked %and3A_751 : memref<128x128xf32, #tpu.memory_space<vmem>>[vector<16xi32>, vector<16xi32>], vector<16xf32>, vector<16xi1>
          %lt3A_763 = arith.constant 128 : i32
          %lt3A_764 = vector.broadcast %lt3A_763 : i32 to vector<16xi32>
          %lt3A_765 = arith.cmpi slt, %select_n3A_167, %lt3A_764 : vector<16xi32>
          %select_n3A_766 = arith.select %lt3A_765, %gather3A_755, %gather3A_762 : vector<16xi1>, vector<16xf32>
          tpu.vector_store_idx %arg10[%broadcast_in_dim3A_743, %select_n3A_164], %select_n3A_766 masked %lt3A_158 : memref<32x256xf32, #tpu.memory_space<vmem>>[vector<16xi32>, vector<16xi32>], vector<16xf32>, vector<16xi1>
          %broadcast_in_dim3A_767 = arith.constant 24 : i32
          %broadcast_in_dim3A_768 = vector.broadcast %broadcast_in_dim3A_767 : i32 to vector<16xi32>
          %lt3A_769 = arith.constant 128 : i32
          %lt3A_770 = vector.broadcast %lt3A_769 : i32 to vector<16xi32>
          %lt3A_771 = arith.cmpi slt, %select_n3A_167, %lt3A_770 : vector<16xi32>
          %and3A_772 = arith.andi %lt3A_158, %lt3A_771 : vector<16xi1>
          %ge3A_773 = arith.constant 128 : i32
          %ge3A_774 = vector.broadcast %ge3A_773 : i32 to vector<16xi32>
          %ge3A_775 = arith.cmpi sge, %select_n3A_167, %ge3A_774 : vector<16xi32>
          %and3A_776 = arith.andi %lt3A_158, %ge3A_775 : vector<16xi1>
          %jit3A_777 = arith.constant 0 : i32
          %broadcast_in_dim3A_778 = vector.broadcast %jit3A_777 : i32 to vector<16xi32>
          %select_n3A_779 = arith.select %and3A_772, %select_n3A_167, %broadcast_in_dim3A_778 : vector<16xi1>, vector<16xi32>
          %gather3A_780 = tpu.vector_load_idx %arg15[%select_n3A_779, %broadcast_in_dim3A_768] masked %and3A_772 : memref<128x128xf32, #tpu.memory_space<vmem>>[vector<16xi32>, vector<16xi32>], vector<16xf32>, vector<16xi1>
          %sub3A_781 = arith.constant 128 : i32
          %sub3A_782 = vector.broadcast %sub3A_781 : i32 to vector<16xi32>
          %sub3A_783 = arith.subi %select_n3A_167, %sub3A_782 : vector<16xi32>
          %jit3A_784 = arith.constant 0 : i32
          %broadcast_in_dim3A_785 = vector.broadcast %jit3A_784 : i32 to vector<16xi32>
          %select_n3A_786 = arith.select %and3A_776, %sub3A_783, %broadcast_in_dim3A_785 : vector<16xi1>, vector<16xi32>
          %gather3A_787 = tpu.vector_load_idx %arg16[%select_n3A_786, %broadcast_in_dim3A_768] masked %and3A_776 : memref<128x128xf32, #tpu.memory_space<vmem>>[vector<16xi32>, vector<16xi32>], vector<16xf32>, vector<16xi1>
          %lt3A_788 = arith.constant 128 : i32
          %lt3A_789 = vector.broadcast %lt3A_788 : i32 to vector<16xi32>
          %lt3A_790 = arith.cmpi slt, %select_n3A_167, %lt3A_789 : vector<16xi32>
          %select_n3A_791 = arith.select %lt3A_790, %gather3A_780, %gather3A_787 : vector<16xi1>, vector<16xf32>
          tpu.vector_store_idx %arg10[%broadcast_in_dim3A_768, %select_n3A_164], %select_n3A_791 masked %lt3A_158 : memref<32x256xf32, #tpu.memory_space<vmem>>[vector<16xi32>, vector<16xi32>], vector<16xf32>, vector<16xi1>
          %broadcast_in_dim3A_792 = arith.constant 25 : i32
          %broadcast_in_dim3A_793 = vector.broadcast %broadcast_in_dim3A_792 : i32 to vector<16xi32>
          %lt3A_794 = arith.constant 128 : i32
          %lt3A_795 = vector.broadcast %lt3A_794 : i32 to vector<16xi32>
          %lt3A_796 = arith.cmpi slt, %select_n3A_167, %lt3A_795 : vector<16xi32>
          %and3A_797 = arith.andi %lt3A_158, %lt3A_796 : vector<16xi1>
          %ge3A_798 = arith.constant 128 : i32
          %ge3A_799 = vector.broadcast %ge3A_798 : i32 to vector<16xi32>
          %ge3A_800 = arith.cmpi sge, %select_n3A_167, %ge3A_799 : vector<16xi32>
          %and3A_801 = arith.andi %lt3A_158, %ge3A_800 : vector<16xi1>
          %jit3A_802 = arith.constant 0 : i32
          %broadcast_in_dim3A_803 = vector.broadcast %jit3A_802 : i32 to vector<16xi32>
          %select_n3A_804 = arith.select %and3A_797, %select_n3A_167, %broadcast_in_dim3A_803 : vector<16xi1>, vector<16xi32>
          %gather3A_805 = tpu.vector_load_idx %arg15[%select_n3A_804, %broadcast_in_dim3A_793] masked %and3A_797 : memref<128x128xf32, #tpu.memory_space<vmem>>[vector<16xi32>, vector<16xi32>], vector<16xf32>, vector<16xi1>
          %sub3A_806 = arith.constant 128 : i32
          %sub3A_807 = vector.broadcast %sub3A_806 : i32 to vector<16xi32>
          %sub3A_808 = arith.subi %select_n3A_167, %sub3A_807 : vector<16xi32>
          %jit3A_809 = arith.constant 0 : i32
          %broadcast_in_dim3A_810 = vector.broadcast %jit3A_809 : i32 to vector<16xi32>
          %select_n3A_811 = arith.select %and3A_801, %sub3A_808, %broadcast_in_dim3A_810 : vector<16xi1>, vector<16xi32>
          %gather3A_812 = tpu.vector_load_idx %arg16[%select_n3A_811, %broadcast_in_dim3A_793] masked %and3A_801 : memref<128x128xf32, #tpu.memory_space<vmem>>[vector<16xi32>, vector<16xi32>], vector<16xf32>, vector<16xi1>
          %lt3A_813 = arith.constant 128 : i32
          %lt3A_814 = vector.broadcast %lt3A_813 : i32 to vector<16xi32>
          %lt3A_815 = arith.cmpi slt, %select_n3A_167, %lt3A_814 : vector<16xi32>
          %select_n3A_816 = arith.select %lt3A_815, %gather3A_805, %gather3A_812 : vector<16xi1>, vector<16xf32>
          tpu.vector_store_idx %arg10[%broadcast_in_dim3A_793, %select_n3A_164], %select_n3A_816 masked %lt3A_158 : memref<32x256xf32, #tpu.memory_space<vmem>>[vector<16xi32>, vector<16xi32>], vector<16xf32>, vector<16xi1>
          %broadcast_in_dim3A_817 = arith.constant 26 : i32
          %broadcast_in_dim3A_818 = vector.broadcast %broadcast_in_dim3A_817 : i32 to vector<16xi32>
          %lt3A_819 = arith.constant 128 : i32
          %lt3A_820 = vector.broadcast %lt3A_819 : i32 to vector<16xi32>
          %lt3A_821 = arith.cmpi slt, %select_n3A_167, %lt3A_820 : vector<16xi32>
          %and3A_822 = arith.andi %lt3A_158, %lt3A_821 : vector<16xi1>
          %ge3A_823 = arith.constant 128 : i32
          %ge3A_824 = vector.broadcast %ge3A_823 : i32 to vector<16xi32>
          %ge3A_825 = arith.cmpi sge, %select_n3A_167, %ge3A_824 : vector<16xi32>
          %and3A_826 = arith.andi %lt3A_158, %ge3A_825 : vector<16xi1>
          %jit3A_827 = arith.constant 0 : i32
          %broadcast_in_dim3A_828 = vector.broadcast %jit3A_827 : i32 to vector<16xi32>
          %select_n3A_829 = arith.select %and3A_822, %select_n3A_167, %broadcast_in_dim3A_828 : vector<16xi1>, vector<16xi32>
          %gather3A_830 = tpu.vector_load_idx %arg15[%select_n3A_829, %broadcast_in_dim3A_818] masked %and3A_822 : memref<128x128xf32, #tpu.memory_space<vmem>>[vector<16xi32>, vector<16xi32>], vector<16xf32>, vector<16xi1>
          %sub3A_831 = arith.constant 128 : i32
          %sub3A_832 = vector.broadcast %sub3A_831 : i32 to vector<16xi32>
          %sub3A_833 = arith.subi %select_n3A_167, %sub3A_832 : vector<16xi32>
          %jit3A_834 = arith.constant 0 : i32
          %broadcast_in_dim3A_835 = vector.broadcast %jit3A_834 : i32 to vector<16xi32>
          %select_n3A_836 = arith.select %and3A_826, %sub3A_833, %broadcast_in_dim3A_835 : vector<16xi1>, vector<16xi32>
          %gather3A_837 = tpu.vector_load_idx %arg16[%select_n3A_836, %broadcast_in_dim3A_818] masked %and3A_826 : memref<128x128xf32, #tpu.memory_space<vmem>>[vector<16xi32>, vector<16xi32>], vector<16xf32>, vector<16xi1>
          %lt3A_838 = arith.constant 128 : i32
          %lt3A_839 = vector.broadcast %lt3A_838 : i32 to vector<16xi32>
          %lt3A_840 = arith.cmpi slt, %select_n3A_167, %lt3A_839 : vector<16xi32>
          %select_n3A_841 = arith.select %lt3A_840, %gather3A_830, %gather3A_837 : vector<16xi1>, vector<16xf32>
          tpu.vector_store_idx %arg10[%broadcast_in_dim3A_818, %select_n3A_164], %select_n3A_841 masked %lt3A_158 : memref<32x256xf32, #tpu.memory_space<vmem>>[vector<16xi32>, vector<16xi32>], vector<16xf32>, vector<16xi1>
          %broadcast_in_dim3A_842 = arith.constant 27 : i32
          %broadcast_in_dim3A_843 = vector.broadcast %broadcast_in_dim3A_842 : i32 to vector<16xi32>
          %lt3A_844 = arith.constant 128 : i32
          %lt3A_845 = vector.broadcast %lt3A_844 : i32 to vector<16xi32>
          %lt3A_846 = arith.cmpi slt, %select_n3A_167, %lt3A_845 : vector<16xi32>
          %and3A_847 = arith.andi %lt3A_158, %lt3A_846 : vector<16xi1>
          %ge3A_848 = arith.constant 128 : i32
          %ge3A_849 = vector.broadcast %ge3A_848 : i32 to vector<16xi32>
          %ge3A_850 = arith.cmpi sge, %select_n3A_167, %ge3A_849 : vector<16xi32>
          %and3A_851 = arith.andi %lt3A_158, %ge3A_850 : vector<16xi1>
          %jit3A_852 = arith.constant 0 : i32
          %broadcast_in_dim3A_853 = vector.broadcast %jit3A_852 : i32 to vector<16xi32>
          %select_n3A_854 = arith.select %and3A_847, %select_n3A_167, %broadcast_in_dim3A_853 : vector<16xi1>, vector<16xi32>
          %gather3A_855 = tpu.vector_load_idx %arg15[%select_n3A_854, %broadcast_in_dim3A_843] masked %and3A_847 : memref<128x128xf32, #tpu.memory_space<vmem>>[vector<16xi32>, vector<16xi32>], vector<16xf32>, vector<16xi1>
          %sub3A_856 = arith.constant 128 : i32
          %sub3A_857 = vector.broadcast %sub3A_856 : i32 to vector<16xi32>
          %sub3A_858 = arith.subi %select_n3A_167, %sub3A_857 : vector<16xi32>
          %jit3A_859 = arith.constant 0 : i32
          %broadcast_in_dim3A_860 = vector.broadcast %jit3A_859 : i32 to vector<16xi32>
          %select_n3A_861 = arith.select %and3A_851, %sub3A_858, %broadcast_in_dim3A_860 : vector<16xi1>, vector<16xi32>
          %gather3A_862 = tpu.vector_load_idx %arg16[%select_n3A_861, %broadcast_in_dim3A_843] masked %and3A_851 : memref<128x128xf32, #tpu.memory_space<vmem>>[vector<16xi32>, vector<16xi32>], vector<16xf32>, vector<16xi1>
          %lt3A_863 = arith.constant 128 : i32
          %lt3A_864 = vector.broadcast %lt3A_863 : i32 to vector<16xi32>
          %lt3A_865 = arith.cmpi slt, %select_n3A_167, %lt3A_864 : vector<16xi32>
          %select_n3A_866 = arith.select %lt3A_865, %gather3A_855, %gather3A_862 : vector<16xi1>, vector<16xf32>
          tpu.vector_store_idx %arg10[%broadcast_in_dim3A_843, %select_n3A_164], %select_n3A_866 masked %lt3A_158 : memref<32x256xf32, #tpu.memory_space<vmem>>[vector<16xi32>, vector<16xi32>], vector<16xf32>, vector<16xi1>
          %broadcast_in_dim3A_867 = arith.constant 28 : i32
          %broadcast_in_dim3A_868 = vector.broadcast %broadcast_in_dim3A_867 : i32 to vector<16xi32>
          %lt3A_869 = arith.constant 128 : i32
          %lt3A_870 = vector.broadcast %lt3A_869 : i32 to vector<16xi32>
          %lt3A_871 = arith.cmpi slt, %select_n3A_167, %lt3A_870 : vector<16xi32>
          %and3A_872 = arith.andi %lt3A_158, %lt3A_871 : vector<16xi1>
          %ge3A_873 = arith.constant 128 : i32
          %ge3A_874 = vector.broadcast %ge3A_873 : i32 to vector<16xi32>
          %ge3A_875 = arith.cmpi sge, %select_n3A_167, %ge3A_874 : vector<16xi32>
          %and3A_876 = arith.andi %lt3A_158, %ge3A_875 : vector<16xi1>
          %jit3A_877 = arith.constant 0 : i32
          %broadcast_in_dim3A_878 = vector.broadcast %jit3A_877 : i32 to vector<16xi32>
          %select_n3A_879 = arith.select %and3A_872, %select_n3A_167, %broadcast_in_dim3A_878 : vector<16xi1>, vector<16xi32>
          %gather3A_880 = tpu.vector_load_idx %arg15[%select_n3A_879, %broadcast_in_dim3A_868] masked %and3A_872 : memref<128x128xf32, #tpu.memory_space<vmem>>[vector<16xi32>, vector<16xi32>], vector<16xf32>, vector<16xi1>
          %sub3A_881 = arith.constant 128 : i32
          %sub3A_882 = vector.broadcast %sub3A_881 : i32 to vector<16xi32>
          %sub3A_883 = arith.subi %select_n3A_167, %sub3A_882 : vector<16xi32>
          %jit3A_884 = arith.constant 0 : i32
          %broadcast_in_dim3A_885 = vector.broadcast %jit3A_884 : i32 to vector<16xi32>
          %select_n3A_886 = arith.select %and3A_876, %sub3A_883, %broadcast_in_dim3A_885 : vector<16xi1>, vector<16xi32>
          %gather3A_887 = tpu.vector_load_idx %arg16[%select_n3A_886, %broadcast_in_dim3A_868] masked %and3A_876 : memref<128x128xf32, #tpu.memory_space<vmem>>[vector<16xi32>, vector<16xi32>], vector<16xf32>, vector<16xi1>
          %lt3A_888 = arith.constant 128 : i32
          %lt3A_889 = vector.broadcast %lt3A_888 : i32 to vector<16xi32>
          %lt3A_890 = arith.cmpi slt, %select_n3A_167, %lt3A_889 : vector<16xi32>
          %select_n3A_891 = arith.select %lt3A_890, %gather3A_880, %gather3A_887 : vector<16xi1>, vector<16xf32>
          tpu.vector_store_idx %arg10[%broadcast_in_dim3A_868, %select_n3A_164], %select_n3A_891 masked %lt3A_158 : memref<32x256xf32, #tpu.memory_space<vmem>>[vector<16xi32>, vector<16xi32>], vector<16xf32>, vector<16xi1>
          %broadcast_in_dim3A_892 = arith.constant 29 : i32
          %broadcast_in_dim3A_893 = vector.broadcast %broadcast_in_dim3A_892 : i32 to vector<16xi32>
          %lt3A_894 = arith.constant 128 : i32
          %lt3A_895 = vector.broadcast %lt3A_894 : i32 to vector<16xi32>
          %lt3A_896 = arith.cmpi slt, %select_n3A_167, %lt3A_895 : vector<16xi32>
          %and3A_897 = arith.andi %lt3A_158, %lt3A_896 : vector<16xi1>
          %ge3A_898 = arith.constant 128 : i32
          %ge3A_899 = vector.broadcast %ge3A_898 : i32 to vector<16xi32>
          %ge3A_900 = arith.cmpi sge, %select_n3A_167, %ge3A_899 : vector<16xi32>
          %and3A_901 = arith.andi %lt3A_158, %ge3A_900 : vector<16xi1>
          %jit3A_902 = arith.constant 0 : i32
          %broadcast_in_dim3A_903 = vector.broadcast %jit3A_902 : i32 to vector<16xi32>
          %select_n3A_904 = arith.select %and3A_897, %select_n3A_167, %broadcast_in_dim3A_903 : vector<16xi1>, vector<16xi32>
          %gather3A_905 = tpu.vector_load_idx %arg15[%select_n3A_904, %broadcast_in_dim3A_893] masked %and3A_897 : memref<128x128xf32, #tpu.memory_space<vmem>>[vector<16xi32>, vector<16xi32>], vector<16xf32>, vector<16xi1>
          %sub3A_906 = arith.constant 128 : i32
          %sub3A_907 = vector.broadcast %sub3A_906 : i32 to vector<16xi32>
          %sub3A_908 = arith.subi %select_n3A_167, %sub3A_907 : vector<16xi32>
          %jit3A_909 = arith.constant 0 : i32
          %broadcast_in_dim3A_910 = vector.broadcast %jit3A_909 : i32 to vector<16xi32>
          %select_n3A_911 = arith.select %and3A_901, %sub3A_908, %broadcast_in_dim3A_910 : vector<16xi1>, vector<16xi32>
          %gather3A_912 = tpu.vector_load_idx %arg16[%select_n3A_911, %broadcast_in_dim3A_893] masked %and3A_901 : memref<128x128xf32, #tpu.memory_space<vmem>>[vector<16xi32>, vector<16xi32>], vector<16xf32>, vector<16xi1>
          %lt3A_913 = arith.constant 128 : i32
          %lt3A_914 = vector.broadcast %lt3A_913 : i32 to vector<16xi32>
          %lt3A_915 = arith.cmpi slt, %select_n3A_167, %lt3A_914 : vector<16xi32>
          %select_n3A_916 = arith.select %lt3A_915, %gather3A_905, %gather3A_912 : vector<16xi1>, vector<16xf32>
          tpu.vector_store_idx %arg10[%broadcast_in_dim3A_893, %select_n3A_164], %select_n3A_916 masked %lt3A_158 : memref<32x256xf32, #tpu.memory_space<vmem>>[vector<16xi32>, vector<16xi32>], vector<16xf32>, vector<16xi1>
          %broadcast_in_dim3A_917 = arith.constant 30 : i32
          %broadcast_in_dim3A_918 = vector.broadcast %broadcast_in_dim3A_917 : i32 to vector<16xi32>
          %lt3A_919 = arith.constant 128 : i32
          %lt3A_920 = vector.broadcast %lt3A_919 : i32 to vector<16xi32>
          %lt3A_921 = arith.cmpi slt, %select_n3A_167, %lt3A_920 : vector<16xi32>
          %and3A_922 = arith.andi %lt3A_158, %lt3A_921 : vector<16xi1>
          %ge3A_923 = arith.constant 128 : i32
          %ge3A_924 = vector.broadcast %ge3A_923 : i32 to vector<16xi32>
          %ge3A_925 = arith.cmpi sge, %select_n3A_167, %ge3A_924 : vector<16xi32>
          %and3A_926 = arith.andi %lt3A_158, %ge3A_925 : vector<16xi1>
          %jit3A_927 = arith.constant 0 : i32
          %broadcast_in_dim3A_928 = vector.broadcast %jit3A_927 : i32 to vector<16xi32>
          %select_n3A_929 = arith.select %and3A_922, %select_n3A_167, %broadcast_in_dim3A_928 : vector<16xi1>, vector<16xi32>
          %gather3A_930 = tpu.vector_load_idx %arg15[%select_n3A_929, %broadcast_in_dim3A_918] masked %and3A_922 : memref<128x128xf32, #tpu.memory_space<vmem>>[vector<16xi32>, vector<16xi32>], vector<16xf32>, vector<16xi1>
          %sub3A_931 = arith.constant 128 : i32
          %sub3A_932 = vector.broadcast %sub3A_931 : i32 to vector<16xi32>
          %sub3A_933 = arith.subi %select_n3A_167, %sub3A_932 : vector<16xi32>
          %jit3A_934 = arith.constant 0 : i32
          %broadcast_in_dim3A_935 = vector.broadcast %jit3A_934 : i32 to vector<16xi32>
          %select_n3A_936 = arith.select %and3A_926, %sub3A_933, %broadcast_in_dim3A_935 : vector<16xi1>, vector<16xi32>
          %gather3A_937 = tpu.vector_load_idx %arg16[%select_n3A_936, %broadcast_in_dim3A_918] masked %and3A_926 : memref<128x128xf32, #tpu.memory_space<vmem>>[vector<16xi32>, vector<16xi32>], vector<16xf32>, vector<16xi1>
          %lt3A_938 = arith.constant 128 : i32
          %lt3A_939 = vector.broadcast %lt3A_938 : i32 to vector<16xi32>
          %lt3A_940 = arith.cmpi slt, %select_n3A_167, %lt3A_939 : vector<16xi32>
          %select_n3A_941 = arith.select %lt3A_940, %gather3A_930, %gather3A_937 : vector<16xi1>, vector<16xf32>
          tpu.vector_store_idx %arg10[%broadcast_in_dim3A_918, %select_n3A_164], %select_n3A_941 masked %lt3A_158 : memref<32x256xf32, #tpu.memory_space<vmem>>[vector<16xi32>, vector<16xi32>], vector<16xf32>, vector<16xi1>
          %broadcast_in_dim3A_942 = arith.constant 31 : i32
          %broadcast_in_dim3A_943 = vector.broadcast %broadcast_in_dim3A_942 : i32 to vector<16xi32>
          %lt3A_944 = arith.constant 128 : i32
          %lt3A_945 = vector.broadcast %lt3A_944 : i32 to vector<16xi32>
          %lt3A_946 = arith.cmpi slt, %select_n3A_167, %lt3A_945 : vector<16xi32>
          %and3A_947 = arith.andi %lt3A_158, %lt3A_946 : vector<16xi1>
          %ge3A_948 = arith.constant 128 : i32
          %ge3A_949 = vector.broadcast %ge3A_948 : i32 to vector<16xi32>
          %ge3A_950 = arith.cmpi sge, %select_n3A_167, %ge3A_949 : vector<16xi32>
          %and3A_951 = arith.andi %lt3A_158, %ge3A_950 : vector<16xi1>
          %jit3A_952 = arith.constant 0 : i32
          %broadcast_in_dim3A_953 = vector.broadcast %jit3A_952 : i32 to vector<16xi32>
          %select_n3A_954 = arith.select %and3A_947, %select_n3A_167, %broadcast_in_dim3A_953 : vector<16xi1>, vector<16xi32>
          %gather3A_955 = tpu.vector_load_idx %arg15[%select_n3A_954, %broadcast_in_dim3A_943] masked %and3A_947 : memref<128x128xf32, #tpu.memory_space<vmem>>[vector<16xi32>, vector<16xi32>], vector<16xf32>, vector<16xi1>
          %sub3A_956 = arith.constant 128 : i32
          %sub3A_957 = vector.broadcast %sub3A_956 : i32 to vector<16xi32>
          %sub3A_958 = arith.subi %select_n3A_167, %sub3A_957 : vector<16xi32>
          %jit3A_959 = arith.constant 0 : i32
          %broadcast_in_dim3A_960 = vector.broadcast %jit3A_959 : i32 to vector<16xi32>
          %select_n3A_961 = arith.select %and3A_951, %sub3A_958, %broadcast_in_dim3A_960 : vector<16xi1>, vector<16xi32>
          %gather3A_962 = tpu.vector_load_idx %arg16[%select_n3A_961, %broadcast_in_dim3A_943] masked %and3A_951 : memref<128x128xf32, #tpu.memory_space<vmem>>[vector<16xi32>, vector<16xi32>], vector<16xf32>, vector<16xi1>
          %lt3A_963 = arith.constant 128 : i32
          %lt3A_964 = vector.broadcast %lt3A_963 : i32 to vector<16xi32>
          %lt3A_965 = arith.cmpi slt, %select_n3A_167, %lt3A_964 : vector<16xi32>
          %select_n3A_966 = arith.select %lt3A_965, %gather3A_955, %gather3A_962 : vector<16xi1>, vector<16xf32>
          tpu.vector_store_idx %arg10[%broadcast_in_dim3A_943, %select_n3A_164], %select_n3A_966 masked %lt3A_158 : memref<32x256xf32, #tpu.memory_space<vmem>>[vector<16xi32>, vector<16xi32>], vector<16xf32>, vector<16xi1>
          %while3A_967 = arith.constant 0 : i32
          scf.yield %while3A_967 : i32
        }
      } else {
      }
      %add3A_66 = arith.addi %mul3A_2, %mul3A_53 : i32
      "tpu.region"() ({
        %run_scoped3A = tpu.sem_alloc : memref<!tpu.dma_semaphore, #tpu.memory_space<semaphore_mem>>
        %dma_start3A = arith.constant 0 : i32
        %dma_start3A_68 = tpu.memref_slice %arg6[%dma_start3A, %add3A_66] : memref<32x1000000xf32, #tpu.memory_space<hbm>> -> memref<32x256xf32, #tpu.memory_space<hbm>>
        %dma_start3A_69 = arith.constant 0 : i32
        %dma_start3A_70 = tpu.memref_slice %arg6[%dma_start3A_69, %add3A_66] : memref<32x1000000xf32, #tpu.memory_space<hbm>> -> memref<32x256xf32, #tpu.memory_space<hbm>>
        tpu.enqueue_dma source(%arg10 : memref<32x256xf32, #tpu.memory_space<vmem>>) target(%dma_start3A_70 : memref<32x256xf32, #tpu.memory_space<hbm>>) target_semaphore(%run_scoped3A : memref<!tpu.dma_semaphore, #tpu.memory_space<semaphore_mem>>)
        %dma_wait3A = arith.constant 0 : i32
        %dma_wait3A_71 = tpu.memref_slice %arg6[%dma_wait3A, %add3A_66] : memref<32x1000000xf32, #tpu.memory_space<hbm>> -> memref<32x256xf32, #tpu.memory_space<hbm>>
        %dma_wait3A_72 = arith.constant 0 : i32
        %dma_wait3A_73 = tpu.memref_slice %arg6[%dma_wait3A_72, %add3A_66] : memref<32x1000000xf32, #tpu.memory_space<hbm>> -> memref<32x256xf32, #tpu.memory_space<hbm>>
        tpu.wait_dma2 semaphore(%run_scoped3A : memref<!tpu.dma_semaphore, #tpu.memory_space<semaphore_mem>>) src(%arg10 : memref<32x256xf32, #tpu.memory_space<vmem>>) dst(%dma_wait3A_73 : memref<32x256xf32, #tpu.memory_space<hbm>>)
        tpu.yield
      }) : () -> ()
      %while3A_67 = arith.constant 0 : i32
      scf.yield %while3A_67 : i32
    }
    %eq3A_47 = arith.constant 31 : i32
    %eq3A_48 = arith.cmpi eq, %add3A, %eq3A_47 : i32
    %convert_element_type3A = arith.extui %eq3A_48 : i1 to i32
    %cond3A = arith.constant 0 : i32
    %cond3A_49 = arith.cmpi ne, %convert_element_type3A, %cond3A : i32
    scf.if %cond3A_49 {
      "tpu.region"() ({
        %run_scoped3A = tpu.sem_alloc : memref<!tpu.dma_semaphore, #tpu.memory_space<semaphore_mem>>
        tpu.enqueue_dma source(%arg4 : memref<64x128xf32, #tpu.memory_space<hbm>>) target(%arg11 : memref<64x128xf32, #tpu.memory_space<vmem>>) target_semaphore(%run_scoped3A : memref<!tpu.dma_semaphore, #tpu.memory_space<semaphore_mem>>)
        tpu.wait_dma2 semaphore(%run_scoped3A : memref<!tpu.dma_semaphore, #tpu.memory_space<semaphore_mem>>) src(%arg4 : memref<64x128xf32, #tpu.memory_space<hbm>>) dst(%arg11 : memref<64x128xf32, #tpu.memory_space<vmem>>)
        tpu.yield
      }) : () -> ()
      %mul3A_50 = arith.constant 256 : i32
      %mul3A_51 = arith.muli %select_n3A_35, %mul3A_50 : i32
      %scan3A_52 = arith.constant 0 : i32
      %scan3A_53 = arith.constant 0 : i32
      %scan3A_54 = arith.constant 4 : i32
      %scan3A_55 = arith.addi %scan3A_53, %scan3A_54 : i32
      %scan3A_56 = arith.constant 1 : i32
      %scan3A_57 = scf.for %scan3A_63 = %scan3A_53 to %scan3A_55 step %scan3A_56 iter_args(%scan3A_64 = %scan3A_52) -> (i32)  : i32 {
        %mul3A_65 = arith.constant 16 : i32
        %mul3A_66 = arith.muli %scan3A_63, %mul3A_65 : i32
        %add3A_67 = arith.addi %mul3A_51, %mul3A_66 : i32
        %get3A = arith.index_cast %add3A_67 : i32 to index
        %get3A_68 = tpu.vector_load %arg9[%get3A] {strides = array<i32>} : memref<31808xi32, #tpu.memory_space<vmem>>, vector<16xi32>,
        %ge3A = arith.constant 0 : i32
        %ge3A_69 = vector.broadcast %ge3A : i32 to vector<16xi32>
        %ge3A_70 = arith.cmpi sge, %get3A_68, %ge3A_69 : vector<16xi32>
        %convert_element_type3A_71 = arith.extui %ge3A_70 : vector<16xi1> to vector<16xi32>
        %broadcast_in_dim3A = arith.constant true
        %broadcast_in_dim3A_72 = vector.broadcast %broadcast_in_dim3A : i1 to vector<16xi1>
        %masked_cumsum3A = tpu.scan <sum>, %convert_element_type3A_71 masked %broadcast_in_dim3A_72 : vector<16xi32>, vector<16xi1> -> vector<16xi32>
        %add3A_73 = vector.broadcast %scan3A_64 : i32 to vector<16xi32>
        %add3A_74 = arith.addi %add3A_73, %masked_cumsum3A : vector<16xi32>
        %sub3A_75 = arith.constant 1 : i32
        %sub3A_76 = vector.broadcast %sub3A_75 : i32 to vector<16xi32>
        %sub3A_77 = arith.subi %add3A_74, %sub3A_76 : vector<16xi32>
        %lt3A = arith.constant 128 : i32
        %lt3A_78 = vector.broadcast %lt3A : i32 to vector<16xi32>
        %lt3A_79 = arith.cmpi slt, %sub3A_77, %lt3A_78 : vector<16xi32>
        %and3A_80 = arith.andi %ge3A_70, %lt3A_79 : vector<16xi1>
        %jit3A_81 = arith.constant 0 : i32
        %broadcast_in_dim3A_82 = vector.broadcast %jit3A_81 : i32 to vector<16xi32>
        %select_n3A_83 = arith.select %and3A_80, %sub3A_77, %broadcast_in_dim3A_82 : vector<16xi1>, vector<16xi32>
        tpu.vector_store_idx %arg12[%select_n3A_83], %get3A_68 masked %and3A_80 : memref<128xi32, #tpu.memory_space<vmem>>[vector<16xi32>], vector<16xi32>, vector<16xi1>
        %jit3A_84 = arith.constant 0 : i32
        %broadcast_in_dim3A_85 = vector.broadcast %jit3A_84 : i32 to vector<16xi32>
        %select_n3A_86 = arith.select %ge3A_70, %sub3A_77, %broadcast_in_dim3A_85 : vector<16xi1>, vector<16xi32>
        %mul3A_87 = arith.constant 16 : i32
        %mul3A_88 = arith.muli %scan3A_63, %mul3A_87 : i32
        %add3A_89 = vector.broadcast %mul3A_88 : i32 to vector<16xi32>
        %add3A_90 = arith.addi %add3A_89, %iota3A : vector<16xi32>
        tpu.vector_store_idx %arg14[%select_n3A_86], %add3A_90 masked %ge3A_70 : memref<256xi32, #tpu.memory_space<vmem>>[vector<16xi32>], vector<16xi32>, vector<16xi1>
        %convert_element_type3A_91 = arith.extui %ge3A_70 : vector<16xi1> to vector<16xi32>
        %reduce_sum3A = arith.constant true
        %reduce_sum3A_92 = vector.broadcast %reduce_sum3A : i1 to vector<16xi1>
        %reduce_sum3A_93 = tpu.scan <sum>, %convert_element_type3A_91 masked %reduce_sum3A_92 : vector<16xi32>, vector<16xi1> -> vector<16xi32>
        %reduce_sum3A_94 = vector.extract %reduce_sum3A_93[15] : i32 from vector<16xi32>
        %add3A_95 = arith.addi %scan3A_64, %reduce_sum3A_94 : i32
        scf.yield %add3A_95 : i32
      }
      %scan3A_58 = arith.constant 4 : i32
      %gt3A = arith.constant 0 : i32
      %gt3A_59 = arith.cmpi sgt, %scan3A_57, %gt3A : i32
      %convert_element_type3A_60 = arith.extui %gt3A_59 : i1 to i32
      %cond3A_61 = arith.constant 0 : i32
      %cond3A_62 = arith.cmpi ne, %convert_element_type3A_60, %cond3A_61 : i32
      scf.if %cond3A_62 {
        %broadcast_in_dim3A = arith.constant 0 : i32
        %broadcast_in_dim3A_63 = vector.broadcast %broadcast_in_dim3A : i32 to vector<16xi32>
        %gather3A = tpu.vector_load_idx %arg12[%broadcast_in_dim3A_63] : memref<128xi32, #tpu.memory_space<vmem>>[vector<16xi32>], vector<16xi32>,
        %jit3A_64 = arith.constant 16 : i32
        %div3A_65 = arith.divsi %scan3A_57, %jit3A_64 : i32
        %sign3A_66 = arith.constant 0 : i32
        %sign3A_67 = arith.cmpi sgt, %scan3A_57, %sign3A_66 : i32
        %sign3A_68 = arith.extui %sign3A_67 : i1 to i32
        %sign3A_69 = arith.constant 0 : i32
        %sign3A_70 = arith.cmpi slt, %scan3A_57, %sign3A_69 : i32
        %sign3A_71 = arith.extui %sign3A_70 : i1 to i32
        %sign3A_72 = arith.subi %sign3A_68, %sign3A_71 : i32
        %sign3A_73 = arith.constant 0 : i32
        %sign3A_74 = arith.cmpi sgt, %jit3A_64, %sign3A_73 : i32
        %sign3A_75 = arith.extui %sign3A_74 : i1 to i32
        %sign3A_76 = arith.constant 0 : i32
        %sign3A_77 = arith.cmpi slt, %jit3A_64, %sign3A_76 : i32
        %sign3A_78 = arith.extui %sign3A_77 : i1 to i32
        %sign3A_79 = arith.subi %sign3A_75, %sign3A_78 : i32
        %ne3A_80 = arith.cmpi ne, %sign3A_72, %sign3A_79 : i32
        %rem3A_81 = arith.remsi %scan3A_57, %jit3A_64 : i32
        %ne3A_82 = arith.constant 0 : i32
        %ne3A_83 = arith.cmpi ne, %rem3A_81, %ne3A_82 : i32
        %and3A_84 = arith.andi %ne3A_80, %ne3A_83 : i1
        %sub3A_85 = arith.constant 1 : i32
        %sub3A_86 = arith.subi %div3A_65, %sub3A_85 : i32
        %select_n3A_87 = arith.select %and3A_84, %sub3A_86, %div3A_65 : i32
        %while3A_88 = arith.constant 8 : i32
        %while3A_89 = arith.constant 0 : i32
        %while3A_90 = arith.subi %while3A_88, %select_n3A_87 : i32
        %while3A_91 = arith.addi %select_n3A_87, %while3A_90 : i32
        %while3A_92 = arith.constant 1 : i32
        %while3A_93 = arith.divsi %while3A_90, %while3A_92 : i32
        %while3A_94 = arith.muli %while3A_93, %while3A_92 : i32
        %while3A_95 = arith.addi %select_n3A_87, %while3A_94 : i32
        %while3A_96 = arith.constant 1 : i32
        %while3A_97 = scf.for %while3A_142 = %select_n3A_87 to %while3A_95 step %while3A_96 iter_args(%while3A_143 = %while3A_89) -> (i32)  : i32 {
          %mul3A_144 = arith.constant 16 : i32
          %mul3A_145 = arith.muli %while3A_142, %mul3A_144 : i32
          %add3A_146 = vector.broadcast %mul3A_145 : i32 to vector<16xi32>
          %add3A_147 = arith.addi %add3A_146, %iota3A : vector<16xi32>
          %ge3A = vector.broadcast %scan3A_57 : i32 to vector<16xi32>
          %ge3A_148 = arith.cmpi sge, %add3A_147, %ge3A : vector<16xi32>
          tpu.vector_store_idx %arg12[%add3A_147], %gather3A masked %ge3A_148 : memref<128xi32, #tpu.memory_space<vmem>>[vector<16xi32>], vector<16xi32>, vector<16xi1>
          %while3A_149 = arith.constant 0 : i32
          scf.yield %while3A_149 : i32
        }
        %while3A_98 = arith.constant 1 : i32
        %while3A_99 = scf.for %while3A_142 = %while3A_95 to %while3A_91 step %while3A_98 iter_args(%while3A_143 = %while3A_97) -> (i32)  : i32 {
          %mul3A_144 = arith.constant 16 : i32
          %mul3A_145 = arith.muli %while3A_142, %mul3A_144 : i32
          %add3A_146 = vector.broadcast %mul3A_145 : i32 to vector<16xi32>
          %add3A_147 = arith.addi %add3A_146, %iota3A : vector<16xi32>
          %ge3A = vector.broadcast %scan3A_57 : i32 to vector<16xi32>
          %ge3A_148 = arith.cmpi sge, %add3A_147, %ge3A : vector<16xi32>
          tpu.vector_store_idx %arg12[%add3A_147], %gather3A masked %ge3A_148 : memref<128xi32, #tpu.memory_space<vmem>>[vector<16xi32>], vector<16xi32>, vector<16xi1>
          %while3A_149 = arith.constant 0 : i32
          scf.yield %while3A_149 : i32
        }
        %dma_start3A = arith.constant 0 : i32
        %dma_start3A_100 = arith.constant 0 : i32
        %dma_start3A_101 = tpu.memref_slice %arg3[%dma_start3A, %dma_start3A_100] : memref<16384x128xf32, #tpu.memory_space<hbm>> -> memref<16384x128xf32, #tpu.memory_space<hbm>>
        tpu.enqueue_indirect_dma source(%dma_start3A_101 : memref<16384x128xf32, #tpu.memory_space<hbm>>) target(%arg15 : memref<128x128xf32, #tpu.memory_space<vmem>>) offsets(%arg12 : memref<128xi32, #tpu.memory_space<vmem>>) semaphore(%arg17 : memref<!tpu.dma_semaphore, #tpu.memory_space<semaphore_mem>>)
        %dma_wait3A = arith.constant 0 : i32
        %dma_wait3A_102 = arith.constant 0 : i32
        %dma_wait3A_103 = tpu.memref_slice %arg3[%dma_wait3A, %dma_wait3A_102] : memref<16384x128xf32, #tpu.memory_space<hbm>> -> memref<16384x128xf32, #tpu.memory_space<hbm>>
        tpu.wait_indirect_dma semaphore(%arg17 : memref<!tpu.dma_semaphore, #tpu.memory_space<semaphore_mem>>) src(%dma_wait3A_103 : memref<16384x128xf32, #tpu.memory_space<hbm>>) dst(%arg15 : memref<128x128xf32, #tpu.memory_space<vmem>>)
        %add3A_104 = arith.constant 15 : i32
        %add3A_105 = arith.addi %scan3A_57, %add3A_104 : i32
        %jit3A_106 = arith.constant 16 : i32
        %div3A_107 = arith.divsi %add3A_105, %jit3A_106 : i32
        %sign3A_108 = arith.constant 0 : i32
        %sign3A_109 = arith.cmpi sgt, %add3A_105, %sign3A_108 : i32
        %sign3A_110 = arith.extui %sign3A_109 : i1 to i32
        %sign3A_111 = arith.constant 0 : i32
        %sign3A_112 = arith.cmpi slt, %add3A_105, %sign3A_111 : i32
        %sign3A_113 = arith.extui %sign3A_112 : i1 to i32
        %sign3A_114 = arith.subi %sign3A_110, %sign3A_113 : i32
        %sign3A_115 = arith.constant 0 : i32
        %sign3A_116 = arith.cmpi sgt, %jit3A_106, %sign3A_115 : i32
        %sign3A_117 = arith.extui %sign3A_116 : i1 to i32
        %sign3A_118 = arith.constant 0 : i32
        %sign3A_119 = arith.cmpi slt, %jit3A_106, %sign3A_118 : i32
        %sign3A_120 = arith.extui %sign3A_119 : i1 to i32
        %sign3A_121 = arith.subi %sign3A_117, %sign3A_120 : i32
        %ne3A_122 = arith.cmpi ne, %sign3A_114, %sign3A_121 : i32
        %rem3A_123 = arith.remsi %add3A_105, %jit3A_106 : i32
        %ne3A_124 = arith.constant 0 : i32
        %ne3A_125 = arith.cmpi ne, %rem3A_123, %ne3A_124 : i32
        %and3A_126 = arith.andi %ne3A_122, %ne3A_125 : i1
        %sub3A_127 = arith.constant 1 : i32
        %sub3A_128 = arith.subi %div3A_107, %sub3A_127 : i32
        %select_n3A_129 = arith.select %and3A_126, %sub3A_128, %div3A_107 : i32
        %while3A_130 = arith.constant 0 : i32
        %while3A_131 = arith.constant 0 : i32
        %while3A_132 = arith.subi %select_n3A_129, %while3A_130 : i32
        %while3A_133 = arith.addi %while3A_130, %while3A_132 : i32
        %while3A_134 = arith.constant 1 : i32
        %while3A_135 = arith.divsi %while3A_132, %while3A_134 : i32
        %while3A_136 = arith.muli %while3A_135, %while3A_134 : i32
        %while3A_137 = arith.addi %while3A_130, %while3A_136 : i32
        %while3A_138 = arith.constant 1 : i32
        %while3A_139 = scf.for %while3A_142 = %while3A_130 to %while3A_137 step %while3A_138 iter_args(%while3A_143 = %while3A_131) -> (i32)  : i32 {
          %mul3A_144 = arith.constant 16 : i32
          %mul3A_145 = arith.muli %while3A_142, %mul3A_144 : i32
          %add3A_146 = vector.broadcast %mul3A_145 : i32 to vector<16xi32>
          %add3A_147 = arith.addi %add3A_146, %iota3A : vector<16xi32>
          %lt3A = vector.broadcast %scan3A_57 : i32 to vector<16xi32>
          %lt3A_148 = arith.cmpi slt, %add3A_147, %lt3A : vector<16xi32>
          %mul3A_149 = arith.constant 16 : i32
          %mul3A_150 = arith.muli %while3A_142, %mul3A_149 : i32
          %get3A = arith.index_cast %mul3A_150 : i32 to index
          %get3A_151 = tpu.vector_load %arg14[%get3A] {strides = array<i32>} : memref<256xi32, #tpu.memory_space<vmem>>, vector<16xi32>,
          %jit3A_152 = arith.constant 0 : i32
          %broadcast_in_dim3A_153 = vector.broadcast %jit3A_152 : i32 to vector<16xi32>
          %select_n3A_154 = arith.select %lt3A_148, %get3A_151, %broadcast_in_dim3A_153 : vector<16xi1>, vector<16xi32>
          %jit3A_155 = arith.constant 0 : i32
          %broadcast_in_dim3A_156 = vector.broadcast %jit3A_155 : i32 to vector<16xi32>
          %select_n3A_157 = arith.select %lt3A_148, %add3A_147, %broadcast_in_dim3A_156 : vector<16xi1>, vector<16xi32>
          %broadcast_in_dim3A_158 = arith.constant 0 : i32
          %broadcast_in_dim3A_159 = vector.broadcast %broadcast_in_dim3A_158 : i32 to vector<16xi32>
          %gather3A_160 = tpu.vector_load_idx %arg15[%select_n3A_157, %broadcast_in_dim3A_159] masked %lt3A_148 : memref<128x128xf32, #tpu.memory_space<vmem>>[vector<16xi32>, vector<16xi32>], vector<16xf32>, vector<16xi1>
          tpu.vector_store_idx %arg11[%select_n3A_154, %broadcast_in_dim3A_159], %gather3A_160 masked %lt3A_148 : memref<64x128xf32, #tpu.memory_space<vmem>>[vector<16xi32>, vector<16xi32>], vector<16xf32>, vector<16xi1>
          %broadcast_in_dim3A_161 = arith.constant 1 : i32
          %broadcast_in_dim3A_162 = vector.broadcast %broadcast_in_dim3A_161 : i32 to vector<16xi32>
          %gather3A_163 = tpu.vector_load_idx %arg15[%select_n3A_157, %broadcast_in_dim3A_162] masked %lt3A_148 : memref<128x128xf32, #tpu.memory_space<vmem>>[vector<16xi32>, vector<16xi32>], vector<16xf32>, vector<16xi1>
          tpu.vector_store_idx %arg11[%select_n3A_154, %broadcast_in_dim3A_162], %gather3A_163 masked %lt3A_148 : memref<64x128xf32, #tpu.memory_space<vmem>>[vector<16xi32>, vector<16xi32>], vector<16xf32>, vector<16xi1>
          %broadcast_in_dim3A_164 = arith.constant 2 : i32
          %broadcast_in_dim3A_165 = vector.broadcast %broadcast_in_dim3A_164 : i32 to vector<16xi32>
          %gather3A_166 = tpu.vector_load_idx %arg15[%select_n3A_157, %broadcast_in_dim3A_165] masked %lt3A_148 : memref<128x128xf32, #tpu.memory_space<vmem>>[vector<16xi32>, vector<16xi32>], vector<16xf32>, vector<16xi1>
          tpu.vector_store_idx %arg11[%select_n3A_154, %broadcast_in_dim3A_165], %gather3A_166 masked %lt3A_148 : memref<64x128xf32, #tpu.memory_space<vmem>>[vector<16xi32>, vector<16xi32>], vector<16xf32>, vector<16xi1>
          %broadcast_in_dim3A_167 = arith.constant 3 : i32
          %broadcast_in_dim3A_168 = vector.broadcast %broadcast_in_dim3A_167 : i32 to vector<16xi32>
          %gather3A_169 = tpu.vector_load_idx %arg15[%select_n3A_157, %broadcast_in_dim3A_168] masked %lt3A_148 : memref<128x128xf32, #tpu.memory_space<vmem>>[vector<16xi32>, vector<16xi32>], vector<16xf32>, vector<16xi1>
          tpu.vector_store_idx %arg11[%select_n3A_154, %broadcast_in_dim3A_168], %gather3A_169 masked %lt3A_148 : memref<64x128xf32, #tpu.memory_space<vmem>>[vector<16xi32>, vector<16xi32>], vector<16xf32>, vector<16xi1>
          %broadcast_in_dim3A_170 = arith.constant 4 : i32
          %broadcast_in_dim3A_171 = vector.broadcast %broadcast_in_dim3A_170 : i32 to vector<16xi32>
          %gather3A_172 = tpu.vector_load_idx %arg15[%select_n3A_157, %broadcast_in_dim3A_171] masked %lt3A_148 : memref<128x128xf32, #tpu.memory_space<vmem>>[vector<16xi32>, vector<16xi32>], vector<16xf32>, vector<16xi1>
          tpu.vector_store_idx %arg11[%select_n3A_154, %broadcast_in_dim3A_171], %gather3A_172 masked %lt3A_148 : memref<64x128xf32, #tpu.memory_space<vmem>>[vector<16xi32>, vector<16xi32>], vector<16xf32>, vector<16xi1>
          %broadcast_in_dim3A_173 = arith.constant 5 : i32
          %broadcast_in_dim3A_174 = vector.broadcast %broadcast_in_dim3A_173 : i32 to vector<16xi32>
          %gather3A_175 = tpu.vector_load_idx %arg15[%select_n3A_157, %broadcast_in_dim3A_174] masked %lt3A_148 : memref<128x128xf32, #tpu.memory_space<vmem>>[vector<16xi32>, vector<16xi32>], vector<16xf32>, vector<16xi1>
          tpu.vector_store_idx %arg11[%select_n3A_154, %broadcast_in_dim3A_174], %gather3A_175 masked %lt3A_148 : memref<64x128xf32, #tpu.memory_space<vmem>>[vector<16xi32>, vector<16xi32>], vector<16xf32>, vector<16xi1>
          %broadcast_in_dim3A_176 = arith.constant 6 : i32
          %broadcast_in_dim3A_177 = vector.broadcast %broadcast_in_dim3A_176 : i32 to vector<16xi32>
          %gather3A_178 = tpu.vector_load_idx %arg15[%select_n3A_157, %broadcast_in_dim3A_177] masked %lt3A_148 : memref<128x128xf32, #tpu.memory_space<vmem>>[vector<16xi32>, vector<16xi32>], vector<16xf32>, vector<16xi1>
          tpu.vector_store_idx %arg11[%select_n3A_154, %broadcast_in_dim3A_177], %gather3A_178 masked %lt3A_148 : memref<64x128xf32, #tpu.memory_space<vmem>>[vector<16xi32>, vector<16xi32>], vector<16xf32>, vector<16xi1>
          %broadcast_in_dim3A_179 = arith.constant 7 : i32
          %broadcast_in_dim3A_180 = vector.broadcast %broadcast_in_dim3A_179 : i32 to vector<16xi32>
          %gather3A_181 = tpu.vector_load_idx %arg15[%select_n3A_157, %broadcast_in_dim3A_180] masked %lt3A_148 : memref<128x128xf32, #tpu.memory_space<vmem>>[vector<16xi32>, vector<16xi32>], vector<16xf32>, vector<16xi1>
          tpu.vector_store_idx %arg11[%select_n3A_154, %broadcast_in_dim3A_180], %gather3A_181 masked %lt3A_148 : memref<64x128xf32, #tpu.memory_space<vmem>>[vector<16xi32>, vector<16xi32>], vector<16xf32>, vector<16xi1>
          %broadcast_in_dim3A_182 = arith.constant 8 : i32
          %broadcast_in_dim3A_183 = vector.broadcast %broadcast_in_dim3A_182 : i32 to vector<16xi32>
          %gather3A_184 = tpu.vector_load_idx %arg15[%select_n3A_157, %broadcast_in_dim3A_183] masked %lt3A_148 : memref<128x128xf32, #tpu.memory_space<vmem>>[vector<16xi32>, vector<16xi32>], vector<16xf32>, vector<16xi1>
          tpu.vector_store_idx %arg11[%select_n3A_154, %broadcast_in_dim3A_183], %gather3A_184 masked %lt3A_148 : memref<64x128xf32, #tpu.memory_space<vmem>>[vector<16xi32>, vector<16xi32>], vector<16xf32>, vector<16xi1>
          %broadcast_in_dim3A_185 = arith.constant 9 : i32
          %broadcast_in_dim3A_186 = vector.broadcast %broadcast_in_dim3A_185 : i32 to vector<16xi32>
          %gather3A_187 = tpu.vector_load_idx %arg15[%select_n3A_157, %broadcast_in_dim3A_186] masked %lt3A_148 : memref<128x128xf32, #tpu.memory_space<vmem>>[vector<16xi32>, vector<16xi32>], vector<16xf32>, vector<16xi1>
          tpu.vector_store_idx %arg11[%select_n3A_154, %broadcast_in_dim3A_186], %gather3A_187 masked %lt3A_148 : memref<64x128xf32, #tpu.memory_space<vmem>>[vector<16xi32>, vector<16xi32>], vector<16xf32>, vector<16xi1>
          %broadcast_in_dim3A_188 = arith.constant 10 : i32
          %broadcast_in_dim3A_189 = vector.broadcast %broadcast_in_dim3A_188 : i32 to vector<16xi32>
          %gather3A_190 = tpu.vector_load_idx %arg15[%select_n3A_157, %broadcast_in_dim3A_189] masked %lt3A_148 : memref<128x128xf32, #tpu.memory_space<vmem>>[vector<16xi32>, vector<16xi32>], vector<16xf32>, vector<16xi1>
          tpu.vector_store_idx %arg11[%select_n3A_154, %broadcast_in_dim3A_189], %gather3A_190 masked %lt3A_148 : memref<64x128xf32, #tpu.memory_space<vmem>>[vector<16xi32>, vector<16xi32>], vector<16xf32>, vector<16xi1>
          %broadcast_in_dim3A_191 = arith.constant 11 : i32
          %broadcast_in_dim3A_192 = vector.broadcast %broadcast_in_dim3A_191 : i32 to vector<16xi32>
          %gather3A_193 = tpu.vector_load_idx %arg15[%select_n3A_157, %broadcast_in_dim3A_192] masked %lt3A_148 : memref<128x128xf32, #tpu.memory_space<vmem>>[vector<16xi32>, vector<16xi32>], vector<16xf32>, vector<16xi1>
          tpu.vector_store_idx %arg11[%select_n3A_154, %broadcast_in_dim3A_192], %gather3A_193 masked %lt3A_148 : memref<64x128xf32, #tpu.memory_space<vmem>>[vector<16xi32>, vector<16xi32>], vector<16xf32>, vector<16xi1>
          %broadcast_in_dim3A_194 = arith.constant 12 : i32
          %broadcast_in_dim3A_195 = vector.broadcast %broadcast_in_dim3A_194 : i32 to vector<16xi32>
          %gather3A_196 = tpu.vector_load_idx %arg15[%select_n3A_157, %broadcast_in_dim3A_195] masked %lt3A_148 : memref<128x128xf32, #tpu.memory_space<vmem>>[vector<16xi32>, vector<16xi32>], vector<16xf32>, vector<16xi1>
          tpu.vector_store_idx %arg11[%select_n3A_154, %broadcast_in_dim3A_195], %gather3A_196 masked %lt3A_148 : memref<64x128xf32, #tpu.memory_space<vmem>>[vector<16xi32>, vector<16xi32>], vector<16xf32>, vector<16xi1>
          %broadcast_in_dim3A_197 = arith.constant 13 : i32
          %broadcast_in_dim3A_198 = vector.broadcast %broadcast_in_dim3A_197 : i32 to vector<16xi32>
          %gather3A_199 = tpu.vector_load_idx %arg15[%select_n3A_157, %broadcast_in_dim3A_198] masked %lt3A_148 : memref<128x128xf32, #tpu.memory_space<vmem>>[vector<16xi32>, vector<16xi32>], vector<16xf32>, vector<16xi1>
          tpu.vector_store_idx %arg11[%select_n3A_154, %broadcast_in_dim3A_198], %gather3A_199 masked %lt3A_148 : memref<64x128xf32, #tpu.memory_space<vmem>>[vector<16xi32>, vector<16xi32>], vector<16xf32>, vector<16xi1>
          %broadcast_in_dim3A_200 = arith.constant 14 : i32
          %broadcast_in_dim3A_201 = vector.broadcast %broadcast_in_dim3A_200 : i32 to vector<16xi32>
          %gather3A_202 = tpu.vector_load_idx %arg15[%select_n3A_157, %broadcast_in_dim3A_201] masked %lt3A_148 : memref<128x128xf32, #tpu.memory_space<vmem>>[vector<16xi32>, vector<16xi32>], vector<16xf32>, vector<16xi1>
          tpu.vector_store_idx %arg11[%select_n3A_154, %broadcast_in_dim3A_201], %gather3A_202 masked %lt3A_148 : memref<64x128xf32, #tpu.memory_space<vmem>>[vector<16xi32>, vector<16xi32>], vector<16xf32>, vector<16xi1>
          %broadcast_in_dim3A_203 = arith.constant 15 : i32
          %broadcast_in_dim3A_204 = vector.broadcast %broadcast_in_dim3A_203 : i32 to vector<16xi32>
          %gather3A_205 = tpu.vector_load_idx %arg15[%select_n3A_157, %broadcast_in_dim3A_204] masked %lt3A_148 : memref<128x128xf32, #tpu.memory_space<vmem>>[vector<16xi32>, vector<16xi32>], vector<16xf32>, vector<16xi1>
          tpu.vector_store_idx %arg11[%select_n3A_154, %broadcast_in_dim3A_204], %gather3A_205 masked %lt3A_148 : memref<64x128xf32, #tpu.memory_space<vmem>>[vector<16xi32>, vector<16xi32>], vector<16xf32>, vector<16xi1>
          %broadcast_in_dim3A_206 = arith.constant 16 : i32
          %broadcast_in_dim3A_207 = vector.broadcast %broadcast_in_dim3A_206 : i32 to vector<16xi32>
          %gather3A_208 = tpu.vector_load_idx %arg15[%select_n3A_157, %broadcast_in_dim3A_207] masked %lt3A_148 : memref<128x128xf32, #tpu.memory_space<vmem>>[vector<16xi32>, vector<16xi32>], vector<16xf32>, vector<16xi1>
          tpu.vector_store_idx %arg11[%select_n3A_154, %broadcast_in_dim3A_207], %gather3A_208 masked %lt3A_148 : memref<64x128xf32, #tpu.memory_space<vmem>>[vector<16xi32>, vector<16xi32>], vector<16xf32>, vector<16xi1>
          %broadcast_in_dim3A_209 = arith.constant 17 : i32
          %broadcast_in_dim3A_210 = vector.broadcast %broadcast_in_dim3A_209 : i32 to vector<16xi32>
          %gather3A_211 = tpu.vector_load_idx %arg15[%select_n3A_157, %broadcast_in_dim3A_210] masked %lt3A_148 : memref<128x128xf32, #tpu.memory_space<vmem>>[vector<16xi32>, vector<16xi32>], vector<16xf32>, vector<16xi1>
          tpu.vector_store_idx %arg11[%select_n3A_154, %broadcast_in_dim3A_210], %gather3A_211 masked %lt3A_148 : memref<64x128xf32, #tpu.memory_space<vmem>>[vector<16xi32>, vector<16xi32>], vector<16xf32>, vector<16xi1>
          %broadcast_in_dim3A_212 = arith.constant 18 : i32
          %broadcast_in_dim3A_213 = vector.broadcast %broadcast_in_dim3A_212 : i32 to vector<16xi32>
          %gather3A_214 = tpu.vector_load_idx %arg15[%select_n3A_157, %broadcast_in_dim3A_213] masked %lt3A_148 : memref<128x128xf32, #tpu.memory_space<vmem>>[vector<16xi32>, vector<16xi32>], vector<16xf32>, vector<16xi1>
          tpu.vector_store_idx %arg11[%select_n3A_154, %broadcast_in_dim3A_213], %gather3A_214 masked %lt3A_148 : memref<64x128xf32, #tpu.memory_space<vmem>>[vector<16xi32>, vector<16xi32>], vector<16xf32>, vector<16xi1>
          %broadcast_in_dim3A_215 = arith.constant 19 : i32
          %broadcast_in_dim3A_216 = vector.broadcast %broadcast_in_dim3A_215 : i32 to vector<16xi32>
          %gather3A_217 = tpu.vector_load_idx %arg15[%select_n3A_157, %broadcast_in_dim3A_216] masked %lt3A_148 : memref<128x128xf32, #tpu.memory_space<vmem>>[vector<16xi32>, vector<16xi32>], vector<16xf32>, vector<16xi1>
          tpu.vector_store_idx %arg11[%select_n3A_154, %broadcast_in_dim3A_216], %gather3A_217 masked %lt3A_148 : memref<64x128xf32, #tpu.memory_space<vmem>>[vector<16xi32>, vector<16xi32>], vector<16xf32>, vector<16xi1>
          %broadcast_in_dim3A_218 = arith.constant 20 : i32
          %broadcast_in_dim3A_219 = vector.broadcast %broadcast_in_dim3A_218 : i32 to vector<16xi32>
          %gather3A_220 = tpu.vector_load_idx %arg15[%select_n3A_157, %broadcast_in_dim3A_219] masked %lt3A_148 : memref<128x128xf32, #tpu.memory_space<vmem>>[vector<16xi32>, vector<16xi32>], vector<16xf32>, vector<16xi1>
          tpu.vector_store_idx %arg11[%select_n3A_154, %broadcast_in_dim3A_219], %gather3A_220 masked %lt3A_148 : memref<64x128xf32, #tpu.memory_space<vmem>>[vector<16xi32>, vector<16xi32>], vector<16xf32>, vector<16xi1>
          %broadcast_in_dim3A_221 = arith.constant 21 : i32
          %broadcast_in_dim3A_222 = vector.broadcast %broadcast_in_dim3A_221 : i32 to vector<16xi32>
          %gather3A_223 = tpu.vector_load_idx %arg15[%select_n3A_157, %broadcast_in_dim3A_222] masked %lt3A_148 : memref<128x128xf32, #tpu.memory_space<vmem>>[vector<16xi32>, vector<16xi32>], vector<16xf32>, vector<16xi1>
          tpu.vector_store_idx %arg11[%select_n3A_154, %broadcast_in_dim3A_222], %gather3A_223 masked %lt3A_148 : memref<64x128xf32, #tpu.memory_space<vmem>>[vector<16xi32>, vector<16xi32>], vector<16xf32>, vector<16xi1>
          %broadcast_in_dim3A_224 = arith.constant 22 : i32
          %broadcast_in_dim3A_225 = vector.broadcast %broadcast_in_dim3A_224 : i32 to vector<16xi32>
          %gather3A_226 = tpu.vector_load_idx %arg15[%select_n3A_157, %broadcast_in_dim3A_225] masked %lt3A_148 : memref<128x128xf32, #tpu.memory_space<vmem>>[vector<16xi32>, vector<16xi32>], vector<16xf32>, vector<16xi1>
          tpu.vector_store_idx %arg11[%select_n3A_154, %broadcast_in_dim3A_225], %gather3A_226 masked %lt3A_148 : memref<64x128xf32, #tpu.memory_space<vmem>>[vector<16xi32>, vector<16xi32>], vector<16xf32>, vector<16xi1>
          %broadcast_in_dim3A_227 = arith.constant 23 : i32
          %broadcast_in_dim3A_228 = vector.broadcast %broadcast_in_dim3A_227 : i32 to vector<16xi32>
          %gather3A_229 = tpu.vector_load_idx %arg15[%select_n3A_157, %broadcast_in_dim3A_228] masked %lt3A_148 : memref<128x128xf32, #tpu.memory_space<vmem>>[vector<16xi32>, vector<16xi32>], vector<16xf32>, vector<16xi1>
          tpu.vector_store_idx %arg11[%select_n3A_154, %broadcast_in_dim3A_228], %gather3A_229 masked %lt3A_148 : memref<64x128xf32, #tpu.memory_space<vmem>>[vector<16xi32>, vector<16xi32>], vector<16xf32>, vector<16xi1>
          %broadcast_in_dim3A_230 = arith.constant 24 : i32
          %broadcast_in_dim3A_231 = vector.broadcast %broadcast_in_dim3A_230 : i32 to vector<16xi32>
          %gather3A_232 = tpu.vector_load_idx %arg15[%select_n3A_157, %broadcast_in_dim3A_231] masked %lt3A_148 : memref<128x128xf32, #tpu.memory_space<vmem>>[vector<16xi32>, vector<16xi32>], vector<16xf32>, vector<16xi1>
          tpu.vector_store_idx %arg11[%select_n3A_154, %broadcast_in_dim3A_231], %gather3A_232 masked %lt3A_148 : memref<64x128xf32, #tpu.memory_space<vmem>>[vector<16xi32>, vector<16xi32>], vector<16xf32>, vector<16xi1>
          %broadcast_in_dim3A_233 = arith.constant 25 : i32
          %broadcast_in_dim3A_234 = vector.broadcast %broadcast_in_dim3A_233 : i32 to vector<16xi32>
          %gather3A_235 = tpu.vector_load_idx %arg15[%select_n3A_157, %broadcast_in_dim3A_234] masked %lt3A_148 : memref<128x128xf32, #tpu.memory_space<vmem>>[vector<16xi32>, vector<16xi32>], vector<16xf32>, vector<16xi1>
          tpu.vector_store_idx %arg11[%select_n3A_154, %broadcast_in_dim3A_234], %gather3A_235 masked %lt3A_148 : memref<64x128xf32, #tpu.memory_space<vmem>>[vector<16xi32>, vector<16xi32>], vector<16xf32>, vector<16xi1>
          %broadcast_in_dim3A_236 = arith.constant 26 : i32
          %broadcast_in_dim3A_237 = vector.broadcast %broadcast_in_dim3A_236 : i32 to vector<16xi32>
          %gather3A_238 = tpu.vector_load_idx %arg15[%select_n3A_157, %broadcast_in_dim3A_237] masked %lt3A_148 : memref<128x128xf32, #tpu.memory_space<vmem>>[vector<16xi32>, vector<16xi32>], vector<16xf32>, vector<16xi1>
          tpu.vector_store_idx %arg11[%select_n3A_154, %broadcast_in_dim3A_237], %gather3A_238 masked %lt3A_148 : memref<64x128xf32, #tpu.memory_space<vmem>>[vector<16xi32>, vector<16xi32>], vector<16xf32>, vector<16xi1>
          %broadcast_in_dim3A_239 = arith.constant 27 : i32
          %broadcast_in_dim3A_240 = vector.broadcast %broadcast_in_dim3A_239 : i32 to vector<16xi32>
          %gather3A_241 = tpu.vector_load_idx %arg15[%select_n3A_157, %broadcast_in_dim3A_240] masked %lt3A_148 : memref<128x128xf32, #tpu.memory_space<vmem>>[vector<16xi32>, vector<16xi32>], vector<16xf32>, vector<16xi1>
          tpu.vector_store_idx %arg11[%select_n3A_154, %broadcast_in_dim3A_240], %gather3A_241 masked %lt3A_148 : memref<64x128xf32, #tpu.memory_space<vmem>>[vector<16xi32>, vector<16xi32>], vector<16xf32>, vector<16xi1>
          %broadcast_in_dim3A_242 = arith.constant 28 : i32
          %broadcast_in_dim3A_243 = vector.broadcast %broadcast_in_dim3A_242 : i32 to vector<16xi32>
          %gather3A_244 = tpu.vector_load_idx %arg15[%select_n3A_157, %broadcast_in_dim3A_243] masked %lt3A_148 : memref<128x128xf32, #tpu.memory_space<vmem>>[vector<16xi32>, vector<16xi32>], vector<16xf32>, vector<16xi1>
          tpu.vector_store_idx %arg11[%select_n3A_154, %broadcast_in_dim3A_243], %gather3A_244 masked %lt3A_148 : memref<64x128xf32, #tpu.memory_space<vmem>>[vector<16xi32>, vector<16xi32>], vector<16xf32>, vector<16xi1>
          %broadcast_in_dim3A_245 = arith.constant 29 : i32
          %broadcast_in_dim3A_246 = vector.broadcast %broadcast_in_dim3A_245 : i32 to vector<16xi32>
          %gather3A_247 = tpu.vector_load_idx %arg15[%select_n3A_157, %broadcast_in_dim3A_246] masked %lt3A_148 : memref<128x128xf32, #tpu.memory_space<vmem>>[vector<16xi32>, vector<16xi32>], vector<16xf32>, vector<16xi1>
          tpu.vector_store_idx %arg11[%select_n3A_154, %broadcast_in_dim3A_246], %gather3A_247 masked %lt3A_148 : memref<64x128xf32, #tpu.memory_space<vmem>>[vector<16xi32>, vector<16xi32>], vector<16xf32>, vector<16xi1>
          %broadcast_in_dim3A_248 = arith.constant 30 : i32
          %broadcast_in_dim3A_249 = vector.broadcast %broadcast_in_dim3A_248 : i32 to vector<16xi32>
          %gather3A_250 = tpu.vector_load_idx %arg15[%select_n3A_157, %broadcast_in_dim3A_249] masked %lt3A_148 : memref<128x128xf32, #tpu.memory_space<vmem>>[vector<16xi32>, vector<16xi32>], vector<16xf32>, vector<16xi1>
          tpu.vector_store_idx %arg11[%select_n3A_154, %broadcast_in_dim3A_249], %gather3A_250 masked %lt3A_148 : memref<64x128xf32, #tpu.memory_space<vmem>>[vector<16xi32>, vector<16xi32>], vector<16xf32>, vector<16xi1>
          %broadcast_in_dim3A_251 = arith.constant 31 : i32
          %broadcast_in_dim3A_252 = vector.broadcast %broadcast_in_dim3A_251 : i32 to vector<16xi32>
          %gather3A_253 = tpu.vector_load_idx %arg15[%select_n3A_157, %broadcast_in_dim3A_252] masked %lt3A_148 : memref<128x128xf32, #tpu.memory_space<vmem>>[vector<16xi32>, vector<16xi32>], vector<16xf32>, vector<16xi1>
          tpu.vector_store_idx %arg11[%select_n3A_154, %broadcast_in_dim3A_252], %gather3A_253 masked %lt3A_148 : memref<64x128xf32, #tpu.memory_space<vmem>>[vector<16xi32>, vector<16xi32>], vector<16xf32>, vector<16xi1>
          %while3A_254 = arith.constant 0 : i32
          scf.yield %while3A_254 : i32
        }
        %while3A_140 = arith.constant 1 : i32
        %while3A_141 = scf.for %while3A_142 = %while3A_137 to %while3A_133 step %while3A_140 iter_args(%while3A_143 = %while3A_139) -> (i32)  : i32 {
          %mul3A_144 = arith.constant 16 : i32
          %mul3A_145 = arith.muli %while3A_142, %mul3A_144 : i32
          %add3A_146 = vector.broadcast %mul3A_145 : i32 to vector<16xi32>
          %add3A_147 = arith.addi %add3A_146, %iota3A : vector<16xi32>
          %lt3A = vector.broadcast %scan3A_57 : i32 to vector<16xi32>
          %lt3A_148 = arith.cmpi slt, %add3A_147, %lt3A : vector<16xi32>
          %mul3A_149 = arith.constant 16 : i32
          %mul3A_150 = arith.muli %while3A_142, %mul3A_149 : i32
          %get3A = arith.index_cast %mul3A_150 : i32 to index
          %get3A_151 = tpu.vector_load %arg14[%get3A] {strides = array<i32>} : memref<256xi32, #tpu.memory_space<vmem>>, vector<16xi32>,
          %jit3A_152 = arith.constant 0 : i32
          %broadcast_in_dim3A_153 = vector.broadcast %jit3A_152 : i32 to vector<16xi32>
          %select_n3A_154 = arith.select %lt3A_148, %get3A_151, %broadcast_in_dim3A_153 : vector<16xi1>, vector<16xi32>
          %jit3A_155 = arith.constant 0 : i32
          %broadcast_in_dim3A_156 = vector.broadcast %jit3A_155 : i32 to vector<16xi32>
          %select_n3A_157 = arith.select %lt3A_148, %add3A_147, %broadcast_in_dim3A_156 : vector<16xi1>, vector<16xi32>
          %broadcast_in_dim3A_158 = arith.constant 0 : i32
          %broadcast_in_dim3A_159 = vector.broadcast %broadcast_in_dim3A_158 : i32 to vector<16xi32>
          %gather3A_160 = tpu.vector_load_idx %arg15[%select_n3A_157, %broadcast_in_dim3A_159] masked %lt3A_148 : memref<128x128xf32, #tpu.memory_space<vmem>>[vector<16xi32>, vector<16xi32>], vector<16xf32>, vector<16xi1>
          tpu.vector_store_idx %arg11[%select_n3A_154, %broadcast_in_dim3A_159], %gather3A_160 masked %lt3A_148 : memref<64x128xf32, #tpu.memory_space<vmem>>[vector<16xi32>, vector<16xi32>], vector<16xf32>, vector<16xi1>
          %broadcast_in_dim3A_161 = arith.constant 1 : i32
          %broadcast_in_dim3A_162 = vector.broadcast %broadcast_in_dim3A_161 : i32 to vector<16xi32>
          %gather3A_163 = tpu.vector_load_idx %arg15[%select_n3A_157, %broadcast_in_dim3A_162] masked %lt3A_148 : memref<128x128xf32, #tpu.memory_space<vmem>>[vector<16xi32>, vector<16xi32>], vector<16xf32>, vector<16xi1>
          tpu.vector_store_idx %arg11[%select_n3A_154, %broadcast_in_dim3A_162], %gather3A_163 masked %lt3A_148 : memref<64x128xf32, #tpu.memory_space<vmem>>[vector<16xi32>, vector<16xi32>], vector<16xf32>, vector<16xi1>
          %broadcast_in_dim3A_164 = arith.constant 2 : i32
          %broadcast_in_dim3A_165 = vector.broadcast %broadcast_in_dim3A_164 : i32 to vector<16xi32>
          %gather3A_166 = tpu.vector_load_idx %arg15[%select_n3A_157, %broadcast_in_dim3A_165] masked %lt3A_148 : memref<128x128xf32, #tpu.memory_space<vmem>>[vector<16xi32>, vector<16xi32>], vector<16xf32>, vector<16xi1>
          tpu.vector_store_idx %arg11[%select_n3A_154, %broadcast_in_dim3A_165], %gather3A_166 masked %lt3A_148 : memref<64x128xf32, #tpu.memory_space<vmem>>[vector<16xi32>, vector<16xi32>], vector<16xf32>, vector<16xi1>
          %broadcast_in_dim3A_167 = arith.constant 3 : i32
          %broadcast_in_dim3A_168 = vector.broadcast %broadcast_in_dim3A_167 : i32 to vector<16xi32>
          %gather3A_169 = tpu.vector_load_idx %arg15[%select_n3A_157, %broadcast_in_dim3A_168] masked %lt3A_148 : memref<128x128xf32, #tpu.memory_space<vmem>>[vector<16xi32>, vector<16xi32>], vector<16xf32>, vector<16xi1>
          tpu.vector_store_idx %arg11[%select_n3A_154, %broadcast_in_dim3A_168], %gather3A_169 masked %lt3A_148 : memref<64x128xf32, #tpu.memory_space<vmem>>[vector<16xi32>, vector<16xi32>], vector<16xf32>, vector<16xi1>
          %broadcast_in_dim3A_170 = arith.constant 4 : i32
          %broadcast_in_dim3A_171 = vector.broadcast %broadcast_in_dim3A_170 : i32 to vector<16xi32>
          %gather3A_172 = tpu.vector_load_idx %arg15[%select_n3A_157, %broadcast_in_dim3A_171] masked %lt3A_148 : memref<128x128xf32, #tpu.memory_space<vmem>>[vector<16xi32>, vector<16xi32>], vector<16xf32>, vector<16xi1>
          tpu.vector_store_idx %arg11[%select_n3A_154, %broadcast_in_dim3A_171], %gather3A_172 masked %lt3A_148 : memref<64x128xf32, #tpu.memory_space<vmem>>[vector<16xi32>, vector<16xi32>], vector<16xf32>, vector<16xi1>
          %broadcast_in_dim3A_173 = arith.constant 5 : i32
          %broadcast_in_dim3A_174 = vector.broadcast %broadcast_in_dim3A_173 : i32 to vector<16xi32>
          %gather3A_175 = tpu.vector_load_idx %arg15[%select_n3A_157, %broadcast_in_dim3A_174] masked %lt3A_148 : memref<128x128xf32, #tpu.memory_space<vmem>>[vector<16xi32>, vector<16xi32>], vector<16xf32>, vector<16xi1>
          tpu.vector_store_idx %arg11[%select_n3A_154, %broadcast_in_dim3A_174], %gather3A_175 masked %lt3A_148 : memref<64x128xf32, #tpu.memory_space<vmem>>[vector<16xi32>, vector<16xi32>], vector<16xf32>, vector<16xi1>
          %broadcast_in_dim3A_176 = arith.constant 6 : i32
          %broadcast_in_dim3A_177 = vector.broadcast %broadcast_in_dim3A_176 : i32 to vector<16xi32>
          %gather3A_178 = tpu.vector_load_idx %arg15[%select_n3A_157, %broadcast_in_dim3A_177] masked %lt3A_148 : memref<128x128xf32, #tpu.memory_space<vmem>>[vector<16xi32>, vector<16xi32>], vector<16xf32>, vector<16xi1>
          tpu.vector_store_idx %arg11[%select_n3A_154, %broadcast_in_dim3A_177], %gather3A_178 masked %lt3A_148 : memref<64x128xf32, #tpu.memory_space<vmem>>[vector<16xi32>, vector<16xi32>], vector<16xf32>, vector<16xi1>
          %broadcast_in_dim3A_179 = arith.constant 7 : i32
          %broadcast_in_dim3A_180 = vector.broadcast %broadcast_in_dim3A_179 : i32 to vector<16xi32>
          %gather3A_181 = tpu.vector_load_idx %arg15[%select_n3A_157, %broadcast_in_dim3A_180] masked %lt3A_148 : memref<128x128xf32, #tpu.memory_space<vmem>>[vector<16xi32>, vector<16xi32>], vector<16xf32>, vector<16xi1>
          tpu.vector_store_idx %arg11[%select_n3A_154, %broadcast_in_dim3A_180], %gather3A_181 masked %lt3A_148 : memref<64x128xf32, #tpu.memory_space<vmem>>[vector<16xi32>, vector<16xi32>], vector<16xf32>, vector<16xi1>
          %broadcast_in_dim3A_182 = arith.constant 8 : i32
          %broadcast_in_dim3A_183 = vector.broadcast %broadcast_in_dim3A_182 : i32 to vector<16xi32>
          %gather3A_184 = tpu.vector_load_idx %arg15[%select_n3A_157, %broadcast_in_dim3A_183] masked %lt3A_148 : memref<128x128xf32, #tpu.memory_space<vmem>>[vector<16xi32>, vector<16xi32>], vector<16xf32>, vector<16xi1>
          tpu.vector_store_idx %arg11[%select_n3A_154, %broadcast_in_dim3A_183], %gather3A_184 masked %lt3A_148 : memref<64x128xf32, #tpu.memory_space<vmem>>[vector<16xi32>, vector<16xi32>], vector<16xf32>, vector<16xi1>
          %broadcast_in_dim3A_185 = arith.constant 9 : i32
          %broadcast_in_dim3A_186 = vector.broadcast %broadcast_in_dim3A_185 : i32 to vector<16xi32>
          %gather3A_187 = tpu.vector_load_idx %arg15[%select_n3A_157, %broadcast_in_dim3A_186] masked %lt3A_148 : memref<128x128xf32, #tpu.memory_space<vmem>>[vector<16xi32>, vector<16xi32>], vector<16xf32>, vector<16xi1>
          tpu.vector_store_idx %arg11[%select_n3A_154, %broadcast_in_dim3A_186], %gather3A_187 masked %lt3A_148 : memref<64x128xf32, #tpu.memory_space<vmem>>[vector<16xi32>, vector<16xi32>], vector<16xf32>, vector<16xi1>
          %broadcast_in_dim3A_188 = arith.constant 10 : i32
          %broadcast_in_dim3A_189 = vector.broadcast %broadcast_in_dim3A_188 : i32 to vector<16xi32>
          %gather3A_190 = tpu.vector_load_idx %arg15[%select_n3A_157, %broadcast_in_dim3A_189] masked %lt3A_148 : memref<128x128xf32, #tpu.memory_space<vmem>>[vector<16xi32>, vector<16xi32>], vector<16xf32>, vector<16xi1>
          tpu.vector_store_idx %arg11[%select_n3A_154, %broadcast_in_dim3A_189], %gather3A_190 masked %lt3A_148 : memref<64x128xf32, #tpu.memory_space<vmem>>[vector<16xi32>, vector<16xi32>], vector<16xf32>, vector<16xi1>
          %broadcast_in_dim3A_191 = arith.constant 11 : i32
          %broadcast_in_dim3A_192 = vector.broadcast %broadcast_in_dim3A_191 : i32 to vector<16xi32>
          %gather3A_193 = tpu.vector_load_idx %arg15[%select_n3A_157, %broadcast_in_dim3A_192] masked %lt3A_148 : memref<128x128xf32, #tpu.memory_space<vmem>>[vector<16xi32>, vector<16xi32>], vector<16xf32>, vector<16xi1>
          tpu.vector_store_idx %arg11[%select_n3A_154, %broadcast_in_dim3A_192], %gather3A_193 masked %lt3A_148 : memref<64x128xf32, #tpu.memory_space<vmem>>[vector<16xi32>, vector<16xi32>], vector<16xf32>, vector<16xi1>
          %broadcast_in_dim3A_194 = arith.constant 12 : i32
          %broadcast_in_dim3A_195 = vector.broadcast %broadcast_in_dim3A_194 : i32 to vector<16xi32>
          %gather3A_196 = tpu.vector_load_idx %arg15[%select_n3A_157, %broadcast_in_dim3A_195] masked %lt3A_148 : memref<128x128xf32, #tpu.memory_space<vmem>>[vector<16xi32>, vector<16xi32>], vector<16xf32>, vector<16xi1>
          tpu.vector_store_idx %arg11[%select_n3A_154, %broadcast_in_dim3A_195], %gather3A_196 masked %lt3A_148 : memref<64x128xf32, #tpu.memory_space<vmem>>[vector<16xi32>, vector<16xi32>], vector<16xf32>, vector<16xi1>
          %broadcast_in_dim3A_197 = arith.constant 13 : i32
          %broadcast_in_dim3A_198 = vector.broadcast %broadcast_in_dim3A_197 : i32 to vector<16xi32>
          %gather3A_199 = tpu.vector_load_idx %arg15[%select_n3A_157, %broadcast_in_dim3A_198] masked %lt3A_148 : memref<128x128xf32, #tpu.memory_space<vmem>>[vector<16xi32>, vector<16xi32>], vector<16xf32>, vector<16xi1>
          tpu.vector_store_idx %arg11[%select_n3A_154, %broadcast_in_dim3A_198], %gather3A_199 masked %lt3A_148 : memref<64x128xf32, #tpu.memory_space<vmem>>[vector<16xi32>, vector<16xi32>], vector<16xf32>, vector<16xi1>
          %broadcast_in_dim3A_200 = arith.constant 14 : i32
          %broadcast_in_dim3A_201 = vector.broadcast %broadcast_in_dim3A_200 : i32 to vector<16xi32>
          %gather3A_202 = tpu.vector_load_idx %arg15[%select_n3A_157, %broadcast_in_dim3A_201] masked %lt3A_148 : memref<128x128xf32, #tpu.memory_space<vmem>>[vector<16xi32>, vector<16xi32>], vector<16xf32>, vector<16xi1>
          tpu.vector_store_idx %arg11[%select_n3A_154, %broadcast_in_dim3A_201], %gather3A_202 masked %lt3A_148 : memref<64x128xf32, #tpu.memory_space<vmem>>[vector<16xi32>, vector<16xi32>], vector<16xf32>, vector<16xi1>
          %broadcast_in_dim3A_203 = arith.constant 15 : i32
          %broadcast_in_dim3A_204 = vector.broadcast %broadcast_in_dim3A_203 : i32 to vector<16xi32>
          %gather3A_205 = tpu.vector_load_idx %arg15[%select_n3A_157, %broadcast_in_dim3A_204] masked %lt3A_148 : memref<128x128xf32, #tpu.memory_space<vmem>>[vector<16xi32>, vector<16xi32>], vector<16xf32>, vector<16xi1>
          tpu.vector_store_idx %arg11[%select_n3A_154, %broadcast_in_dim3A_204], %gather3A_205 masked %lt3A_148 : memref<64x128xf32, #tpu.memory_space<vmem>>[vector<16xi32>, vector<16xi32>], vector<16xf32>, vector<16xi1>
          %broadcast_in_dim3A_206 = arith.constant 16 : i32
          %broadcast_in_dim3A_207 = vector.broadcast %broadcast_in_dim3A_206 : i32 to vector<16xi32>
          %gather3A_208 = tpu.vector_load_idx %arg15[%select_n3A_157, %broadcast_in_dim3A_207] masked %lt3A_148 : memref<128x128xf32, #tpu.memory_space<vmem>>[vector<16xi32>, vector<16xi32>], vector<16xf32>, vector<16xi1>
          tpu.vector_store_idx %arg11[%select_n3A_154, %broadcast_in_dim3A_207], %gather3A_208 masked %lt3A_148 : memref<64x128xf32, #tpu.memory_space<vmem>>[vector<16xi32>, vector<16xi32>], vector<16xf32>, vector<16xi1>
          %broadcast_in_dim3A_209 = arith.constant 17 : i32
          %broadcast_in_dim3A_210 = vector.broadcast %broadcast_in_dim3A_209 : i32 to vector<16xi32>
          %gather3A_211 = tpu.vector_load_idx %arg15[%select_n3A_157, %broadcast_in_dim3A_210] masked %lt3A_148 : memref<128x128xf32, #tpu.memory_space<vmem>>[vector<16xi32>, vector<16xi32>], vector<16xf32>, vector<16xi1>
          tpu.vector_store_idx %arg11[%select_n3A_154, %broadcast_in_dim3A_210], %gather3A_211 masked %lt3A_148 : memref<64x128xf32, #tpu.memory_space<vmem>>[vector<16xi32>, vector<16xi32>], vector<16xf32>, vector<16xi1>
          %broadcast_in_dim3A_212 = arith.constant 18 : i32
          %broadcast_in_dim3A_213 = vector.broadcast %broadcast_in_dim3A_212 : i32 to vector<16xi32>
          %gather3A_214 = tpu.vector_load_idx %arg15[%select_n3A_157, %broadcast_in_dim3A_213] masked %lt3A_148 : memref<128x128xf32, #tpu.memory_space<vmem>>[vector<16xi32>, vector<16xi32>], vector<16xf32>, vector<16xi1>
          tpu.vector_store_idx %arg11[%select_n3A_154, %broadcast_in_dim3A_213], %gather3A_214 masked %lt3A_148 : memref<64x128xf32, #tpu.memory_space<vmem>>[vector<16xi32>, vector<16xi32>], vector<16xf32>, vector<16xi1>
          %broadcast_in_dim3A_215 = arith.constant 19 : i32
          %broadcast_in_dim3A_216 = vector.broadcast %broadcast_in_dim3A_215 : i32 to vector<16xi32>
          %gather3A_217 = tpu.vector_load_idx %arg15[%select_n3A_157, %broadcast_in_dim3A_216] masked %lt3A_148 : memref<128x128xf32, #tpu.memory_space<vmem>>[vector<16xi32>, vector<16xi32>], vector<16xf32>, vector<16xi1>
          tpu.vector_store_idx %arg11[%select_n3A_154, %broadcast_in_dim3A_216], %gather3A_217 masked %lt3A_148 : memref<64x128xf32, #tpu.memory_space<vmem>>[vector<16xi32>, vector<16xi32>], vector<16xf32>, vector<16xi1>
          %broadcast_in_dim3A_218 = arith.constant 20 : i32
          %broadcast_in_dim3A_219 = vector.broadcast %broadcast_in_dim3A_218 : i32 to vector<16xi32>
          %gather3A_220 = tpu.vector_load_idx %arg15[%select_n3A_157, %broadcast_in_dim3A_219] masked %lt3A_148 : memref<128x128xf32, #tpu.memory_space<vmem>>[vector<16xi32>, vector<16xi32>], vector<16xf32>, vector<16xi1>
          tpu.vector_store_idx %arg11[%select_n3A_154, %broadcast_in_dim3A_219], %gather3A_220 masked %lt3A_148 : memref<64x128xf32, #tpu.memory_space<vmem>>[vector<16xi32>, vector<16xi32>], vector<16xf32>, vector<16xi1>
          %broadcast_in_dim3A_221 = arith.constant 21 : i32
          %broadcast_in_dim3A_222 = vector.broadcast %broadcast_in_dim3A_221 : i32 to vector<16xi32>
          %gather3A_223 = tpu.vector_load_idx %arg15[%select_n3A_157, %broadcast_in_dim3A_222] masked %lt3A_148 : memref<128x128xf32, #tpu.memory_space<vmem>>[vector<16xi32>, vector<16xi32>], vector<16xf32>, vector<16xi1>
          tpu.vector_store_idx %arg11[%select_n3A_154, %broadcast_in_dim3A_222], %gather3A_223 masked %lt3A_148 : memref<64x128xf32, #tpu.memory_space<vmem>>[vector<16xi32>, vector<16xi32>], vector<16xf32>, vector<16xi1>
          %broadcast_in_dim3A_224 = arith.constant 22 : i32
          %broadcast_in_dim3A_225 = vector.broadcast %broadcast_in_dim3A_224 : i32 to vector<16xi32>
          %gather3A_226 = tpu.vector_load_idx %arg15[%select_n3A_157, %broadcast_in_dim3A_225] masked %lt3A_148 : memref<128x128xf32, #tpu.memory_space<vmem>>[vector<16xi32>, vector<16xi32>], vector<16xf32>, vector<16xi1>
          tpu.vector_store_idx %arg11[%select_n3A_154, %broadcast_in_dim3A_225], %gather3A_226 masked %lt3A_148 : memref<64x128xf32, #tpu.memory_space<vmem>>[vector<16xi32>, vector<16xi32>], vector<16xf32>, vector<16xi1>
          %broadcast_in_dim3A_227 = arith.constant 23 : i32
          %broadcast_in_dim3A_228 = vector.broadcast %broadcast_in_dim3A_227 : i32 to vector<16xi32>
          %gather3A_229 = tpu.vector_load_idx %arg15[%select_n3A_157, %broadcast_in_dim3A_228] masked %lt3A_148 : memref<128x128xf32, #tpu.memory_space<vmem>>[vector<16xi32>, vector<16xi32>], vector<16xf32>, vector<16xi1>
          tpu.vector_store_idx %arg11[%select_n3A_154, %broadcast_in_dim3A_228], %gather3A_229 masked %lt3A_148 : memref<64x128xf32, #tpu.memory_space<vmem>>[vector<16xi32>, vector<16xi32>], vector<16xf32>, vector<16xi1>
          %broadcast_in_dim3A_230 = arith.constant 24 : i32
          %broadcast_in_dim3A_231 = vector.broadcast %broadcast_in_dim3A_230 : i32 to vector<16xi32>
          %gather3A_232 = tpu.vector_load_idx %arg15[%select_n3A_157, %broadcast_in_dim3A_231] masked %lt3A_148 : memref<128x128xf32, #tpu.memory_space<vmem>>[vector<16xi32>, vector<16xi32>], vector<16xf32>, vector<16xi1>
          tpu.vector_store_idx %arg11[%select_n3A_154, %broadcast_in_dim3A_231], %gather3A_232 masked %lt3A_148 : memref<64x128xf32, #tpu.memory_space<vmem>>[vector<16xi32>, vector<16xi32>], vector<16xf32>, vector<16xi1>
          %broadcast_in_dim3A_233 = arith.constant 25 : i32
          %broadcast_in_dim3A_234 = vector.broadcast %broadcast_in_dim3A_233 : i32 to vector<16xi32>
          %gather3A_235 = tpu.vector_load_idx %arg15[%select_n3A_157, %broadcast_in_dim3A_234] masked %lt3A_148 : memref<128x128xf32, #tpu.memory_space<vmem>>[vector<16xi32>, vector<16xi32>], vector<16xf32>, vector<16xi1>
          tpu.vector_store_idx %arg11[%select_n3A_154, %broadcast_in_dim3A_234], %gather3A_235 masked %lt3A_148 : memref<64x128xf32, #tpu.memory_space<vmem>>[vector<16xi32>, vector<16xi32>], vector<16xf32>, vector<16xi1>
          %broadcast_in_dim3A_236 = arith.constant 26 : i32
          %broadcast_in_dim3A_237 = vector.broadcast %broadcast_in_dim3A_236 : i32 to vector<16xi32>
          %gather3A_238 = tpu.vector_load_idx %arg15[%select_n3A_157, %broadcast_in_dim3A_237] masked %lt3A_148 : memref<128x128xf32, #tpu.memory_space<vmem>>[vector<16xi32>, vector<16xi32>], vector<16xf32>, vector<16xi1>
          tpu.vector_store_idx %arg11[%select_n3A_154, %broadcast_in_dim3A_237], %gather3A_238 masked %lt3A_148 : memref<64x128xf32, #tpu.memory_space<vmem>>[vector<16xi32>, vector<16xi32>], vector<16xf32>, vector<16xi1>
          %broadcast_in_dim3A_239 = arith.constant 27 : i32
          %broadcast_in_dim3A_240 = vector.broadcast %broadcast_in_dim3A_239 : i32 to vector<16xi32>
          %gather3A_241 = tpu.vector_load_idx %arg15[%select_n3A_157, %broadcast_in_dim3A_240] masked %lt3A_148 : memref<128x128xf32, #tpu.memory_space<vmem>>[vector<16xi32>, vector<16xi32>], vector<16xf32>, vector<16xi1>
          tpu.vector_store_idx %arg11[%select_n3A_154, %broadcast_in_dim3A_240], %gather3A_241 masked %lt3A_148 : memref<64x128xf32, #tpu.memory_space<vmem>>[vector<16xi32>, vector<16xi32>], vector<16xf32>, vector<16xi1>
          %broadcast_in_dim3A_242 = arith.constant 28 : i32
          %broadcast_in_dim3A_243 = vector.broadcast %broadcast_in_dim3A_242 : i32 to vector<16xi32>
          %gather3A_244 = tpu.vector_load_idx %arg15[%select_n3A_157, %broadcast_in_dim3A_243] masked %lt3A_148 : memref<128x128xf32, #tpu.memory_space<vmem>>[vector<16xi32>, vector<16xi32>], vector<16xf32>, vector<16xi1>
          tpu.vector_store_idx %arg11[%select_n3A_154, %broadcast_in_dim3A_243], %gather3A_244 masked %lt3A_148 : memref<64x128xf32, #tpu.memory_space<vmem>>[vector<16xi32>, vector<16xi32>], vector<16xf32>, vector<16xi1>
          %broadcast_in_dim3A_245 = arith.constant 29 : i32
          %broadcast_in_dim3A_246 = vector.broadcast %broadcast_in_dim3A_245 : i32 to vector<16xi32>
          %gather3A_247 = tpu.vector_load_idx %arg15[%select_n3A_157, %broadcast_in_dim3A_246] masked %lt3A_148 : memref<128x128xf32, #tpu.memory_space<vmem>>[vector<16xi32>, vector<16xi32>], vector<16xf32>, vector<16xi1>
          tpu.vector_store_idx %arg11[%select_n3A_154, %broadcast_in_dim3A_246], %gather3A_247 masked %lt3A_148 : memref<64x128xf32, #tpu.memory_space<vmem>>[vector<16xi32>, vector<16xi32>], vector<16xf32>, vector<16xi1>
          %broadcast_in_dim3A_248 = arith.constant 30 : i32
          %broadcast_in_dim3A_249 = vector.broadcast %broadcast_in_dim3A_248 : i32 to vector<16xi32>
          %gather3A_250 = tpu.vector_load_idx %arg15[%select_n3A_157, %broadcast_in_dim3A_249] masked %lt3A_148 : memref<128x128xf32, #tpu.memory_space<vmem>>[vector<16xi32>, vector<16xi32>], vector<16xf32>, vector<16xi1>
          tpu.vector_store_idx %arg11[%select_n3A_154, %broadcast_in_dim3A_249], %gather3A_250 masked %lt3A_148 : memref<64x128xf32, #tpu.memory_space<vmem>>[vector<16xi32>, vector<16xi32>], vector<16xf32>, vector<16xi1>
          %broadcast_in_dim3A_251 = arith.constant 31 : i32
          %broadcast_in_dim3A_252 = vector.broadcast %broadcast_in_dim3A_251 : i32 to vector<16xi32>
          %gather3A_253 = tpu.vector_load_idx %arg15[%select_n3A_157, %broadcast_in_dim3A_252] masked %lt3A_148 : memref<128x128xf32, #tpu.memory_space<vmem>>[vector<16xi32>, vector<16xi32>], vector<16xf32>, vector<16xi1>
          tpu.vector_store_idx %arg11[%select_n3A_154, %broadcast_in_dim3A_252], %gather3A_253 masked %lt3A_148 : memref<64x128xf32, #tpu.memory_space<vmem>>[vector<16xi32>, vector<16xi32>], vector<16xf32>, vector<16xi1>
          %while3A_254 = arith.constant 0 : i32
          scf.yield %while3A_254 : i32
        }
      } else {
      }
      "tpu.region"() ({
        %run_scoped3A = tpu.sem_alloc : memref<!tpu.dma_semaphore, #tpu.memory_space<semaphore_mem>>
        tpu.enqueue_dma source(%arg11 : memref<64x128xf32, #tpu.memory_space<vmem>>) target(%arg7 : memref<64x128xf32, #tpu.memory_space<hbm>>) target_semaphore(%run_scoped3A : memref<!tpu.dma_semaphore, #tpu.memory_space<semaphore_mem>>)
        tpu.wait_dma2 semaphore(%run_scoped3A : memref<!tpu.dma_semaphore, #tpu.memory_space<semaphore_mem>>) src(%arg11 : memref<64x128xf32, #tpu.memory_space<vmem>>) dst(%arg7 : memref<64x128xf32, #tpu.memory_space<hbm>>)
        tpu.yield
      }) : () -> ()
    } else {
    }
    return
  }
}

module attributes {stable_mosaic.version = 14 : i64} {
  func.func @_widen_body(%arg0: i32, %arg1: memref<2048x32xf32, #tpu.memory_space<vmem>>, %arg2: memref<2048x128xf32, #tpu.memory_space<vmem>>) attributes {dimension_semantics = [#tpu.dimension_semantics<arbitrary>], iteration_bounds = array<i64: 8>, scalar_prefetch = 0 : i64, scratch_operands = 0 : i64, tpu.core_type = #tpu.core_type<tc>, window_params = [{transform_indices = @transform_0, window_bounds = array<i64: 2048, 32>}, {transform_indices = @transform_1, window_bounds = array<i64: 2048, 128>}]} {
    %get3A = arith.constant 0 : index
    %get3A_0 = arith.constant 0 : index
    %get3A_1 = vector.load %arg1[%get3A, %get3A_0] : memref<2048x32xf32, #tpu.memory_space<vmem>>, vector<2048x32xf32>
    %jit3A = arith.constant 0 : i32
    %convert_element_type3A = arith.sitofp %jit3A : i32 to f32
    %pad3A = vector.broadcast %convert_element_type3A : f32 to vector<2048x96xf32>
    %pad3A_2 = tpu.concatenate %get3A_1, %pad3A in 1 : vector<2048x32xf32>, vector<2048x96xf32> -> vector<2048x128xf32>
    %swap3A = arith.constant 0 : index
    %swap3A_3 = arith.constant 0 : index
    %swap3A_4 = vector.load %arg2[%swap3A, %swap3A_3] : memref<2048x128xf32, #tpu.memory_space<vmem>>, vector<2048x128xf32>
    tpu.vector_store %arg2[%swap3A, %swap3A_3], %pad3A_2 {strides = array<i32>} : memref<2048x128xf32, #tpu.memory_space<vmem>>, vector<2048x128xf32>,
    return
  }
  func.func @transform_0(%arg0: i32) -> (i32, i32) {
    %c0_i32 = arith.constant 0 : i32
    %c0_i32_0 = arith.constant 0 : i32
    return %arg0, %c0_i32 : i32, i32
  }
  func.func @transform_1(%arg0: i32) -> (i32, i32) {
    %c0_i32 = arith.constant 0 : i32
    %c0_i32_0 = arith.constant 0 : i32
    return %arg0, %c0_i32 : i32, i32
  }
}

module attributes {stable_mosaic.version = 14 : i64} {
  func.func @_tail_body(%arg0: i32, %arg1: memref<32x128xf32, #tpu.memory_space<vmem>>, %arg2: memref<64x128xf32, #tpu.memory_space<vmem>>) attributes {dimension_semantics = [#tpu.dimension_semantics<arbitrary>], iteration_bounds = array<i64: 1>, scalar_prefetch = 0 : i64, scratch_operands = 0 : i64, tpu.core_type = #tpu.core_type<tc>, window_params = [{transform_indices = @transform_0, window_bounds = array<i64: 32, 128>}, {pipeline_mode = #tpu.pipeline_mode<synchronous>, transform_indices = @transform_1, window_bounds = array<i64: 64, 128>}]} {
    %get3A = arith.constant 0 : index
    %get3A_0 = arith.constant 0 : index
    %get3A_1 = vector.load %arg1[%get3A, %get3A_0] : memref<32x128xf32, #tpu.memory_space<vmem>>, vector<32x128xf32>
    %transpose3A = tpu.transpose %get3A_1, [1, 0] : vector<32x128xf32> -> vector<128x32xf32>
    %slice3A = vector.extract_strided_slice %transpose3A {offsets = [0, 0], sizes = [64, 32], strides = [1, 1]} : vector<128x32xf32> to vector<64x32xf32>
    %jit3A = arith.constant 0 : i32
    %convert_element_type3A = arith.sitofp %jit3A : i32 to f32
    %pad3A = vector.broadcast %convert_element_type3A : f32 to vector<64x96xf32>
    %pad3A_2 = tpu.concatenate %slice3A, %pad3A in 1 : vector<64x32xf32>, vector<64x96xf32> -> vector<64x128xf32>
    %swap3A = arith.constant 0 : index
    %swap3A_3 = arith.constant 0 : index
    %swap3A_4 = vector.load %arg2[%swap3A, %swap3A_3] : memref<64x128xf32, #tpu.memory_space<vmem>>, vector<64x128xf32>
    tpu.vector_store %arg2[%swap3A, %swap3A_3], %pad3A_2 {strides = array<i32>} : memref<64x128xf32, #tpu.memory_space<vmem>>, vector<64x128xf32>,
    return
  }
  func.func @transform_0(%arg0: i32) -> (i32, i32) {
    %c0_i32 = arith.constant 0 : i32
    %c7812_i32 = arith.constant 7812 : i32
    %c0_i32_0 = arith.constant 0 : i32
    return %c0_i32, %c7812_i32 : i32, i32
  }
  func.func @transform_1(%arg0: i32) -> (i32, i32) {
    %c0_i32 = arith.constant 0 : i32
    %c0_i32_0 = arith.constant 0 : i32
    %c0_i32_1 = arith.constant 0 : i32
    return %c0_i32, %c0_i32_0 : i32, i32
  }
}

</mosaic_0001>

<sc_bundles>
// kernel: kernel.5.cloned.1.call-start
scs
__scs_entry_jumppad:
0x0: {  	(pc) =	sbr.rel $0x88, $3  }
0x1: {  	(tag) =	ssettag $0x0;
	lr =	simm.s32 $0x1  }
0x2: {  	[smem:$0x3F9E] =	sst lr;
	_ =	strace $0xD0000000  }
0x3: {  	_ = 	snop  }
0x4: {  	_ = 	snop  }
0x5: {  	_ = 	snop  }
0x6: {  	_ = 	snop  }
0x7: {  	_ = 	snop  }
__scs_overlays_trampoline_lowered:
0x8: {  	[smem:$0x3FAD] =	sst s0  }
0x9: {  	[smem:$0x3FAE] =	sst s1  }
0xa: {  	[smem:$0x3FAF] =	sst s2  }
0xb: {  	[smem:$0x3FB0] =	sst s3  }
0xc: {  	[smem:$0x3FB1] =	sst s4  }
0xd: {  	[smem:$0x3FB2] =	sst s5  }
0xe: {  	[smem:$0x3FB3] =	sst s6  }
0xf: {  	[smem:$0x3FB4] =	sst s7  }
0x10: {  	[smem:$0x3FB5] =	sst s8  }
0x11: {  	[smem:$0x3FB6] =	sst s9;
	s0 =	simm.s32 @!p0 $0x0  }
0x12: {  	s1 =	sld [smem:$0x3F9C];
	s0 =	simm.s32 @p0 $0x1  }
0x13: {  	[smem:$0x3FB7] =	sst s0;
	s0 =	simm.s32 @!p1 $0x0  }
0x14: {  	s2 =	sld [smem:$0x3F9B];
	s0 =	simm.s32 @p1 $0x1  }
0x15: {  	[smem:$0x3FB8] =	sst s0;
	s0 =	simm.s32 @!p2 $0x0  }
0x16: {  	s3 =	sld [smem:$0x3FDB];
	s0 =	simm.s32 @p2 $0x1  }
0x17: {  	s4 =	simm.s32 $0x1BF5;
	[smem:$0x3FBA] =	sst s0  }
0x18: {  	s0 =	sld [smem:$0x3F9D];
	_ =	swait.ge [sflag:s4], $0x0  }
0x19: {  	s7 =	sld [smem:$0x3F9E]  }
0x1a: {  	s8 =	sadd.s32 $0xFFFFE003, lr  }
0x1b: {  	s9 =	sadd.s32 $0xFFFFFEF7, lr;
	s5 =	simm.s32 $0xFFFFFFFF;
	p2 =	slt.u32 s8, $0xFFFFF086  }
0x1c: {  	p1 =	slt.u32 s9, $0xF7A;
	s5 =	simm.s32 @!p2 $0x0  }
0x1d: {  	s5 =	simm.s32 @p1 $0x1;
	p0 =	seq.s32 s7, s2  }
0x1e: {  	s7 =	smul.u32 @!p0 $0xF7A, s2;
	p2 =	seq.s32 @!p0 s5, $0x0  }
0x1f: {  	s9 =	smul.u32 $0xF7A, s1;
	s8 =	simm.s32 @!p0 $0x1BF5;
	p2 =	por !p2, p0  }
0x20: {  	[sflag:s8] =	ssyncset.s32 @!p0 $0xFFFFF086;
	s6 =	sadd.s32 @!p0 s3, s7;
	s7 =	simm.s32 @!p0 $0x108  }
0x21: {  	s3 =	sadd.s32 s3, s9;
	s6 =	sadd.s32 @!p0 $0x88, s6;
	s7 =	simm.s32 @p2 $0x1082  }
0x22: {  	[simem:s7], [sflag:s8] =	dma.local @!p0 [hbm:s6], $0xF7A  }
0x23: {  	s9 =	sor.u32 $0xD0000000, s2;
	s6 =	simm.s32 $0x108;
	_ =	swait.ge @!p0 [sflag:s8], $0x0  }
0x24: {  	s3 =	sadd.s32 $0x88, s3;
	s6 =	simm.s32 @!p1 $0x1082;
	[sflag:s4] =	ssyncset.s32 $0xFFFFF086  }
0x25: {  	[simem:s6], [sflag:s4] =	dma.local [hbm:s3], $0xF7A  }
0x26: {  	[smem:$0x3F9E] =	sst s1;
	(tag) =	ssettag s2;
	_ =	strace s9  }
0x27: {  	s1 =	sld [smem:$0x3FAE]  }
0x28: {  	s2 =	sld [smem:$0x3FAF]  }
0x29: {  	s4 =	sld [smem:$0x3FB1]  }
0x2a: {  	p0 =	seq.s32 s5, $0x0;
	s5 =	sld [smem:$0x3FB2]  }
0x2b: {  	s6 =	sld [smem:$0x3FB3]  }
0x2c: {  	s7 =	sld [smem:$0x3FB4]  }
0x2d: {  	s3 =	simm.s32 $0x108;
	s8 =	sld [smem:$0x3FB5]  }
0x2e: {  	s3 =	simm.s32 @!p0 $0x1082;
	s9 =	sld [smem:$0x3FB6]  }
0x2f: {  	lr =	sadd.s32 s0, s3;
	s0 =	sld [smem:$0x3FAD]  }
0x30: {  	s3 =	sld [smem:$0x3FB0]  }
0x31: {  	[smem:$0x3FB9] =	sst s10  }
0x32: {  	s10 =	sld [smem:$0x3FB7];
	_ =	sdelay $0x3  }
0x33: {  	p0 =	seq.s32 s10, $0x1;
	s10 =	sld [smem:$0x3FB9];
	_ =	sdelay $0x3  }
0x34: {  	[smem:$0x3FB9] =	sst s10  }
0x35: {  	s10 =	sld [smem:$0x3FB8];
	_ =	sdelay $0x3  }
0x36: {  	p1 =	seq.s32 s10, $0x1;
	s10 =	sld [smem:$0x3FB9];
	_ =	sdelay $0x3  }
0x37: {  	[smem:$0x3FB9] =	sst s10  }
0x38: {  	s10 =	sld [smem:$0x3FBA]  }
0x39: {  	_ = 	snop;
	(pc) =	sbr.ind lr, $3  }
0x3a: {  	_ = 	snop  }
0x3b: {  	_ = 	snop  }
0x3c: {  	p2 =	seq.s32 s10, $0x1;
	s10 =	sld [smem:$0x3FB9]  }
0x3d: {  	_ =	shalt  }
0x3e: {  	_ =	shalt  }
0x3f: {  	_ =	shalt  }
0x40: {  	_ =	shalt  }
0x41: {  	_ =	shalt  }
0x42: {  	_ =	shalt  }
0x43: {  	_ =	shalt  }
0x44: {  	_ =	shalt  }
0x45: {  	_ =	shalt  }
0x46: {  	_ =	shalt  }
0x47: {  	_ =	shalt  }
0x48: {  	_ =	shalt  }
0x49: {  	_ =	shalt  }
0x4a: {  	_ =	shalt  }
0x4b: {  	_ =	shalt  }
0x4c: {  	_ =	shalt  }
0x4d: {  	_ =	shalt  }
0x4e: {  	_ =	shalt  }
0x4f: {  	_ =	shalt  }
0x50: {  	_ =	shalt  }
0x51: {  	_ =	shalt  }
0x52: {  	_ =	shalt  }
0x53: {  	_ =	shalt  }
0x54: {  	_ =	shalt  }
0x55: {  	_ =	shalt  }
0x56: {  	_ =	shalt  }
0x57: {  	_ =	shalt  }
0x58: {  	_ =	shalt  }
0x59: {  	_ =	shalt  }
0x5a: {  	_ =	shalt  }
0x5b: {  	_ =	shalt  }
0x5c: {  	_ =	shalt  }
0x5d: {  	_ =	shalt  }
0x5e: {  	_ =	shalt  }
0x5f: {  	_ =	shalt  }
0x60: {  	_ =	shalt  }
0x61: {  	_ =	shalt  }
0x62: {  	_ =	shalt  }
0x63: {  	_ =	shalt  }
0x64: {  	_ =	shalt  }
0x65: {  	_ =	shalt  }
0x66: {  	_ =	shalt  }
0x67: {  	_ =	shalt  }
0x68: {  	_ =	shalt  }
0x69: {  	_ =	shalt  }
0x6a: {  	_ =	shalt  }
0x6b: {  	_ =	shalt  }
0x6c: {  	_ =	shalt  }
0x6d: {  	_ =	shalt  }
0x6e: {  	_ =	shalt  }
0x6f: {  	_ =	shalt  }
0x70: {  	_ =	shalt  }
0x71: {  	_ =	shalt  }
0x72: {  	_ =	shalt  }
0x73: {  	_ =	shalt  }
0x74: {  	_ =	shalt  }
0x75: {  	_ =	shalt  }
0x76: {  	_ =	shalt  }
0x77: {  	_ =	shalt  }
0x78: {  	_ =	shalt  }
0x79: {  	_ =	shalt  }
0x7a: {  	_ =	shalt  }
0x7b: {  	_ =	shalt  }
0x7c: {  	_ =	shalt  }
0x7d: {  	_ =	shalt  }
0x7e: {  	_ =	shalt  }
0x7f: {  	_ =	shalt  }
0x80: {  	_ =	shalt  }
0x81: {  	_ =	shalt  }
0x82: {  	_ =	shalt  }
0x83: {  	_ =	shalt  }
0x84: {  	_ =	shalt  }
0x85: {  	_ =	shalt  }
0x86: {  	_ =	shalt  }
0x87: {  	_ =	shalt  }
.Lfunc_end0:
.L_simem_size_0:
called_computation_lowered:
.L_overlay_start_0:
0x88: {  	s2 =	sld [smem:$0x3FD9]  }
0x89: {  	s3 =	sld [smem:$0x3FFE];
	_ =	sdelay $0x1  }
0x8a: {  	s1 =	srdreg.scid  }
0x8b: {  	s0 =	sand.u32 $0x1, s1  }
0x8c: {  	s17 =	sshll.u32 s0, $0xA;
	s2 =	sadd.s32 s3, s2  }
0x8d: {  	s2 =	sadd.s32 s2, s17  }
0x8e: {  	[smem:$0x3FC5] =	sst s2  }
0x8f: {  	_ = 	snop  }
0x90: {  	s2 =	sld [smem:$0x3FC9]  }
0x91: {  	s18 =	sld [smem:$0x3FC8]  }
0x92: {  	s4 =	sld [smem:$0x3FD0];
	(tm) =	ssettm $0x1  }
0x93: {  	s5 =	sld [smem:$0x3FFB];
	_ =	sdelay $0x3  }
0x94: {  	_ =	strace s5  }
0x95: {  	s5 =	sld [smem:$0x3FFC];
	_ =	sdelay $0x3  }
0x96: {  	_ =	strace s5  }
0x97: {  	s5 =	sld [smem:$0x3FFD];
	_ =	sdelay $0x3  }
0x98: {  	_ =	strace s5  }
0x99: {  	_ =	strace $0x8FFFFFFF  }
0x9a: {  	s19 =	sld [smem:$0x3FDB];
	_ =	sdelay $0x1  }
0x9b: {  	s6 =	simm.s32 $_scs_section_size  }
0x9c: {  	s7 =	simm.s32 $_size__tile_overlayer_lowered;
	s8 =	simm.s32 $_tile_overlayer_lowered  }
0x9d: {  	s22 =	simm.s32 $0x1BFF;
	s21 =	sshll.u32 s8, $0x1;
	s5 =	sadd.s32 s6, s19  }
0x9e: {  	s9 =	simm.s32 $0x0;
	s20 =	sshll.u32 s7, $0x1;
	s7 =	sadd.s32 s21, s5  }
0x9f: {  	[timem:s9], [sflag:s22] =	dma.local [hbm:s7], s20  }
0xa0: {  	_ =	swait.ge [sflag:s22], s20  }
0xa1: {  	s6 =	ssub.s32 $0x0, s20;
	[sflag:s22] =	ssyncset.done $0x0  }
0xa2: {  	[sflag:s22] =	ssyncadd.s32 s6;
	_ =	sdelay $0x1  }
0xa3: {  	s23 =	simm.s32 $0x1B8B  }
0xa4: {  	_ =	swait.ge [sflag:s23], $0x1  }
0xa5: {  	[sflag:s23] =	ssyncset.done $0x0  }
0xa6: {  	s25 =	simm.s32 $0x1B8E;
	s24 =	sld [smem:$0x3FFE];
	[sflag:s23] =	ssyncadd.s32 $0xFFFFFFFF  }
0xa7: {  	s26 =	simm.s32 $execute0_lowered;
	[smem:$0x3FD2] =	sst s25  }
0xa8: {  	s7 =	sshll.u32 s26, $0x1;
	_ =	strace $0x80000046;
	[dreg:$0x1] =	wrdreg $0xFFFFFFFF  }
0xa9: {  	s28 =	simm.s32 $_size_execute0_lowered;
	s5 =	sadd.s32 s5, s7;
	[dreg:$0x0] =	wrdreg $0x0  }
0xaa: {  	s7 =	sshll.u32 s28, $0x1;
	[dreg:$0x2] =	wrdreg s5  }
0xab: {  	[dreg:$0x3] =	wrdreg s7  }
0xac: {  	[dreg:$0x4] =	wrdreg $0xC0  }
0xad: {  	_ =	task [dreg:s9], $0x5FFFF  }
0xae: {  	[dreg:$0x1] =	wrdreg $0xFFFFFFFF  }
0xaf: {  	[dreg:$0x0] =	wrdreg $0x60  }
0xb0: {  	[dreg:$0x2] =	wrdreg s18  }
0xb1: {  	[dreg:$0x3] =	wrdreg s24  }
0xb2: {  	[dreg:$0x4] =	wrdreg s2  }
0xb3: {  	[dreg:$0x5] =	wrdreg s4  }
0xb4: {  	[dreg:$0x6] =	wrdreg $0x9  }
0xb5: {  	_ =	task.clear_ibuf [dreg:s9], $0x7FFFF;
	_ =	strace $0x90000046  }
0xb6: {  	s29 =	simm.s32 $0x9;
	_ =	strace $0x80000048  }
0xb7: {  	_ =	swait.ge [sflag:s29], $0x1  }
0xb8: {  	[sflag:s29] =	ssyncadd.s32 $0xFFFFFFFF  }
0xb9: {  	_ =	strace $0x90000048  }
0xba: {  	_ =	sfence  }
0xbb: {  	s30 =	sld [smem:$0x0];
	_ =	sdelay $0x2  }
0xbc: {  	s31 =	sshll.u32 s1, $0xD;
	s1 =	sshrl.u32 s1, $0x2  }
0xbd: {  	s3 =	sand.u32 $0x4000, s31;
	s1 =	sadd.s32 s1, s30  }
0xbe: {  	s0 =	sor.u32 s3, s0;
	s1 =	sshll.u32 s1, $0x11  }
0xbf: {  	s0 =	sor.u32 s1, s0  }
0xc0: {  	s0 =	sadd.s32 $0x8F2B, s0  }
0xc1: {  	[sflag:s0] =	ssyncadd.remote.s32 $0x1  }
0xc2: {  	_ =	sfence.sel $0xFFFF  }
0xc3: {  	[dreg:$0x0] =	wrdreg $0xFFFFFFFF;
	(pc) =	sbr.abs _section_cstart, $3  }
0xc4: {  	[dreg:$0x1] =	wrdreg $0xFFFFFFFF  }
0xc5: {  	_ =	task.clear_ibuf [dreg:s9], $0x2FFFF;
	_ =	strace $0x9FFFFFFF  }
0xc6: {  	(tm) =	ssettm $0x7FFFFFFF  }
0xc7: {  	_ =	shalt  }
tec
execute0_lowered:
.L_overlay_start_1:
0x0: {  	(tag) =	ssettag $0x1  }
0x1: {  	s0 =	rddreg [dreg:$0x1]  }
0x2: {  	s3 =	rddreg [dreg:$0x2];
	s1 =	srdreg.scid  }
0x3: {  	s2 =	stileid.u32;
	s4 =	rddreg [dreg:$0x3];
	s5 =	simm.s32 $0x0  }
0x4: {  	s8 =	simm.s32 $0x7C40;
	s12 =	simm.s32 $0x2;
	s13 =	simm.s32 $0x4000  }
0x5: {  	s14 =	simm.s32 $0x7A1400;
	s15 =	simm.s32 $0x800;
	s16 =	simm.s32 $0xBC80  }
0x6: {  	s17 =	simm.s32 $0xFC80;
	s18 =	simm.s32 $0xFD00;
	s19 =	simm.s32 $0xFD80  }
0x7: {  	s20 =	simm.s32 $0x80;
	s21 =	simm.s32 $0xFE80;
	s22 =	simm.s32 $0x1  }
0x8: {  	s23 =	simm.s32 $0x13E80;
	s24 =	simm.s32 $0xDC80;
	s25 =	simm.s32 $0x0  }
0x9: {  	s1 =	sand.u32 $0x1, s1;
	s2 =	sshll.u32 s2, $0x1;
	[smem:$0x7FF] =	sst s5  }
0xa: {  	s7 =	sadd.s32 $0x1200, s0;
	s11 =	sadd.s32 $0xE00, s0;
	s0 =	sadd.s32 $0x41200, s0  }
.Ltmp0:
0xb: {  	v2 =	vimm.s32 $0xFFFFFFFF;
	v3 =	vlaneseq.u32;
	v4 =	vimm.s32 $0x0;
	s2 =	sor.u32 s1, s2;
	s1 =	ssub.s32 $0x2, s1;
	(pc) =	sbr.rel .LBB2_1-.Ltmp0, $4  }
0xc: {  	vm0 =	vmmov $0x1;
	vm8 =	vcmask $0x2320;
	vm9 =	vcmask $0x2724;
	_ =	strace $0x80000047;
	s6 =	smul.u32 $0x7A00, s2;
	p0 =	seq.s32 s2, $0x1F  }
0xd: {  	vm10 =	vcmask $0x2B28;
	vm11 =	vcmask $0x2F2C;
	vm12 =	vcmask $0x3330;
	[dreg:$0x5] =	wrdreg s11;
	s9 =	sshrl.u32 s1, $0x1;
	s8 =	simm.s32 @!p0 $0x7A00  }
0xe: {  	vm13 =	vcmask $0x3734;
	vm14 =	vcmask $0x3B38;
	vm15 =	vcmask $0x3F3C;
	[dreg:$0x6] =	wrdreg s0;
	s1 =	ssub.s32 s1, s9;
	s10 =	sadd.s32 s6, s8  }
0xf: {  	v5 =	vor.u32 $0xFFFFFF80, v3;
	p0 =	sne.s32 s2, $0x1F;
	v0 =	vmov s6;
	s11 =	smax.u32 s1, $0x1;
	v1 =	vmov s10;
	s10 =	sshrl.u32 s8, $0x8  }
.LBB2_38:
0x10: {  	s28 =	simm.s32 $0xFD80  }
.LBB2_42:
0x11: {  	_ =	sdelay $0x3  }
0x12: {  	s0 =	sadd.s32 @p1 $0x10, s28  }
0x13: {  	[tilespmem:v8+s24+$0x0] =	vst.idx.msk @p1 vm1, v9;
	s2 =	smov.u32 @p1 s0  }
0x14: {  	vm1 =	vlt.s32 v7, v6;
	v6 =	vshll.u32 v7, $0x7;
	v7 =	vld [tilespmem:s2+$0x0]  }
0x15: {  	v6 =	vnsel vm1, $0x0, v6;
	_ =	sdelay $0x3  }
0x16: {  	v7 =	vshll.u32 v7, $0x7  }
0x17: {  	v8 =	vld.idx.msk [tilespmem:v6+s21+$0x0], vm1;
	v7 =	vnsel vm1, $0x0, v7  }
0x18: {  	v57 =	vor.u32 $0x1, v6;
	_ =	sdelay $0x3  }
0x19: {  	[tilespmem:v7+s24+$0x0] =	vst.idx.msk vm1, v8  }
0x1a: {  	v58 =	vor.u32 $0x1, v7;
	v8 =	vld.idx.msk [tilespmem:v57+s21+$0x0], vm1  }
0x1b: {  	v10 =	vor.u32 $0x2, v6;
	_ =	sdelay $0x3  }
0x1c: {  	[tilespmem:v58+s24+$0x0] =	vst.idx.msk vm1, v8  }
0x1d: {  	v59 =	vor.u32 $0x2, v7;
	v8 =	vld.idx.msk [tilespmem:v10+s21+$0x0], vm1  }
0x1e: {  	v60 =	vor.u32 $0x3, v6;
	_ =	sdelay $0x3  }
0x1f: {  	[tilespmem:v59+s24+$0x0] =	vst.idx.msk vm1, v8  }
0x20: {  	v61 =	vor.u32 $0x3, v7;
	v8 =	vld.idx.msk [tilespmem:v60+s21+$0x0], vm1  }
0x21: {  	v62 =	vor.u32 $0x4, v6;
	_ =	sdelay $0x3  }
0x22: {  	[tilespmem:v61+s24+$0x0] =	vst.idx.msk vm1, v8  }
0x23: {  	v63 =	vor.u32 $0x4, v7;
	v8 =	vld.idx.msk [tilespmem:v62+s21+$0x0], vm1  }
0x24: {  	v12 =	vor.u32 $0x5, v6;
	_ =	sdelay $0x3  }
0x25: {  	[tilespmem:v63+s24+$0x0] =	vst.idx.msk vm1, v8  }
0x26: {  	v13 =	vor.u32 $0x5, v7;
	v8 =	vld.idx.msk [tilespmem:v12+s21+$0x0], vm1  }
0x27: {  	v14 =	vor.u32 $0x6, v6;
	_ =	sdelay $0x3  }
0x28: {  	[tilespmem:v13+s24+$0x0] =	vst.idx.msk vm1, v8  }
0x29: {  	v15 =	vor.u32 $0x6, v7;
	v8 =	vld.idx.msk [tilespmem:v14+s21+$0x0], vm1  }
0x2a: {  	v16 =	vor.u32 $0x7, v6;
	_ =	sdelay $0x3  }
0x2b: {  	[tilespmem:v15+s24+$0x0] =	vst.idx.msk vm1, v8  }
0x2c: {  	v17 =	vor.u32 $0x7, v7;
	v8 =	vld.idx.msk [tilespmem:v16+s21+$0x0], vm1  }
0x2d: {  	v18 =	vor.u32 $0x8, v6;
	_ =	sdelay $0x3  }
0x2e: {  	[tilespmem:v17+s24+$0x0] =	vst.idx.msk vm1, v8  }
0x2f: {  	v19 =	vor.u32 $0x8, v7;
	v8 =	vld.idx.msk [tilespmem:v18+s21+$0x0], vm1  }
0x30: {  	v20 =	vor.u32 $0x9, v6;
	_ =	sdelay $0x3  }
0x31: {  	[tilespmem:v19+s24+$0x0] =	vst.idx.msk vm1, v8  }
0x32: {  	v21 =	vor.u32 $0x9, v7;
	v8 =	vld.idx.msk [tilespmem:v20+s21+$0x0], vm1  }
0x33: {  	v22 =	vor.u32 $0xA, v6;
	_ =	sdelay $0x3  }
0x34: {  	[tilespmem:v21+s24+$0x0] =	vst.idx.msk vm1, v8  }
0x35: {  	v23 =	vor.u32 $0xA, v7;
	v8 =	vld.idx.msk [tilespmem:v22+s21+$0x0], vm1  }
0x36: {  	v24 =	vor.u32 $0xB, v6;
	_ =	sdelay $0x3  }
0x37: {  	[tilespmem:v23+s24+$0x0] =	vst.idx.msk vm1, v8  }
0x38: {  	v25 =	vor.u32 $0xB, v7;
	v8 =	vld.idx.msk [tilespmem:v24+s21+$0x0], vm1  }
0x39: {  	v26 =	vor.u32 $0xC, v6;
	_ =	sdelay $0x3  }
0x3a: {  	[tilespmem:v25+s24+$0x0] =	vst.idx.msk vm1, v8  }
0x3b: {  	v27 =	vor.u32 $0xC, v7;
	v8 =	vld.idx.msk [tilespmem:v26+s21+$0x0], vm1  }
0x3c: {  	v28 =	vor.u32 $0xD, v6;
	_ =	sdelay $0x3  }
0x3d: {  	[tilespmem:v27+s24+$0x0] =	vst.idx.msk vm1, v8  }
0x3e: {  	v29 =	vor.u32 $0xD, v7;
	v8 =	vld.idx.msk [tilespmem:v28+s21+$0x0], vm1  }
0x3f: {  	v30 =	vor.u32 $0xE, v6;
	_ =	sdelay $0x3  }
0x40: {  	[tilespmem:v29+s24+$0x0] =	vst.idx.msk vm1, v8  }
0x41: {  	v31 =	vor.u32 $0xE, v7;
	v8 =	vld.idx.msk [tilespmem:v30+s21+$0x0], vm1  }
0x42: {  	v32 =	vor.u32 $0xF, v6;
	_ =	sdelay $0x3  }
0x43: {  	[tilespmem:v31+s24+$0x0] =	vst.idx.msk vm1, v8  }
0x44: {  	v33 =	vor.u32 $0xF, v7;
	v8 =	vld.idx.msk [tilespmem:v32+s21+$0x0], vm1  }
0x45: {  	v34 =	vor.u32 $0x10, v6;
	_ =	sdelay $0x3  }
0x46: {  	[tilespmem:v33+s24+$0x0] =	vst.idx.msk vm1, v8  }
0x47: {  	v35 =	vor.u32 $0x10, v7;
	v8 =	vld.idx.msk [tilespmem:v34+s21+$0x0], vm1  }
0x48: {  	v36 =	vor.u32 $0x11, v6;
	_ =	sdelay $0x3  }
0x49: {  	[tilespmem:v35+s24+$0x0] =	vst.idx.msk vm1, v8  }
0x4a: {  	v37 =	vor.u32 $0x11, v7;
	v8 =	vld.idx.msk [tilespmem:v36+s21+$0x0], vm1  }
0x4b: {  	v38 =	vor.u32 $0x12, v6;
	_ =	sdelay $0x3  }
0x4c: {  	[tilespmem:v37+s24+$0x0] =	vst.idx.msk vm1, v8  }
0x4d: {  	v39 =	vor.u32 $0x12, v7;
	v8 =	vld.idx.msk [tilespmem:v38+s21+$0x0], vm1  }
0x4e: {  	v40 =	vor.u32 $0x13, v6;
	_ =	sdelay $0x3  }
0x4f: {  	[tilespmem:v39+s24+$0x0] =	vst.idx.msk vm1, v8  }
0x50: {  	v41 =	vor.u32 $0x13, v7;
	v8 =	vld.idx.msk [tilespmem:v40+s21+$0x0], vm1  }
0x51: {  	v42 =	vor.u32 $0x14, v6;
	_ =	sdelay $0x3  }
0x52: {  	[tilespmem:v41+s24+$0x0] =	vst.idx.msk vm1, v8  }
0x53: {  	v43 =	vor.u32 $0x14, v7;
	v8 =	vld.idx.msk [tilespmem:v42+s21+$0x0], vm1  }
0x54: {  	v44 =	vor.u32 $0x15, v6;
	_ =	sdelay $0x3  }
0x55: {  	[tilespmem:v43+s24+$0x0] =	vst.idx.msk vm1, v8  }
0x56: {  	v45 =	vor.u32 $0x15, v7;
	v8 =	vld.idx.msk [tilespmem:v44+s21+$0x0], vm1  }
0x57: {  	v46 =	vor.u32 $0x16, v6;
	_ =	sdelay $0x3  }
0x58: {  	[tilespmem:v45+s24+$0x0] =	vst.idx.msk vm1, v8  }
0x59: {  	v47 =	vor.u32 $0x16, v7;
	v8 =	vld.idx.msk [tilespmem:v46+s21+$0x0], vm1  }
0x5a: {  	v48 =	vor.u32 $0x17, v6;
	_ =	sdelay $0x3  }
0x5b: {  	[tilespmem:v47+s24+$0x0] =	vst.idx.msk vm1, v8  }
0x5c: {  	v49 =	vor.u32 $0x17, v7;
	v8 =	vld.idx.msk [tilespmem:v48+s21+$0x0], vm1  }
0x5d: {  	v50 =	vor.u32 $0x18, v6;
	_ =	sdelay $0x3  }
0x5e: {  	[tilespmem:v49+s24+$0x0] =	vst.idx.msk vm1, v8  }
0x5f: {  	v51 =	vor.u32 $0x18, v7;
	v8 =	vld.idx.msk [tilespmem:v50+s21+$0x0], vm1  }
0x60: {  	v52 =	vor.u32 $0x19, v6;
	_ =	sdelay $0x3  }
0x61: {  	[tilespmem:v51+s24+$0x0] =	vst.idx.msk vm1, v8  }
0x62: {  	v53 =	vor.u32 $0x19, v7;
	v8 =	vld.idx.msk [tilespmem:v52+s21+$0x0], vm1  }
0x63: {  	v54 =	vor.u32 $0x1A, v6;
	_ =	sdelay $0x3  }
0x64: {  	[tilespmem:v53+s24+$0x0] =	vst.idx.msk vm1, v8  }
0x65: {  	v55 =	vor.u32 $0x1A, v7;
	v8 =	vld.idx.msk [tilespmem:v54+s21+$0x0], vm1  }
0x66: {  	v56 =	vor.u32 $0x1B, v6;
	_ =	sdelay $0x3  }
0x67: {  	[tilespmem:v55+s24+$0x0] =	vst.idx.msk vm1, v8  }
0x68: {  	v57 =	vor.u32 $0x1B, v7;
	v8 =	vld.idx.msk [tilespmem:v56+s21+$0x0], vm1  }
0x69: {  	v58 =	vor.u32 $0x1C, v6;
	_ =	sdelay $0x3  }
0x6a: {  	[tilespmem:v57+s24+$0x0] =	vst.idx.msk vm1, v8  }
0x6b: {  	v59 =	vor.u32 $0x1C, v7;
	v8 =	vld.idx.msk [tilespmem:v58+s21+$0x0], vm1  }
0x6c: {  	v60 =	vor.u32 $0x1D, v6;
	_ =	sdelay $0x3  }
0x6d: {  	[tilespmem:v59+s24+$0x0] =	vst.idx.msk vm1, v8  }
0x6e: {  	v61 =	vor.u32 $0x1D, v7;
	v8 =	vld.idx.msk [tilespmem:v60+s21+$0x0], vm1  }
0x6f: {  	v62 =	vor.u32 $0x1E, v6;
	_ =	sdelay $0x3  }
0x70: {  	[tilespmem:v61+s24+$0x0] =	vst.idx.msk vm1, v8  }
0x71: {  	v63 =	vor.u32 $0x1E, v7;
	v8 =	vld.idx.msk [tilespmem:v62+s21+$0x0], vm1  }
0x72: {  	v6 =	vor.u32 $0x1F, v6;
	_ =	sdelay $0x3  }
0x73: {  	[tilespmem:v63+s24+$0x0] =	vst.idx.msk vm1, v8  }
0x74: {  	v7 =	vor.u32 $0x1F, v7;
	v6 =	vld.idx.msk [tilespmem:v6+s21+$0x0], vm1;
	_ =	sdelay $0x4  }
0x75: {  	[tilespmem:v7+s24+$0x0] =	vst.idx.msk vm1, v6  }
.LBB2_43:
0x76: {  	s0 =	rddreg [dreg:$0x6]  }
0x77: {  	[hbm4b:s0+s5] =	stream.linear.scatter [tilespmem:s24], [sflag:$0x2], $0x2000, $0x38;
	[tilespmem:$0x17E80] =	vst v63  }
0x78: {  	_ =	swait.ge [sflag:s12], $0x2000  }
0x79: {  	[sflag:s12] =	ssyncset.done $0x0  }
0x7a: {  	[sflag:s12] =	ssyncadd.s32 $0xFFFFE000  }
.LBB2_44:
0x7b: {  	s25 =	sadd.s32 $0x1, s25  }
0x7c: {  	p1 =	sne.s32 s25, s11  }
.Ltmp1:
0x7d: {  	_ = 	snop;
	(pc) =	sbr.rel @!p1 .LBB2_45-.Ltmp1, $1  }
0x7e: {  	_ =	sdelay $0x3  }
.LBB2_1:
0x7f: {  	s0 =	rddreg [dreg:$0x0]  }
0x80: {  	[tilespmem:s5], [sflag:$0x2] =	stream.linear.gather [hbm4b:s0+s5], $0x4000, $0x38;
	[tilespmem:$0x17E80] =	vst v63  }
0x81: {  	_ =	swait.ge [sflag:s12], $0x4000  }
0x82: {  	[sflag:s12] =	ssyncset.done $0x0  }
0x83: {  	s0 =	simm.s32 $0x0;
	[sflag:s12] =	ssyncadd.s32 $0xFFFFC000  }
.LBB2_2:
0x84: {  	p1 =	sne.s32 s0, $0x1F0C0  }
.Ltmp2:
0x85: {  	_ = 	snop;
	(pc) =	sbr.rel @p1 .LBB2_2-.Ltmp2, $3  }
0x86: {  	_ =	sdelay $0x1  }
0x87: {  	s1 =	sshra.s32 s0, $0x2  }
0x88: {  	s0 =	sadd.s32 $0x40, s0;
	[tilespmem:s1+$0x4000] =	vst v2  }
.Ltmp3:
0x89: {  	(pc) =	sbr.rel .LBB2_4-.Ltmp3, $2  }
0x8a: {  	_ =	sdelay $0x2  }
0x8b: {  	s2 =	simm.s32 $0x0;
	s0 =	simm.s32 $0x0  }
.LBB2_7:
0x8c: {  	_ =	sdelay $0x4  }
0x8d: {  	[tilespmem:v7+s13+$0x0] =	vst.idx.msk vm1, v6  }
.LBB2_8:
0x8e: {  	s0 =	sadd.s32 $0x10, s0  }
0x8f: {  	p1 =	sne.s32 s0, $0x4000  }
.Ltmp4:
0x90: {  	_ = 	snop;
	(pc) =	sbr.rel @!p1 .LBB2_9-.Ltmp4, $2  }
0x91: {  	_ =	sdelay $0x2  }
0x92: {  	s2 =	sadd.s32 $0x10, s2;
	s26 =	simm.s32 $0x0  }
.LBB2_4:
0x93: {  	v6 =	vld [tilespmem:s2+$0x0];
	_ =	sdelay $0x4  }
0x94: {  	vm1 =	vge.s32 v6, v0;
	vm2 =	vlt.s32 v6, v1  }
0x95: {  	vm1 =	vmand vm1, vm2  }
0x96: {  	v7 =	vsel vm1, $0x1, v4  }
0x97: {  	(xrf0) =	vadd.scan.msk.s32 $0xffff, v7;
	_ =	sdelay $0x5  }
0x98: {  	v7, _, _ =	vpop (xrf0)  }
0x99: {  	(v2sf) =	vpush v7, $0xF;
	_ =	sdelay $0xe  }
0x9a: {  	s1 =	spop (v2sf)  }
0x9b: {  	p1 =	seq.s32 s1, $0x1  }
.Ltmp5:
0x9c: {  	_ = 	snop;
	(pc) =	sbr.rel @p1 .LBB2_7-.Ltmp5, $3  }
0x9d: {  	_ =	sdelay $0x1  }
0x9e: {  	v7 =	vsub.s32 v6, v0  }
0x9f: {  	v6 =	vor.u32 s0, v3;
	v7 =	vnsel vm1, $0x0, v7  }
0xa0: {  	p1 =	slt.s32 s1, $0x2  }
.Ltmp6:
0xa1: {  	_ = 	snop;
	(pc) =	sbr.rel @p1 .LBB2_8-.Ltmp6, $1  }
0xa2: {  	_ =	sdelay $0x3  }
0xa3: {  	vm2 =	vmand vm1, vm0;
	vm3 =	vcmask $0x704  }
0xa4: {  	vm3 =	vmand vm1, vm3  }
0xa5: {  	vm4 =	vcmask $0xB08  }
0xa6: {  	vm5 =	vcmask $0xF0C;
	vm4 =	vmand vm1, vm4  }
0xa7: {  	vm6 =	vcmask $0x1310;
	vm5 =	vmand vm1, vm5  }
0xa8: {  	vm7 =	vcmask $0x1714;
	vm6 =	vmand vm1, vm6  }
0xa9: {  	vm7 =	vmand vm1, vm7;
	[tilespmem:v7+s13+$0x0] =	vst.idx.msk vm2, v6;
	vm2 =	vcmask $0x1B18  }
0xaa: {  	vm2 =	vmand vm1, vm2;
	[tilespmem:v7+s13+$0x0] =	vst.idx.msk vm3, v6;
	vm3 =	vcmask $0x1F1C  }
0xab: {  	vm3 =	vmand vm1, vm3  }
0xac: {  	[tilespmem:v7+s13+$0x0] =	vst.idx.msk vm4, v6;
	vm4 =	vmand vm1, vm8  }
0xad: {  	[tilespmem:v7+s13+$0x0] =	vst.idx.msk vm5, v6;
	vm5 =	vmand vm1, vm9  }
0xae: {  	[tilespmem:v7+s13+$0x0] =	vst.idx.msk vm6, v6;
	vm6 =	vmand vm1, vm10  }
0xaf: {  	[tilespmem:v7+s13+$0x0] =	vst.idx.msk vm7, v6;
	vm7 =	vmand vm1, vm11  }
0xb0: {  	[tilespmem:v7+s13+$0x0] =	vst.idx.msk vm2, v6;
	vm2 =	vmand vm1, vm12  }
0xb1: {  	[tilespmem:v7+s13+$0x0] =	vst.idx.msk vm3, v6;
	vm3 =	vmand vm1, vm13  }
0xb2: {  	[tilespmem:v7+s13+$0x0] =	vst.idx.msk vm4, v6;
	vm4 =	vmand vm1, vm14  }
0xb3: {  	[tilespmem:v7+s13+$0x0] =	vst.idx.msk vm5, v6  }
.Ltmp7:
0xb4: {  	[tilespmem:v7+s13+$0x0] =	vst.idx.msk vm6, v6;
	(pc) =	sbr.rel .LBB2_7-.Ltmp7, $4  }
0xb5: {  	[tilespmem:v7+s13+$0x0] =	vst.idx.msk vm7, v6  }
0xb6: {  	[tilespmem:v7+s13+$0x0] =	vst.idx.msk vm2, v6  }
0xb7: {  	[tilespmem:v7+s13+$0x0] =	vst.idx.msk vm3, v6  }
0xb8: {  	vm1 =	vmand vm1, vm15;
	[tilespmem:v7+s13+$0x0] =	vst.idx.msk vm4, v6  }
.LBB2_9:
.Ltmp8:
0xb9: {  	(pc) =	sbr.rel .LBB2_10-.Ltmp8, $2  }
0xba: {  	_ =	sdelay $0x2  }
0xbb: {  	s28 =	simm.s32 $0x0  }
.LBB2_26:
0xbc: {  	_ =	sdelay $0x4  }
0xbd: {  	v6 =	vld.idx.msk [tilespmem:v11+s23+$0x0], vm2  }
0xbe: {  	v55 =	vadd.s32 $0x1A00, v9  }
0xbf: {  	v12 =	vor.u32 $0x1D, v8  }
0xc0: {  	v13 =	vor.u32 $0x1D, v7;
	_ =	sdelay $0x1  }
0xc1: {  	v6 =	vsel vm4, v10, v6  }
0xc2: {  	[tilespmem:v55+s16+$0x0] =	vst.idx.msk vm1, v6  }
0xc3: {  	v6 =	vld.idx.msk [tilespmem:v12+s21+$0x0], vm3  }
0xc4: {  	v56 =	vld.idx.msk [tilespmem:v13+s23+$0x0], vm2  }
0xc5: {  	v57 =	vadd.s32 $0x1A80, v9  }
0xc6: {  	v58 =	vor.u32 $0x1E, v8  }
0xc7: {  	v59 =	vor.u32 $0x1E, v7;
	_ =	sdelay $0x1  }
0xc8: {  	v6 =	vsel vm4, v6, v56  }
0xc9: {  	[tilespmem:v57+s16+$0x0] =	vst.idx.msk vm1, v6  }
0xca: {  	v6 =	vld.idx.msk [tilespmem:v58+s21+$0x0], vm3  }
0xcb: {  	v60 =	vld.idx.msk [tilespmem:v59+s23+$0x0], vm2  }
0xcc: {  	v61 =	vadd.s32 $0x1B00, v9  }
0xcd: {  	v62 =	vor.u32 $0x1F, v8  }
0xce: {  	v7 =	vor.u32 $0x1F, v7;
	_ =	sdelay $0x1  }
0xcf: {  	v6 =	vsel vm4, v6, v60  }
0xd0: {  	[tilespmem:v61+s16+$0x0] =	vst.idx.msk vm1, v6  }
0xd1: {  	v6 =	vld.idx.msk [tilespmem:v62+s21+$0x0], vm3  }
0xd2: {  	v7 =	vld.idx.msk [tilespmem:v7+s23+$0x0], vm2  }
0xd3: {  	v63 =	vadd.s32 $0x1B80, v9;
	_ =	sdelay $0x3  }
0xd4: {  	v6 =	vsel vm4, v6, v7  }
0xd5: {  	[tilespmem:v63+s16+$0x0] =	vst.idx.msk vm1, v6  }
.LBB2_27:
0xd6: {  	s28 =	sadd.s32 $0x1, s28  }
0xd7: {  	p1 =	sne.s32 s28, s10  }
.Ltmp9:
0xd8: {  	s0 =	sadd.s32 s4, s29;
	(pc) =	sbr.rel @!p1 .LBB2_28-.Ltmp9, $4  }
0xd9: {  	[hbm4b:s0+s15] =	stream.strided.scatter [tilespmem:s16], [sflag:$0x2], $0x2000, s14, s15, $0x38;
	[tilespmem:$0x17E80] =	vst v63  }
0xda: {  	_ =	swait.ge [sflag:s12], $0x2000  }
0xdb: {  	[sflag:s12] =	ssyncset.done $0x0  }
0xdc: {  	[sflag:s12] =	ssyncadd.s32 $0xFFFFE000  }
.LBB2_10:
0xdd: {  	s0 =	sshll.u32 s28, $0x8  }
0xde: {  	s29 =	sadd.s32 s6, s0  }
0xdf: {  	s1 =	sadd.s32 s3, s29  }
0xe0: {  	[tilespmem:s16], [sflag:$0x2] =	stream.strided.gather [hbm4b:s1+s15], $0x2000, s14, s15, $0x38;
	[tilespmem:$0x17E80] =	vst v63  }
0xe1: {  	s8 =	sand.u32 $0x80, s26;
	s30 =	sadd.s32 $0x4000, s0;
	_ =	swait.ge [sflag:s12], $0x2000  }
0xe2: {  	s9 =	sand.u32 $0x70, s26;
	s0 =	sadd.s32 s8, s30;
	[sflag:s12] =	ssyncset.done $0x0  }
0xe3: {  	s0 =	sadd.s32 s9, s0;
	[sflag:s12] =	ssyncadd.s32 $0xFFFFE000  }
0xe4: {  	v6 =	vld [tilespmem:s0+$0x0];
	_ =	sdelay $0x4  }
0xe5: {  	vm1 =	vgt.s32 v6, $0xFFFFFFFF  }
0xe6: {  	v7 =	vsel vm1, $0x1, v4  }
0xe7: {  	(xrf0) =	vadd.scan.msk.s32 $0xffff, v7;
	_ =	sdelay $0x5  }
0xe8: {  	v7, _, _ =	vpop (xrf0)  }
0xe9: {  	v8 =	vadd.s32 s26, v7;
	(v2sf) =	vpush v7, $0xF  }
0xea: {  	v9 =	vadd.s32 $0xFFFFFFFF, v8  }
0xeb: {  	vm2 =	vlt.s32 v9, $0x80  }
0xec: {  	vm3 =	vmand vm1, vm2;
	vm2 =	vgt.s32 v9, $0x7F  }
0xed: {  	v8 =	vadd.s32 $0xFFFFFF7F, v8;
	v10 =	vnsel vm3, $0x0, v9;
	vm2 =	vmand vm1, vm2  }
0xee: {  	v8 =	vnsel vm2, $0x0, v8  }
0xef: {  	v7 =	vnsel vm1, $0x0, v9;
	_ =	sdelay $0x1  }
0xf0: {  	s2 =	simm.s32 $0x10;
	s31 =	simm.s32 $0x0  }
0xf1: {  	s8 =	sand.u32 $0x80, s2;
	s1 =	simm.s32 $0x0;
	s0 =	simm.s32 $0x20;
	[tilespmem:v10+s17+$0x0] =	vst.idx.msk vm3, v6  }
.LBB2_11:
0xf2: {  	p1 =	sne.s32 s0, $0xF0;
	s9 =	sand.u32 $0x70, s2;
	s8 =	sadd.s32 s8, s30;
	[tilespmem:v8+s18+$0x0] =	vst.idx.msk vm2, v6;
	v6 =	vor.u32 s1, v3  }
0xf3: {  	s1 =	smov.u32 s2;
	s2 =	smov.u32 s0;
	s8 =	sadd.s32 s9, s8;
	[tilespmem:v7+s19+$0x0] =	vst.idx.msk vm1, v6  }
0xf4: {  	v6 =	vld [tilespmem:s8+$0x0];
	_ =	sdelay $0x2  }
0xf5: {  	s8 =	spop (v2sf)  }
0xf6: {  	s31 =	sadd.s32 s31, s8  }
0xf7: {  	vm1 =	vgt.s32 v6, $0xFFFFFFFF  }
0xf8: {  	v7 =	vsel vm1, $0x1, v4  }
0xf9: {  	(xrf0) =	vadd.scan.msk.s32 $0xffff, v7;
	_ =	sdelay $0x5  }
0xfa: {  	v7, _, _ =	vpop (xrf0)  }
0xfb: {  	v8 =	vadd.s32 s31, v7;
	(v2sf) =	vpush v7, $0xF  }
0xfc: {  	v9 =	vadd.s32 $0xFFFFFFFF, v8;
	v8 =	vadd.s32 $0xFFFFFF7F, v8  }
0xfd: {  	vm2 =	vlt.s32 v9, $0x80;
	vm3 =	vgt.s32 v9, $0x7F;
	v7 =	vnsel vm1, $0x0, v9  }
0xfe: {  	vm4 =	vmand vm1, vm2;
	vm2 =	vmand vm1, vm3  }
0xff: {  	v9 =	vnsel vm4, $0x0, v9;
	v8 =	vnsel vm2, $0x0, v8  }
.Ltmp10:
0x100: {  	(pc) =	sbr.rel @p1 .LBB2_11-.Ltmp10, $2  }
0x101: {  	_ =	sdelay $0x2  }
0x102: {  	s0 =	sadd.s32 $0x10, s0;
	s8 =	sand.u32 $0x80, s2;
	[tilespmem:v9+s17+$0x0] =	vst.idx.msk vm4, v6  }
0x103: {  	_ =	sdelay $0x4  }
0x104: {  	s0 =	sand.u32 $0x70, s2;
	s8 =	sadd.s32 s8, s30;
	[tilespmem:v8+s18+$0x0] =	vst.idx.msk vm2, v6;
	v6 =	vor.u32 s1, v3  }
0x105: {  	s0 =	sadd.s32 s0, s8;
	[tilespmem:v7+s19+$0x0] =	vst.idx.msk vm1, v6  }
0x106: {  	v6 =	vld [tilespmem:s0+$0x0];
	_ =	sdelay $0x4  }
0x107: {  	vm1 =	vgt.s32 v6, $0xFFFFFFFF  }
0x108: {  	v7 =	vsel vm1, $0x1, v4  }
0x109: {  	(xrf0) =	vadd.scan.msk.s32 $0xffff, v7;
	_ =	sdelay $0x5  }
0x10a: {  	v7, _, _ =	vpop (xrf0)  }
0x10b: {  	(v2sf) =	vpush v7, $0xF;
	_ =	sdelay $0x8  }
0x10c: {  	s9 =	spop (v2sf)  }
0x10d: {  	s0 =	sadd.s32 s31, s9  }
0x10e: {  	v7 =	vadd.s32 s0, v7  }
0x10f: {  	v63 =	vadd.s32 $0xFFFFFFFF, v7  }
0x110: {  	vm2 =	vlt.s32 v63, $0x80  }
0x111: {  	vm3 =	vgt.s32 v63, $0x7F;
	vm2 =	vmand vm1, vm2  }
0x112: {  	v7 =	vadd.s32 $0xFFFFFF7F, v7;
	vm3 =	vmand vm1, vm3;
	v9 =	vnsel vm2, $0x0, v63;
	s31 =	spop (v2sf)  }
0x113: {  	v7 =	vnsel vm3, $0x0, v7;
	s30 =	sadd.s32 s0, s31  }
0x114: {  	v8 =	vnsel vm1, $0x0, v63;
	p1 =	slt.s32 s30, $0x1  }
.Ltmp11:
0x115: {  	_ = 	snop;
	(pc) =	sbr.rel @p1 .LBB2_27-.Ltmp11, $4  }
0x116: {  	_ = 	snop  }
0x117: {  	[tilespmem:v9+s17+$0x0] =	vst.idx.msk vm2, v6  }
0x118: {  	[tilespmem:v7+s18+$0x0] =	vst.idx.msk vm3, v6;
	v6 =	vor.u32 s2, v3  }
0x119: {  	[tilespmem:v8+s19+$0x0] =	vst.idx.msk vm1, v6  }
0x11a: {  	p1 =	sgt.u32 s30, $0x7F  }
.Ltmp12:
0x11b: {  	_ = 	snop;
	(pc) =	sbr.rel @p1 .LBB2_17-.Ltmp12, $2  }
0x11c: {  	v7 =	vld.msk [tilespmem:s17+$0x0], $0xffff;
	_ =	sdelay $0x2  }
0x11d: {  	v6 =	vmov s30  }
0x11e: {  	s0 =	sshrl.u32 s30, $0x4  }
0x11f: {  	s1 =	sand.u32 $0xFFFFFFF0, s30;
	s0 =	ssub.s32 $0x8, s0  }
0x120: {  	v8 =	vor.u32 s1, v3;
	p1 =	sne.s32 s0, $0x1  }
.Ltmp13:
0x121: {  	vm1 =	vge.s32 v8, v6;
	(pc) =	sbr.rel @!p1 .LBB2_16-.Ltmp13, $2  }
0x122: {  	_ =	sdelay $0x2  }
0x123: {  	s1 =	sadd.s32 $0x10, s1;
	s0 =	sadd.s32 $0xFFFFFFFF, s0  }
.LBB2_15:
0x124: {  	v9 =	vor.u32 s1, v3;
	p1 =	sne.s32 s0, $0x1;
	s0 =	sadd.s32 $0xFFFFFFFF, s0  }
.Ltmp14:
0x125: {  	[tilespmem:v8+s17+$0x0] =	vst.idx.msk vm1, v7;
	vm1 =	vge.s32 v9, v6;
	v8 =	vmov v9;
	(pc) =	sbr.rel @p1 .LBB2_15-.Ltmp14, $2  }
0x126: {  	_ =	sdelay $0x2  }
0x127: {  	s1 =	sadd.s32 $0x10, s1  }
.LBB2_16:
0x128: {  	_ =	sdelay $0x4  }
0x129: {  	[tilespmem:v8+s17+$0x0] =	vst.idx.msk vm1, v7  }
.LBB2_17:
0x12a: {  	p1 =	slt.u32 s30, $0x81  }
.Ltmp15:
0x12b: {  	_ = 	snop;
	(pc) =	sbr.rel @p1 .LBB2_23-.Ltmp15, $4  }
0x12c: {  	[tilespmem:s21], [sflag:$0x1] =	stream.indirect.gather [hbm4b:s7+s20], $0x80, s17, s20, $0xb8;
	[tilespmem:$0x17E80] =	vst v63  }
0x12d: {  	_ =	swait.ge [sflag:s22], $0x4000  }
0x12e: {  	[sflag:s22] =	ssyncset.done $0x0  }
0x12f: {  	[sflag:s22] =	ssyncadd.s32 $0xFFFFC000  }
0x130: {  	p1 =	sgt.s32 s30, $0xFF  }
.Ltmp16:
0x131: {  	_ = 	snop;
	(pc) =	sbr.rel @p1 .LBB2_22-.Ltmp16, $1  }
0x132: {  	_ =	sdelay $0x3  }
0x133: {  	s0 =	sadd.s32 $0xFFFFFF80, s30  }
0x134: {  	s1 =	sshrl.u32 s0, $0x4;
	s0 =	sand.u32 $0xFFFFFFF0, s0  }
0x135: {  	s1 =	ssub.s32 $0x8, s1;
	s2 =	sadd.s32 $0x80, s0  }
0x136: {  	v8 =	vor.u32 s2, v3;
	p1 =	sne.s32 s1, $0x1  }
.Ltmp17:
0x137: {  	vm1 =	vge.s32 v8, v6;
	(pc) =	sbr.rel @!p1 .LBB2_21-.Ltmp17, $2  }
0x138: {  	v8 =	vadd.s32 s2, v5;
	_ =	sdelay $0x2  }
0x139: {  	s0 =	sadd.s32 $0xFFFFFFFF, s1;
	s1 =	sadd.s32 $0x10, s2  }
.LBB2_20:
0x13a: {  	v9 =	vor.u32 s1, v3;
	p1 =	sne.s32 s0, $0x1;
	s0 =	sadd.s32 $0xFFFFFFFF, s0  }
.Ltmp18:
0x13b: {  	[tilespmem:v8+s18+$0x0] =	vst.idx.msk vm1, v7;
	vm1 =	vge.s32 v9, v6;
	(pc) =	sbr.rel @p1 .LBB2_20-.Ltmp18, $2  }
0x13c: {  	v8 =	vadd.s32 s1, v5;
	_ =	sdelay $0x2  }
0x13d: {  	s1 =	sadd.s32 $0x10, s1  }
.LBB2_21:
0x13e: {  	_ =	sdelay $0x4  }
0x13f: {  	[tilespmem:v8+s18+$0x0] =	vst.idx.msk vm1, v7  }
.LBB2_22:
0x140: {  	[tilespmem:s23], [sflag:$0x1] =	stream.indirect.gather [hbm4b:s7+s20], $0x80, s18, s20, $0xb8;
	[tilespmem:$0x17E80] =	vst v63  }
0x141: {  	_ =	swait.ge [sflag:s22], $0x4000  }
0x142: {  	[sflag:s22] =	ssyncset.done $0x0  }
0x143: {  	[sflag:s22] =	ssyncadd.s32 $0xFFFFC000  }
.LBB2_23:
0x144: {  	s0 =	sadd.s32 $0xF, s30  }
0x145: {  	s1 =	sand.u32 $0xF, s0  }
0x146: {  	s2 =	sshra.s32 s0, $0x1F;
	p1 =	slt.s32 s0, $0x0;
	p2 =	sne.s32 s1, $0x0  }
0x147: {  	s31 =	sshrl.u32 s2, $0x1C;
	p1 =	por !p1, !p2  }
0x148: {  	s1 =	simm.s32 $0x1;
	s0 =	sadd.s32 s31, s0;
	p1 =	por !p1, !p1  }
0x149: {  	s0 =	sshra.s32 s0, $0x4;
	s1 =	simm.s32 @!p1 $0x0  }
0x14a: {  	s2 =	ssub.s32 s0, s1  }
0x14b: {  	p1 =	slt.s32 s2, $0x1  }
.Ltmp19:
0x14c: {  	_ = 	snop;
	(pc) =	sbr.rel @p1 .LBB2_27-.Ltmp19, $1  }
0x14d: {  	_ =	sdelay $0x3  }
0x14e: {  	s30 =	simm.s32 $0x0  }
0x14f: {  	v7 =	vor.u32 s30, v3  }
0x150: {  	vm1 =	vlt.s32 v7, v6  }
0x151: {  	v8 =	vnsel vm1, $0x0, v7  }
0x152: {  	s31 =	simm.s32 $0xFD80;
	v7 =	vshll.u32 v7, $0x7;
	vm4 =	vlt.s32 v8, $0x80  }
0x153: {  	v9 =	vld [tilespmem:s31+$0x0];
	vm2 =	vgt.s32 v8, $0x7F;
	v8 =	vshll.u32 v8, $0x7;
	vm3 =	vmand vm1, vm4  }
0x154: {  	vm2 =	vmand vm1, vm2;
	v10 =	vadd.s32 $0xFFFFC000, v8;
	v8 =	vnsel vm3, $0x0, v7  }
0x155: {  	v7 =	vnsel vm2, $0x0, v10;
	_ =	sdelay $0x1  }
0x156: {  	vm1 =	vmmov vm1  }
0x157: {  	v9 =	vnsel vm1, $0x0, v9  }
0x158: {  	v11 =	vshll.u32 v9, $0x3;
	v10 =	vld.idx.msk [tilespmem:v8+s21+$0x0], vm3  }
0x159: {  	v9 =	vand.u32 $0x7F, v9;
	v11 =	vand.u32 $0xFFFFFC00, v11;
	v12 =	vld.idx.msk [tilespmem:v7+s23+$0x0], vm2  }
0x15a: {  	v9 =	vor.u32 v9, v11  }
0x15b: {  	v11 =	vor.u32 $0x1, v8  }
0x15c: {  	v13 =	vor.u32 $0x1, v7  }
0x15d: {  	vm4 =	vmmov vm4  }
0x15e: {  	v10 =	vsel vm4, v10, v12  }
0x15f: {  	[tilespmem:v9+s16+$0x0] =	vst.idx.msk vm1, v10  }
0x160: {  	v10 =	vld.idx.msk [tilespmem:v11+s21+$0x0], vm3  }
0x161: {  	v11 =	vld.idx.msk [tilespmem:v13+s23+$0x0], vm2  }
0x162: {  	v33 =	vor.u32 $0x80, v9  }
0x163: {  	v34 =	vor.u32 $0x2, v8  }
0x164: {  	v14 =	vor.u32 $0x2, v7;
	_ =	sdelay $0x1  }
0x165: {  	v10 =	vsel vm4, v10, v11  }
0x166: {  	[tilespmem:v33+s16+$0x0] =	vst.idx.msk vm1, v10  }
0x167: {  	v10 =	vld.idx.msk [tilespmem:v34+s21+$0x0], vm3  }
0x168: {  	v11 =	vld.idx.msk [tilespmem:v14+s23+$0x0], vm2  }
0x169: {  	v35 =	vor.u32 $0x100, v9  }
0x16a: {  	v36 =	vor.u32 $0x3, v8  }
0x16b: {  	v37 =	vor.u32 $0x3, v7;
	_ =	sdelay $0x1  }
0x16c: {  	v10 =	vsel vm4, v10, v11  }
0x16d: {  	[tilespmem:v35+s16+$0x0] =	vst.idx.msk vm1, v10  }
0x16e: {  	v10 =	vld.idx.msk [tilespmem:v36+s21+$0x0], vm3  }
0x16f: {  	v11 =	vld.idx.msk [tilespmem:v37+s23+$0x0], vm2  }
0x170: {  	v38 =	vor.u32 $0x180, v9  }
0x171: {  	v39 =	vor.u32 $0x4, v8  }
0x172: {  	v40 =	vor.u32 $0x4, v7;
	_ =	sdelay $0x1  }
0x173: {  	v10 =	vsel vm4, v10, v11  }
0x174: {  	[tilespmem:v38+s16+$0x0] =	vst.idx.msk vm1, v10  }
0x175: {  	v10 =	vld.idx.msk [tilespmem:v39+s21+$0x0], vm3  }
0x176: {  	v11 =	vld.idx.msk [tilespmem:v40+s23+$0x0], vm2  }
0x177: {  	v41 =	vor.u32 $0x200, v9  }
0x178: {  	v42 =	vor.u32 $0x5, v8  }
0x179: {  	v43 =	vor.u32 $0x5, v7;
	_ =	sdelay $0x1  }
0x17a: {  	v10 =	vsel vm4, v10, v11  }
0x17b: {  	[tilespmem:v41+s16+$0x0] =	vst.idx.msk vm1, v10  }
0x17c: {  	v10 =	vld.idx.msk [tilespmem:v42+s21+$0x0], vm3  }
0x17d: {  	v11 =	vld.idx.msk [tilespmem:v43+s23+$0x0], vm2  }
0x17e: {  	v44 =	vor.u32 $0x280, v9  }
0x17f: {  	v45 =	vor.u32 $0x6, v8  }
0x180: {  	v46 =	vor.u32 $0x6, v7;
	_ =	sdelay $0x1  }
0x181: {  	v10 =	vsel vm4, v10, v11  }
0x182: {  	[tilespmem:v44+s16+$0x0] =	vst.idx.msk vm1, v10  }
0x183: {  	v10 =	vld.idx.msk [tilespmem:v45+s21+$0x0], vm3  }
0x184: {  	v11 =	vld.idx.msk [tilespmem:v46+s23+$0x0], vm2  }
0x185: {  	v47 =	vor.u32 $0x300, v9  }
0x186: {  	v48 =	vor.u32 $0x7, v8  }
0x187: {  	v49 =	vor.u32 $0x7, v7;
	_ =	sdelay $0x1  }
0x188: {  	v10 =	vsel vm4, v10, v11  }
0x189: {  	[tilespmem:v47+s16+$0x0] =	vst.idx.msk vm1, v10  }
0x18a: {  	v10 =	vld.idx.msk [tilespmem:v48+s21+$0x0], vm3  }
0x18b: {  	v11 =	vld.idx.msk [tilespmem:v49+s23+$0x0], vm2  }
0x18c: {  	v50 =	vor.u32 $0x380, v9  }
0x18d: {  	v51 =	vor.u32 $0x8, v8  }
0x18e: {  	v52 =	vor.u32 $0x8, v7;
	_ =	sdelay $0x1  }
0x18f: {  	v10 =	vsel vm4, v10, v11  }
0x190: {  	[tilespmem:v50+s16+$0x0] =	vst.idx.msk vm1, v10  }
0x191: {  	v10 =	vld.idx.msk [tilespmem:v51+s21+$0x0], vm3  }
0x192: {  	v11 =	vld.idx.msk [tilespmem:v52+s23+$0x0], vm2  }
0x193: {  	v53 =	vadd.s32 $0x800, v9  }
0x194: {  	v54 =	vor.u32 $0x9, v8  }
0x195: {  	v55 =	vor.u32 $0x9, v7;
	_ =	sdelay $0x1  }
0x196: {  	v10 =	vsel vm4, v10, v11  }
0x197: {  	[tilespmem:v53+s16+$0x0] =	vst.idx.msk vm1, v10  }
0x198: {  	v10 =	vld.idx.msk [tilespmem:v54+s21+$0x0], vm3  }
0x199: {  	v11 =	vld.idx.msk [tilespmem:v55+s23+$0x0], vm2  }
0x19a: {  	v56 =	vadd.s32 $0x880, v9  }
0x19b: {  	v57 =	vor.u32 $0xA, v8  }
0x19c: {  	v58 =	vor.u32 $0xA, v7;
	_ =	sdelay $0x1  }
0x19d: {  	v10 =	vsel vm4, v10, v11  }
0x19e: {  	[tilespmem:v56+s16+$0x0] =	vst.idx.msk vm1, v10  }
0x19f: {  	v10 =	vld.idx.msk [tilespmem:v57+s21+$0x0], vm3  }
0x1a0: {  	v11 =	vld.idx.msk [tilespmem:v58+s23+$0x0], vm2  }
0x1a1: {  	v59 =	vadd.s32 $0x900, v9  }
0x1a2: {  	v60 =	vor.u32 $0xB, v8  }
0x1a3: {  	v61 =	vor.u32 $0xB, v7;
	_ =	sdelay $0x1  }
0x1a4: {  	v10 =	vsel vm4, v10, v11  }
0x1a5: {  	[tilespmem:v59+s16+$0x0] =	vst.idx.msk vm1, v10  }
0x1a6: {  	v10 =	vld.idx.msk [tilespmem:v60+s21+$0x0], vm3  }
0x1a7: {  	v11 =	vld.idx.msk [tilespmem:v61+s23+$0x0], vm2  }
0x1a8: {  	v62 =	vadd.s32 $0x980, v9  }
0x1a9: {  	v63 =	vor.u32 $0xC, v8  }
0x1aa: {  	v16 =	vor.u32 $0xC, v7;
	_ =	sdelay $0x1  }
0x1ab: {  	v10 =	vsel vm4, v10, v11  }
0x1ac: {  	[tilespmem:v62+s16+$0x0] =	vst.idx.msk vm1, v10  }
0x1ad: {  	v10 =	vld.idx.msk [tilespmem:v63+s21+$0x0], vm3  }
0x1ae: {  	v11 =	vld.idx.msk [tilespmem:v16+s23+$0x0], vm2  }
0x1af: {  	v17 =	vadd.s32 $0xA00, v9  }
0x1b0: {  	v18 =	vor.u32 $0xD, v8  }
0x1b1: {  	v19 =	vor.u32 $0xD, v7;
	_ =	sdelay $0x1  }
0x1b2: {  	v10 =	vsel vm4, v10, v11  }
0x1b3: {  	[tilespmem:v17+s16+$0x0] =	vst.idx.msk vm1, v10  }
0x1b4: {  	v10 =	vld.idx.msk [tilespmem:v18+s21+$0x0], vm3  }
0x1b5: {  	v11 =	vld.idx.msk [tilespmem:v19+s23+$0x0], vm2  }
0x1b6: {  	v20 =	vadd.s32 $0xA80, v9  }
0x1b7: {  	v21 =	vor.u32 $0xE, v8  }
0x1b8: {  	v22 =	vor.u32 $0xE, v7;
	_ =	sdelay $0x1  }
0x1b9: {  	v10 =	vsel vm4, v10, v11  }
0x1ba: {  	[tilespmem:v20+s16+$0x0] =	vst.idx.msk vm1, v10  }
0x1bb: {  	v10 =	vld.idx.msk [tilespmem:v21+s21+$0x0], vm3  }
0x1bc: {  	v11 =	vld.idx.msk [tilespmem:v22+s23+$0x0], vm2  }
0x1bd: {  	v23 =	vadd.s32 $0xB00, v9  }
0x1be: {  	v24 =	vor.u32 $0xF, v8  }
0x1bf: {  	v25 =	vor.u32 $0xF, v7;
	_ =	sdelay $0x1  }
0x1c0: {  	v10 =	vsel vm4, v10, v11  }
0x1c1: {  	[tilespmem:v23+s16+$0x0] =	vst.idx.msk vm1, v10  }
0x1c2: {  	v10 =	vld.idx.msk [tilespmem:v24+s21+$0x0], vm3  }
0x1c3: {  	v11 =	vld.idx.msk [tilespmem:v25+s23+$0x0], vm2  }
0x1c4: {  	v26 =	vadd.s32 $0xB80, v9  }
0x1c5: {  	v27 =	vor.u32 $0x10, v8  }
0x1c6: {  	v28 =	vor.u32 $0x10, v7;
	_ =	sdelay $0x1  }
0x1c7: {  	v10 =	vsel vm4, v10, v11  }
0x1c8: {  	[tilespmem:v26+s16+$0x0] =	vst.idx.msk vm1, v10  }
0x1c9: {  	v10 =	vld.idx.msk [tilespmem:v27+s21+$0x0], vm3  }
0x1ca: {  	v11 =	vld.idx.msk [tilespmem:v28+s23+$0x0], vm2  }
0x1cb: {  	v29 =	vadd.s32 $0x1000, v9  }
0x1cc: {  	v30 =	vor.u32 $0x11, v8  }
0x1cd: {  	v31 =	vor.u32 $0x11, v7;
	_ =	sdelay $0x1  }
0x1ce: {  	v10 =	vsel vm4, v10, v11  }
0x1cf: {  	[tilespmem:v29+s16+$0x0] =	vst.idx.msk vm1, v10  }
0x1d0: {  	v10 =	vld.idx.msk [tilespmem:v30+s21+$0x0], vm3  }
0x1d1: {  	v11 =	vld.idx.msk [tilespmem:v31+s23+$0x0], vm2  }
0x1d2: {  	v32 =	vadd.s32 $0x1080, v9  }
0x1d3: {  	v33 =	vor.u32 $0x12, v8  }
0x1d4: {  	v34 =	vor.u32 $0x12, v7;
	_ =	sdelay $0x1  }
0x1d5: {  	v10 =	vsel vm4, v10, v11  }
0x1d6: {  	[tilespmem:v32+s16+$0x0] =	vst.idx.msk vm1, v10  }
0x1d7: {  	v10 =	vld.idx.msk [tilespmem:v33+s21+$0x0], vm3  }
0x1d8: {  	v11 =	vld.idx.msk [tilespmem:v34+s23+$0x0], vm2  }
0x1d9: {  	v35 =	vadd.s32 $0x1100, v9  }
0x1da: {  	v36 =	vor.u32 $0x13, v8  }
0x1db: {  	v37 =	vor.u32 $0x13, v7;
	_ =	sdelay $0x1  }
0x1dc: {  	v10 =	vsel vm4, v10, v11  }
0x1dd: {  	[tilespmem:v35+s16+$0x0] =	vst.idx.msk vm1, v10  }
0x1de: {  	v10 =	vld.idx.msk [tilespmem:v36+s21+$0x0], vm3  }
0x1df: {  	v11 =	vld.idx.msk [tilespmem:v37+s23+$0x0], vm2  }
0x1e0: {  	v38 =	vadd.s32 $0x1180, v9  }
0x1e1: {  	v39 =	vor.u32 $0x14, v8  }
0x1e2: {  	v40 =	vor.u32 $0x14, v7;
	_ =	sdelay $0x1  }
0x1e3: {  	v10 =	vsel vm4, v10, v11  }
0x1e4: {  	[tilespmem:v38+s16+$0x0] =	vst.idx.msk vm1, v10  }
0x1e5: {  	v10 =	vld.idx.msk [tilespmem:v39+s21+$0x0], vm3  }
0x1e6: {  	v11 =	vld.idx.msk [tilespmem:v40+s23+$0x0], vm2  }
0x1e7: {  	v41 =	vadd.s32 $0x1200, v9  }
0x1e8: {  	v42 =	vor.u32 $0x15, v8  }
0x1e9: {  	v43 =	vor.u32 $0x15, v7;
	_ =	sdelay $0x1  }
0x1ea: {  	v10 =	vsel vm4, v10, v11  }
0x1eb: {  	[tilespmem:v41+s16+$0x0] =	vst.idx.msk vm1, v10  }
0x1ec: {  	v10 =	vld.idx.msk [tilespmem:v42+s21+$0x0], vm3  }
0x1ed: {  	v11 =	vld.idx.msk [tilespmem:v43+s23+$0x0], vm2  }
0x1ee: {  	v44 =	vadd.s32 $0x1280, v9  }
0x1ef: {  	v45 =	vor.u32 $0x16, v8  }
0x1f0: {  	v46 =	vor.u32 $0x16, v7;
	_ =	sdelay $0x1  }
0x1f1: {  	v10 =	vsel vm4, v10, v11  }
0x1f2: {  	[tilespmem:v44+s16+$0x0] =	vst.idx.msk vm1, v10  }
0x1f3: {  	v10 =	vld.idx.msk [tilespmem:v45+s21+$0x0], vm3  }
0x1f4: {  	v11 =	vld.idx.msk [tilespmem:v46+s23+$0x0], vm2  }
0x1f5: {  	v47 =	vadd.s32 $0x1300, v9  }
0x1f6: {  	v48 =	vor.u32 $0x17, v8  }
0x1f7: {  	v49 =	vor.u32 $0x17, v7;
	_ =	sdelay $0x1  }
0x1f8: {  	v10 =	vsel vm4, v10, v11  }
0x1f9: {  	[tilespmem:v47+s16+$0x0] =	vst.idx.msk vm1, v10  }
0x1fa: {  	v10 =	vld.idx.msk [tilespmem:v48+s21+$0x0], vm3  }
0x1fb: {  	v11 =	vld.idx.msk [tilespmem:v49+s23+$0x0], vm2  }
0x1fc: {  	v50 =	vadd.s32 $0x1380, v9  }
0x1fd: {  	v51 =	vor.u32 $0x18, v8  }
0x1fe: {  	v52 =	vor.u32 $0x18, v7;
	_ =	sdelay $0x1  }
0x1ff: {  	v10 =	vsel vm4, v10, v11  }
0x200: {  	[tilespmem:v50+s16+$0x0] =	vst.idx.msk vm1, v10  }
0x201: {  	v10 =	vld.idx.msk [tilespmem:v51+s21+$0x0], vm3  }
0x202: {  	v11 =	vld.idx.msk [tilespmem:v52+s23+$0x0], vm2  }
0x203: {  	v53 =	vadd.s32 $0x1800, v9  }
0x204: {  	v54 =	vor.u32 $0x19, v8  }
0x205: {  	v55 =	vor.u32 $0x19, v7;
	_ =	sdelay $0x1  }
0x206: {  	v10 =	vsel vm4, v10, v11  }
0x207: {  	[tilespmem:v53+s16+$0x0] =	vst.idx.msk vm1, v10  }
0x208: {  	v10 =	vld.idx.msk [tilespmem:v54+s21+$0x0], vm3  }
0x209: {  	v11 =	vld.idx.msk [tilespmem:v55+s23+$0x0], vm2  }
0x20a: {  	v56 =	vadd.s32 $0x1880, v9  }
0x20b: {  	v57 =	vor.u32 $0x1A, v8  }
0x20c: {  	v58 =	vor.u32 $0x1A, v7;
	_ =	sdelay $0x1  }
0x20d: {  	v10 =	vsel vm4, v10, v11  }
0x20e: {  	[tilespmem:v56+s16+$0x0] =	vst.idx.msk vm1, v10  }
0x20f: {  	v10 =	vld.idx.msk [tilespmem:v57+s21+$0x0], vm3  }
0x210: {  	v11 =	vld.idx.msk [tilespmem:v58+s23+$0x0], vm2  }
0x211: {  	v59 =	vadd.s32 $0x1900, v9  }
0x212: {  	v60 =	vor.u32 $0x1B, v8  }
0x213: {  	v61 =	vor.u32 $0x1B, v7;
	_ =	sdelay $0x1  }
0x214: {  	v10 =	vsel vm4, v10, v11  }
0x215: {  	[tilespmem:v59+s16+$0x0] =	vst.idx.msk vm1, v10  }
0x216: {  	v10 =	vld.idx.msk [tilespmem:v60+s21+$0x0], vm3  }
0x217: {  	v11 =	vld.idx.msk [tilespmem:v61+s23+$0x0], vm2;
	_ =	sdelay $0x2  }
0x218: {  	v62 =	vadd.s32 $0x1980, v9  }
0x219: {  	p1 =	sne.s32 s2, $0x1;
	v63 =	vor.u32 $0x1C, v8  }
.Ltmp20:
0x21a: {  	v10 =	vsel vm4, v10, v11;
	v11 =	vor.u32 $0x1C, v7;
	(pc) =	sbr.rel @!p1 .LBB2_26-.Ltmp20, $3  }
0x21b: {  	_ =	sdelay $0x1  }
0x21c: {  	[tilespmem:v62+s16+$0x0] =	vst.idx.msk vm1, v10  }
0x21d: {  	s2 =	sadd.s32 $0xFFFFFFFF, s2;
	v10 =	vld.idx.msk [tilespmem:v63+s21+$0x0], vm3  }
.LBB2_25:
0x21e: {  	p1 =	sne.s32 s2, $0x1;
	v11 =	vld.idx.msk [tilespmem:v11+s23+$0x0], vm2;
	s31 =	sadd.s32 $0x10, s31;
	s30 =	sadd.s32 $0x10, s30  }
0x21f: {  	s2 =	sadd.s32 $0xFFFFFFFF, s2  }
0x220: {  	v12 =	vadd.s32 $0x1A00, v9  }
0x221: {  	v13 =	vor.u32 $0x1D, v8  }
0x222: {  	v14 =	vor.u32 $0x1D, v7;
	_ =	sdelay $0x1  }
0x223: {  	v10 =	vsel vm4, v10, v11  }
0x224: {  	[tilespmem:v12+s16+$0x0] =	vst.idx.msk vm1, v10  }
0x225: {  	v10 =	vld.idx.msk [tilespmem:v13+s21+$0x0], vm3  }
0x226: {  	v11 =	vld.idx.msk [tilespmem:v14+s23+$0x0], vm2;
	_ =	sdelay $0x1  }
0x227: {  	v12 =	vadd.s32 $0x1A80, v9  }
0x228: {  	v13 =	vor.u32 $0x1E, v8  }
0x229: {  	v14 =	vor.u32 $0x1E, v7;
	_ =	sdelay $0x1  }
0x22a: {  	v10 =	vsel vm4, v10, v11  }
0x22b: {  	[tilespmem:v12+s16+$0x0] =	vst.idx.msk vm1, v10  }
0x22c: {  	v10 =	vld.idx.msk [tilespmem:v13+s21+$0x0], vm3  }
0x22d: {  	v11 =	vld.idx.msk [tilespmem:v14+s23+$0x0], vm2;
	_ =	sdelay $0x1  }
0x22e: {  	v12 =	vadd.s32 $0x1B00, v9  }
0x22f: {  	v8 =	vor.u32 $0x1F, v8  }
0x230: {  	v7 =	vor.u32 $0x1F, v7;
	_ =	sdelay $0x1  }
0x231: {  	v10 =	vsel vm4, v10, v11  }
0x232: {  	[tilespmem:v12+s16+$0x0] =	vst.idx.msk vm1, v10  }
0x233: {  	v10 =	vld.idx.msk [tilespmem:v8+s21+$0x0], vm3  }
0x234: {  	v11 =	vld.idx.msk [tilespmem:v7+s23+$0x0], vm2  }
0x235: {  	v7 =	vor.u32 s30, v3  }
0x236: {  	v9 =	vadd.s32 $0x1B80, v9;
	vm5 =	vlt.s32 v7, v6  }
0x237: {  	v8 =	vnsel vm5, $0x0, v7;
	v7 =	vshll.u32 v7, $0x7  }
0x238: {  	vm6 =	vlt.s32 v8, $0x80;
	vm2 =	vgt.s32 v8, $0x7F;
	v8 =	vshll.u32 v8, $0x7  }
0x239: {  	vm3 =	vmand vm5, vm6;
	vm2 =	vmand vm5, vm2;
	v12 =	vadd.s32 $0xFFFFC000, v8  }
0x23a: {  	v8 =	vnsel vm3, $0x0, v7;
	v7 =	vnsel vm2, $0x0, v12;
	v10 =	vsel vm4, v10, v11  }
0x23b: {  	vm4 =	vmmov vm6;
	[tilespmem:v9+s16+$0x0] =	vst.idx.msk vm1, v10;
	vm1 =	vmmov vm5  }
0x23c: {  	v9 =	vld [tilespmem:s31+$0x0];
	_ =	sdelay $0x2  }
0x23d: {  	v10 =	vld.idx.msk [tilespmem:v8+s21+$0x0], vm3  }
0x23e: {  	v11 =	vld.idx.msk [tilespmem:v7+s23+$0x0], vm2  }
0x23f: {  	v9 =	vnsel vm1, $0x0, v9  }
0x240: {  	v12 =	vand.u32 $0x7F, v9;
	v9 =	vshll.u32 v9, $0x3  }
0x241: {  	v9 =	vand.u32 $0xFFFFFC00, v9  }
0x242: {  	v9 =	vor.u32 v12, v9;
	v12 =	vor.u32 $0x1, v8  }
0x243: {  	v13 =	vor.u32 $0x1, v7  }
0x244: {  	v10 =	vsel vm4, v10, v11;
	_ =	sdelay $0x2  }
0x245: {  	[tilespmem:v9+s16+$0x0] =	vst.idx.msk vm5, v10  }
0x246: {  	v10 =	vld.idx.msk [tilespmem:v12+s21+$0x0], vm3  }
0x247: {  	v11 =	vld.idx.msk [tilespmem:v13+s23+$0x0], vm2  }
0x248: {  	v12 =	vor.u32 $0x80, v9;
	_ =	sdelay $0x1  }
0x249: {  	v13 =	vor.u32 $0x2, v8  }
0x24a: {  	v14 =	vor.u32 $0x2, v7;
	_ =	sdelay $0x1  }
0x24b: {  	v10 =	vsel vm4, v10, v11  }
0x24c: {  	[tilespmem:v12+s16+$0x0] =	vst.idx.msk vm5, v10  }
0x24d: {  	v10 =	vld.idx.msk [tilespmem:v13+s21+$0x0], vm3  }
0x24e: {  	v11 =	vld.idx.msk [tilespmem:v14+s23+$0x0], vm2  }
0x24f: {  	v12 =	vor.u32 $0x100, v9;
	_ =	sdelay $0x1  }
0x250: {  	v13 =	vor.u32 $0x3, v8  }
0x251: {  	v14 =	vor.u32 $0x3, v7;
	_ =	sdelay $0x1  }
0x252: {  	v10 =	vsel vm4, v10, v11  }
0x253: {  	[tilespmem:v12+s16+$0x0] =	vst.idx.msk vm1, v10  }
0x254: {  	v10 =	vld.idx.msk [tilespmem:v13+s21+$0x0], vm3  }
0x255: {  	v11 =	vld.idx.msk [tilespmem:v14+s23+$0x0], vm2;
	_ =	sdelay $0x1  }
0x256: {  	v12 =	vor.u32 $0x180, v9  }
0x257: {  	v13 =	vor.u32 $0x4, v8  }
0x258: {  	v14 =	vor.u32 $0x4, v7;
	_ =	sdelay $0x1  }
0x259: {  	v10 =	vsel vm4, v10, v11  }
0x25a: {  	[tilespmem:v12+s16+$0x0] =	vst.idx.msk vm1, v10  }
0x25b: {  	v10 =	vld.idx.msk [tilespmem:v13+s21+$0x0], vm3  }
0x25c: {  	v11 =	vld.idx.msk [tilespmem:v14+s23+$0x0], vm2;
	_ =	sdelay $0x1  }
0x25d: {  	v12 =	vor.u32 $0x200, v9  }
0x25e: {  	v13 =	vor.u32 $0x5, v8  }
0x25f: {  	v14 =	vor.u32 $0x5, v7;
	_ =	sdelay $0x1  }
0x260: {  	v10 =	vsel vm4, v10, v11  }
0x261: {  	[tilespmem:v12+s16+$0x0] =	vst.idx.msk vm1, v10  }
0x262: {  	v10 =	vld.idx.msk [tilespmem:v13+s21+$0x0], vm3  }
0x263: {  	v11 =	vld.idx.msk [tilespmem:v14+s23+$0x0], vm2;
	_ =	sdelay $0x1  }
0x264: {  	v12 =	vor.u32 $0x280, v9  }
0x265: {  	v13 =	vor.u32 $0x6, v8  }
0x266: {  	v14 =	vor.u32 $0x6, v7;
	_ =	sdelay $0x1  }
0x267: {  	v10 =	vsel vm4, v10, v11  }
0x268: {  	[tilespmem:v12+s16+$0x0] =	vst.idx.msk vm1, v10  }
0x269: {  	v10 =	vld.idx.msk [tilespmem:v13+s21+$0x0], vm3  }
0x26a: {  	v11 =	vld.idx.msk [tilespmem:v14+s23+$0x0], vm2;
	_ =	sdelay $0x1  }
0x26b: {  	v12 =	vor.u32 $0x300, v9  }
0x26c: {  	v13 =	vor.u32 $0x7, v8  }
0x26d: {  	v14 =	vor.u32 $0x7, v7;
	_ =	sdelay $0x1  }
0x26e: {  	v10 =	vsel vm4, v10, v11  }
0x26f: {  	[tilespmem:v12+s16+$0x0] =	vst.idx.msk vm1, v10  }
0x270: {  	v10 =	vld.idx.msk [tilespmem:v13+s21+$0x0], vm3  }
0x271: {  	v11 =	vld.idx.msk [tilespmem:v14+s23+$0x0], vm2;
	_ =	sdelay $0x1  }
0x272: {  	v12 =	vor.u32 $0x380, v9  }
0x273: {  	v13 =	vor.u32 $0x8, v8  }
0x274: {  	v14 =	vor.u32 $0x8, v7;
	_ =	sdelay $0x1  }
0x275: {  	v10 =	vsel vm4, v10, v11  }
0x276: {  	[tilespmem:v12+s16+$0x0] =	vst.idx.msk vm1, v10  }
0x277: {  	v10 =	vld.idx.msk [tilespmem:v13+s21+$0x0], vm3  }
0x278: {  	v11 =	vld.idx.msk [tilespmem:v14+s23+$0x0], vm2;
	_ =	sdelay $0x1  }
0x279: {  	v12 =	vadd.s32 $0x800, v9  }
0x27a: {  	v13 =	vor.u32 $0x9, v8  }
0x27b: {  	v14 =	vor.u32 $0x9, v7;
	_ =	sdelay $0x1  }
0x27c: {  	v10 =	vsel vm4, v10, v11  }
0x27d: {  	[tilespmem:v12+s16+$0x0] =	vst.idx.msk vm1, v10  }
0x27e: {  	v10 =	vld.idx.msk [tilespmem:v13+s21+$0x0], vm3  }
0x27f: {  	v11 =	vld.idx.msk [tilespmem:v14+s23+$0x0], vm2;
	_ =	sdelay $0x1  }
0x280: {  	v12 =	vadd.s32 $0x880, v9  }
0x281: {  	v13 =	vor.u32 $0xA, v8  }
0x282: {  	v14 =	vor.u32 $0xA, v7;
	_ =	sdelay $0x1  }
0x283: {  	v10 =	vsel vm4, v10, v11  }
0x284: {  	[tilespmem:v12+s16+$0x0] =	vst.idx.msk vm1, v10  }
0x285: {  	v10 =	vld.idx.msk [tilespmem:v13+s21+$0x0], vm3  }
0x286: {  	v11 =	vld.idx.msk [tilespmem:v14+s23+$0x0], vm2;
	_ =	sdelay $0x1  }
0x287: {  	v12 =	vadd.s32 $0x900, v9  }
0x288: {  	v13 =	vor.u32 $0xB, v8  }
0x289: {  	v14 =	vor.u32 $0xB, v7;
	_ =	sdelay $0x1  }
0x28a: {  	v10 =	vsel vm4, v10, v11  }
0x28b: {  	[tilespmem:v12+s16+$0x0] =	vst.idx.msk vm1, v10  }
0x28c: {  	v10 =	vld.idx.msk [tilespmem:v13+s21+$0x0], vm3  }
0x28d: {  	v11 =	vld.idx.msk [tilespmem:v14+s23+$0x0], vm2;
	_ =	sdelay $0x1  }
0x28e: {  	v12 =	vadd.s32 $0x980, v9  }
0x28f: {  	v13 =	vor.u32 $0xC, v8  }
0x290: {  	v14 =	vor.u32 $0xC, v7;
	_ =	sdelay $0x1  }
0x291: {  	v10 =	vsel vm4, v10, v11  }
0x292: {  	[tilespmem:v12+s16+$0x0] =	vst.idx.msk vm1, v10  }
0x293: {  	v10 =	vld.idx.msk [tilespmem:v13+s21+$0x0], vm3  }
0x294: {  	v11 =	vld.idx.msk [tilespmem:v14+s23+$0x0], vm2;
	_ =	sdelay $0x1  }
0x295: {  	v12 =	vadd.s32 $0xA00, v9  }
0x296: {  	v13 =	vor.u32 $0xD, v8  }
0x297: {  	v14 =	vor.u32 $0xD, v7;
	_ =	sdelay $0x1  }
0x298: {  	v10 =	vsel vm4, v10, v11  }
0x299: {  	[tilespmem:v12+s16+$0x0] =	vst.idx.msk vm1, v10  }
0x29a: {  	v10 =	vld.idx.msk [tilespmem:v13+s21+$0x0], vm3  }
0x29b: {  	v11 =	vld.idx.msk [tilespmem:v14+s23+$0x0], vm2;
	_ =	sdelay $0x1  }
0x29c: {  	v12 =	vadd.s32 $0xA80, v9  }
0x29d: {  	v13 =	vor.u32 $0xE, v8  }
0x29e: {  	v14 =	vor.u32 $0xE, v7;
	_ =	sdelay $0x1  }
0x29f: {  	v10 =	vsel vm4, v10, v11  }
0x2a0: {  	[tilespmem:v12+s16+$0x0] =	vst.idx.msk vm1, v10  }
0x2a1: {  	v10 =	vld.idx.msk [tilespmem:v13+s21+$0x0], vm3  }
0x2a2: {  	v11 =	vld.idx.msk [tilespmem:v14+s23+$0x0], vm2;
	_ =	sdelay $0x1  }
0x2a3: {  	v12 =	vadd.s32 $0xB00, v9  }
0x2a4: {  	v13 =	vor.u32 $0xF, v8  }
0x2a5: {  	v14 =	vor.u32 $0xF, v7;
	_ =	sdelay $0x1  }
0x2a6: {  	v10 =	vsel vm4, v10, v11  }
0x2a7: {  	[tilespmem:v12+s16+$0x0] =	vst.idx.msk vm1, v10  }
0x2a8: {  	v10 =	vld.idx.msk [tilespmem:v13+s21+$0x0], vm3  }
0x2a9: {  	v11 =	vld.idx.msk [tilespmem:v14+s23+$0x0], vm2;
	_ =	sdelay $0x1  }
0x2aa: {  	v12 =	vadd.s32 $0xB80, v9  }
0x2ab: {  	v13 =	vor.u32 $0x10, v8  }
0x2ac: {  	v14 =	vor.u32 $0x10, v7;
	_ =	sdelay $0x1  }
0x2ad: {  	v10 =	vsel vm4, v10, v11  }
0x2ae: {  	[tilespmem:v12+s16+$0x0] =	vst.idx.msk vm1, v10  }
0x2af: {  	v10 =	vld.idx.msk [tilespmem:v13+s21+$0x0], vm3  }
0x2b0: {  	v11 =	vld.idx.msk [tilespmem:v14+s23+$0x0], vm2;
	_ =	sdelay $0x1  }
0x2b1: {  	v12 =	vadd.s32 $0x1000, v9  }
0x2b2: {  	v13 =	vor.u32 $0x11, v8  }
0x2b3: {  	v14 =	vor.u32 $0x11, v7;
	_ =	sdelay $0x1  }
0x2b4: {  	v10 =	vsel vm4, v10, v11  }
0x2b5: {  	[tilespmem:v12+s16+$0x0] =	vst.idx.msk vm1, v10  }
0x2b6: {  	v10 =	vld.idx.msk [tilespmem:v13+s21+$0x0], vm3  }
0x2b7: {  	v11 =	vld.idx.msk [tilespmem:v14+s23+$0x0], vm2;
	_ =	sdelay $0x1  }
0x2b8: {  	v12 =	vadd.s32 $0x1080, v9  }
0x2b9: {  	v13 =	vor.u32 $0x12, v8  }
0x2ba: {  	v14 =	vor.u32 $0x12, v7;
	_ =	sdelay $0x1  }
0x2bb: {  	v10 =	vsel vm4, v10, v11  }
0x2bc: {  	[tilespmem:v12+s16+$0x0] =	vst.idx.msk vm1, v10  }
0x2bd: {  	v10 =	vld.idx.msk [tilespmem:v13+s21+$0x0], vm3  }
0x2be: {  	v11 =	vld.idx.msk [tilespmem:v14+s23+$0x0], vm2;
	_ =	sdelay $0x1  }
0x2bf: {  	v12 =	vadd.s32 $0x1100, v9  }
0x2c0: {  	v13 =	vor.u32 $0x13, v8  }
0x2c1: {  	v14 =	vor.u32 $0x13, v7;
	_ =	sdelay $0x1  }
0x2c2: {  	v10 =	vsel vm4, v10, v11  }
0x2c3: {  	[tilespmem:v12+s16+$0x0] =	vst.idx.msk vm1, v10  }
0x2c4: {  	v10 =	vld.idx.msk [tilespmem:v13+s21+$0x0], vm3  }
0x2c5: {  	v11 =	vld.idx.msk [tilespmem:v14+s23+$0x0], vm2;
	_ =	sdelay $0x1  }
0x2c6: {  	v12 =	vadd.s32 $0x1180, v9  }
0x2c7: {  	v13 =	vor.u32 $0x14, v8  }
0x2c8: {  	v14 =	vor.u32 $0x14, v7;
	_ =	sdelay $0x1  }
0x2c9: {  	v10 =	vsel vm4, v10, v11  }
0x2ca: {  	[tilespmem:v12+s16+$0x0] =	vst.idx.msk vm1, v10  }
0x2cb: {  	v10 =	vld.idx.msk [tilespmem:v13+s21+$0x0], vm3  }
0x2cc: {  	v11 =	vld.idx.msk [tilespmem:v14+s23+$0x0], vm2;
	_ =	sdelay $0x1  }
0x2cd: {  	v12 =	vadd.s32 $0x1200, v9  }
0x2ce: {  	v13 =	vor.u32 $0x15, v8  }
0x2cf: {  	v14 =	vor.u32 $0x15, v7;
	_ =	sdelay $0x1  }
0x2d0: {  	v10 =	vsel vm4, v10, v11  }
0x2d1: {  	[tilespmem:v12+s16+$0x0] =	vst.idx.msk vm1, v10  }
0x2d2: {  	v10 =	vld.idx.msk [tilespmem:v13+s21+$0x0], vm3  }
0x2d3: {  	v11 =	vld.idx.msk [tilespmem:v14+s23+$0x0], vm2;
	_ =	sdelay $0x1  }
0x2d4: {  	v12 =	vadd.s32 $0x1280, v9  }
0x2d5: {  	v13 =	vor.u32 $0x16, v8  }
0x2d6: {  	v14 =	vor.u32 $0x16, v7;
	_ =	sdelay $0x1  }
0x2d7: {  	v10 =	vsel vm4, v10, v11  }
0x2d8: {  	[tilespmem:v12+s16+$0x0] =	vst.idx.msk vm1, v10  }
0x2d9: {  	v10 =	vld.idx.msk [tilespmem:v13+s21+$0x0], vm3  }
0x2da: {  	v11 =	vld.idx.msk [tilespmem:v14+s23+$0x0], vm2;
	_ =	sdelay $0x1  }
0x2db: {  	v12 =	vadd.s32 $0x1300, v9  }
0x2dc: {  	v13 =	vor.u32 $0x17, v8  }
0x2dd: {  	v14 =	vor.u32 $0x17, v7;
	_ =	sdelay $0x1  }
0x2de: {  	v10 =	vsel vm4, v10, v11  }
0x2df: {  	[tilespmem:v12+s16+$0x0] =	vst.idx.msk vm1, v10  }
0x2e0: {  	v10 =	vld.idx.msk [tilespmem:v13+s21+$0x0], vm3  }
0x2e1: {  	v11 =	vld.idx.msk [tilespmem:v14+s23+$0x0], vm2;
	_ =	sdelay $0x1  }
0x2e2: {  	v12 =	vadd.s32 $0x1380, v9  }
0x2e3: {  	v13 =	vor.u32 $0x18, v8  }
0x2e4: {  	v14 =	vor.u32 $0x18, v7;
	_ =	sdelay $0x1  }
0x2e5: {  	v10 =	vsel vm4, v10, v11  }
0x2e6: {  	[tilespmem:v12+s16+$0x0] =	vst.idx.msk vm1, v10  }
0x2e7: {  	v10 =	vld.idx.msk [tilespmem:v13+s21+$0x0], vm3  }
0x2e8: {  	v11 =	vld.idx.msk [tilespmem:v14+s23+$0x0], vm2;
	_ =	sdelay $0x1  }
0x2e9: {  	v12 =	vadd.s32 $0x1800, v9  }
0x2ea: {  	v13 =	vor.u32 $0x19, v8  }
0x2eb: {  	v14 =	vor.u32 $0x19, v7;
	_ =	sdelay $0x1  }
0x2ec: {  	v10 =	vsel vm4, v10, v11  }
0x2ed: {  	[tilespmem:v12+s16+$0x0] =	vst.idx.msk vm1, v10  }
0x2ee: {  	v10 =	vld.idx.msk [tilespmem:v13+s21+$0x0], vm3  }
0x2ef: {  	v11 =	vld.idx.msk [tilespmem:v14+s23+$0x0], vm2;
	_ =	sdelay $0x1  }
0x2f0: {  	v12 =	vadd.s32 $0x1880, v9  }
0x2f1: {  	v13 =	vor.u32 $0x1A, v8  }
0x2f2: {  	v14 =	vor.u32 $0x1A, v7;
	_ =	sdelay $0x1  }
0x2f3: {  	v10 =	vsel vm4, v10, v11  }
0x2f4: {  	[tilespmem:v12+s16+$0x0] =	vst.idx.msk vm1, v10  }
0x2f5: {  	v10 =	vld.idx.msk [tilespmem:v13+s21+$0x0], vm3  }
0x2f6: {  	v11 =	vld.idx.msk [tilespmem:v14+s23+$0x0], vm2;
	_ =	sdelay $0x1  }
0x2f7: {  	v12 =	vadd.s32 $0x1900, v9  }
0x2f8: {  	v13 =	vor.u32 $0x1B, v8  }
0x2f9: {  	v14 =	vor.u32 $0x1B, v7;
	_ =	sdelay $0x1  }
0x2fa: {  	v10 =	vsel vm4, v10, v11  }
0x2fb: {  	[tilespmem:v12+s16+$0x0] =	vst.idx.msk vm1, v10  }
0x2fc: {  	v10 =	vld.idx.msk [tilespmem:v13+s21+$0x0], vm3  }
0x2fd: {  	v12 =	vld.idx.msk [tilespmem:v14+s23+$0x0], vm2;
	_ =	sdelay $0x1  }
0x2fe: {  	v13 =	vadd.s32 $0x1980, v9  }
0x2ff: {  	v14 =	vor.u32 $0x1C, v8  }
.Ltmp21:
0x300: {  	v11 =	vor.u32 $0x1C, v7;
	(pc) =	sbr.rel @p1 .LBB2_25-.Ltmp21, $4  }
0x301: {  	_ = 	snop  }
0x302: {  	v10 =	vsel vm4, v10, v12  }
0x303: {  	[tilespmem:v13+s16+$0x0] =	vst.idx.msk vm1, v10  }
0x304: {  	v10 =	vld.idx.msk [tilespmem:v14+s21+$0x0], vm3  }
.Ltmp22:
0x305: {  	_ = 	snop;
	(pc) =	sbr.rel .LBB2_26-.Ltmp22, $1  }
0x306: {  	_ =	sdelay $0x3  }
.LBB2_28:
.Ltmp23:
0x307: {  	(pc) =	sbr.rel @p0 .LBB2_44-.Ltmp23, $1  }
0x308: {  	_ =	sdelay $0x3  }
0x309: {  	s2 =	simm.s32 $0x0;
	s0 =	rddreg [dreg:$0x5]  }
0x30a: {  	[tilespmem:s24], [sflag:$0x2] =	stream.linear.gather [hbm4b:s0+s2], $0x2000, $0x38;
	[tilespmem:$0x17E80] =	vst v63  }
0x30b: {  	_ =	swait.ge [sflag:s12], $0x2000  }
0x30c: {  	[sflag:s12] =	ssyncset.done $0x0  }
0x30d: {  	s31 =	simm.s32 $0xBC00;
	[sflag:s12] =	ssyncadd.s32 $0xFFFFE000  }
0x30e: {  	v6 =	vld [tilespmem:s31+$0x0];
	_ =	sdelay $0x4  }
0x30f: {  	vm1 =	vgt.s32 v6, $0xFFFFFFFF  }
0x310: {  	v7 =	vsel vm1, $0x1, v4  }
0x311: {  	(xrf0) =	vadd.scan.msk.s32 $0xffff, v7;
	_ =	sdelay $0x2  }
0x312: {  	v7 =	vmov s2  }
0x313: {  	v7 =	vadd.s32 $0xFFFFFFFF, v7  }
0x314: {  	v7 =	vbroadcast v7, $0x0  }
0x315: {  	v8, _, _ =	vpop (xrf0)  }
0x316: {  	v7 =	vadd.s32 v8, v7;
	(v2sf) =	vpush v8, $0xF  }
0x317: {  	vm2 =	vlt.s32 v7, $0x80  }
0x318: {  	vm2 =	vmand vm1, vm2  }
0x319: {  	v9 =	vnsel vm2, $0x0, v7  }
0x31a: {  	v7 =	vnsel vm1, $0x0, v7;
	_ =	sdelay $0x3  }
0x31b: {  	[tilespmem:v9+s17+$0x0] =	vst.idx.msk vm2, v6;
	v6 =	vor.u32 s2, v3  }
0x31c: {  	s0 =	simm.s32 $0xBC10;
	[tilespmem:v7+s19+$0x0] =	vst.idx.msk vm1, v6  }
0x31d: {  	s26 =	simm.s32 $0x10;
	s1 =	simm.s32 $0x20;
	v6 =	vld [tilespmem:s0+$0x0]  }
.LBB2_30:
0x31e: {  	p1 =	sne.s32 s1, $0x30;
	_ =	sdelay $0x3  }
0x31f: {  	vm1 =	vgt.s32 v6, $0xFFFFFFFF;
	s8 =	spop (v2sf)  }
0x320: {  	v7 =	vsel vm1, $0x1, v4;
	s2 =	sadd.s32 s2, s8  }
0x321: {  	v8 =	vmov s2;
	(xrf0) =	vadd.scan.msk.s32 $0xffff, v7  }
0x322: {  	v7 =	vadd.s32 $0xFFFFFFFF, v8  }
0x323: {  	v7 =	vbroadcast v7, $0x0;
	_ =	sdelay $0x3  }
0x324: {  	v8, _, _ =	vpop (xrf0)  }
0x325: {  	v7 =	vadd.s32 v8, v7;
	(v2sf) =	vpush v8, $0xF  }
0x326: {  	vm2 =	vlt.s32 v7, $0x80;
	v8 =	vnsel vm1, $0x0, v7  }
0x327: {  	vm2 =	vmand vm1, vm2  }
0x328: {  	v7 =	vnsel vm2, $0x0, v7;
	_ =	sdelay $0x2  }
.Ltmp24:
0x329: {  	(pc) =	sbr.rel @p1 .LBB2_30-.Ltmp24, $4  }
0x32a: {  	_ = 	snop  }
0x32b: {  	[tilespmem:v7+s17+$0x0] =	vst.idx.msk vm2, v6;
	v6 =	vor.u32 s26, v3;
	s26 =	smov.u32 s1  }
0x32c: {  	s0 =	sadd.s32 $0x10, s0;
	[tilespmem:v8+s19+$0x0] =	vst.idx.msk vm1, v6  }
0x32d: {  	s1 =	sadd.s32 $0x10, s1;
	v6 =	vld [tilespmem:s0+$0x0]  }
0x32e: {  	_ =	sdelay $0x3  }
0x32f: {  	vm1 =	vgt.s32 v6, $0xFFFFFFFF  }
0x330: {  	v7 =	vsel vm1, $0x1, v4  }
0x331: {  	(xrf0) =	vadd.scan.msk.s32 $0xffff, v7;
	_ =	sdelay $0x5  }
0x332: {  	v7, _, _ =	vpop (xrf0)  }
0x333: {  	(v2sf) =	vpush v7, $0xF;
	_ =	sdelay $0x6  }
0x334: {  	s0 =	spop (v2sf)  }
0x335: {  	s0 =	sadd.s32 s2, s0  }
0x336: {  	v8 =	vmov s0  }
0x337: {  	v8 =	vadd.s32 $0xFFFFFFFF, v8  }
0x338: {  	v8 =	vbroadcast v8, $0x0;
	_ =	sdelay $0x1  }
0x339: {  	v7 =	vadd.s32 v7, v8  }
0x33a: {  	vm2 =	vlt.s32 v7, $0x80  }
0x33b: {  	vm2 =	vmand vm1, vm2;
	s1 =	spop (v2sf)  }
0x33c: {  	v8 =	vnsel vm2, $0x0, v7;
	s0 =	sadd.s32 s0, s1  }
0x33d: {  	v7 =	vnsel vm1, $0x0, v7;
	p1 =	slt.s32 s0, $0x1  }
.Ltmp25:
0x33e: {  	_ = 	snop;
	(pc) =	sbr.rel @p1 .LBB2_43-.Ltmp25, $3  }
0x33f: {  	_ =	sdelay $0x1  }
0x340: {  	[tilespmem:v8+s17+$0x0] =	vst.idx.msk vm2, v6;
	v6 =	vor.u32 s26, v3  }
0x341: {  	[tilespmem:v7+s19+$0x0] =	vst.idx.msk vm1, v6  }
0x342: {  	p1 =	sgt.u32 s0, $0x7F  }
.Ltmp26:
0x343: {  	_ = 	snop;
	(pc) =	sbr.rel @p1 .LBB2_36-.Ltmp26, $2  }
0x344: {  	_ =	sdelay $0x2  }
0x345: {  	v6 =	vmov s0  }
0x346: {  	s1 =	sshrl.u32 s0, $0x4  }
0x347: {  	s2 =	sand.u32 $0xFFFFFFF0, s0;
	s1 =	ssub.s32 $0x8, s1  }
0x348: {  	v7 =	vor.u32 s2, v3;
	p1 =	sne.s32 s1, $0x1  }
.Ltmp27:
0x349: {  	vm1 =	vge.s32 v7, v6;
	(pc) =	sbr.rel @!p1 .LBB2_35-.Ltmp27, $2  }
0x34a: {  	v8 =	vld.msk [tilespmem:s17+$0x0], $0xffff;
	_ =	sdelay $0x2  }
0x34b: {  	s2 =	sadd.s32 $0x10, s2;
	s1 =	sadd.s32 $0xFFFFFFFF, s1  }
.LBB2_34:
0x34c: {  	v9 =	vor.u32 s2, v3;
	p1 =	sne.s32 s1, $0x1;
	s1 =	sadd.s32 $0xFFFFFFFF, s1  }
.Ltmp28:
0x34d: {  	[tilespmem:v7+s17+$0x0] =	vst.idx.msk vm1, v8;
	vm1 =	vge.s32 v9, v6;
	v7 =	vmov v9;
	(pc) =	sbr.rel @p1 .LBB2_34-.Ltmp28, $2  }
0x34e: {  	_ =	sdelay $0x2  }
0x34f: {  	s2 =	sadd.s32 $0x10, s2  }
.LBB2_35:
0x350: {  	_ =	sdelay $0x4  }
0x351: {  	[tilespmem:v7+s17+$0x0] =	vst.idx.msk vm1, v8  }
.LBB2_36:
0x352: {  	s0 =	sadd.s32 $0xF, s0  }
0x353: {  	s1 =	sand.u32 $0xF, s0  }
0x354: {  	s31 =	sshra.s32 s0, $0x1F;
	p2 =	slt.s32 s0, $0x0;
	p1 =	sne.s32 s1, $0x0  }
0x355: {  	s1 =	sshrl.u32 s31, $0x1C;
	p1 =	por !p2, !p1  }
0x356: {  	s0 =	sadd.s32 s1, s0;
	s1 =	simm.s32 $0x1;
	p1 =	por !p1, !p1  }
0x357: {  	s0 =	sshra.s32 s0, $0x4;
	s1 =	simm.s32 @!p1 $0x0  }
0x358: {  	s0 =	ssub.s32 s0, s1  }
0x359: {  	p1 =	slt.s32 s0, $0x1  }
.Ltmp29:
0x35a: {  	_ = 	snop;
	(pc) =	sbr.rel @p1 .LBB2_43-.Ltmp29, $4  }
0x35b: {  	[tilespmem:s21], [sflag:$0x1] =	stream.indirect.gather [hbm4b:s7+s20], $0x80, s17, s20, $0xb8;
	[tilespmem:$0x17E80] =	vst v63  }
0x35c: {  	_ =	swait.ge [sflag:s22], $0x4000  }
0x35d: {  	[sflag:s22] =	ssyncset.done $0x0  }
0x35e: {  	[sflag:s22] =	ssyncadd.s32 $0xFFFFC000  }
0x35f: {  	p2 =	sne.s32 s0, $0x1  }
.Ltmp30:
0x360: {  	_ = 	snop;
	(pc) =	sbr.rel @!p2 .LBB2_38-.Ltmp30, $3  }
0x361: {  	_ =	sdelay $0x1  }
0x362: {  	s1 =	simm.s32 $0x0  }
0x363: {  	s2 =	simm.s32 $0xFD80;
	s28 =	sadd.s32 $0xFFFFFFFF, s0;
	p1 =	por $0x0, $0x0;
	v7 =	vor.u32 s1, v3  }
0x364: {  	vm1 =	vlt.s32 v7, v6;
	v7 =	vshll.u32 v7, $0x7;
	v8 =	vld [tilespmem:s2+$0x0]  }
0x365: {  	v7 =	vnsel vm1, $0x0, v7;
	_ =	sdelay $0x3  }
0x366: {  	v8 =	vshll.u32 v8, $0x7  }
0x367: {  	v9 =	vld.idx.msk [tilespmem:v7+s21+$0x0], vm1;
	v8 =	vnsel vm1, $0x0, v8  }
0x368: {  	v10 =	vor.u32 $0x1, v7;
	_ =	sdelay $0x3  }
0x369: {  	[tilespmem:v8+s24+$0x0] =	vst.idx.msk vm1, v9  }
0x36a: {  	v9 =	vld.idx.msk [tilespmem:v10+s21+$0x0], vm1;
	v10 =	vor.u32 $0x1, v8  }
0x36b: {  	v11 =	vor.u32 $0x2, v7;
	_ =	sdelay $0x3  }
0x36c: {  	[tilespmem:v10+s24+$0x0] =	vst.idx.msk vm1, v9  }
0x36d: {  	v10 =	vor.u32 $0x2, v8;
	v9 =	vld.idx.msk [tilespmem:v11+s21+$0x0], vm1  }
0x36e: {  	v11 =	vor.u32 $0x3, v7;
	_ =	sdelay $0x3  }
0x36f: {  	[tilespmem:v10+s24+$0x0] =	vst.idx.msk vm1, v9  }
0x370: {  	v10 =	vor.u32 $0x3, v8;
	v9 =	vld.idx.msk [tilespmem:v11+s21+$0x0], vm1  }
0x371: {  	v11 =	vor.u32 $0x4, v7;
	_ =	sdelay $0x3  }
0x372: {  	[tilespmem:v10+s24+$0x0] =	vst.idx.msk vm1, v9  }
0x373: {  	v10 =	vor.u32 $0x4, v8;
	v9 =	vld.idx.msk [tilespmem:v11+s21+$0x0], vm1  }
0x374: {  	v11 =	vor.u32 $0x5, v7;
	_ =	sdelay $0x3  }
0x375: {  	[tilespmem:v10+s24+$0x0] =	vst.idx.msk vm1, v9  }
0x376: {  	v10 =	vor.u32 $0x5, v8;
	v9 =	vld.idx.msk [tilespmem:v11+s21+$0x0], vm1  }
0x377: {  	v11 =	vor.u32 $0x6, v7;
	_ =	sdelay $0x3  }
0x378: {  	[tilespmem:v10+s24+$0x0] =	vst.idx.msk vm1, v9  }
0x379: {  	v10 =	vor.u32 $0x6, v8;
	v9 =	vld.idx.msk [tilespmem:v11+s21+$0x0], vm1  }
0x37a: {  	v11 =	vor.u32 $0x7, v7;
	_ =	sdelay $0x3  }
0x37b: {  	[tilespmem:v10+s24+$0x0] =	vst.idx.msk vm1, v9  }
0x37c: {  	v10 =	vor.u32 $0x7, v8;
	v9 =	vld.idx.msk [tilespmem:v11+s21+$0x0], vm1  }
0x37d: {  	v11 =	vor.u32 $0x8, v7;
	_ =	sdelay $0x3  }
0x37e: {  	[tilespmem:v10+s24+$0x0] =	vst.idx.msk vm1, v9  }
0x37f: {  	v10 =	vor.u32 $0x8, v8;
	v9 =	vld.idx.msk [tilespmem:v11+s21+$0x0], vm1  }
0x380: {  	v11 =	vor.u32 $0x9, v7;
	_ =	sdelay $0x3  }
0x381: {  	[tilespmem:v10+s24+$0x0] =	vst.idx.msk vm1, v9  }
0x382: {  	v10 =	vor.u32 $0x9, v8;
	v9 =	vld.idx.msk [tilespmem:v11+s21+$0x0], vm1  }
0x383: {  	v11 =	vor.u32 $0xA, v7;
	_ =	sdelay $0x3  }
0x384: {  	[tilespmem:v10+s24+$0x0] =	vst.idx.msk vm1, v9  }
0x385: {  	v10 =	vor.u32 $0xA, v8;
	v9 =	vld.idx.msk [tilespmem:v11+s21+$0x0], vm1  }
0x386: {  	v11 =	vor.u32 $0xB, v7;
	_ =	sdelay $0x3  }
0x387: {  	[tilespmem:v10+s24+$0x0] =	vst.idx.msk vm1, v9  }
0x388: {  	v10 =	vor.u32 $0xB, v8;
	v9 =	vld.idx.msk [tilespmem:v11+s21+$0x0], vm1  }
0x389: {  	v11 =	vor.u32 $0xC, v7;
	_ =	sdelay $0x3  }
0x38a: {  	[tilespmem:v10+s24+$0x0] =	vst.idx.msk vm1, v9  }
0x38b: {  	v10 =	vor.u32 $0xC, v8;
	v9 =	vld.idx.msk [tilespmem:v11+s21+$0x0], vm1  }
0x38c: {  	v11 =	vor.u32 $0xD, v7;
	_ =	sdelay $0x3  }
0x38d: {  	[tilespmem:v10+s24+$0x0] =	vst.idx.msk vm1, v9  }
0x38e: {  	v10 =	vor.u32 $0xD, v8;
	v9 =	vld.idx.msk [tilespmem:v11+s21+$0x0], vm1  }
0x38f: {  	v11 =	vor.u32 $0xE, v7;
	_ =	sdelay $0x3  }
0x390: {  	[tilespmem:v10+s24+$0x0] =	vst.idx.msk vm1, v9  }
0x391: {  	v10 =	vor.u32 $0xE, v8;
	v9 =	vld.idx.msk [tilespmem:v11+s21+$0x0], vm1  }
0x392: {  	v11 =	vor.u32 $0xF, v7;
	_ =	sdelay $0x3  }
0x393: {  	[tilespmem:v10+s24+$0x0] =	vst.idx.msk vm1, v9  }
0x394: {  	v10 =	vor.u32 $0xF, v8;
	v9 =	vld.idx.msk [tilespmem:v11+s21+$0x0], vm1  }
0x395: {  	v11 =	vor.u32 $0x10, v7;
	_ =	sdelay $0x3  }
0x396: {  	[tilespmem:v10+s24+$0x0] =	vst.idx.msk vm1, v9  }
0x397: {  	v10 =	vor.u32 $0x10, v8;
	v9 =	vld.idx.msk [tilespmem:v11+s21+$0x0], vm1  }
0x398: {  	v11 =	vor.u32 $0x11, v7;
	_ =	sdelay $0x3  }
0x399: {  	[tilespmem:v10+s24+$0x0] =	vst.idx.msk vm1, v9  }
0x39a: {  	v10 =	vor.u32 $0x11, v8;
	v9 =	vld.idx.msk [tilespmem:v11+s21+$0x0], vm1  }
0x39b: {  	v11 =	vor.u32 $0x12, v7;
	_ =	sdelay $0x3  }
0x39c: {  	[tilespmem:v10+s24+$0x0] =	vst.idx.msk vm1, v9  }
0x39d: {  	v10 =	vor.u32 $0x12, v8;
	v9 =	vld.idx.msk [tilespmem:v11+s21+$0x0], vm1  }
0x39e: {  	v11 =	vor.u32 $0x13, v7;
	_ =	sdelay $0x3  }
0x39f: {  	[tilespmem:v10+s24+$0x0] =	vst.idx.msk vm1, v9  }
0x3a0: {  	v10 =	vor.u32 $0x13, v8;
	v9 =	vld.idx.msk [tilespmem:v11+s21+$0x0], vm1  }
0x3a1: {  	v11 =	vor.u32 $0x14, v7;
	_ =	sdelay $0x3  }
0x3a2: {  	[tilespmem:v10+s24+$0x0] =	vst.idx.msk vm1, v9  }
0x3a3: {  	v10 =	vor.u32 $0x14, v8;
	v9 =	vld.idx.msk [tilespmem:v11+s21+$0x0], vm1  }
0x3a4: {  	v11 =	vor.u32 $0x15, v7;
	_ =	sdelay $0x3  }
0x3a5: {  	[tilespmem:v10+s24+$0x0] =	vst.idx.msk vm1, v9  }
0x3a6: {  	v10 =	vor.u32 $0x15, v8;
	v9 =	vld.idx.msk [tilespmem:v11+s21+$0x0], vm1  }
0x3a7: {  	v11 =	vor.u32 $0x16, v7;
	_ =	sdelay $0x3  }
0x3a8: {  	[tilespmem:v10+s24+$0x0] =	vst.idx.msk vm1, v9  }
0x3a9: {  	v10 =	vor.u32 $0x16, v8;
	v9 =	vld.idx.msk [tilespmem:v11+s21+$0x0], vm1  }
0x3aa: {  	v11 =	vor.u32 $0x17, v7;
	_ =	sdelay $0x3  }
0x3ab: {  	[tilespmem:v10+s24+$0x0] =	vst.idx.msk vm1, v9  }
0x3ac: {  	v10 =	vor.u32 $0x17, v8;
	v9 =	vld.idx.msk [tilespmem:v11+s21+$0x0], vm1  }
0x3ad: {  	v11 =	vor.u32 $0x18, v7;
	_ =	sdelay $0x3  }
0x3ae: {  	[tilespmem:v10+s24+$0x0] =	vst.idx.msk vm1, v9  }
0x3af: {  	v10 =	vor.u32 $0x18, v8;
	v9 =	vld.idx.msk [tilespmem:v11+s21+$0x0], vm1  }
0x3b0: {  	v11 =	vor.u32 $0x19, v7;
	_ =	sdelay $0x3  }
0x3b1: {  	[tilespmem:v10+s24+$0x0] =	vst.idx.msk vm1, v9  }
0x3b2: {  	v10 =	vor.u32 $0x19, v8;
	v9 =	vld.idx.msk [tilespmem:v11+s21+$0x0], vm1  }
0x3b3: {  	v11 =	vor.u32 $0x1A, v7;
	_ =	sdelay $0x3  }
0x3b4: {  	[tilespmem:v10+s24+$0x0] =	vst.idx.msk vm1, v9  }
0x3b5: {  	v10 =	vor.u32 $0x1A, v8;
	v9 =	vld.idx.msk [tilespmem:v11+s21+$0x0], vm1  }
0x3b6: {  	v11 =	vor.u32 $0x1B, v7;
	_ =	sdelay $0x3  }
0x3b7: {  	[tilespmem:v10+s24+$0x0] =	vst.idx.msk vm1, v9  }
0x3b8: {  	v10 =	vor.u32 $0x1B, v8;
	v9 =	vld.idx.msk [tilespmem:v11+s21+$0x0], vm1  }
0x3b9: {  	v11 =	vor.u32 $0x1C, v7;
	_ =	sdelay $0x3  }
0x3ba: {  	[tilespmem:v10+s24+$0x0] =	vst.idx.msk vm1, v9  }
0x3bb: {  	v10 =	vor.u32 $0x1C, v8;
	v9 =	vld.idx.msk [tilespmem:v11+s21+$0x0], vm1  }
0x3bc: {  	v11 =	vor.u32 $0x1D, v7;
	_ =	sdelay $0x3  }
0x3bd: {  	[tilespmem:v10+s24+$0x0] =	vst.idx.msk vm1, v9  }
0x3be: {  	v10 =	vor.u32 $0x1D, v8;
	v9 =	vld.idx.msk [tilespmem:v11+s21+$0x0], vm1  }
0x3bf: {  	v11 =	vor.u32 $0x1E, v7;
	_ =	sdelay $0x3  }
0x3c0: {  	[tilespmem:v10+s24+$0x0] =	vst.idx.msk vm1, v9  }
0x3c1: {  	v10 =	vor.u32 $0x1E, v8;
	v9 =	vld.idx.msk [tilespmem:v11+s21+$0x0], vm1  }
0x3c2: {  	v7 =	vor.u32 $0x1F, v7;
	_ =	sdelay $0x3  }
0x3c3: {  	p2 =	sne.s32 s28, $0x1;
	[tilespmem:v10+s24+$0x0] =	vst.idx.msk vm1, v9  }
.Ltmp31:
0x3c4: {  	v8 =	vor.u32 $0x1F, v8;
	v9 =	vld.idx.msk [tilespmem:v7+s21+$0x0], vm1;
	(pc) =	sbr.rel @!p2 .LBB2_40-.Ltmp31, $3  }
0x3c5: {  	_ =	sdelay $0x1  }
0x3c6: {  	s26 =	simm.s32 $0x10  }
0x3c7: {  	s29 =	sadd.s32 $0xFFFFFFFF, s28;
	p1 =	por $0x1, $0x1;
	s28 =	simm.s32 $0xFD80;
	v7 =	vor.u32 s26, v3  }
.LBB2_41:
0x3c8: {  	p2 =	sne.s32 s29, $0x1;
	s29 =	sadd.s32 $0xFFFFFFFF, s29;
	v10 =	vshll.u32 v7, $0x7;
	[tilespmem:v8+s24+$0x0] =	vst.idx.msk vm1, v9;
	vm1 =	vlt.s32 v7, v6;
	s28 =	sadd.s32 $0x10, s28  }
0x3c9: {  	v8 =	vld [tilespmem:s28+$0x0];
	v7 =	vnsel vm1, $0x0, v10;
	_ =	sdelay $0x4  }
0x3ca: {  	v9 =	vld.idx.msk [tilespmem:v7+s21+$0x0], vm1;
	v8 =	vshll.u32 v8, $0x7  }
0x3cb: {  	v8 =	vnsel vm1, $0x0, v8  }
0x3cc: {  	v10 =	vor.u32 $0x1, v7;
	_ =	sdelay $0x3  }
0x3cd: {  	[tilespmem:v8+s24+$0x0] =	vst.idx.msk vm1, v9  }
0x3ce: {  	v9 =	vld.idx.msk [tilespmem:v10+s21+$0x0], vm1  }
0x3cf: {  	v10 =	vor.u32 $0x1, v8  }
0x3d0: {  	v11 =	vor.u32 $0x2, v7;
	_ =	sdelay $0x3  }
0x3d1: {  	[tilespmem:v10+s24+$0x0] =	vst.idx.msk vm1, v9  }
0x3d2: {  	v9 =	vld.idx.msk [tilespmem:v11+s21+$0x0], vm1  }
0x3d3: {  	v10 =	vor.u32 $0x2, v8  }
0x3d4: {  	v11 =	vor.u32 $0x3, v7;
	_ =	sdelay $0x3  }
0x3d5: {  	[tilespmem:v10+s24+$0x0] =	vst.idx.msk vm1, v9  }
0x3d6: {  	v9 =	vld.idx.msk [tilespmem:v11+s21+$0x0], vm1  }
0x3d7: {  	v10 =	vor.u32 $0x3, v8  }
0x3d8: {  	v11 =	vor.u32 $0x4, v7;
	_ =	sdelay $0x3  }
0x3d9: {  	[tilespmem:v10+s24+$0x0] =	vst.idx.msk vm1, v9  }
0x3da: {  	v9 =	vld.idx.msk [tilespmem:v11+s21+$0x0], vm1  }
0x3db: {  	v10 =	vor.u32 $0x4, v8  }
0x3dc: {  	v11 =	vor.u32 $0x5, v7;
	_ =	sdelay $0x3  }
0x3dd: {  	[tilespmem:v10+s24+$0x0] =	vst.idx.msk vm1, v9  }
0x3de: {  	v9 =	vld.idx.msk [tilespmem:v11+s21+$0x0], vm1  }
0x3df: {  	v10 =	vor.u32 $0x5, v8  }
0x3e0: {  	v11 =	vor.u32 $0x6, v7;
	_ =	sdelay $0x3  }
0x3e1: {  	[tilespmem:v10+s24+$0x0] =	vst.idx.msk vm1, v9  }
0x3e2: {  	v9 =	vld.idx.msk [tilespmem:v11+s21+$0x0], vm1  }
0x3e3: {  	v10 =	vor.u32 $0x6, v8  }
0x3e4: {  	v11 =	vor.u32 $0x7, v7;
	_ =	sdelay $0x3  }
0x3e5: {  	[tilespmem:v10+s24+$0x0] =	vst.idx.msk vm1, v9  }
0x3e6: {  	v9 =	vld.idx.msk [tilespmem:v11+s21+$0x0], vm1  }
0x3e7: {  	v10 =	vor.u32 $0x7, v8  }
0x3e8: {  	v11 =	vor.u32 $0x8, v7;
	_ =	sdelay $0x3  }
0x3e9: {  	[tilespmem:v10+s24+$0x0] =	vst.idx.msk vm1, v9  }
0x3ea: {  	v9 =	vld.idx.msk [tilespmem:v11+s21+$0x0], vm1  }
0x3eb: {  	v10 =	vor.u32 $0x8, v8  }
0x3ec: {  	v11 =	vor.u32 $0x9, v7;
	_ =	sdelay $0x3  }
0x3ed: {  	[tilespmem:v10+s24+$0x0] =	vst.idx.msk vm1, v9  }
0x3ee: {  	v9 =	vld.idx.msk [tilespmem:v11+s21+$0x0], vm1  }
0x3ef: {  	v10 =	vor.u32 $0x9, v8  }
0x3f0: {  	v11 =	vor.u32 $0xA, v7;
	_ =	sdelay $0x3  }
0x3f1: {  	[tilespmem:v10+s24+$0x0] =	vst.idx.msk vm1, v9  }
0x3f2: {  	v9 =	vld.idx.msk [tilespmem:v11+s21+$0x0], vm1  }
0x3f3: {  	v10 =	vor.u32 $0xA, v8  }
0x3f4: {  	v11 =	vor.u32 $0xB, v7;
	_ =	sdelay $0x3  }
0x3f5: {  	[tilespmem:v10+s24+$0x0] =	vst.idx.msk vm1, v9  }
0x3f6: {  	v9 =	vld.idx.msk [tilespmem:v11+s21+$0x0], vm1  }
0x3f7: {  	v10 =	vor.u32 $0xB, v8  }
0x3f8: {  	v11 =	vor.u32 $0xC, v7;
	_ =	sdelay $0x3  }
0x3f9: {  	[tilespmem:v10+s24+$0x0] =	vst.idx.msk vm1, v9  }
0x3fa: {  	v9 =	vld.idx.msk [tilespmem:v11+s21+$0x0], vm1  }
0x3fb: {  	v10 =	vor.u32 $0xC, v8  }
0x3fc: {  	v11 =	vor.u32 $0xD, v7;
	_ =	sdelay $0x3  }
0x3fd: {  	[tilespmem:v10+s24+$0x0] =	vst.idx.msk vm1, v9  }
0x3fe: {  	v9 =	vld.idx.msk [tilespmem:v11+s21+$0x0], vm1  }
0x3ff: {  	v10 =	vor.u32 $0xD, v8  }
0x400: {  	v11 =	vor.u32 $0xE, v7;
	_ =	sdelay $0x3  }
0x401: {  	[tilespmem:v10+s24+$0x0] =	vst.idx.msk vm1, v9  }
0x402: {  	v9 =	vld.idx.msk [tilespmem:v11+s21+$0x0], vm1  }
0x403: {  	v10 =	vor.u32 $0xE, v8  }
0x404: {  	v11 =	vor.u32 $0xF, v7;
	_ =	sdelay $0x3  }
0x405: {  	[tilespmem:v10+s24+$0x0] =	vst.idx.msk vm1, v9  }
0x406: {  	v9 =	vld.idx.msk [tilespmem:v11+s21+$0x0], vm1  }
0x407: {  	v10 =	vor.u32 $0xF, v8  }
0x408: {  	v11 =	vor.u32 $0x10, v7;
	_ =	sdelay $0x3  }
0x409: {  	[tilespmem:v10+s24+$0x0] =	vst.idx.msk vm1, v9  }
0x40a: {  	v9 =	vld.idx.msk [tilespmem:v11+s21+$0x0], vm1  }
0x40b: {  	v10 =	vor.u32 $0x10, v8  }
0x40c: {  	v11 =	vor.u32 $0x11, v7;
	_ =	sdelay $0x3  }
0x40d: {  	[tilespmem:v10+s24+$0x0] =	vst.idx.msk vm1, v9  }
0x40e: {  	v9 =	vld.idx.msk [tilespmem:v11+s21+$0x0], vm1  }
0x40f: {  	v10 =	vor.u32 $0x11, v8  }
0x410: {  	v11 =	vor.u32 $0x12, v7;
	_ =	sdelay $0x3  }
0x411: {  	[tilespmem:v10+s24+$0x0] =	vst.idx.msk vm1, v9  }
0x412: {  	v9 =	vld.idx.msk [tilespmem:v11+s21+$0x0], vm1  }
0x413: {  	v10 =	vor.u32 $0x12, v8  }
0x414: {  	v11 =	vor.u32 $0x13, v7;
	_ =	sdelay $0x3  }
0x415: {  	[tilespmem:v10+s24+$0x0] =	vst.idx.msk vm1, v9  }
0x416: {  	v9 =	vld.idx.msk [tilespmem:v11+s21+$0x0], vm1  }
0x417: {  	v10 =	vor.u32 $0x13, v8  }
0x418: {  	v11 =	vor.u32 $0x14, v7;
	_ =	sdelay $0x3  }
0x419: {  	[tilespmem:v10+s24+$0x0] =	vst.idx.msk vm1, v9  }
0x41a: {  	v9 =	vld.idx.msk [tilespmem:v11+s21+$0x0], vm1  }
0x41b: {  	v10 =	vor.u32 $0x14, v8  }
0x41c: {  	v11 =	vor.u32 $0x15, v7;
	_ =	sdelay $0x3  }
0x41d: {  	[tilespmem:v10+s24+$0x0] =	vst.idx.msk vm1, v9  }
0x41e: {  	v9 =	vld.idx.msk [tilespmem:v11+s21+$0x0], vm1  }
0x41f: {  	v10 =	vor.u32 $0x15, v8  }
0x420: {  	v11 =	vor.u32 $0x16, v7;
	_ =	sdelay $0x3  }
0x421: {  	[tilespmem:v10+s24+$0x0] =	vst.idx.msk vm1, v9  }
0x422: {  	v9 =	vld.idx.msk [tilespmem:v11+s21+$0x0], vm1  }
0x423: {  	v10 =	vor.u32 $0x16, v8  }
0x424: {  	v11 =	vor.u32 $0x17, v7;
	_ =	sdelay $0x3  }
0x425: {  	[tilespmem:v10+s24+$0x0] =	vst.idx.msk vm1, v9  }
0x426: {  	v9 =	vld.idx.msk [tilespmem:v11+s21+$0x0], vm1  }
0x427: {  	v10 =	vor.u32 $0x17, v8  }
0x428: {  	v11 =	vor.u32 $0x18, v7;
	_ =	sdelay $0x3  }
0x429: {  	[tilespmem:v10+s24+$0x0] =	vst.idx.msk vm1, v9  }
0x42a: {  	v9 =	vld.idx.msk [tilespmem:v11+s21+$0x0], vm1  }
0x42b: {  	v10 =	vor.u32 $0x18, v8  }
0x42c: {  	v11 =	vor.u32 $0x19, v7;
	_ =	sdelay $0x3  }
0x42d: {  	[tilespmem:v10+s24+$0x0] =	vst.idx.msk vm1, v9  }
0x42e: {  	v9 =	vld.idx.msk [tilespmem:v11+s21+$0x0], vm1  }
0x42f: {  	v10 =	vor.u32 $0x19, v8  }
0x430: {  	v11 =	vor.u32 $0x1A, v7;
	_ =	sdelay $0x3  }
0x431: {  	[tilespmem:v10+s24+$0x0] =	vst.idx.msk vm1, v9  }
0x432: {  	v9 =	vld.idx.msk [tilespmem:v11+s21+$0x0], vm1  }
0x433: {  	v10 =	vor.u32 $0x1A, v8  }
0x434: {  	v11 =	vor.u32 $0x1B, v7;
	_ =	sdelay $0x3  }
0x435: {  	[tilespmem:v10+s24+$0x0] =	vst.idx.msk vm1, v9  }
0x436: {  	v9 =	vld.idx.msk [tilespmem:v11+s21+$0x0], vm1  }
0x437: {  	v10 =	vor.u32 $0x1B, v8  }
0x438: {  	v11 =	vor.u32 $0x1C, v7;
	_ =	sdelay $0x3  }
0x439: {  	[tilespmem:v10+s24+$0x0] =	vst.idx.msk vm1, v9  }
0x43a: {  	v9 =	vld.idx.msk [tilespmem:v11+s21+$0x0], vm1  }
0x43b: {  	v10 =	vor.u32 $0x1C, v8  }
0x43c: {  	v11 =	vor.u32 $0x1D, v7;
	_ =	sdelay $0x3  }
0x43d: {  	[tilespmem:v10+s24+$0x0] =	vst.idx.msk vm1, v9  }
0x43e: {  	v9 =	vld.idx.msk [tilespmem:v11+s21+$0x0], vm1  }
0x43f: {  	v10 =	vor.u32 $0x1D, v8  }
0x440: {  	v11 =	vor.u32 $0x1E, v7;
	_ =	sdelay $0x3  }
0x441: {  	[tilespmem:v10+s24+$0x0] =	vst.idx.msk vm1, v9  }
0x442: {  	v9 =	vld.idx.msk [tilespmem:v11+s21+$0x0], vm1  }
0x443: {  	v10 =	vor.u32 $0x1E, v8  }
0x444: {  	v7 =	vor.u32 $0x1F, v7;
	_ =	sdelay $0x3  }
0x445: {  	[tilespmem:v10+s24+$0x0] =	vst.idx.msk vm1, v9  }
0x446: {  	v9 =	vld.idx.msk [tilespmem:v7+s21+$0x0], vm1  }
.Ltmp32:
0x447: {  	v8 =	vor.u32 $0x1F, v8;
	(pc) =	sbr.rel @p2 .LBB2_41-.Ltmp32, $3  }
0x448: {  	_ =	sdelay $0x1  }
0x449: {  	s26 =	sadd.s32 $0x10, s26  }
0x44a: {  	v7 =	vor.u32 s26, v3  }
.Ltmp33:
0x44b: {  	_ = 	snop;
	(pc) =	sbr.rel .LBB2_42-.Ltmp33, $1  }
0x44c: {  	_ =	sdelay $0x3  }
.LBB2_40:
.Ltmp34:
0x44d: {  	(pc) =	sbr.rel .LBB2_42-.Ltmp34, $2  }
0x44e: {  	_ =	sdelay $0x2  }
0x44f: {  	s28 =	simm.s32 $0xFD80  }
.LBB2_45:
0x450: {  	_ =	sfence.sel $0x180000  }
0x451: {  	[bflag:$0x0] =	sbarrier.arrive $0xFFFF  }
0x452: {  	_ =	strace $0x90000047  }
0x453: {  	s0 =	stileid.u32;
	[bflag:$0x2] =	sbarrier.arrive $0xFFFF  }
0x454: {  	p0 =	sne.s32 s0, $0x0;
	s0 =	rddreg [dreg:$0x4]  }
0x455: {  	s0 =	sadd.s32 @!p0 $0x100000, s0  }
0x456: {  	[sflag:s0] =	ssyncadd.tile.s32 @!p0 $0x1;
	_ =	shalt  }
.Lfunc_end2:
_tile_overlayer_lowered:
.L_overlay_start_2:
0x457: {  	(tag) =	ssettag $0x2  }
0x458: {  	s0 =	rddreg [dreg:$0x0];
	s2 =	stileid.u32  }
0x459: {  	s1 =	rddreg [dreg:$0x1];
	p0 =	sne.s32 s2, $0x0  }
0x45a: {  	s3 =	rddreg [dreg:$0x2];
	[bflag:$0x3] =	sbarrier.arrive $0xFFFF;
	s2 =	simm.s32 @!p0 $0x1C02  }
0x45b: {  	[timem:s3], [sflag:s2] =	dma.local @!p0 [hbm:s0], s1  }
0x45c: {  	s0 =	simm.s32 @!p0 $0x2  }
0x45d: {  	_ =	swait.ge @!p0 [sflag:s0], s1  }
0x45e: {  	s1 =	ssub.s32 @!p0 $0x0, s1;
	[sflag:s0] =	ssyncset.done @!p0 $0x0  }
0x45f: {  	[sflag:s0] =	ssyncadd.s32 @!p0 s1  }
0x460: {  	[bflag:$0x3] =	sbarrier.arrive $0xFFFF  }
0x461: {  	_ =	shalt  }

</sc_bundles>
